<compile_context>
chip_gen: v7x
topology: tpu7x:2x2x1
jax: 0.10.2.dev20260603
libtpu: 0.0.44.dev20260713+nightly
codegen_flags: <defaults>
</compile_context>

<pallas_src>
import functools

import jax
import jax.numpy as jnp
from jax import lax
from jax.experimental import pallas as pl
from jax.experimental.pallas import tpu as pltpu
from jax.experimental.pallas import tpu_sc as plsc

_EVENTS = 256
_FRAMES = 16384
_HIDDEN = 512
_NC = 2
_NS = 16
_NW = _NC * _NS
_NQ = 4
_QTR = _HIDDEN // _NQ
_NFC = _NW // _NQ
_FSC = 2048
_APW = _FSC // _NFC
_BLKF = 64
_NBLKA = _APW // _BLKF
_FPWB = _FRAMES // _NW
_BLKT = 2048
_GT = (_FRAMES - _FSC) // _BLKT
_OFFB = _FSC // _BLKT
_I32MAX = 2147483647
_I32MIN = -2147483648


def _sc_body(feats_hbm, seg_hbm, part_out, sgrid_out, egrid_out,
             fbuf0, fbuf1, segacc_v, segflat_v, starts_v, ends_v, accum_v,
             sem0, sem1):
    c = lax.axis_index("c")
    s = lax.axis_index("s")
    wid = s * _NC + c
    base = (wid // _NQ) * _APW
    col = (wid % _NQ) * _QTR

    zero = jnp.zeros((16,), jnp.float32)

    def _zero_row(i, carry):
        for j in range(_QTR // 16):
            accum_v[i, pl.ds(j * 16, 16)] = zero
        return carry

    lax.fori_loop(0, _EVENTS, _zero_row, 0)

    pltpu.sync_copy(seg_hbm.at[pl.ds(base, _APW)], segacc_v)

    _NCH = _QTR // 16

    def _src(jb):
        return feats_hbm.at[pl.ds(base + jb * _BLKF, _BLKF), pl.ds(col, _QTR)]

    def _accum_block(buf, jb):
        def _group(g, carry):
            rowvec = segacc_v[pl.ds(jb * _BLKF + g * 16, 16)]
            first = rowvec[0]
            last = rowvec[15]

            def _fast():
                @plsc.parallel_loop(0, _NCH, unroll=2)
                def _chunk(j):
                    xs = [buf[g * 16 + k, pl.ds(j * 16, 16)]
                          for k in range(16)]
                    while len(xs) > 1:
                        xs = [xs[i] + xs[i + 1]
                              for i in range(0, len(xs) - 1, 2)] + \
                             (xs[-1:] if len(xs) % 2 else [])
                    plsc.addupdate(accum_v.at[first, pl.ds(j * 16, 16)],
                                   xs[0])

            def _slow():
                for k in range(16):
                    row = rowvec[k]
                    il = g * 16 + k
                    xs = [buf[il, pl.ds(j * 16, 16)] for j in range(_NCH)]
                    for j in range(_NCH):
                        plsc.addupdate(accum_v.at[row, pl.ds(j * 16, 16)],
                                       xs[j])

            lax.cond(first == last, _fast, _slow)
            return carry

        lax.fori_loop(0, _BLKF // 16, _group, 0)

    pltpu.async_copy(_src(0), fbuf0, sem0)

    def _dstep(t, carry):
        jb0 = t * 2
        pltpu.async_copy(_src(jb0 + 1), fbuf1, sem1)
        pltpu.make_async_copy(_src(jb0), fbuf0, sem0).wait()
        _accum_block(fbuf0, jb0)

        @pl.when(t < _NBLKA // 2 - 1)
        def _prefetch():
            pltpu.async_copy(_src(jb0 + 2), fbuf0, sem0)

        pltpu.make_async_copy(_src(jb0 + 1), fbuf1, sem1).wait()
        _accum_block(fbuf1, jb0 + 1)
        return carry

    lax.fori_loop(0, _NBLKA // 2, _dstep, 0)

    pltpu.sync_copy(accum_v, part_out.at[wid])

    bbase = wid * _FPWB
    segflat_v[pl.ds(0, 16)] = jnp.full((16,), -1, jnp.int32)
    pltpu.sync_copy(seg_hbm.at[pl.ds(bbase, _FPWB)],
                    segflat_v.at[pl.ds(16, _FPWB)])
    lane = lax.iota(jnp.int32, 16)
    big = jnp.full((16,), _I32MAX, jnp.int32)
    small = jnp.full((16,), _I32MIN, jnp.int32)
    for r in range(_EVENTS // 16):
        starts_v[pl.ds(r * 16, 16)] = big
        ends_v[pl.ds(r * 16, 16)] = small
    for p in range(0, _FPWB, 16):
        v = segflat_v[pl.ds(16 + p, 16)]
        pv = segflat_v[pl.ds(15 + p, 16)]
        m = v != pv
        fvec = lane + (bbase + p)
        plsc.store_scatter(starts_v, [v], fvec, mask=m)
        plsc.store_scatter(ends_v, [pv], fvec - 1, mask=m & (pv >= 0))
    last_v = segflat_v[pl.ds(16 + _FPWB - 16, 16)]
    plsc.store_scatter(ends_v, [last_v], lane + (bbase + _FPWB - 16),
                       mask=lane == 15)
    pltpu.sync_copy(starts_v, sgrid_out.at[wid])
    pltpu.sync_copy(ends_v, egrid_out.at[wid])


_sc_segsum = functools.partial(
    pl.kernel,
    out_type=(
        jax.ShapeDtypeStruct((_NW, _EVENTS, _QTR), jnp.float32),
        jax.ShapeDtypeStruct((_NW, _EVENTS), jnp.int32),
        jax.ShapeDtypeStruct((_NW, _EVENTS), jnp.int32),
    ),
    mesh=plsc.VectorSubcoreMesh(core_axis_name="c", subcore_axis_name="s",
                                num_cores=_NC, num_subcores=_NS),
    scratch_types=(
        pltpu.VMEM((_BLKF, _QTR), jnp.float32),
        pltpu.VMEM((_BLKF, _QTR), jnp.float32),
        pltpu.VMEM((_APW,), jnp.int32),
        pltpu.VMEM((_FPWB + 32,), jnp.int32),
        pltpu.VMEM((_EVENTS,), jnp.int32),
        pltpu.VMEM((_EVENTS,), jnp.int32),
        pltpu.VMEM((_EVENTS, _QTR), jnp.float32),
        pltpu.SemaphoreType.DMA,
        pltpu.SemaphoreType.DMA,
    ),
    compiler_params=pltpu.CompilerParams(needs_layout_passes=False),
)(_sc_body)


def _mm_body(seg_ref, feats_ref, out_ref):
    i = pl.program_id(0)
    seg_blk = seg_ref[0, :]
    onehot = (lax.broadcasted_iota(jnp.int32, (_EVENTS, _BLKT), 0)
              == seg_blk[None, :]).astype(jnp.float32)
    part = lax.dot_general(onehot, feats_ref[...], (((1,), (0,)), ((), ())),
                           preferred_element_type=jnp.float32)

    @pl.when(i == 0)
    def _init():
        out_ref[...] = part

    @pl.when(i > 0)
    def _acc():
        out_ref[...] += part


_tc_segmm = pl.pallas_call(
    _mm_body,
    grid=(_GT,),
    in_specs=[
        pl.BlockSpec((1, _BLKT), lambda i: (0, _OFFB + i)),
        pl.BlockSpec((_BLKT, _HIDDEN), lambda i: (_OFFB + i, 0)),
    ],
    out_specs=pl.BlockSpec((_EVENTS, _HIDDEN), lambda i: (0, 0)),
    out_shape=jax.ShapeDtypeStruct((_EVENTS, _HIDDEN), jnp.float32),
)


def _tc_body(p_ref, mm_ref, sgrid_ref, egrid_ref, q_ref, sim_ref, ts_ref):
    quarters = [None] * _NQ
    for w in range(_NW):
        qi = w % _NQ
        blk = p_ref[w]
        quarters[qi] = blk if quarters[qi] is None else quarters[qi] + blk
    sums = jnp.concatenate(quarters, axis=1) + mm_ref[...]
    inv = 1.0 / jnp.maximum(
        jnp.sqrt(jnp.sum(sums * sums, axis=1, keepdims=True)), 1e-12)
    en = sums * inv
    q = q_ref[...]
    qinv = 1.0 / jnp.maximum(
        jnp.sqrt(jnp.sum(q * q, axis=1, keepdims=True)), 1e-12)
    qn = q * qinv
    sim_ref[...] = lax.dot_general(qn, en, (((1,), (1,)), ((), ())),
                                   preferred_element_type=jnp.float32)
    st = jnp.min(sgrid_ref[...], axis=0, keepdims=True).astype(jnp.float32)
    et = jnp.max(egrid_ref[...], axis=0, keepdims=True).astype(jnp.float32)
    ts_ref[...] = jnp.concatenate([st, et], axis=0).T / 5.0


_tc_finish = pl.pallas_call(
    _tc_body,
    out_shape=[
        jax.ShapeDtypeStruct((64, _EVENTS), jnp.float32),
        jax.ShapeDtypeStruct((_EVENTS, 2), jnp.float32),
    ],
)


@jax.jit
def kernel(query_feats, video_feats, video_events):
    feats = video_feats[0]
    seg = video_events.astype(jnp.int32)
    sums_tc = _tc_segmm(seg.reshape(1, _FRAMES), feats)
    part, sgrid, egrid = _sc_segsum(feats, seg)
    sim, ts = _tc_finish(part, sums_tc, sgrid, egrid, query_feats)
    return sim, ts

# --- scband reference (transcript-rebuilt; emitter-appended) ---
"""Pipeline reference for scband-soonet-36301063586212 (READ-ONLY COPY).

The authoritative reference and input builder live on the scoring server;
editing this copy changes nothing except your own understanding.
"""

import jax, jax.numpy as jnp
import numpy as np

NUM_EVENTS = 256
FRAMES = 16384
HIDDEN = 512
NQUERY = 64


def setup_inputs(seed: int = 0) -> dict:
    key = jax.random.key(seed)
    k1, k2, k3 = jax.random.split(key, 3)
    query_feats = jax.random.normal(k1, (NQUERY, HIDDEN), dtype=jnp.float32)
    video_feats = jax.random.normal(k2, (1, FRAMES, HIDDEN), dtype=jnp.float32)
    video_events = jnp.sort(jax.random.randint(k3, (FRAMES,), 0, NUM_EVENTS, dtype=jnp.int64))
    return {"query_feats": query_feats, "video_feats": video_feats, "video_events": video_events}


def reference(query_feats, video_feats, video_events):
    # Core of SOONet.forward_test: per-event (segment) mean pooling over frames,
    # event timestamps from segment boundaries, L2-normalize, cosine similarity.
    frames = video_feats.shape[1]
    seg = video_events.astype(jnp.int32)
    feats = video_feats[0]  # [FRAMES, HIDDEN]

    # segment mean (torch: video_feats[0][inverse_indices == i].mean(dim=0))
    sums = jax.ops.segment_sum(feats, seg, num_segments=NUM_EVENTS)
    counts = jax.ops.segment_sum(jnp.ones((frames,), jnp.float32), seg, num_segments=NUM_EVENTS)
    event_avg_feats = sums / jnp.maximum(counts, 1.0)[:, None]

    # event start/end indices -> timestamps at frame_rate = 5
    idx = jnp.arange(frames, dtype=jnp.int32)
    start_idx = jax.ops.segment_min(idx, seg, num_segments=NUM_EVENTS)
    end_idx = jax.ops.segment_max(idx, seg, num_segments=NUM_EVENTS)
    frame_rate = 5.0
    event_timestamps = jnp.stack([start_idx.astype(jnp.float32) / frame_rate,
                                  end_idx.astype(jnp.float32) / frame_rate], axis=-1)

    # F.normalize(p=2, dim=-1) then cosine similarity (which renormalizes -> dot of unit vectors)
    ev_norm = event_avg_feats / jnp.maximum(
        jnp.linalg.norm(event_avg_feats, axis=-1, keepdims=True), 1e-12)
    q_norm = query_feats / jnp.maximum(
        jnp.linalg.norm(query_feats, axis=-1, keepdims=True), 1e-12)
    similarity_matrix = q_norm @ ev_norm.T  # [NQUERY, NUM_EVENTS]
    return similarity_matrix, event_timestamps


if False:  # reference __main__ guard neutralized (emitter)
    out = reference(**setup_inputs())
    print(out[0].shape, out[1].shape)

if __name__ == "__main__":
    import jax
    _d = setup_inputs()
    print(jax.jit(kernel)(*tuple(_d.values())))

</pallas_src>

<mosaic_0001>
#map = affine_map<(d0, d1) -> (0, 0)>
#map1 = affine_map<(d0, d1) -> (0)>
#map2 = affine_map<(d0, d1) -> (0, 0, 0)>
module attributes {stable_mosaic.version = 14 : i64} {
  func.func @_sc_body(%arg0: i32, %arg1: i32, %arg2: memref<16384x512xf32, #tpu.memory_space<hbm>>, %arg3: memref<16384xi32, #tpu.memory_space<hbm>>, %arg4: memref<32x256x128xf32, #tpu.memory_space<hbm>>, %arg5: memref<32x256xi32, #tpu.memory_space<hbm>>, %arg6: memref<32x256xi32, #tpu.memory_space<hbm>>, %arg7: memref<64x128xf32, #tpu.memory_space<vmem>>, %arg8: memref<64x128xf32, #tpu.memory_space<vmem>>, %arg9: memref<256xi32, #tpu.memory_space<vmem>>, %arg10: memref<544xi32, #tpu.memory_space<vmem>>, %arg11: memref<256xi32, #tpu.memory_space<vmem>>, %arg12: memref<256xi32, #tpu.memory_space<vmem>>, %arg13: memref<256x128xf32, #tpu.memory_space<vmem>>, %arg14: memref<!tpu.dma_semaphore, #tpu.memory_space<semaphore_mem>>, %arg15: memref<!tpu.dma_semaphore, #tpu.memory_space<semaphore_mem>>) attributes {dimension_semantics = [#tpu.dimension_semantics<core_parallel>, #tpu.dimension_semantics<subcore_parallel>], iteration_bounds = array<i64: 2, 16>, scalar_prefetch = 0 : i64, scratch_operands = 9 : i64, tpu.core_type = #tpu.core_type<sc_vector_subcore>, window_params = [{transform_indices = #map}, {transform_indices = #map1}, {transform_indices = #map2}, {transform_indices = #map}, {transform_indices = #map}]} {
    %mul3A = arith.constant 2 : i32
    %mul3A_0 = arith.muli %arg1, %mul3A : i32
    %add3A = arith.addi %mul3A_0, %arg0 : i32
    %jit3A = arith.constant 4 : i32
    %div3A = arith.divsi %add3A, %jit3A : i32
    %sign3A = arith.constant 0 : i32
    %sign3A_1 = arith.cmpi sgt, %add3A, %sign3A : i32
    %sign3A_2 = arith.extui %sign3A_1 : i1 to i32
    %sign3A_3 = arith.constant 0 : i32
    %sign3A_4 = arith.cmpi slt, %add3A, %sign3A_3 : i32
    %sign3A_5 = arith.extui %sign3A_4 : i1 to i32
    %sign3A_6 = arith.subi %sign3A_2, %sign3A_5 : i32
    %sign3A_7 = arith.constant 0 : i32
    %sign3A_8 = arith.cmpi sgt, %jit3A, %sign3A_7 : i32
    %sign3A_9 = arith.extui %sign3A_8 : i1 to i32
    %sign3A_10 = arith.constant 0 : i32
    %sign3A_11 = arith.cmpi slt, %jit3A, %sign3A_10 : i32
    %sign3A_12 = arith.extui %sign3A_11 : i1 to i32
    %sign3A_13 = arith.subi %sign3A_9, %sign3A_12 : i32
    %ne3A = arith.cmpi ne, %sign3A_6, %sign3A_13 : i32
    %rem3A = arith.remsi %add3A, %jit3A : i32
    %ne3A_14 = arith.constant 0 : i32
    %ne3A_15 = arith.cmpi ne, %rem3A, %ne3A_14 : i32
    %and3A = arith.andi %ne3A, %ne3A_15 : i1
    %sub3A = arith.constant 1 : i32
    %sub3A_16 = arith.subi %div3A, %sub3A : i32
    %select_n3A = arith.select %and3A, %sub3A_16, %div3A : i32
    %mul3A_17 = arith.constant 256 : i32
    %mul3A_18 = arith.muli %select_n3A, %mul3A_17 : i32
    %jit3A_19 = arith.constant 4 : i32
    %eq3A = arith.constant 0 : i32
    %eq3A_20 = arith.cmpi eq, %jit3A_19, %eq3A : i32
    %jit3A_21 = arith.constant 1 : i32
    %select_n3A_22 = arith.select %eq3A_20, %jit3A_21, %jit3A_19 : i32
    %rem3A_23 = arith.remsi %add3A, %select_n3A_22 : i32
    %ne3A_24 = arith.constant 0 : i32
    %ne3A_25 = arith.cmpi ne, %rem3A_23, %ne3A_24 : i32
    %lt3A = arith.constant 0 : i32
    %lt3A_26 = arith.cmpi slt, %rem3A_23, %lt3A : i32
    %lt3A_27 = arith.constant 0 : i32
    %lt3A_28 = arith.cmpi slt, %select_n3A_22, %lt3A_27 : i32
    %ne3A_29 = arith.xori %lt3A_26, %lt3A_28 : i1
    %and3A_30 = arith.andi %ne3A_29, %ne3A_25 : i1
    %add3A_31 = arith.addi %rem3A_23, %select_n3A_22 : i32
    %select_n3A_32 = arith.select %and3A_30, %add3A_31, %rem3A_23 : i32
    %mul3A_33 = arith.constant 128 : i32
    %mul3A_34 = arith.muli %select_n3A_32, %mul3A_33 : i32
    %broadcast_in_dim3A = arith.constant 0.000000e+00 : f32
    %broadcast_in_dim3A_35 = vector.broadcast %broadcast_in_dim3A : f32 to vector<16xf32>
    %scan3A = arith.constant 0 : i32
    %scan3A_36 = arith.constant 0 : i32
    %scan3A_37 = arith.constant 256 : i32
    %scan3A_38 = arith.addi %scan3A_36, %scan3A_37 : i32
    %scan3A_39 = arith.constant 1 : i32
    scf.for %scan3A_644 = %scan3A_36 to %scan3A_38 step %scan3A_39  : i32 {
      %swap3A_645 = arith.index_cast %scan3A_644 : i32 to index
      %swap3A_646 = arith.constant 0 : index
      %swap3A_647 = tpu.vector_load %arg13[%swap3A_645, %swap3A_646] {strides = array<i32>} : memref<256x128xf32, #tpu.memory_space<vmem>>, vector<16xf32>,
      tpu.vector_store %arg13[%swap3A_645, %swap3A_646], %broadcast_in_dim3A_35 {strides = array<i32>} : memref<256x128xf32, #tpu.memory_space<vmem>>, vector<16xf32>,
      %swap3A_648 = arith.index_cast %scan3A_644 : i32 to index
      %swap3A_649 = arith.constant 16 : index
      %swap3A_650 = tpu.vector_load %arg13[%swap3A_648, %swap3A_649] {strides = array<i32>} : memref<256x128xf32, #tpu.memory_space<vmem>>, vector<16xf32>,
      tpu.vector_store %arg13[%swap3A_648, %swap3A_649], %broadcast_in_dim3A_35 {strides = array<i32>} : memref<256x128xf32, #tpu.memory_space<vmem>>, vector<16xf32>,
      %swap3A_651 = arith.index_cast %scan3A_644 : i32 to index
      %swap3A_652 = arith.constant 32 : index
      %swap3A_653 = tpu.vector_load %arg13[%swap3A_651, %swap3A_652] {strides = array<i32>} : memref<256x128xf32, #tpu.memory_space<vmem>>, vector<16xf32>,
      tpu.vector_store %arg13[%swap3A_651, %swap3A_652], %broadcast_in_dim3A_35 {strides = array<i32>} : memref<256x128xf32, #tpu.memory_space<vmem>>, vector<16xf32>,
      %swap3A_654 = arith.index_cast %scan3A_644 : i32 to index
      %swap3A_655 = arith.constant 48 : index
      %swap3A_656 = tpu.vector_load %arg13[%swap3A_654, %swap3A_655] {strides = array<i32>} : memref<256x128xf32, #tpu.memory_space<vmem>>, vector<16xf32>,
      tpu.vector_store %arg13[%swap3A_654, %swap3A_655], %broadcast_in_dim3A_35 {strides = array<i32>} : memref<256x128xf32, #tpu.memory_space<vmem>>, vector<16xf32>,
      %swap3A_657 = arith.index_cast %scan3A_644 : i32 to index
      %swap3A_658 = arith.constant 64 : index
      %swap3A_659 = tpu.vector_load %arg13[%swap3A_657, %swap3A_658] {strides = array<i32>} : memref<256x128xf32, #tpu.memory_space<vmem>>, vector<16xf32>,
      tpu.vector_store %arg13[%swap3A_657, %swap3A_658], %broadcast_in_dim3A_35 {strides = array<i32>} : memref<256x128xf32, #tpu.memory_space<vmem>>, vector<16xf32>,
      %swap3A_660 = arith.index_cast %scan3A_644 : i32 to index
      %swap3A_661 = arith.constant 80 : index
      %swap3A_662 = tpu.vector_load %arg13[%swap3A_660, %swap3A_661] {strides = array<i32>} : memref<256x128xf32, #tpu.memory_space<vmem>>, vector<16xf32>,
      tpu.vector_store %arg13[%swap3A_660, %swap3A_661], %broadcast_in_dim3A_35 {strides = array<i32>} : memref<256x128xf32, #tpu.memory_space<vmem>>, vector<16xf32>,
      %swap3A_663 = arith.index_cast %scan3A_644 : i32 to index
      %swap3A_664 = arith.constant 96 : index
      %swap3A_665 = tpu.vector_load %arg13[%swap3A_663, %swap3A_664] {strides = array<i32>} : memref<256x128xf32, #tpu.memory_space<vmem>>, vector<16xf32>,
      tpu.vector_store %arg13[%swap3A_663, %swap3A_664], %broadcast_in_dim3A_35 {strides = array<i32>} : memref<256x128xf32, #tpu.memory_space<vmem>>, vector<16xf32>,
      %swap3A_666 = arith.index_cast %scan3A_644 : i32 to index
      %swap3A_667 = arith.constant 112 : index
      %swap3A_668 = tpu.vector_load %arg13[%swap3A_666, %swap3A_667] {strides = array<i32>} : memref<256x128xf32, #tpu.memory_space<vmem>>, vector<16xf32>,
      tpu.vector_store %arg13[%swap3A_666, %swap3A_667], %broadcast_in_dim3A_35 {strides = array<i32>} : memref<256x128xf32, #tpu.memory_space<vmem>>, vector<16xf32>,
    }
    %scan3A_40 = arith.constant 256 : i32
    "tpu.region"() ({
      %run_scoped3A = tpu.sem_alloc : memref<!tpu.dma_semaphore, #tpu.memory_space<semaphore_mem>>
      %dma_start3A_644 = tpu.memref_slice %arg3[%mul3A_18] : memref<16384xi32, #tpu.memory_space<hbm>> -> memref<256xi32, #tpu.memory_space<hbm>>
      %dma_start3A_645 = tpu.memref_slice %arg3[%mul3A_18] : memref<16384xi32, #tpu.memory_space<hbm>> -> memref<256xi32, #tpu.memory_space<hbm>>
      tpu.enqueue_dma source(%dma_start3A_645 : memref<256xi32, #tpu.memory_space<hbm>>) target(%arg9 : memref<256xi32, #tpu.memory_space<vmem>>) target_semaphore(%run_scoped3A : memref<!tpu.dma_semaphore, #tpu.memory_space<semaphore_mem>>)
      %dma_wait3A = tpu.memref_slice %arg3[%mul3A_18] : memref<16384xi32, #tpu.memory_space<hbm>> -> memref<256xi32, #tpu.memory_space<hbm>>
      %dma_wait3A_646 = tpu.memref_slice %arg3[%mul3A_18] : memref<16384xi32, #tpu.memory_space<hbm>> -> memref<256xi32, #tpu.memory_space<hbm>>
      tpu.wait_dma2 semaphore(%run_scoped3A : memref<!tpu.dma_semaphore, #tpu.memory_space<semaphore_mem>>) src(%dma_wait3A_646 : memref<256xi32, #tpu.memory_space<hbm>>) dst(%arg9 : memref<256xi32, #tpu.memory_space<vmem>>)
      tpu.yield
    }) : () -> ()
    %add3A_41 = arith.constant 0 : i32
    %add3A_42 = arith.addi %mul3A_18, %add3A_41 : i32
    %dma_start3A = tpu.memref_slice %arg2[%add3A_42, %mul3A_34] : memref<16384x512xf32, #tpu.memory_space<hbm>> -> memref<64x128xf32, #tpu.memory_space<hbm>>
    %dma_start3A_43 = tpu.memref_slice %arg2[%add3A_42, %mul3A_34] : memref<16384x512xf32, #tpu.memory_space<hbm>> -> memref<64x128xf32, #tpu.memory_space<hbm>>
    tpu.enqueue_dma source(%dma_start3A_43 : memref<64x128xf32, #tpu.memory_space<hbm>>) target(%arg7 : memref<64x128xf32, #tpu.memory_space<vmem>>) target_semaphore(%arg14 : memref<!tpu.dma_semaphore, #tpu.memory_space<semaphore_mem>>)
    %scan3A_44 = arith.constant 0 : i32
    %scan3A_45 = arith.constant 0 : i32
    %scan3A_46 = arith.constant 2 : i32
    %scan3A_47 = arith.addi %scan3A_45, %scan3A_46 : i32
    %scan3A_48 = arith.constant 1 : i32
    scf.for %scan3A_644 = %scan3A_45 to %scan3A_47 step %scan3A_48  : i32 {
      %mul3A_645 = arith.constant 2 : i32
      %mul3A_646 = arith.muli %scan3A_644, %mul3A_645 : i32
      %add3A_647 = arith.constant 1 : i32
      %add3A_648 = arith.addi %mul3A_646, %add3A_647 : i32
      %mul3A_649 = arith.constant 64 : i32
      %mul3A_650 = arith.muli %add3A_648, %mul3A_649 : i32
      %add3A_651 = arith.addi %mul3A_18, %mul3A_650 : i32
      %dma_start3A_652 = tpu.memref_slice %arg2[%add3A_651, %mul3A_34] : memref<16384x512xf32, #tpu.memory_space<hbm>> -> memref<64x128xf32, #tpu.memory_space<hbm>>
      %dma_start3A_653 = tpu.memref_slice %arg2[%add3A_651, %mul3A_34] : memref<16384x512xf32, #tpu.memory_space<hbm>> -> memref<64x128xf32, #tpu.memory_space<hbm>>
      tpu.enqueue_dma source(%dma_start3A_653 : memref<64x128xf32, #tpu.memory_space<hbm>>) target(%arg8 : memref<64x128xf32, #tpu.memory_space<vmem>>) target_semaphore(%arg15 : memref<!tpu.dma_semaphore, #tpu.memory_space<semaphore_mem>>)
      %mul3A_654 = arith.constant 64 : i32
      %mul3A_655 = arith.muli %mul3A_646, %mul3A_654 : i32
      %add3A_656 = arith.addi %mul3A_18, %mul3A_655 : i32
      %dma_wait3A = tpu.memref_slice %arg2[%add3A_656, %mul3A_34] : memref<16384x512xf32, #tpu.memory_space<hbm>> -> memref<64x128xf32, #tpu.memory_space<hbm>>
      %dma_wait3A_657 = tpu.memref_slice %arg2[%add3A_656, %mul3A_34] : memref<16384x512xf32, #tpu.memory_space<hbm>> -> memref<64x128xf32, #tpu.memory_space<hbm>>
      tpu.wait_dma2 semaphore(%arg14 : memref<!tpu.dma_semaphore, #tpu.memory_space<semaphore_mem>>) src(%dma_wait3A_657 : memref<64x128xf32, #tpu.memory_space<hbm>>) dst(%arg7 : memref<64x128xf32, #tpu.memory_space<vmem>>)
      %scan3A_658 = arith.constant 0 : i32
      %scan3A_659 = arith.constant 0 : i32
      %scan3A_660 = arith.constant 4 : i32
      %scan3A_661 = arith.addi %scan3A_659, %scan3A_660 : i32
      %scan3A_662 = arith.constant 1 : i32
      scf.for %scan3A_682 = %scan3A_659 to %scan3A_661 step %scan3A_662  : i32 {
        %mul3A_683 = arith.constant 64 : i32
        %mul3A_684 = arith.muli %mul3A_646, %mul3A_683 : i32
        %mul3A_685 = arith.constant 16 : i32
        %mul3A_686 = arith.muli %scan3A_682, %mul3A_685 : i32
        %add3A_687 = arith.addi %mul3A_684, %mul3A_686 : i32
        %get3A_688 = arith.index_cast %add3A_687 : i32 to index
        %get3A_689 = tpu.vector_load %arg9[%get3A_688] {strides = array<i32>} : memref<256xi32, #tpu.memory_space<vmem>>, vector<16xi32>,
        %slice3A = vector.extract_strided_slice %get3A_689 {offsets = [0], sizes = [1], strides = [1]} : vector<16xi32> to vector<1xi32>
        %squeeze3A = vector.extract %slice3A[0] : i32 from vector<1xi32>
        %slice3A_690 = vector.extract_strided_slice %get3A_689 {offsets = [15], sizes = [1], strides = [1]} : vector<16xi32> to vector<1xi32>
        %squeeze3A_691 = vector.extract %slice3A_690[0] : i32 from vector<1xi32>
        %eq3A_692 = arith.cmpi eq, %squeeze3A, %squeeze3A_691 : i32
        %convert_element_type3A_693 = arith.extui %eq3A_692 : i1 to i32
        %cond3A_694 = arith.constant 0 : i32
        %cond3A_695 = arith.cmpi ne, %convert_element_type3A_693, %cond3A_694 : i32
        scf.if %cond3A_695 {
          %parallel_loop3A = arith.constant 0 : i32
          %parallel_loop3A_696 = arith.constant 8 : i32
          %parallel_loop3A_697 = arith.constant 1 : i32
          scf.for %parallel_loop3A_698 = %parallel_loop3A to %parallel_loop3A_696 step %parallel_loop3A_697  : i32 {
            %parallel_loop3A_699 = arith.constant 16 : i32
            %parallel_loop3A_700 = arith.muli %scan3A_682, %parallel_loop3A_699 : i32
            %parallel_loop3A_701 = arith.constant 0 : i32
            %parallel_loop3A_702 = arith.addi %parallel_loop3A_700, %parallel_loop3A_701 : i32
            %parallel_loop3A_703 = arith.constant 16 : i32
            %parallel_loop3A_704 = arith.muli %parallel_loop3A_698, %parallel_loop3A_703 : i32
            %parallel_loop3A_705 = arith.index_cast %parallel_loop3A_702 : i32 to index
            %parallel_loop3A_706 = arith.index_cast %parallel_loop3A_704 : i32 to index
            %parallel_loop3A_707 = tpu.vector_load %arg7[%parallel_loop3A_705, %parallel_loop3A_706] {strides = array<i32>} : memref<64x128xf32, #tpu.memory_space<vmem>>, vector<16xf32>,
            %parallel_loop3A_708 = arith.constant 16 : i32
            %parallel_loop3A_709 = arith.muli %scan3A_682, %parallel_loop3A_708 : i32
            %parallel_loop3A_710 = arith.constant 1 : i32
            %parallel_loop3A_711 = arith.addi %parallel_loop3A_709, %parallel_loop3A_710 : i32
            %parallel_loop3A_712 = arith.constant 16 : i32
            %parallel_loop3A_713 = arith.muli %parallel_loop3A_698, %parallel_loop3A_712 : i32
            %parallel_loop3A_714 = arith.index_cast %parallel_loop3A_711 : i32 to index
            %parallel_loop3A_715 = arith.index_cast %parallel_loop3A_713 : i32 to index
            %parallel_loop3A_716 = tpu.vector_load %arg7[%parallel_loop3A_714, %parallel_loop3A_715] {strides = array<i32>} : memref<64x128xf32, #tpu.memory_space<vmem>>, vector<16xf32>,
            %parallel_loop3A_717 = arith.constant 16 : i32
            %parallel_loop3A_718 = arith.muli %scan3A_682, %parallel_loop3A_717 : i32
            %parallel_loop3A_719 = arith.constant 2 : i32
            %parallel_loop3A_720 = arith.addi %parallel_loop3A_718, %parallel_loop3A_719 : i32
            %parallel_loop3A_721 = arith.constant 16 : i32
            %parallel_loop3A_722 = arith.muli %parallel_loop3A_698, %parallel_loop3A_721 : i32
            %parallel_loop3A_723 = arith.index_cast %parallel_loop3A_720 : i32 to index
            %parallel_loop3A_724 = arith.index_cast %parallel_loop3A_722 : i32 to index
            %parallel_loop3A_725 = tpu.vector_load %arg7[%parallel_loop3A_723, %parallel_loop3A_724] {strides = array<i32>} : memref<64x128xf32, #tpu.memory_space<vmem>>, vector<16xf32>,
            %parallel_loop3A_726 = arith.constant 16 : i32
            %parallel_loop3A_727 = arith.muli %scan3A_682, %parallel_loop3A_726 : i32
            %parallel_loop3A_728 = arith.constant 3 : i32
            %parallel_loop3A_729 = arith.addi %parallel_loop3A_727, %parallel_loop3A_728 : i32
            %parallel_loop3A_730 = arith.constant 16 : i32
            %parallel_loop3A_731 = arith.muli %parallel_loop3A_698, %parallel_loop3A_730 : i32
            %parallel_loop3A_732 = arith.index_cast %parallel_loop3A_729 : i32 to index
            %parallel_loop3A_733 = arith.index_cast %parallel_loop3A_731 : i32 to index
            %parallel_loop3A_734 = tpu.vector_load %arg7[%parallel_loop3A_732, %parallel_loop3A_733] {strides = array<i32>} : memref<64x128xf32, #tpu.memory_space<vmem>>, vector<16xf32>,
            %parallel_loop3A_735 = arith.constant 16 : i32
            %parallel_loop3A_736 = arith.muli %scan3A_682, %parallel_loop3A_735 : i32
            %parallel_loop3A_737 = arith.constant 4 : i32
            %parallel_loop3A_738 = arith.addi %parallel_loop3A_736, %parallel_loop3A_737 : i32
            %parallel_loop3A_739 = arith.constant 16 : i32
            %parallel_loop3A_740 = arith.muli %parallel_loop3A_698, %parallel_loop3A_739 : i32
            %parallel_loop3A_741 = arith.index_cast %parallel_loop3A_738 : i32 to index
            %parallel_loop3A_742 = arith.index_cast %parallel_loop3A_740 : i32 to index
            %parallel_loop3A_743 = tpu.vector_load %arg7[%parallel_loop3A_741, %parallel_loop3A_742] {strides = array<i32>} : memref<64x128xf32, #tpu.memory_space<vmem>>, vector<16xf32>,
            %parallel_loop3A_744 = arith.constant 16 : i32
            %parallel_loop3A_745 = arith.muli %scan3A_682, %parallel_loop3A_744 : i32
            %parallel_loop3A_746 = arith.constant 5 : i32
            %parallel_loop3A_747 = arith.addi %parallel_loop3A_745, %parallel_loop3A_746 : i32
            %parallel_loop3A_748 = arith.constant 16 : i32
            %parallel_loop3A_749 = arith.muli %parallel_loop3A_698, %parallel_loop3A_748 : i32
            %parallel_loop3A_750 = arith.index_cast %parallel_loop3A_747 : i32 to index
            %parallel_loop3A_751 = arith.index_cast %parallel_loop3A_749 : i32 to index
            %parallel_loop3A_752 = tpu.vector_load %arg7[%parallel_loop3A_750, %parallel_loop3A_751] {strides = array<i32>} : memref<64x128xf32, #tpu.memory_space<vmem>>, vector<16xf32>,
            %parallel_loop3A_753 = arith.constant 16 : i32
            %parallel_loop3A_754 = arith.muli %scan3A_682, %parallel_loop3A_753 : i32
            %parallel_loop3A_755 = arith.constant 6 : i32
            %parallel_loop3A_756 = arith.addi %parallel_loop3A_754, %parallel_loop3A_755 : i32
            %parallel_loop3A_757 = arith.constant 16 : i32
            %parallel_loop3A_758 = arith.muli %parallel_loop3A_698, %parallel_loop3A_757 : i32
            %parallel_loop3A_759 = arith.index_cast %parallel_loop3A_756 : i32 to index
            %parallel_loop3A_760 = arith.index_cast %parallel_loop3A_758 : i32 to index
            %parallel_loop3A_761 = tpu.vector_load %arg7[%parallel_loop3A_759, %parallel_loop3A_760] {strides = array<i32>} : memref<64x128xf32, #tpu.memory_space<vmem>>, vector<16xf32>,
            %parallel_loop3A_762 = arith.constant 16 : i32
            %parallel_loop3A_763 = arith.muli %scan3A_682, %parallel_loop3A_762 : i32
            %parallel_loop3A_764 = arith.constant 7 : i32
            %parallel_loop3A_765 = arith.addi %parallel_loop3A_763, %parallel_loop3A_764 : i32
            %parallel_loop3A_766 = arith.constant 16 : i32
            %parallel_loop3A_767 = arith.muli %parallel_loop3A_698, %parallel_loop3A_766 : i32
            %parallel_loop3A_768 = arith.index_cast %parallel_loop3A_765 : i32 to index
            %parallel_loop3A_769 = arith.index_cast %parallel_loop3A_767 : i32 to index
            %parallel_loop3A_770 = tpu.vector_load %arg7[%parallel_loop3A_768, %parallel_loop3A_769] {strides = array<i32>} : memref<64x128xf32, #tpu.memory_space<vmem>>, vector<16xf32>,
            %parallel_loop3A_771 = arith.constant 16 : i32
            %parallel_loop3A_772 = arith.muli %scan3A_682, %parallel_loop3A_771 : i32
            %parallel_loop3A_773 = arith.constant 8 : i32
            %parallel_loop3A_774 = arith.addi %parallel_loop3A_772, %parallel_loop3A_773 : i32
            %parallel_loop3A_775 = arith.constant 16 : i32
            %parallel_loop3A_776 = arith.muli %parallel_loop3A_698, %parallel_loop3A_775 : i32
            %parallel_loop3A_777 = arith.index_cast %parallel_loop3A_774 : i32 to index
            %parallel_loop3A_778 = arith.index_cast %parallel_loop3A_776 : i32 to index
            %parallel_loop3A_779 = tpu.vector_load %arg7[%parallel_loop3A_777, %parallel_loop3A_778] {strides = array<i32>} : memref<64x128xf32, #tpu.memory_space<vmem>>, vector<16xf32>,
            %parallel_loop3A_780 = arith.constant 16 : i32
            %parallel_loop3A_781 = arith.muli %scan3A_682, %parallel_loop3A_780 : i32
            %parallel_loop3A_782 = arith.constant 9 : i32
            %parallel_loop3A_783 = arith.addi %parallel_loop3A_781, %parallel_loop3A_782 : i32
            %parallel_loop3A_784 = arith.constant 16 : i32
            %parallel_loop3A_785 = arith.muli %parallel_loop3A_698, %parallel_loop3A_784 : i32
            %parallel_loop3A_786 = arith.index_cast %parallel_loop3A_783 : i32 to index
            %parallel_loop3A_787 = arith.index_cast %parallel_loop3A_785 : i32 to index
            %parallel_loop3A_788 = tpu.vector_load %arg7[%parallel_loop3A_786, %parallel_loop3A_787] {strides = array<i32>} : memref<64x128xf32, #tpu.memory_space<vmem>>, vector<16xf32>,
            %parallel_loop3A_789 = arith.constant 16 : i32
            %parallel_loop3A_790 = arith.muli %scan3A_682, %parallel_loop3A_789 : i32
            %parallel_loop3A_791 = arith.constant 10 : i32
            %parallel_loop3A_792 = arith.addi %parallel_loop3A_790, %parallel_loop3A_791 : i32
            %parallel_loop3A_793 = arith.constant 16 : i32
            %parallel_loop3A_794 = arith.muli %parallel_loop3A_698, %parallel_loop3A_793 : i32
            %parallel_loop3A_795 = arith.index_cast %parallel_loop3A_792 : i32 to index
            %parallel_loop3A_796 = arith.index_cast %parallel_loop3A_794 : i32 to index
            %parallel_loop3A_797 = tpu.vector_load %arg7[%parallel_loop3A_795, %parallel_loop3A_796] {strides = array<i32>} : memref<64x128xf32, #tpu.memory_space<vmem>>, vector<16xf32>,
            %parallel_loop3A_798 = arith.constant 16 : i32
            %parallel_loop3A_799 = arith.muli %scan3A_682, %parallel_loop3A_798 : i32
            %parallel_loop3A_800 = arith.constant 11 : i32
            %parallel_loop3A_801 = arith.addi %parallel_loop3A_799, %parallel_loop3A_800 : i32
            %parallel_loop3A_802 = arith.constant 16 : i32
            %parallel_loop3A_803 = arith.muli %parallel_loop3A_698, %parallel_loop3A_802 : i32
            %parallel_loop3A_804 = arith.index_cast %parallel_loop3A_801 : i32 to index
            %parallel_loop3A_805 = arith.index_cast %parallel_loop3A_803 : i32 to index
            %parallel_loop3A_806 = tpu.vector_load %arg7[%parallel_loop3A_804, %parallel_loop3A_805] {strides = array<i32>} : memref<64x128xf32, #tpu.memory_space<vmem>>, vector<16xf32>,
            %parallel_loop3A_807 = arith.constant 16 : i32
            %parallel_loop3A_808 = arith.muli %scan3A_682, %parallel_loop3A_807 : i32
            %parallel_loop3A_809 = arith.constant 12 : i32
            %parallel_loop3A_810 = arith.addi %parallel_loop3A_808, %parallel_loop3A_809 : i32
            %parallel_loop3A_811 = arith.constant 16 : i32
            %parallel_loop3A_812 = arith.muli %parallel_loop3A_698, %parallel_loop3A_811 : i32
            %parallel_loop3A_813 = arith.index_cast %parallel_loop3A_810 : i32 to index
            %parallel_loop3A_814 = arith.index_cast %parallel_loop3A_812 : i32 to index
            %parallel_loop3A_815 = tpu.vector_load %arg7[%parallel_loop3A_813, %parallel_loop3A_814] {strides = array<i32>} : memref<64x128xf32, #tpu.memory_space<vmem>>, vector<16xf32>,
            %parallel_loop3A_816 = arith.constant 16 : i32
            %parallel_loop3A_817 = arith.muli %scan3A_682, %parallel_loop3A_816 : i32
            %parallel_loop3A_818 = arith.constant 13 : i32
            %parallel_loop3A_819 = arith.addi %parallel_loop3A_817, %parallel_loop3A_818 : i32
            %parallel_loop3A_820 = arith.constant 16 : i32
            %parallel_loop3A_821 = arith.muli %parallel_loop3A_698, %parallel_loop3A_820 : i32
            %parallel_loop3A_822 = arith.index_cast %parallel_loop3A_819 : i32 to index
            %parallel_loop3A_823 = arith.index_cast %parallel_loop3A_821 : i32 to index
            %parallel_loop3A_824 = tpu.vector_load %arg7[%parallel_loop3A_822, %parallel_loop3A_823] {strides = array<i32>} : memref<64x128xf32, #tpu.memory_space<vmem>>, vector<16xf32>,
            %parallel_loop3A_825 = arith.constant 16 : i32
            %parallel_loop3A_826 = arith.muli %scan3A_682, %parallel_loop3A_825 : i32
            %parallel_loop3A_827 = arith.constant 14 : i32
            %parallel_loop3A_828 = arith.addi %parallel_loop3A_826, %parallel_loop3A_827 : i32
            %parallel_loop3A_829 = arith.constant 16 : i32
            %parallel_loop3A_830 = arith.muli %parallel_loop3A_698, %parallel_loop3A_829 : i32
            %parallel_loop3A_831 = arith.index_cast %parallel_loop3A_828 : i32 to index
            %parallel_loop3A_832 = arith.index_cast %parallel_loop3A_830 : i32 to index
            %parallel_loop3A_833 = tpu.vector_load %arg7[%parallel_loop3A_831, %parallel_loop3A_832] {strides = array<i32>} : memref<64x128xf32, #tpu.memory_space<vmem>>, vector<16xf32>,
            %parallel_loop3A_834 = arith.constant 16 : i32
            %parallel_loop3A_835 = arith.muli %scan3A_682, %parallel_loop3A_834 : i32
            %parallel_loop3A_836 = arith.constant 15 : i32
            %parallel_loop3A_837 = arith.addi %parallel_loop3A_835, %parallel_loop3A_836 : i32
            %parallel_loop3A_838 = arith.constant 16 : i32
            %parallel_loop3A_839 = arith.muli %parallel_loop3A_698, %parallel_loop3A_838 : i32
            %parallel_loop3A_840 = arith.index_cast %parallel_loop3A_837 : i32 to index
            %parallel_loop3A_841 = arith.index_cast %parallel_loop3A_839 : i32 to index
            %parallel_loop3A_842 = tpu.vector_load %arg7[%parallel_loop3A_840, %parallel_loop3A_841] {strides = array<i32>} : memref<64x128xf32, #tpu.memory_space<vmem>>, vector<16xf32>,
            %parallel_loop3A_843 = arith.addf %parallel_loop3A_707, %parallel_loop3A_716 : vector<16xf32>
            %parallel_loop3A_844 = arith.addf %parallel_loop3A_725, %parallel_loop3A_734 : vector<16xf32>
            %parallel_loop3A_845 = arith.addf %parallel_loop3A_743, %parallel_loop3A_752 : vector<16xf32>
            %parallel_loop3A_846 = arith.addf %parallel_loop3A_761, %parallel_loop3A_770 : vector<16xf32>
            %parallel_loop3A_847 = arith.addf %parallel_loop3A_779, %parallel_loop3A_788 : vector<16xf32>
            %parallel_loop3A_848 = arith.addf %parallel_loop3A_797, %parallel_loop3A_806 : vector<16xf32>
            %parallel_loop3A_849 = arith.addf %parallel_loop3A_815, %parallel_loop3A_824 : vector<16xf32>
            %parallel_loop3A_850 = arith.addf %parallel_loop3A_833, %parallel_loop3A_842 : vector<16xf32>
            %parallel_loop3A_851 = arith.addf %parallel_loop3A_843, %parallel_loop3A_844 : vector<16xf32>
            %parallel_loop3A_852 = arith.addf %parallel_loop3A_845, %parallel_loop3A_846 : vector<16xf32>
            %parallel_loop3A_853 = arith.addf %parallel_loop3A_847, %parallel_loop3A_848 : vector<16xf32>
            %parallel_loop3A_854 = arith.addf %parallel_loop3A_849, %parallel_loop3A_850 : vector<16xf32>
            %parallel_loop3A_855 = arith.addf %parallel_loop3A_851, %parallel_loop3A_852 : vector<16xf32>
            %parallel_loop3A_856 = arith.addf %parallel_loop3A_853, %parallel_loop3A_854 : vector<16xf32>
            %parallel_loop3A_857 = arith.addf %parallel_loop3A_855, %parallel_loop3A_856 : vector<16xf32>
            %parallel_loop3A_858 = arith.constant 16 : i32
            %parallel_loop3A_859 = arith.muli %parallel_loop3A_698, %parallel_loop3A_858 : i32
            %parallel_loop3A_860 = arith.index_cast %squeeze3A : i32 to index
            %parallel_loop3A_861 = arith.index_cast %parallel_loop3A_859 : i32 to index
            %parallel_loop3A_862 = tpu.vector_load %arg13[%parallel_loop3A_860, %parallel_loop3A_861] {strides = array<i32>} : memref<256x128xf32, #tpu.memory_space<vmem>>, vector<16xf32>,
            tpu.vector_store %arg13[%parallel_loop3A_860, %parallel_loop3A_861], %parallel_loop3A_857 {add = true, strides = array<i32>} : memref<256x128xf32, #tpu.memory_space<vmem>>, vector<16xf32>,
          } {sc.loop_unroll_factor = 2 : i64, sc.parallel_access}
        } else {
          %slice3A_696 = vector.extract_strided_slice %get3A_689 {offsets = [0], sizes = [1], strides = [1]} : vector<16xi32> to vector<1xi32>
          %squeeze3A_697 = vector.extract %slice3A_696[0] : i32 from vector<1xi32>
          %mul3A_698 = arith.constant 16 : i32
          %mul3A_699 = arith.muli %scan3A_682, %mul3A_698 : i32
          %add3A_700 = arith.constant 0 : i32
          %add3A_701 = arith.addi %mul3A_699, %add3A_700 : i32
          %get3A_702 = arith.index_cast %add3A_701 : i32 to index
          %get3A_703 = arith.constant 0 : index
          %get3A_704 = tpu.vector_load %arg7[%get3A_702, %get3A_703] {strides = array<i32>} : memref<64x128xf32, #tpu.memory_space<vmem>>, vector<16xf32>,
          %get3A_705 = arith.index_cast %add3A_701 : i32 to index
          %get3A_706 = arith.constant 16 : index
          %get3A_707 = tpu.vector_load %arg7[%get3A_705, %get3A_706] {strides = array<i32>} : memref<64x128xf32, #tpu.memory_space<vmem>>, vector<16xf32>,
          %get3A_708 = arith.index_cast %add3A_701 : i32 to index
          %get3A_709 = arith.constant 32 : index
          %get3A_710 = tpu.vector_load %arg7[%get3A_708, %get3A_709] {strides = array<i32>} : memref<64x128xf32, #tpu.memory_space<vmem>>, vector<16xf32>,
          %get3A_711 = arith.index_cast %add3A_701 : i32 to index
          %get3A_712 = arith.constant 48 : index
          %get3A_713 = tpu.vector_load %arg7[%get3A_711, %get3A_712] {strides = array<i32>} : memref<64x128xf32, #tpu.memory_space<vmem>>, vector<16xf32>,
          %get3A_714 = arith.index_cast %add3A_701 : i32 to index
          %get3A_715 = arith.constant 64 : index
          %get3A_716 = tpu.vector_load %arg7[%get3A_714, %get3A_715] {strides = array<i32>} : memref<64x128xf32, #tpu.memory_space<vmem>>, vector<16xf32>,
          %get3A_717 = arith.index_cast %add3A_701 : i32 to index
          %get3A_718 = arith.constant 80 : index
          %get3A_719 = tpu.vector_load %arg7[%get3A_717, %get3A_718] {strides = array<i32>} : memref<64x128xf32, #tpu.memory_space<vmem>>, vector<16xf32>,
          %get3A_720 = arith.index_cast %add3A_701 : i32 to index
          %get3A_721 = arith.constant 96 : index
          %get3A_722 = tpu.vector_load %arg7[%get3A_720, %get3A_721] {strides = array<i32>} : memref<64x128xf32, #tpu.memory_space<vmem>>, vector<16xf32>,
          %get3A_723 = arith.index_cast %add3A_701 : i32 to index
          %get3A_724 = arith.constant 112 : index
          %get3A_725 = tpu.vector_load %arg7[%get3A_723, %get3A_724] {strides = array<i32>} : memref<64x128xf32, #tpu.memory_space<vmem>>, vector<16xf32>,
          %swap3A_726 = arith.index_cast %squeeze3A_697 : i32 to index
          %swap3A_727 = arith.constant 0 : index
          %swap3A_728 = tpu.vector_load %arg13[%swap3A_726, %swap3A_727] {strides = array<i32>} : memref<256x128xf32, #tpu.memory_space<vmem>>, vector<16xf32>,
          tpu.vector_store %arg13[%swap3A_726, %swap3A_727], %get3A_704 {add = true, strides = array<i32>} : memref<256x128xf32, #tpu.memory_space<vmem>>, vector<16xf32>,
          %swap3A_729 = arith.index_cast %squeeze3A_697 : i32 to index
          %swap3A_730 = arith.constant 16 : index
          %swap3A_731 = tpu.vector_load %arg13[%swap3A_729, %swap3A_730] {strides = array<i32>} : memref<256x128xf32, #tpu.memory_space<vmem>>, vector<16xf32>,
          tpu.vector_store %arg13[%swap3A_729, %swap3A_730], %get3A_707 {add = true, strides = array<i32>} : memref<256x128xf32, #tpu.memory_space<vmem>>, vector<16xf32>,
          %swap3A_732 = arith.index_cast %squeeze3A_697 : i32 to index
          %swap3A_733 = arith.constant 32 : index
          %swap3A_734 = tpu.vector_load %arg13[%swap3A_732, %swap3A_733] {strides = array<i32>} : memref<256x128xf32, #tpu.memory_space<vmem>>, vector<16xf32>,
          tpu.vector_store %arg13[%swap3A_732, %swap3A_733], %get3A_710 {add = true, strides = array<i32>} : memref<256x128xf32, #tpu.memory_space<vmem>>, vector<16xf32>,
          %swap3A_735 = arith.index_cast %squeeze3A_697 : i32 to index
          %swap3A_736 = arith.constant 48 : index
          %swap3A_737 = tpu.vector_load %arg13[%swap3A_735, %swap3A_736] {strides = array<i32>} : memref<256x128xf32, #tpu.memory_space<vmem>>, vector<16xf32>,
          tpu.vector_store %arg13[%swap3A_735, %swap3A_736], %get3A_713 {add = true, strides = array<i32>} : memref<256x128xf32, #tpu.memory_space<vmem>>, vector<16xf32>,
          %swap3A_738 = arith.index_cast %squeeze3A_697 : i32 to index
          %swap3A_739 = arith.constant 64 : index
          %swap3A_740 = tpu.vector_load %arg13[%swap3A_738, %swap3A_739] {strides = array<i32>} : memref<256x128xf32, #tpu.memory_space<vmem>>, vector<16xf32>,
          tpu.vector_store %arg13[%swap3A_738, %swap3A_739], %get3A_716 {add = true, strides = array<i32>} : memref<256x128xf32, #tpu.memory_space<vmem>>, vector<16xf32>,
          %swap3A_741 = arith.index_cast %squeeze3A_697 : i32 to index
          %swap3A_742 = arith.constant 80 : index
          %swap3A_743 = tpu.vector_load %arg13[%swap3A_741, %swap3A_742] {strides = array<i32>} : memref<256x128xf32, #tpu.memory_space<vmem>>, vector<16xf32>,
          tpu.vector_store %arg13[%swap3A_741, %swap3A_742], %get3A_719 {add = true, strides = array<i32>} : memref<256x128xf32, #tpu.memory_space<vmem>>, vector<16xf32>,
          %swap3A_744 = arith.index_cast %squeeze3A_697 : i32 to index
          %swap3A_745 = arith.constant 96 : index
          %swap3A_746 = tpu.vector_load %arg13[%swap3A_744, %swap3A_745] {strides = array<i32>} : memref<256x128xf32, #tpu.memory_space<vmem>>, vector<16xf32>,
          tpu.vector_store %arg13[%swap3A_744, %swap3A_745], %get3A_722 {add = true, strides = array<i32>} : memref<256x128xf32, #tpu.memory_space<vmem>>, vector<16xf32>,
          %swap3A_747 = arith.index_cast %squeeze3A_697 : i32 to index
          %swap3A_748 = arith.constant 112 : index
          %swap3A_749 = tpu.vector_load %arg13[%swap3A_747, %swap3A_748] {strides = array<i32>} : memref<256x128xf32, #tpu.memory_space<vmem>>, vector<16xf32>,
          tpu.vector_store %arg13[%swap3A_747, %swap3A_748], %get3A_725 {add = true, strides = array<i32>} : memref<256x128xf32, #tpu.memory_space<vmem>>, vector<16xf32>,
          %slice3A_750 = vector.extract_strided_slice %get3A_689 {offsets = [1], sizes = [1], strides = [1]} : vector<16xi32> to vector<1xi32>
          %squeeze3A_751 = vector.extract %slice3A_750[0] : i32 from vector<1xi32>
          %mul3A_752 = arith.constant 16 : i32
          %mul3A_753 = arith.muli %scan3A_682, %mul3A_752 : i32
          %add3A_754 = arith.constant 1 : i32
          %add3A_755 = arith.addi %mul3A_753, %add3A_754 : i32
          %get3A_756 = arith.index_cast %add3A_755 : i32 to index
          %get3A_757 = arith.constant 0 : index
          %get3A_758 = tpu.vector_load %arg7[%get3A_756, %get3A_757] {strides = array<i32>} : memref<64x128xf32, #tpu.memory_space<vmem>>, vector<16xf32>,
          %get3A_759 = arith.index_cast %add3A_755 : i32 to index
          %get3A_760 = arith.constant 16 : index
          %get3A_761 = tpu.vector_load %arg7[%get3A_759, %get3A_760] {strides = array<i32>} : memref<64x128xf32, #tpu.memory_space<vmem>>, vector<16xf32>,
          %get3A_762 = arith.index_cast %add3A_755 : i32 to index
          %get3A_763 = arith.constant 32 : index
          %get3A_764 = tpu.vector_load %arg7[%get3A_762, %get3A_763] {strides = array<i32>} : memref<64x128xf32, #tpu.memory_space<vmem>>, vector<16xf32>,
          %get3A_765 = arith.index_cast %add3A_755 : i32 to index
          %get3A_766 = arith.constant 48 : index
          %get3A_767 = tpu.vector_load %arg7[%get3A_765, %get3A_766] {strides = array<i32>} : memref<64x128xf32, #tpu.memory_space<vmem>>, vector<16xf32>,
          %get3A_768 = arith.index_cast %add3A_755 : i32 to index
          %get3A_769 = arith.constant 64 : index
          %get3A_770 = tpu.vector_load %arg7[%get3A_768, %get3A_769] {strides = array<i32>} : memref<64x128xf32, #tpu.memory_space<vmem>>, vector<16xf32>,
          %get3A_771 = arith.index_cast %add3A_755 : i32 to index
          %get3A_772 = arith.constant 80 : index
          %get3A_773 = tpu.vector_load %arg7[%get3A_771, %get3A_772] {strides = array<i32>} : memref<64x128xf32, #tpu.memory_space<vmem>>, vector<16xf32>,
          %get3A_774 = arith.index_cast %add3A_755 : i32 to index
          %get3A_775 = arith.constant 96 : index
          %get3A_776 = tpu.vector_load %arg7[%get3A_774, %get3A_775] {strides = array<i32>} : memref<64x128xf32, #tpu.memory_space<vmem>>, vector<16xf32>,
          %get3A_777 = arith.index_cast %add3A_755 : i32 to index
          %get3A_778 = arith.constant 112 : index
          %get3A_779 = tpu.vector_load %arg7[%get3A_777, %get3A_778] {strides = array<i32>} : memref<64x128xf32, #tpu.memory_space<vmem>>, vector<16xf32>,
          %swap3A_780 = arith.index_cast %squeeze3A_751 : i32 to index
          %swap3A_781 = arith.constant 0 : index
          %swap3A_782 = tpu.vector_load %arg13[%swap3A_780, %swap3A_781] {strides = array<i32>} : memref<256x128xf32, #tpu.memory_space<vmem>>, vector<16xf32>,
          tpu.vector_store %arg13[%swap3A_780, %swap3A_781], %get3A_758 {add = true, strides = array<i32>} : memref<256x128xf32, #tpu.memory_space<vmem>>, vector<16xf32>,
          %swap3A_783 = arith.index_cast %squeeze3A_751 : i32 to index
          %swap3A_784 = arith.constant 16 : index
          %swap3A_785 = tpu.vector_load %arg13[%swap3A_783, %swap3A_784] {strides = array<i32>} : memref<256x128xf32, #tpu.memory_space<vmem>>, vector<16xf32>,
          tpu.vector_store %arg13[%swap3A_783, %swap3A_784], %get3A_761 {add = true, strides = array<i32>} : memref<256x128xf32, #tpu.memory_space<vmem>>, vector<16xf32>,
          %swap3A_786 = arith.index_cast %squeeze3A_751 : i32 to index
          %swap3A_787 = arith.constant 32 : index
          %swap3A_788 = tpu.vector_load %arg13[%swap3A_786, %swap3A_787] {strides = array<i32>} : memref<256x128xf32, #tpu.memory_space<vmem>>, vector<16xf32>,
          tpu.vector_store %arg13[%swap3A_786, %swap3A_787], %get3A_764 {add = true, strides = array<i32>} : memref<256x128xf32, #tpu.memory_space<vmem>>, vector<16xf32>,
          %swap3A_789 = arith.index_cast %squeeze3A_751 : i32 to index
          %swap3A_790 = arith.constant 48 : index
          %swap3A_791 = tpu.vector_load %arg13[%swap3A_789, %swap3A_790] {strides = array<i32>} : memref<256x128xf32, #tpu.memory_space<vmem>>, vector<16xf32>,
          tpu.vector_store %arg13[%swap3A_789, %swap3A_790], %get3A_767 {add = true, strides = array<i32>} : memref<256x128xf32, #tpu.memory_space<vmem>>, vector<16xf32>,
          %swap3A_792 = arith.index_cast %squeeze3A_751 : i32 to index
          %swap3A_793 = arith.constant 64 : index
          %swap3A_794 = tpu.vector_load %arg13[%swap3A_792, %swap3A_793] {strides = array<i32>} : memref<256x128xf32, #tpu.memory_space<vmem>>, vector<16xf32>,
          tpu.vector_store %arg13[%swap3A_792, %swap3A_793], %get3A_770 {add = true, strides = array<i32>} : memref<256x128xf32, #tpu.memory_space<vmem>>, vector<16xf32>,
          %swap3A_795 = arith.index_cast %squeeze3A_751 : i32 to index
          %swap3A_796 = arith.constant 80 : index
          %swap3A_797 = tpu.vector_load %arg13[%swap3A_795, %swap3A_796] {strides = array<i32>} : memref<256x128xf32, #tpu.memory_space<vmem>>, vector<16xf32>,
          tpu.vector_store %arg13[%swap3A_795, %swap3A_796], %get3A_773 {add = true, strides = array<i32>} : memref<256x128xf32, #tpu.memory_space<vmem>>, vector<16xf32>,
          %swap3A_798 = arith.index_cast %squeeze3A_751 : i32 to index
          %swap3A_799 = arith.constant 96 : index
          %swap3A_800 = tpu.vector_load %arg13[%swap3A_798, %swap3A_799] {strides = array<i32>} : memref<256x128xf32, #tpu.memory_space<vmem>>, vector<16xf32>,
          tpu.vector_store %arg13[%swap3A_798, %swap3A_799], %get3A_776 {add = true, strides = array<i32>} : memref<256x128xf32, #tpu.memory_space<vmem>>, vector<16xf32>,
          %swap3A_801 = arith.index_cast %squeeze3A_751 : i32 to index
          %swap3A_802 = arith.constant 112 : index
          %swap3A_803 = tpu.vector_load %arg13[%swap3A_801, %swap3A_802] {strides = array<i32>} : memref<256x128xf32, #tpu.memory_space<vmem>>, vector<16xf32>,
          tpu.vector_store %arg13[%swap3A_801, %swap3A_802], %get3A_779 {add = true, strides = array<i32>} : memref<256x128xf32, #tpu.memory_space<vmem>>, vector<16xf32>,
          %slice3A_804 = vector.extract_strided_slice %get3A_689 {offsets = [2], sizes = [1], strides = [1]} : vector<16xi32> to vector<1xi32>
          %squeeze3A_805 = vector.extract %slice3A_804[0] : i32 from vector<1xi32>
          %mul3A_806 = arith.constant 16 : i32
          %mul3A_807 = arith.muli %scan3A_682, %mul3A_806 : i32
          %add3A_808 = arith.constant 2 : i32
          %add3A_809 = arith.addi %mul3A_807, %add3A_808 : i32
          %get3A_810 = arith.index_cast %add3A_809 : i32 to index
          %get3A_811 = arith.constant 0 : index
          %get3A_812 = tpu.vector_load %arg7[%get3A_810, %get3A_811] {strides = array<i32>} : memref<64x128xf32, #tpu.memory_space<vmem>>, vector<16xf32>,
          %get3A_813 = arith.index_cast %add3A_809 : i32 to index
          %get3A_814 = arith.constant 16 : index
          %get3A_815 = tpu.vector_load %arg7[%get3A_813, %get3A_814] {strides = array<i32>} : memref<64x128xf32, #tpu.memory_space<vmem>>, vector<16xf32>,
          %get3A_816 = arith.index_cast %add3A_809 : i32 to index
          %get3A_817 = arith.constant 32 : index
          %get3A_818 = tpu.vector_load %arg7[%get3A_816, %get3A_817] {strides = array<i32>} : memref<64x128xf32, #tpu.memory_space<vmem>>, vector<16xf32>,
          %get3A_819 = arith.index_cast %add3A_809 : i32 to index
          %get3A_820 = arith.constant 48 : index
          %get3A_821 = tpu.vector_load %arg7[%get3A_819, %get3A_820] {strides = array<i32>} : memref<64x128xf32, #tpu.memory_space<vmem>>, vector<16xf32>,
          %get3A_822 = arith.index_cast %add3A_809 : i32 to index
          %get3A_823 = arith.constant 64 : index
          %get3A_824 = tpu.vector_load %arg7[%get3A_822, %get3A_823] {strides = array<i32>} : memref<64x128xf32, #tpu.memory_space<vmem>>, vector<16xf32>,
          %get3A_825 = arith.index_cast %add3A_809 : i32 to index
          %get3A_826 = arith.constant 80 : index
          %get3A_827 = tpu.vector_load %arg7[%get3A_825, %get3A_826] {strides = array<i32>} : memref<64x128xf32, #tpu.memory_space<vmem>>, vector<16xf32>,
          %get3A_828 = arith.index_cast %add3A_809 : i32 to index
          %get3A_829 = arith.constant 96 : index
          %get3A_830 = tpu.vector_load %arg7[%get3A_828, %get3A_829] {strides = array<i32>} : memref<64x128xf32, #tpu.memory_space<vmem>>, vector<16xf32>,
          %get3A_831 = arith.index_cast %add3A_809 : i32 to index
          %get3A_832 = arith.constant 112 : index
          %get3A_833 = tpu.vector_load %arg7[%get3A_831, %get3A_832] {strides = array<i32>} : memref<64x128xf32, #tpu.memory_space<vmem>>, vector<16xf32>,
          %swap3A_834 = arith.index_cast %squeeze3A_805 : i32 to index
          %swap3A_835 = arith.constant 0 : index
          %swap3A_836 = tpu.vector_load %arg13[%swap3A_834, %swap3A_835] {strides = array<i32>} : memref<256x128xf32, #tpu.memory_space<vmem>>, vector<16xf32>,
          tpu.vector_store %arg13[%swap3A_834, %swap3A_835], %get3A_812 {add = true, strides = array<i32>} : memref<256x128xf32, #tpu.memory_space<vmem>>, vector<16xf32>,
          %swap3A_837 = arith.index_cast %squeeze3A_805 : i32 to index
          %swap3A_838 = arith.constant 16 : index
          %swap3A_839 = tpu.vector_load %arg13[%swap3A_837, %swap3A_838] {strides = array<i32>} : memref<256x128xf32, #tpu.memory_space<vmem>>, vector<16xf32>,
          tpu.vector_store %arg13[%swap3A_837, %swap3A_838], %get3A_815 {add = true, strides = array<i32>} : memref<256x128xf32, #tpu.memory_space<vmem>>, vector<16xf32>,
          %swap3A_840 = arith.index_cast %squeeze3A_805 : i32 to index
          %swap3A_841 = arith.constant 32 : index
          %swap3A_842 = tpu.vector_load %arg13[%swap3A_840, %swap3A_841] {strides = array<i32>} : memref<256x128xf32, #tpu.memory_space<vmem>>, vector<16xf32>,
          tpu.vector_store %arg13[%swap3A_840, %swap3A_841], %get3A_818 {add = true, strides = array<i32>} : memref<256x128xf32, #tpu.memory_space<vmem>>, vector<16xf32>,
          %swap3A_843 = arith.index_cast %squeeze3A_805 : i32 to index
          %swap3A_844 = arith.constant 48 : index
          %swap3A_845 = tpu.vector_load %arg13[%swap3A_843, %swap3A_844] {strides = array<i32>} : memref<256x128xf32, #tpu.memory_space<vmem>>, vector<16xf32>,
          tpu.vector_store %arg13[%swap3A_843, %swap3A_844], %get3A_821 {add = true, strides = array<i32>} : memref<256x128xf32, #tpu.memory_space<vmem>>, vector<16xf32>,
          %swap3A_846 = arith.index_cast %squeeze3A_805 : i32 to index
          %swap3A_847 = arith.constant 64 : index
          %swap3A_848 = tpu.vector_load %arg13[%swap3A_846, %swap3A_847] {strides = array<i32>} : memref<256x128xf32, #tpu.memory_space<vmem>>, vector<16xf32>,
          tpu.vector_store %arg13[%swap3A_846, %swap3A_847], %get3A_824 {add = true, strides = array<i32>} : memref<256x128xf32, #tpu.memory_space<vmem>>, vector<16xf32>,
          %swap3A_849 = arith.index_cast %squeeze3A_805 : i32 to index
          %swap3A_850 = arith.constant 80 : index
          %swap3A_851 = tpu.vector_load %arg13[%swap3A_849, %swap3A_850] {strides = array<i32>} : memref<256x128xf32, #tpu.memory_space<vmem>>, vector<16xf32>,
          tpu.vector_store %arg13[%swap3A_849, %swap3A_850], %get3A_827 {add = true, strides = array<i32>} : memref<256x128xf32, #tpu.memory_space<vmem>>, vector<16xf32>,
          %swap3A_852 = arith.index_cast %squeeze3A_805 : i32 to index
          %swap3A_853 = arith.constant 96 : index
          %swap3A_854 = tpu.vector_load %arg13[%swap3A_852, %swap3A_853] {strides = array<i32>} : memref<256x128xf32, #tpu.memory_space<vmem>>, vector<16xf32>,
          tpu.vector_store %arg13[%swap3A_852, %swap3A_853], %get3A_830 {add = true, strides = array<i32>} : memref<256x128xf32, #tpu.memory_space<vmem>>, vector<16xf32>,
          %swap3A_855 = arith.index_cast %squeeze3A_805 : i32 to index
          %swap3A_856 = arith.constant 112 : index
          %swap3A_857 = tpu.vector_load %arg13[%swap3A_855, %swap3A_856] {strides = array<i32>} : memref<256x128xf32, #tpu.memory_space<vmem>>, vector<16xf32>,
          tpu.vector_store %arg13[%swap3A_855, %swap3A_856], %get3A_833 {add = true, strides = array<i32>} : memref<256x128xf32, #tpu.memory_space<vmem>>, vector<16xf32>,
          %slice3A_858 = vector.extract_strided_slice %get3A_689 {offsets = [3], sizes = [1], strides = [1]} : vector<16xi32> to vector<1xi32>
          %squeeze3A_859 = vector.extract %slice3A_858[0] : i32 from vector<1xi32>
          %mul3A_860 = arith.constant 16 : i32
          %mul3A_861 = arith.muli %scan3A_682, %mul3A_860 : i32
          %add3A_862 = arith.constant 3 : i32
          %add3A_863 = arith.addi %mul3A_861, %add3A_862 : i32
          %get3A_864 = arith.index_cast %add3A_863 : i32 to index
          %get3A_865 = arith.constant 0 : index
          %get3A_866 = tpu.vector_load %arg7[%get3A_864, %get3A_865] {strides = array<i32>} : memref<64x128xf32, #tpu.memory_space<vmem>>, vector<16xf32>,
          %get3A_867 = arith.index_cast %add3A_863 : i32 to index
          %get3A_868 = arith.constant 16 : index
          %get3A_869 = tpu.vector_load %arg7[%get3A_867, %get3A_868] {strides = array<i32>} : memref<64x128xf32, #tpu.memory_space<vmem>>, vector<16xf32>,
          %get3A_870 = arith.index_cast %add3A_863 : i32 to index
          %get3A_871 = arith.constant 32 : index
          %get3A_872 = tpu.vector_load %arg7[%get3A_870, %get3A_871] {strides = array<i32>} : memref<64x128xf32, #tpu.memory_space<vmem>>, vector<16xf32>,
          %get3A_873 = arith.index_cast %add3A_863 : i32 to index
          %get3A_874 = arith.constant 48 : index
          %get3A_875 = tpu.vector_load %arg7[%get3A_873, %get3A_874] {strides = array<i32>} : memref<64x128xf32, #tpu.memory_space<vmem>>, vector<16xf32>,
          %get3A_876 = arith.index_cast %add3A_863 : i32 to index
          %get3A_877 = arith.constant 64 : index
          %get3A_878 = tpu.vector_load %arg7[%get3A_876, %get3A_877] {strides = array<i32>} : memref<64x128xf32, #tpu.memory_space<vmem>>, vector<16xf32>,
          %get3A_879 = arith.index_cast %add3A_863 : i32 to index
          %get3A_880 = arith.constant 80 : index
          %get3A_881 = tpu.vector_load %arg7[%get3A_879, %get3A_880] {strides = array<i32>} : memref<64x128xf32, #tpu.memory_space<vmem>>, vector<16xf32>,
          %get3A_882 = arith.index_cast %add3A_863 : i32 to index
          %get3A_883 = arith.constant 96 : index
          %get3A_884 = tpu.vector_load %arg7[%get3A_882, %get3A_883] {strides = array<i32>} : memref<64x128xf32, #tpu.memory_space<vmem>>, vector<16xf32>,
          %get3A_885 = arith.index_cast %add3A_863 : i32 to index
          %get3A_886 = arith.constant 112 : index
          %get3A_887 = tpu.vector_load %arg7[%get3A_885, %get3A_886] {strides = array<i32>} : memref<64x128xf32, #tpu.memory_space<vmem>>, vector<16xf32>,
          %swap3A_888 = arith.index_cast %squeeze3A_859 : i32 to index
          %swap3A_889 = arith.constant 0 : index
          %swap3A_890 = tpu.vector_load %arg13[%swap3A_888, %swap3A_889] {strides = array<i32>} : memref<256x128xf32, #tpu.memory_space<vmem>>, vector<16xf32>,
          tpu.vector_store %arg13[%swap3A_888, %swap3A_889], %get3A_866 {add = true, strides = array<i32>} : memref<256x128xf32, #tpu.memory_space<vmem>>, vector<16xf32>,
          %swap3A_891 = arith.index_cast %squeeze3A_859 : i32 to index
          %swap3A_892 = arith.constant 16 : index
          %swap3A_893 = tpu.vector_load %arg13[%swap3A_891, %swap3A_892] {strides = array<i32>} : memref<256x128xf32, #tpu.memory_space<vmem>>, vector<16xf32>,
          tpu.vector_store %arg13[%swap3A_891, %swap3A_892], %get3A_869 {add = true, strides = array<i32>} : memref<256x128xf32, #tpu.memory_space<vmem>>, vector<16xf32>,
          %swap3A_894 = arith.index_cast %squeeze3A_859 : i32 to index
          %swap3A_895 = arith.constant 32 : index
          %swap3A_896 = tpu.vector_load %arg13[%swap3A_894, %swap3A_895] {strides = array<i32>} : memref<256x128xf32, #tpu.memory_space<vmem>>, vector<16xf32>,
          tpu.vector_store %arg13[%swap3A_894, %swap3A_895], %get3A_872 {add = true, strides = array<i32>} : memref<256x128xf32, #tpu.memory_space<vmem>>, vector<16xf32>,
          %swap3A_897 = arith.index_cast %squeeze3A_859 : i32 to index
          %swap3A_898 = arith.constant 48 : index
          %swap3A_899 = tpu.vector_load %arg13[%swap3A_897, %swap3A_898] {strides = array<i32>} : memref<256x128xf32, #tpu.memory_space<vmem>>, vector<16xf32>,
          tpu.vector_store %arg13[%swap3A_897, %swap3A_898], %get3A_875 {add = true, strides = array<i32>} : memref<256x128xf32, #tpu.memory_space<vmem>>, vector<16xf32>,
          %swap3A_900 = arith.index_cast %squeeze3A_859 : i32 to index
          %swap3A_901 = arith.constant 64 : index
          %swap3A_902 = tpu.vector_load %arg13[%swap3A_900, %swap3A_901] {strides = array<i32>} : memref<256x128xf32, #tpu.memory_space<vmem>>, vector<16xf32>,
          tpu.vector_store %arg13[%swap3A_900, %swap3A_901], %get3A_878 {add = true, strides = array<i32>} : memref<256x128xf32, #tpu.memory_space<vmem>>, vector<16xf32>,
          %swap3A_903 = arith.index_cast %squeeze3A_859 : i32 to index
          %swap3A_904 = arith.constant 80 : index
          %swap3A_905 = tpu.vector_load %arg13[%swap3A_903, %swap3A_904] {strides = array<i32>} : memref<256x128xf32, #tpu.memory_space<vmem>>, vector<16xf32>,
          tpu.vector_store %arg13[%swap3A_903, %swap3A_904], %get3A_881 {add = true, strides = array<i32>} : memref<256x128xf32, #tpu.memory_space<vmem>>, vector<16xf32>,
          %swap3A_906 = arith.index_cast %squeeze3A_859 : i32 to index
          %swap3A_907 = arith.constant 96 : index
          %swap3A_908 = tpu.vector_load %arg13[%swap3A_906, %swap3A_907] {strides = array<i32>} : memref<256x128xf32, #tpu.memory_space<vmem>>, vector<16xf32>,
          tpu.vector_store %arg13[%swap3A_906, %swap3A_907], %get3A_884 {add = true, strides = array<i32>} : memref<256x128xf32, #tpu.memory_space<vmem>>, vector<16xf32>,
          %swap3A_909 = arith.index_cast %squeeze3A_859 : i32 to index
          %swap3A_910 = arith.constant 112 : index
          %swap3A_911 = tpu.vector_load %arg13[%swap3A_909, %swap3A_910] {strides = array<i32>} : memref<256x128xf32, #tpu.memory_space<vmem>>, vector<16xf32>,
          tpu.vector_store %arg13[%swap3A_909, %swap3A_910], %get3A_887 {add = true, strides = array<i32>} : memref<256x128xf32, #tpu.memory_space<vmem>>, vector<16xf32>,
          %slice3A_912 = vector.extract_strided_slice %get3A_689 {offsets = [4], sizes = [1], strides = [1]} : vector<16xi32> to vector<1xi32>
          %squeeze3A_913 = vector.extract %slice3A_912[0] : i32 from vector<1xi32>
          %mul3A_914 = arith.constant 16 : i32
          %mul3A_915 = arith.muli %scan3A_682, %mul3A_914 : i32
          %add3A_916 = arith.constant 4 : i32
          %add3A_917 = arith.addi %mul3A_915, %add3A_916 : i32
          %get3A_918 = arith.index_cast %add3A_917 : i32 to index
          %get3A_919 = arith.constant 0 : index
          %get3A_920 = tpu.vector_load %arg7[%get3A_918, %get3A_919] {strides = array<i32>} : memref<64x128xf32, #tpu.memory_space<vmem>>, vector<16xf32>,
          %get3A_921 = arith.index_cast %add3A_917 : i32 to index
          %get3A_922 = arith.constant 16 : index
          %get3A_923 = tpu.vector_load %arg7[%get3A_921, %get3A_922] {strides = array<i32>} : memref<64x128xf32, #tpu.memory_space<vmem>>, vector<16xf32>,
          %get3A_924 = arith.index_cast %add3A_917 : i32 to index
          %get3A_925 = arith.constant 32 : index
          %get3A_926 = tpu.vector_load %arg7[%get3A_924, %get3A_925] {strides = array<i32>} : memref<64x128xf32, #tpu.memory_space<vmem>>, vector<16xf32>,
          %get3A_927 = arith.index_cast %add3A_917 : i32 to index
          %get3A_928 = arith.constant 48 : index
          %get3A_929 = tpu.vector_load %arg7[%get3A_927, %get3A_928] {strides = array<i32>} : memref<64x128xf32, #tpu.memory_space<vmem>>, vector<16xf32>,
          %get3A_930 = arith.index_cast %add3A_917 : i32 to index
          %get3A_931 = arith.constant 64 : index
          %get3A_932 = tpu.vector_load %arg7[%get3A_930, %get3A_931] {strides = array<i32>} : memref<64x128xf32, #tpu.memory_space<vmem>>, vector<16xf32>,
          %get3A_933 = arith.index_cast %add3A_917 : i32 to index
          %get3A_934 = arith.constant 80 : index
          %get3A_935 = tpu.vector_load %arg7[%get3A_933, %get3A_934] {strides = array<i32>} : memref<64x128xf32, #tpu.memory_space<vmem>>, vector<16xf32>,
          %get3A_936 = arith.index_cast %add3A_917 : i32 to index
          %get3A_937 = arith.constant 96 : index
          %get3A_938 = tpu.vector_load %arg7[%get3A_936, %get3A_937] {strides = array<i32>} : memref<64x128xf32, #tpu.memory_space<vmem>>, vector<16xf32>,
          %get3A_939 = arith.index_cast %add3A_917 : i32 to index
          %get3A_940 = arith.constant 112 : index
          %get3A_941 = tpu.vector_load %arg7[%get3A_939, %get3A_940] {strides = array<i32>} : memref<64x128xf32, #tpu.memory_space<vmem>>, vector<16xf32>,
          %swap3A_942 = arith.index_cast %squeeze3A_913 : i32 to index
          %swap3A_943 = arith.constant 0 : index
          %swap3A_944 = tpu.vector_load %arg13[%swap3A_942, %swap3A_943] {strides = array<i32>} : memref<256x128xf32, #tpu.memory_space<vmem>>, vector<16xf32>,
          tpu.vector_store %arg13[%swap3A_942, %swap3A_943], %get3A_920 {add = true, strides = array<i32>} : memref<256x128xf32, #tpu.memory_space<vmem>>, vector<16xf32>,
          %swap3A_945 = arith.index_cast %squeeze3A_913 : i32 to index
          %swap3A_946 = arith.constant 16 : index
          %swap3A_947 = tpu.vector_load %arg13[%swap3A_945, %swap3A_946] {strides = array<i32>} : memref<256x128xf32, #tpu.memory_space<vmem>>, vector<16xf32>,
          tpu.vector_store %arg13[%swap3A_945, %swap3A_946], %get3A_923 {add = true, strides = array<i32>} : memref<256x128xf32, #tpu.memory_space<vmem>>, vector<16xf32>,
          %swap3A_948 = arith.index_cast %squeeze3A_913 : i32 to index
          %swap3A_949 = arith.constant 32 : index
          %swap3A_950 = tpu.vector_load %arg13[%swap3A_948, %swap3A_949] {strides = array<i32>} : memref<256x128xf32, #tpu.memory_space<vmem>>, vector<16xf32>,
          tpu.vector_store %arg13[%swap3A_948, %swap3A_949], %get3A_926 {add = true, strides = array<i32>} : memref<256x128xf32, #tpu.memory_space<vmem>>, vector<16xf32>,
          %swap3A_951 = arith.index_cast %squeeze3A_913 : i32 to index
          %swap3A_952 = arith.constant 48 : index
          %swap3A_953 = tpu.vector_load %arg13[%swap3A_951, %swap3A_952] {strides = array<i32>} : memref<256x128xf32, #tpu.memory_space<vmem>>, vector<16xf32>,
          tpu.vector_store %arg13[%swap3A_951, %swap3A_952], %get3A_929 {add = true, strides = array<i32>} : memref<256x128xf32, #tpu.memory_space<vmem>>, vector<16xf32>,
          %swap3A_954 = arith.index_cast %squeeze3A_913 : i32 to index
          %swap3A_955 = arith.constant 64 : index
          %swap3A_956 = tpu.vector_load %arg13[%swap3A_954, %swap3A_955] {strides = array<i32>} : memref<256x128xf32, #tpu.memory_space<vmem>>, vector<16xf32>,
          tpu.vector_store %arg13[%swap3A_954, %swap3A_955], %get3A_932 {add = true, strides = array<i32>} : memref<256x128xf32, #tpu.memory_space<vmem>>, vector<16xf32>,
          %swap3A_957 = arith.index_cast %squeeze3A_913 : i32 to index
          %swap3A_958 = arith.constant 80 : index
          %swap3A_959 = tpu.vector_load %arg13[%swap3A_957, %swap3A_958] {strides = array<i32>} : memref<256x128xf32, #tpu.memory_space<vmem>>, vector<16xf32>,
          tpu.vector_store %arg13[%swap3A_957, %swap3A_958], %get3A_935 {add = true, strides = array<i32>} : memref<256x128xf32, #tpu.memory_space<vmem>>, vector<16xf32>,
          %swap3A_960 = arith.index_cast %squeeze3A_913 : i32 to index
          %swap3A_961 = arith.constant 96 : index
          %swap3A_962 = tpu.vector_load %arg13[%swap3A_960, %swap3A_961] {strides = array<i32>} : memref<256x128xf32, #tpu.memory_space<vmem>>, vector<16xf32>,
          tpu.vector_store %arg13[%swap3A_960, %swap3A_961], %get3A_938 {add = true, strides = array<i32>} : memref<256x128xf32, #tpu.memory_space<vmem>>, vector<16xf32>,
          %swap3A_963 = arith.index_cast %squeeze3A_913 : i32 to index
          %swap3A_964 = arith.constant 112 : index
          %swap3A_965 = tpu.vector_load %arg13[%swap3A_963, %swap3A_964] {strides = array<i32>} : memref<256x128xf32, #tpu.memory_space<vmem>>, vector<16xf32>,
          tpu.vector_store %arg13[%swap3A_963, %swap3A_964], %get3A_941 {add = true, strides = array<i32>} : memref<256x128xf32, #tpu.memory_space<vmem>>, vector<16xf32>,
          %slice3A_966 = vector.extract_strided_slice %get3A_689 {offsets = [5], sizes = [1], strides = [1]} : vector<16xi32> to vector<1xi32>
          %squeeze3A_967 = vector.extract %slice3A_966[0] : i32 from vector<1xi32>
          %mul3A_968 = arith.constant 16 : i32
          %mul3A_969 = arith.muli %scan3A_682, %mul3A_968 : i32
          %add3A_970 = arith.constant 5 : i32
          %add3A_971 = arith.addi %mul3A_969, %add3A_970 : i32
          %get3A_972 = arith.index_cast %add3A_971 : i32 to index
          %get3A_973 = arith.constant 0 : index
          %get3A_974 = tpu.vector_load %arg7[%get3A_972, %get3A_973] {strides = array<i32>} : memref<64x128xf32, #tpu.memory_space<vmem>>, vector<16xf32>,
          %get3A_975 = arith.index_cast %add3A_971 : i32 to index
          %get3A_976 = arith.constant 16 : index
          %get3A_977 = tpu.vector_load %arg7[%get3A_975, %get3A_976] {strides = array<i32>} : memref<64x128xf32, #tpu.memory_space<vmem>>, vector<16xf32>,
          %get3A_978 = arith.index_cast %add3A_971 : i32 to index
          %get3A_979 = arith.constant 32 : index
          %get3A_980 = tpu.vector_load %arg7[%get3A_978, %get3A_979] {strides = array<i32>} : memref<64x128xf32, #tpu.memory_space<vmem>>, vector<16xf32>,
          %get3A_981 = arith.index_cast %add3A_971 : i32 to index
          %get3A_982 = arith.constant 48 : index
          %get3A_983 = tpu.vector_load %arg7[%get3A_981, %get3A_982] {strides = array<i32>} : memref<64x128xf32, #tpu.memory_space<vmem>>, vector<16xf32>,
          %get3A_984 = arith.index_cast %add3A_971 : i32 to index
          %get3A_985 = arith.constant 64 : index
          %get3A_986 = tpu.vector_load %arg7[%get3A_984, %get3A_985] {strides = array<i32>} : memref<64x128xf32, #tpu.memory_space<vmem>>, vector<16xf32>,
          %get3A_987 = arith.index_cast %add3A_971 : i32 to index
          %get3A_988 = arith.constant 80 : index
          %get3A_989 = tpu.vector_load %arg7[%get3A_987, %get3A_988] {strides = array<i32>} : memref<64x128xf32, #tpu.memory_space<vmem>>, vector<16xf32>,
          %get3A_990 = arith.index_cast %add3A_971 : i32 to index
          %get3A_991 = arith.constant 96 : index
          %get3A_992 = tpu.vector_load %arg7[%get3A_990, %get3A_991] {strides = array<i32>} : memref<64x128xf32, #tpu.memory_space<vmem>>, vector<16xf32>,
          %get3A_993 = arith.index_cast %add3A_971 : i32 to index
          %get3A_994 = arith.constant 112 : index
          %get3A_995 = tpu.vector_load %arg7[%get3A_993, %get3A_994] {strides = array<i32>} : memref<64x128xf32, #tpu.memory_space<vmem>>, vector<16xf32>,
          %swap3A_996 = arith.index_cast %squeeze3A_967 : i32 to index
          %swap3A_997 = arith.constant 0 : index
          %swap3A_998 = tpu.vector_load %arg13[%swap3A_996, %swap3A_997] {strides = array<i32>} : memref<256x128xf32, #tpu.memory_space<vmem>>, vector<16xf32>,
          tpu.vector_store %arg13[%swap3A_996, %swap3A_997], %get3A_974 {add = true, strides = array<i32>} : memref<256x128xf32, #tpu.memory_space<vmem>>, vector<16xf32>,
          %swap3A_999 = arith.index_cast %squeeze3A_967 : i32 to index
          %swap3A_1000 = arith.constant 16 : index
          %swap3A_1001 = tpu.vector_load %arg13[%swap3A_999, %swap3A_1000] {strides = array<i32>} : memref<256x128xf32, #tpu.memory_space<vmem>>, vector<16xf32>,
          tpu.vector_store %arg13[%swap3A_999, %swap3A_1000], %get3A_977 {add = true, strides = array<i32>} : memref<256x128xf32, #tpu.memory_space<vmem>>, vector<16xf32>,
          %swap3A_1002 = arith.index_cast %squeeze3A_967 : i32 to index
          %swap3A_1003 = arith.constant 32 : index
          %swap3A_1004 = tpu.vector_load %arg13[%swap3A_1002, %swap3A_1003] {strides = array<i32>} : memref<256x128xf32, #tpu.memory_space<vmem>>, vector<16xf32>,
          tpu.vector_store %arg13[%swap3A_1002, %swap3A_1003], %get3A_980 {add = true, strides = array<i32>} : memref<256x128xf32, #tpu.memory_space<vmem>>, vector<16xf32>,
          %swap3A_1005 = arith.index_cast %squeeze3A_967 : i32 to index
          %swap3A_1006 = arith.constant 48 : index
          %swap3A_1007 = tpu.vector_load %arg13[%swap3A_1005, %swap3A_1006] {strides = array<i32>} : memref<256x128xf32, #tpu.memory_space<vmem>>, vector<16xf32>,
          tpu.vector_store %arg13[%swap3A_1005, %swap3A_1006], %get3A_983 {add = true, strides = array<i32>} : memref<256x128xf32, #tpu.memory_space<vmem>>, vector<16xf32>,
          %swap3A_1008 = arith.index_cast %squeeze3A_967 : i32 to index
          %swap3A_1009 = arith.constant 64 : index
          %swap3A_1010 = tpu.vector_load %arg13[%swap3A_1008, %swap3A_1009] {strides = array<i32>} : memref<256x128xf32, #tpu.memory_space<vmem>>, vector<16xf32>,
          tpu.vector_store %arg13[%swap3A_1008, %swap3A_1009], %get3A_986 {add = true, strides = array<i32>} : memref<256x128xf32, #tpu.memory_space<vmem>>, vector<16xf32>,
          %swap3A_1011 = arith.index_cast %squeeze3A_967 : i32 to index
          %swap3A_1012 = arith.constant 80 : index
          %swap3A_1013 = tpu.vector_load %arg13[%swap3A_1011, %swap3A_1012] {strides = array<i32>} : memref<256x128xf32, #tpu.memory_space<vmem>>, vector<16xf32>,
          tpu.vector_store %arg13[%swap3A_1011, %swap3A_1012], %get3A_989 {add = true, strides = array<i32>} : memref<256x128xf32, #tpu.memory_space<vmem>>, vector<16xf32>,
          %swap3A_1014 = arith.index_cast %squeeze3A_967 : i32 to index
          %swap3A_1015 = arith.constant 96 : index
          %swap3A_1016 = tpu.vector_load %arg13[%swap3A_1014, %swap3A_1015] {strides = array<i32>} : memref<256x128xf32, #tpu.memory_space<vmem>>, vector<16xf32>,
          tpu.vector_store %arg13[%swap3A_1014, %swap3A_1015], %get3A_992 {add = true, strides = array<i32>} : memref<256x128xf32, #tpu.memory_space<vmem>>, vector<16xf32>,
          %swap3A_1017 = arith.index_cast %squeeze3A_967 : i32 to index
          %swap3A_1018 = arith.constant 112 : index
          %swap3A_1019 = tpu.vector_load %arg13[%swap3A_1017, %swap3A_1018] {strides = array<i32>} : memref<256x128xf32, #tpu.memory_space<vmem>>, vector<16xf32>,
          tpu.vector_store %arg13[%swap3A_1017, %swap3A_1018], %get3A_995 {add = true, strides = array<i32>} : memref<256x128xf32, #tpu.memory_space<vmem>>, vector<16xf32>,
          %slice3A_1020 = vector.extract_strided_slice %get3A_689 {offsets = [6], sizes = [1], strides = [1]} : vector<16xi32> to vector<1xi32>
          %squeeze3A_1021 = vector.extract %slice3A_1020[0] : i32 from vector<1xi32>
          %mul3A_1022 = arith.constant 16 : i32
          %mul3A_1023 = arith.muli %scan3A_682, %mul3A_1022 : i32
          %add3A_1024 = arith.constant 6 : i32
          %add3A_1025 = arith.addi %mul3A_1023, %add3A_1024 : i32
          %get3A_1026 = arith.index_cast %add3A_1025 : i32 to index
          %get3A_1027 = arith.constant 0 : index
          %get3A_1028 = tpu.vector_load %arg7[%get3A_1026, %get3A_1027] {strides = array<i32>} : memref<64x128xf32, #tpu.memory_space<vmem>>, vector<16xf32>,
          %get3A_1029 = arith.index_cast %add3A_1025 : i32 to index
          %get3A_1030 = arith.constant 16 : index
          %get3A_1031 = tpu.vector_load %arg7[%get3A_1029, %get3A_1030] {strides = array<i32>} : memref<64x128xf32, #tpu.memory_space<vmem>>, vector<16xf32>,
          %get3A_1032 = arith.index_cast %add3A_1025 : i32 to index
          %get3A_1033 = arith.constant 32 : index
          %get3A_1034 = tpu.vector_load %arg7[%get3A_1032, %get3A_1033] {strides = array<i32>} : memref<64x128xf32, #tpu.memory_space<vmem>>, vector<16xf32>,
          %get3A_1035 = arith.index_cast %add3A_1025 : i32 to index
          %get3A_1036 = arith.constant 48 : index
          %get3A_1037 = tpu.vector_load %arg7[%get3A_1035, %get3A_1036] {strides = array<i32>} : memref<64x128xf32, #tpu.memory_space<vmem>>, vector<16xf32>,
          %get3A_1038 = arith.index_cast %add3A_1025 : i32 to index
          %get3A_1039 = arith.constant 64 : index
          %get3A_1040 = tpu.vector_load %arg7[%get3A_1038, %get3A_1039] {strides = array<i32>} : memref<64x128xf32, #tpu.memory_space<vmem>>, vector<16xf32>,
          %get3A_1041 = arith.index_cast %add3A_1025 : i32 to index
          %get3A_1042 = arith.constant 80 : index
          %get3A_1043 = tpu.vector_load %arg7[%get3A_1041, %get3A_1042] {strides = array<i32>} : memref<64x128xf32, #tpu.memory_space<vmem>>, vector<16xf32>,
          %get3A_1044 = arith.index_cast %add3A_1025 : i32 to index
          %get3A_1045 = arith.constant 96 : index
          %get3A_1046 = tpu.vector_load %arg7[%get3A_1044, %get3A_1045] {strides = array<i32>} : memref<64x128xf32, #tpu.memory_space<vmem>>, vector<16xf32>,
          %get3A_1047 = arith.index_cast %add3A_1025 : i32 to index
          %get3A_1048 = arith.constant 112 : index
          %get3A_1049 = tpu.vector_load %arg7[%get3A_1047, %get3A_1048] {strides = array<i32>} : memref<64x128xf32, #tpu.memory_space<vmem>>, vector<16xf32>,
          %swap3A_1050 = arith.index_cast %squeeze3A_1021 : i32 to index
          %swap3A_1051 = arith.constant 0 : index
          %swap3A_1052 = tpu.vector_load %arg13[%swap3A_1050, %swap3A_1051] {strides = array<i32>} : memref<256x128xf32, #tpu.memory_space<vmem>>, vector<16xf32>,
          tpu.vector_store %arg13[%swap3A_1050, %swap3A_1051], %get3A_1028 {add = true, strides = array<i32>} : memref<256x128xf32, #tpu.memory_space<vmem>>, vector<16xf32>,
          %swap3A_1053 = arith.index_cast %squeeze3A_1021 : i32 to index
          %swap3A_1054 = arith.constant 16 : index
          %swap3A_1055 = tpu.vector_load %arg13[%swap3A_1053, %swap3A_1054] {strides = array<i32>} : memref<256x128xf32, #tpu.memory_space<vmem>>, vector<16xf32>,
          tpu.vector_store %arg13[%swap3A_1053, %swap3A_1054], %get3A_1031 {add = true, strides = array<i32>} : memref<256x128xf32, #tpu.memory_space<vmem>>, vector<16xf32>,
          %swap3A_1056 = arith.index_cast %squeeze3A_1021 : i32 to index
          %swap3A_1057 = arith.constant 32 : index
          %swap3A_1058 = tpu.vector_load %arg13[%swap3A_1056, %swap3A_1057] {strides = array<i32>} : memref<256x128xf32, #tpu.memory_space<vmem>>, vector<16xf32>,
          tpu.vector_store %arg13[%swap3A_1056, %swap3A_1057], %get3A_1034 {add = true, strides = array<i32>} : memref<256x128xf32, #tpu.memory_space<vmem>>, vector<16xf32>,
          %swap3A_1059 = arith.index_cast %squeeze3A_1021 : i32 to index
          %swap3A_1060 = arith.constant 48 : index
          %swap3A_1061 = tpu.vector_load %arg13[%swap3A_1059, %swap3A_1060] {strides = array<i32>} : memref<256x128xf32, #tpu.memory_space<vmem>>, vector<16xf32>,
          tpu.vector_store %arg13[%swap3A_1059, %swap3A_1060], %get3A_1037 {add = true, strides = array<i32>} : memref<256x128xf32, #tpu.memory_space<vmem>>, vector<16xf32>,
          %swap3A_1062 = arith.index_cast %squeeze3A_1021 : i32 to index
          %swap3A_1063 = arith.constant 64 : index
          %swap3A_1064 = tpu.vector_load %arg13[%swap3A_1062, %swap3A_1063] {strides = array<i32>} : memref<256x128xf32, #tpu.memory_space<vmem>>, vector<16xf32>,
          tpu.vector_store %arg13[%swap3A_1062, %swap3A_1063], %get3A_1040 {add = true, strides = array<i32>} : memref<256x128xf32, #tpu.memory_space<vmem>>, vector<16xf32>,
          %swap3A_1065 = arith.index_cast %squeeze3A_1021 : i32 to index
          %swap3A_1066 = arith.constant 80 : index
          %swap3A_1067 = tpu.vector_load %arg13[%swap3A_1065, %swap3A_1066] {strides = array<i32>} : memref<256x128xf32, #tpu.memory_space<vmem>>, vector<16xf32>,
          tpu.vector_store %arg13[%swap3A_1065, %swap3A_1066], %get3A_1043 {add = true, strides = array<i32>} : memref<256x128xf32, #tpu.memory_space<vmem>>, vector<16xf32>,
          %swap3A_1068 = arith.index_cast %squeeze3A_1021 : i32 to index
          %swap3A_1069 = arith.constant 96 : index
          %swap3A_1070 = tpu.vector_load %arg13[%swap3A_1068, %swap3A_1069] {strides = array<i32>} : memref<256x128xf32, #tpu.memory_space<vmem>>, vector<16xf32>,
          tpu.vector_store %arg13[%swap3A_1068, %swap3A_1069], %get3A_1046 {add = true, strides = array<i32>} : memref<256x128xf32, #tpu.memory_space<vmem>>, vector<16xf32>,
          %swap3A_1071 = arith.index_cast %squeeze3A_1021 : i32 to index
          %swap3A_1072 = arith.constant 112 : index
          %swap3A_1073 = tpu.vector_load %arg13[%swap3A_1071, %swap3A_1072] {strides = array<i32>} : memref<256x128xf32, #tpu.memory_space<vmem>>, vector<16xf32>,
          tpu.vector_store %arg13[%swap3A_1071, %swap3A_1072], %get3A_1049 {add = true, strides = array<i32>} : memref<256x128xf32, #tpu.memory_space<vmem>>, vector<16xf32>,
          %slice3A_1074 = vector.extract_strided_slice %get3A_689 {offsets = [7], sizes = [1], strides = [1]} : vector<16xi32> to vector<1xi32>
          %squeeze3A_1075 = vector.extract %slice3A_1074[0] : i32 from vector<1xi32>
          %mul3A_1076 = arith.constant 16 : i32
          %mul3A_1077 = arith.muli %scan3A_682, %mul3A_1076 : i32
          %add3A_1078 = arith.constant 7 : i32
          %add3A_1079 = arith.addi %mul3A_1077, %add3A_1078 : i32
          %get3A_1080 = arith.index_cast %add3A_1079 : i32 to index
          %get3A_1081 = arith.constant 0 : index
          %get3A_1082 = tpu.vector_load %arg7[%get3A_1080, %get3A_1081] {strides = array<i32>} : memref<64x128xf32, #tpu.memory_space<vmem>>, vector<16xf32>,
          %get3A_1083 = arith.index_cast %add3A_1079 : i32 to index
          %get3A_1084 = arith.constant 16 : index
          %get3A_1085 = tpu.vector_load %arg7[%get3A_1083, %get3A_1084] {strides = array<i32>} : memref<64x128xf32, #tpu.memory_space<vmem>>, vector<16xf32>,
          %get3A_1086 = arith.index_cast %add3A_1079 : i32 to index
          %get3A_1087 = arith.constant 32 : index
          %get3A_1088 = tpu.vector_load %arg7[%get3A_1086, %get3A_1087] {strides = array<i32>} : memref<64x128xf32, #tpu.memory_space<vmem>>, vector<16xf32>,
          %get3A_1089 = arith.index_cast %add3A_1079 : i32 to index
          %get3A_1090 = arith.constant 48 : index
          %get3A_1091 = tpu.vector_load %arg7[%get3A_1089, %get3A_1090] {strides = array<i32>} : memref<64x128xf32, #tpu.memory_space<vmem>>, vector<16xf32>,
          %get3A_1092 = arith.index_cast %add3A_1079 : i32 to index
          %get3A_1093 = arith.constant 64 : index
          %get3A_1094 = tpu.vector_load %arg7[%get3A_1092, %get3A_1093] {strides = array<i32>} : memref<64x128xf32, #tpu.memory_space<vmem>>, vector<16xf32>,
          %get3A_1095 = arith.index_cast %add3A_1079 : i32 to index
          %get3A_1096 = arith.constant 80 : index
          %get3A_1097 = tpu.vector_load %arg7[%get3A_1095, %get3A_1096] {strides = array<i32>} : memref<64x128xf32, #tpu.memory_space<vmem>>, vector<16xf32>,
          %get3A_1098 = arith.index_cast %add3A_1079 : i32 to index
          %get3A_1099 = arith.constant 96 : index
          %get3A_1100 = tpu.vector_load %arg7[%get3A_1098, %get3A_1099] {strides = array<i32>} : memref<64x128xf32, #tpu.memory_space<vmem>>, vector<16xf32>,
          %get3A_1101 = arith.index_cast %add3A_1079 : i32 to index
          %get3A_1102 = arith.constant 112 : index
          %get3A_1103 = tpu.vector_load %arg7[%get3A_1101, %get3A_1102] {strides = array<i32>} : memref<64x128xf32, #tpu.memory_space<vmem>>, vector<16xf32>,
          %swap3A_1104 = arith.index_cast %squeeze3A_1075 : i32 to index
          %swap3A_1105 = arith.constant 0 : index
          %swap3A_1106 = tpu.vector_load %arg13[%swap3A_1104, %swap3A_1105] {strides = array<i32>} : memref<256x128xf32, #tpu.memory_space<vmem>>, vector<16xf32>,
          tpu.vector_store %arg13[%swap3A_1104, %swap3A_1105], %get3A_1082 {add = true, strides = array<i32>} : memref<256x128xf32, #tpu.memory_space<vmem>>, vector<16xf32>,
          %swap3A_1107 = arith.index_cast %squeeze3A_1075 : i32 to index
          %swap3A_1108 = arith.constant 16 : index
          %swap3A_1109 = tpu.vector_load %arg13[%swap3A_1107, %swap3A_1108] {strides = array<i32>} : memref<256x128xf32, #tpu.memory_space<vmem>>, vector<16xf32>,
          tpu.vector_store %arg13[%swap3A_1107, %swap3A_1108], %get3A_1085 {add = true, strides = array<i32>} : memref<256x128xf32, #tpu.memory_space<vmem>>, vector<16xf32>,
          %swap3A_1110 = arith.index_cast %squeeze3A_1075 : i32 to index
          %swap3A_1111 = arith.constant 32 : index
          %swap3A_1112 = tpu.vector_load %arg13[%swap3A_1110, %swap3A_1111] {strides = array<i32>} : memref<256x128xf32, #tpu.memory_space<vmem>>, vector<16xf32>,
          tpu.vector_store %arg13[%swap3A_1110, %swap3A_1111], %get3A_1088 {add = true, strides = array<i32>} : memref<256x128xf32, #tpu.memory_space<vmem>>, vector<16xf32>,
          %swap3A_1113 = arith.index_cast %squeeze3A_1075 : i32 to index
          %swap3A_1114 = arith.constant 48 : index
          %swap3A_1115 = tpu.vector_load %arg13[%swap3A_1113, %swap3A_1114] {strides = array<i32>} : memref<256x128xf32, #tpu.memory_space<vmem>>, vector<16xf32>,
          tpu.vector_store %arg13[%swap3A_1113, %swap3A_1114], %get3A_1091 {add = true, strides = array<i32>} : memref<256x128xf32, #tpu.memory_space<vmem>>, vector<16xf32>,
          %swap3A_1116 = arith.index_cast %squeeze3A_1075 : i32 to index
          %swap3A_1117 = arith.constant 64 : index
          %swap3A_1118 = tpu.vector_load %arg13[%swap3A_1116, %swap3A_1117] {strides = array<i32>} : memref<256x128xf32, #tpu.memory_space<vmem>>, vector<16xf32>,
          tpu.vector_store %arg13[%swap3A_1116, %swap3A_1117], %get3A_1094 {add = true, strides = array<i32>} : memref<256x128xf32, #tpu.memory_space<vmem>>, vector<16xf32>,
          %swap3A_1119 = arith.index_cast %squeeze3A_1075 : i32 to index
          %swap3A_1120 = arith.constant 80 : index
          %swap3A_1121 = tpu.vector_load %arg13[%swap3A_1119, %swap3A_1120] {strides = array<i32>} : memref<256x128xf32, #tpu.memory_space<vmem>>, vector<16xf32>,
          tpu.vector_store %arg13[%swap3A_1119, %swap3A_1120], %get3A_1097 {add = true, strides = array<i32>} : memref<256x128xf32, #tpu.memory_space<vmem>>, vector<16xf32>,
          %swap3A_1122 = arith.index_cast %squeeze3A_1075 : i32 to index
          %swap3A_1123 = arith.constant 96 : index
          %swap3A_1124 = tpu.vector_load %arg13[%swap3A_1122, %swap3A_1123] {strides = array<i32>} : memref<256x128xf32, #tpu.memory_space<vmem>>, vector<16xf32>,
          tpu.vector_store %arg13[%swap3A_1122, %swap3A_1123], %get3A_1100 {add = true, strides = array<i32>} : memref<256x128xf32, #tpu.memory_space<vmem>>, vector<16xf32>,
          %swap3A_1125 = arith.index_cast %squeeze3A_1075 : i32 to index
          %swap3A_1126 = arith.constant 112 : index
          %swap3A_1127 = tpu.vector_load %arg13[%swap3A_1125, %swap3A_1126] {strides = array<i32>} : memref<256x128xf32, #tpu.memory_space<vmem>>, vector<16xf32>,
          tpu.vector_store %arg13[%swap3A_1125, %swap3A_1126], %get3A_1103 {add = true, strides = array<i32>} : memref<256x128xf32, #tpu.memory_space<vmem>>, vector<16xf32>,
          %slice3A_1128 = vector.extract_strided_slice %get3A_689 {offsets = [8], sizes = [1], strides = [1]} : vector<16xi32> to vector<1xi32>
          %squeeze3A_1129 = vector.extract %slice3A_1128[0] : i32 from vector<1xi32>
          %mul3A_1130 = arith.constant 16 : i32
          %mul3A_1131 = arith.muli %scan3A_682, %mul3A_1130 : i32
          %add3A_1132 = arith.constant 8 : i32
          %add3A_1133 = arith.addi %mul3A_1131, %add3A_1132 : i32
          %get3A_1134 = arith.index_cast %add3A_1133 : i32 to index
          %get3A_1135 = arith.constant 0 : index
          %get3A_1136 = tpu.vector_load %arg7[%get3A_1134, %get3A_1135] {strides = array<i32>} : memref<64x128xf32, #tpu.memory_space<vmem>>, vector<16xf32>,
          %get3A_1137 = arith.index_cast %add3A_1133 : i32 to index
          %get3A_1138 = arith.constant 16 : index
          %get3A_1139 = tpu.vector_load %arg7[%get3A_1137, %get3A_1138] {strides = array<i32>} : memref<64x128xf32, #tpu.memory_space<vmem>>, vector<16xf32>,
          %get3A_1140 = arith.index_cast %add3A_1133 : i32 to index
          %get3A_1141 = arith.constant 32 : index
          %get3A_1142 = tpu.vector_load %arg7[%get3A_1140, %get3A_1141] {strides = array<i32>} : memref<64x128xf32, #tpu.memory_space<vmem>>, vector<16xf32>,
          %get3A_1143 = arith.index_cast %add3A_1133 : i32 to index
          %get3A_1144 = arith.constant 48 : index
          %get3A_1145 = tpu.vector_load %arg7[%get3A_1143, %get3A_1144] {strides = array<i32>} : memref<64x128xf32, #tpu.memory_space<vmem>>, vector<16xf32>,
          %get3A_1146 = arith.index_cast %add3A_1133 : i32 to index
          %get3A_1147 = arith.constant 64 : index
          %get3A_1148 = tpu.vector_load %arg7[%get3A_1146, %get3A_1147] {strides = array<i32>} : memref<64x128xf32, #tpu.memory_space<vmem>>, vector<16xf32>,
          %get3A_1149 = arith.index_cast %add3A_1133 : i32 to index
          %get3A_1150 = arith.constant 80 : index
          %get3A_1151 = tpu.vector_load %arg7[%get3A_1149, %get3A_1150] {strides = array<i32>} : memref<64x128xf32, #tpu.memory_space<vmem>>, vector<16xf32>,
          %get3A_1152 = arith.index_cast %add3A_1133 : i32 to index
          %get3A_1153 = arith.constant 96 : index
          %get3A_1154 = tpu.vector_load %arg7[%get3A_1152, %get3A_1153] {strides = array<i32>} : memref<64x128xf32, #tpu.memory_space<vmem>>, vector<16xf32>,
          %get3A_1155 = arith.index_cast %add3A_1133 : i32 to index
          %get3A_1156 = arith.constant 112 : index
          %get3A_1157 = tpu.vector_load %arg7[%get3A_1155, %get3A_1156] {strides = array<i32>} : memref<64x128xf32, #tpu.memory_space<vmem>>, vector<16xf32>,
          %swap3A_1158 = arith.index_cast %squeeze3A_1129 : i32 to index
          %swap3A_1159 = arith.constant 0 : index
          %swap3A_1160 = tpu.vector_load %arg13[%swap3A_1158, %swap3A_1159] {strides = array<i32>} : memref<256x128xf32, #tpu.memory_space<vmem>>, vector<16xf32>,
          tpu.vector_store %arg13[%swap3A_1158, %swap3A_1159], %get3A_1136 {add = true, strides = array<i32>} : memref<256x128xf32, #tpu.memory_space<vmem>>, vector<16xf32>,
          %swap3A_1161 = arith.index_cast %squeeze3A_1129 : i32 to index
          %swap3A_1162 = arith.constant 16 : index
          %swap3A_1163 = tpu.vector_load %arg13[%swap3A_1161, %swap3A_1162] {strides = array<i32>} : memref<256x128xf32, #tpu.memory_space<vmem>>, vector<16xf32>,
          tpu.vector_store %arg13[%swap3A_1161, %swap3A_1162], %get3A_1139 {add = true, strides = array<i32>} : memref<256x128xf32, #tpu.memory_space<vmem>>, vector<16xf32>,
          %swap3A_1164 = arith.index_cast %squeeze3A_1129 : i32 to index
          %swap3A_1165 = arith.constant 32 : index
          %swap3A_1166 = tpu.vector_load %arg13[%swap3A_1164, %swap3A_1165] {strides = array<i32>} : memref<256x128xf32, #tpu.memory_space<vmem>>, vector<16xf32>,
          tpu.vector_store %arg13[%swap3A_1164, %swap3A_1165], %get3A_1142 {add = true, strides = array<i32>} : memref<256x128xf32, #tpu.memory_space<vmem>>, vector<16xf32>,
          %swap3A_1167 = arith.index_cast %squeeze3A_1129 : i32 to index
          %swap3A_1168 = arith.constant 48 : index
          %swap3A_1169 = tpu.vector_load %arg13[%swap3A_1167, %swap3A_1168] {strides = array<i32>} : memref<256x128xf32, #tpu.memory_space<vmem>>, vector<16xf32>,
          tpu.vector_store %arg13[%swap3A_1167, %swap3A_1168], %get3A_1145 {add = true, strides = array<i32>} : memref<256x128xf32, #tpu.memory_space<vmem>>, vector<16xf32>,
          %swap3A_1170 = arith.index_cast %squeeze3A_1129 : i32 to index
          %swap3A_1171 = arith.constant 64 : index
          %swap3A_1172 = tpu.vector_load %arg13[%swap3A_1170, %swap3A_1171] {strides = array<i32>} : memref<256x128xf32, #tpu.memory_space<vmem>>, vector<16xf32>,
          tpu.vector_store %arg13[%swap3A_1170, %swap3A_1171], %get3A_1148 {add = true, strides = array<i32>} : memref<256x128xf32, #tpu.memory_space<vmem>>, vector<16xf32>,
          %swap3A_1173 = arith.index_cast %squeeze3A_1129 : i32 to index
          %swap3A_1174 = arith.constant 80 : index
          %swap3A_1175 = tpu.vector_load %arg13[%swap3A_1173, %swap3A_1174] {strides = array<i32>} : memref<256x128xf32, #tpu.memory_space<vmem>>, vector<16xf32>,
          tpu.vector_store %arg13[%swap3A_1173, %swap3A_1174], %get3A_1151 {add = true, strides = array<i32>} : memref<256x128xf32, #tpu.memory_space<vmem>>, vector<16xf32>,
          %swap3A_1176 = arith.index_cast %squeeze3A_1129 : i32 to index
          %swap3A_1177 = arith.constant 96 : index
          %swap3A_1178 = tpu.vector_load %arg13[%swap3A_1176, %swap3A_1177] {strides = array<i32>} : memref<256x128xf32, #tpu.memory_space<vmem>>, vector<16xf32>,
          tpu.vector_store %arg13[%swap3A_1176, %swap3A_1177], %get3A_1154 {add = true, strides = array<i32>} : memref<256x128xf32, #tpu.memory_space<vmem>>, vector<16xf32>,
          %swap3A_1179 = arith.index_cast %squeeze3A_1129 : i32 to index
          %swap3A_1180 = arith.constant 112 : index
          %swap3A_1181 = tpu.vector_load %arg13[%swap3A_1179, %swap3A_1180] {strides = array<i32>} : memref<256x128xf32, #tpu.memory_space<vmem>>, vector<16xf32>,
          tpu.vector_store %arg13[%swap3A_1179, %swap3A_1180], %get3A_1157 {add = true, strides = array<i32>} : memref<256x128xf32, #tpu.memory_space<vmem>>, vector<16xf32>,
          %slice3A_1182 = vector.extract_strided_slice %get3A_689 {offsets = [9], sizes = [1], strides = [1]} : vector<16xi32> to vector<1xi32>
          %squeeze3A_1183 = vector.extract %slice3A_1182[0] : i32 from vector<1xi32>
          %mul3A_1184 = arith.constant 16 : i32
          %mul3A_1185 = arith.muli %scan3A_682, %mul3A_1184 : i32
          %add3A_1186 = arith.constant 9 : i32
          %add3A_1187 = arith.addi %mul3A_1185, %add3A_1186 : i32
          %get3A_1188 = arith.index_cast %add3A_1187 : i32 to index
          %get3A_1189 = arith.constant 0 : index
          %get3A_1190 = tpu.vector_load %arg7[%get3A_1188, %get3A_1189] {strides = array<i32>} : memref<64x128xf32, #tpu.memory_space<vmem>>, vector<16xf32>,
          %get3A_1191 = arith.index_cast %add3A_1187 : i32 to index
          %get3A_1192 = arith.constant 16 : index
          %get3A_1193 = tpu.vector_load %arg7[%get3A_1191, %get3A_1192] {strides = array<i32>} : memref<64x128xf32, #tpu.memory_space<vmem>>, vector<16xf32>,
          %get3A_1194 = arith.index_cast %add3A_1187 : i32 to index
          %get3A_1195 = arith.constant 32 : index
          %get3A_1196 = tpu.vector_load %arg7[%get3A_1194, %get3A_1195] {strides = array<i32>} : memref<64x128xf32, #tpu.memory_space<vmem>>, vector<16xf32>,
          %get3A_1197 = arith.index_cast %add3A_1187 : i32 to index
          %get3A_1198 = arith.constant 48 : index
          %get3A_1199 = tpu.vector_load %arg7[%get3A_1197, %get3A_1198] {strides = array<i32>} : memref<64x128xf32, #tpu.memory_space<vmem>>, vector<16xf32>,
          %get3A_1200 = arith.index_cast %add3A_1187 : i32 to index
          %get3A_1201 = arith.constant 64 : index
          %get3A_1202 = tpu.vector_load %arg7[%get3A_1200, %get3A_1201] {strides = array<i32>} : memref<64x128xf32, #tpu.memory_space<vmem>>, vector<16xf32>,
          %get3A_1203 = arith.index_cast %add3A_1187 : i32 to index
          %get3A_1204 = arith.constant 80 : index
          %get3A_1205 = tpu.vector_load %arg7[%get3A_1203, %get3A_1204] {strides = array<i32>} : memref<64x128xf32, #tpu.memory_space<vmem>>, vector<16xf32>,
          %get3A_1206 = arith.index_cast %add3A_1187 : i32 to index
          %get3A_1207 = arith.constant 96 : index
          %get3A_1208 = tpu.vector_load %arg7[%get3A_1206, %get3A_1207] {strides = array<i32>} : memref<64x128xf32, #tpu.memory_space<vmem>>, vector<16xf32>,
          %get3A_1209 = arith.index_cast %add3A_1187 : i32 to index
          %get3A_1210 = arith.constant 112 : index
          %get3A_1211 = tpu.vector_load %arg7[%get3A_1209, %get3A_1210] {strides = array<i32>} : memref<64x128xf32, #tpu.memory_space<vmem>>, vector<16xf32>,
          %swap3A_1212 = arith.index_cast %squeeze3A_1183 : i32 to index
          %swap3A_1213 = arith.constant 0 : index
          %swap3A_1214 = tpu.vector_load %arg13[%swap3A_1212, %swap3A_1213] {strides = array<i32>} : memref<256x128xf32, #tpu.memory_space<vmem>>, vector<16xf32>,
          tpu.vector_store %arg13[%swap3A_1212, %swap3A_1213], %get3A_1190 {add = true, strides = array<i32>} : memref<256x128xf32, #tpu.memory_space<vmem>>, vector<16xf32>,
          %swap3A_1215 = arith.index_cast %squeeze3A_1183 : i32 to index
          %swap3A_1216 = arith.constant 16 : index
          %swap3A_1217 = tpu.vector_load %arg13[%swap3A_1215, %swap3A_1216] {strides = array<i32>} : memref<256x128xf32, #tpu.memory_space<vmem>>, vector<16xf32>,
          tpu.vector_store %arg13[%swap3A_1215, %swap3A_1216], %get3A_1193 {add = true, strides = array<i32>} : memref<256x128xf32, #tpu.memory_space<vmem>>, vector<16xf32>,
          %swap3A_1218 = arith.index_cast %squeeze3A_1183 : i32 to index
          %swap3A_1219 = arith.constant 32 : index
          %swap3A_1220 = tpu.vector_load %arg13[%swap3A_1218, %swap3A_1219] {strides = array<i32>} : memref<256x128xf32, #tpu.memory_space<vmem>>, vector<16xf32>,
          tpu.vector_store %arg13[%swap3A_1218, %swap3A_1219], %get3A_1196 {add = true, strides = array<i32>} : memref<256x128xf32, #tpu.memory_space<vmem>>, vector<16xf32>,
          %swap3A_1221 = arith.index_cast %squeeze3A_1183 : i32 to index
          %swap3A_1222 = arith.constant 48 : index
          %swap3A_1223 = tpu.vector_load %arg13[%swap3A_1221, %swap3A_1222] {strides = array<i32>} : memref<256x128xf32, #tpu.memory_space<vmem>>, vector<16xf32>,
          tpu.vector_store %arg13[%swap3A_1221, %swap3A_1222], %get3A_1199 {add = true, strides = array<i32>} : memref<256x128xf32, #tpu.memory_space<vmem>>, vector<16xf32>,
          %swap3A_1224 = arith.index_cast %squeeze3A_1183 : i32 to index
          %swap3A_1225 = arith.constant 64 : index
          %swap3A_1226 = tpu.vector_load %arg13[%swap3A_1224, %swap3A_1225] {strides = array<i32>} : memref<256x128xf32, #tpu.memory_space<vmem>>, vector<16xf32>,
          tpu.vector_store %arg13[%swap3A_1224, %swap3A_1225], %get3A_1202 {add = true, strides = array<i32>} : memref<256x128xf32, #tpu.memory_space<vmem>>, vector<16xf32>,
          %swap3A_1227 = arith.index_cast %squeeze3A_1183 : i32 to index
          %swap3A_1228 = arith.constant 80 : index
          %swap3A_1229 = tpu.vector_load %arg13[%swap3A_1227, %swap3A_1228] {strides = array<i32>} : memref<256x128xf32, #tpu.memory_space<vmem>>, vector<16xf32>,
          tpu.vector_store %arg13[%swap3A_1227, %swap3A_1228], %get3A_1205 {add = true, strides = array<i32>} : memref<256x128xf32, #tpu.memory_space<vmem>>, vector<16xf32>,
          %swap3A_1230 = arith.index_cast %squeeze3A_1183 : i32 to index
          %swap3A_1231 = arith.constant 96 : index
          %swap3A_1232 = tpu.vector_load %arg13[%swap3A_1230, %swap3A_1231] {strides = array<i32>} : memref<256x128xf32, #tpu.memory_space<vmem>>, vector<16xf32>,
          tpu.vector_store %arg13[%swap3A_1230, %swap3A_1231], %get3A_1208 {add = true, strides = array<i32>} : memref<256x128xf32, #tpu.memory_space<vmem>>, vector<16xf32>,
          %swap3A_1233 = arith.index_cast %squeeze3A_1183 : i32 to index
          %swap3A_1234 = arith.constant 112 : index
          %swap3A_1235 = tpu.vector_load %arg13[%swap3A_1233, %swap3A_1234] {strides = array<i32>} : memref<256x128xf32, #tpu.memory_space<vmem>>, vector<16xf32>,
          tpu.vector_store %arg13[%swap3A_1233, %swap3A_1234], %get3A_1211 {add = true, strides = array<i32>} : memref<256x128xf32, #tpu.memory_space<vmem>>, vector<16xf32>,
          %slice3A_1236 = vector.extract_strided_slice %get3A_689 {offsets = [10], sizes = [1], strides = [1]} : vector<16xi32> to vector<1xi32>
          %squeeze3A_1237 = vector.extract %slice3A_1236[0] : i32 from vector<1xi32>
          %mul3A_1238 = arith.constant 16 : i32
          %mul3A_1239 = arith.muli %scan3A_682, %mul3A_1238 : i32
          %add3A_1240 = arith.constant 10 : i32
          %add3A_1241 = arith.addi %mul3A_1239, %add3A_1240 : i32
          %get3A_1242 = arith.index_cast %add3A_1241 : i32 to index
          %get3A_1243 = arith.constant 0 : index
          %get3A_1244 = tpu.vector_load %arg7[%get3A_1242, %get3A_1243] {strides = array<i32>} : memref<64x128xf32, #tpu.memory_space<vmem>>, vector<16xf32>,
          %get3A_1245 = arith.index_cast %add3A_1241 : i32 to index
          %get3A_1246 = arith.constant 16 : index
          %get3A_1247 = tpu.vector_load %arg7[%get3A_1245, %get3A_1246] {strides = array<i32>} : memref<64x128xf32, #tpu.memory_space<vmem>>, vector<16xf32>,
          %get3A_1248 = arith.index_cast %add3A_1241 : i32 to index
          %get3A_1249 = arith.constant 32 : index
          %get3A_1250 = tpu.vector_load %arg7[%get3A_1248, %get3A_1249] {strides = array<i32>} : memref<64x128xf32, #tpu.memory_space<vmem>>, vector<16xf32>,
          %get3A_1251 = arith.index_cast %add3A_1241 : i32 to index
          %get3A_1252 = arith.constant 48 : index
          %get3A_1253 = tpu.vector_load %arg7[%get3A_1251, %get3A_1252] {strides = array<i32>} : memref<64x128xf32, #tpu.memory_space<vmem>>, vector<16xf32>,
          %get3A_1254 = arith.index_cast %add3A_1241 : i32 to index
          %get3A_1255 = arith.constant 64 : index
          %get3A_1256 = tpu.vector_load %arg7[%get3A_1254, %get3A_1255] {strides = array<i32>} : memref<64x128xf32, #tpu.memory_space<vmem>>, vector<16xf32>,
          %get3A_1257 = arith.index_cast %add3A_1241 : i32 to index
          %get3A_1258 = arith.constant 80 : index
          %get3A_1259 = tpu.vector_load %arg7[%get3A_1257, %get3A_1258] {strides = array<i32>} : memref<64x128xf32, #tpu.memory_space<vmem>>, vector<16xf32>,
          %get3A_1260 = arith.index_cast %add3A_1241 : i32 to index
          %get3A_1261 = arith.constant 96 : index
          %get3A_1262 = tpu.vector_load %arg7[%get3A_1260, %get3A_1261] {strides = array<i32>} : memref<64x128xf32, #tpu.memory_space<vmem>>, vector<16xf32>,
          %get3A_1263 = arith.index_cast %add3A_1241 : i32 to index
          %get3A_1264 = arith.constant 112 : index
          %get3A_1265 = tpu.vector_load %arg7[%get3A_1263, %get3A_1264] {strides = array<i32>} : memref<64x128xf32, #tpu.memory_space<vmem>>, vector<16xf32>,
          %swap3A_1266 = arith.index_cast %squeeze3A_1237 : i32 to index
          %swap3A_1267 = arith.constant 0 : index
          %swap3A_1268 = tpu.vector_load %arg13[%swap3A_1266, %swap3A_1267] {strides = array<i32>} : memref<256x128xf32, #tpu.memory_space<vmem>>, vector<16xf32>,
          tpu.vector_store %arg13[%swap3A_1266, %swap3A_1267], %get3A_1244 {add = true, strides = array<i32>} : memref<256x128xf32, #tpu.memory_space<vmem>>, vector<16xf32>,
          %swap3A_1269 = arith.index_cast %squeeze3A_1237 : i32 to index
          %swap3A_1270 = arith.constant 16 : index
          %swap3A_1271 = tpu.vector_load %arg13[%swap3A_1269, %swap3A_1270] {strides = array<i32>} : memref<256x128xf32, #tpu.memory_space<vmem>>, vector<16xf32>,
          tpu.vector_store %arg13[%swap3A_1269, %swap3A_1270], %get3A_1247 {add = true, strides = array<i32>} : memref<256x128xf32, #tpu.memory_space<vmem>>, vector<16xf32>,
          %swap3A_1272 = arith.index_cast %squeeze3A_1237 : i32 to index
          %swap3A_1273 = arith.constant 32 : index
          %swap3A_1274 = tpu.vector_load %arg13[%swap3A_1272, %swap3A_1273] {strides = array<i32>} : memref<256x128xf32, #tpu.memory_space<vmem>>, vector<16xf32>,
          tpu.vector_store %arg13[%swap3A_1272, %swap3A_1273], %get3A_1250 {add = true, strides = array<i32>} : memref<256x128xf32, #tpu.memory_space<vmem>>, vector<16xf32>,
          %swap3A_1275 = arith.index_cast %squeeze3A_1237 : i32 to index
          %swap3A_1276 = arith.constant 48 : index
          %swap3A_1277 = tpu.vector_load %arg13[%swap3A_1275, %swap3A_1276] {strides = array<i32>} : memref<256x128xf32, #tpu.memory_space<vmem>>, vector<16xf32>,
          tpu.vector_store %arg13[%swap3A_1275, %swap3A_1276], %get3A_1253 {add = true, strides = array<i32>} : memref<256x128xf32, #tpu.memory_space<vmem>>, vector<16xf32>,
          %swap3A_1278 = arith.index_cast %squeeze3A_1237 : i32 to index
          %swap3A_1279 = arith.constant 64 : index
          %swap3A_1280 = tpu.vector_load %arg13[%swap3A_1278, %swap3A_1279] {strides = array<i32>} : memref<256x128xf32, #tpu.memory_space<vmem>>, vector<16xf32>,
          tpu.vector_store %arg13[%swap3A_1278, %swap3A_1279], %get3A_1256 {add = true, strides = array<i32>} : memref<256x128xf32, #tpu.memory_space<vmem>>, vector<16xf32>,
          %swap3A_1281 = arith.index_cast %squeeze3A_1237 : i32 to index
          %swap3A_1282 = arith.constant 80 : index
          %swap3A_1283 = tpu.vector_load %arg13[%swap3A_1281, %swap3A_1282] {strides = array<i32>} : memref<256x128xf32, #tpu.memory_space<vmem>>, vector<16xf32>,
          tpu.vector_store %arg13[%swap3A_1281, %swap3A_1282], %get3A_1259 {add = true, strides = array<i32>} : memref<256x128xf32, #tpu.memory_space<vmem>>, vector<16xf32>,
          %swap3A_1284 = arith.index_cast %squeeze3A_1237 : i32 to index
          %swap3A_1285 = arith.constant 96 : index
          %swap3A_1286 = tpu.vector_load %arg13[%swap3A_1284, %swap3A_1285] {strides = array<i32>} : memref<256x128xf32, #tpu.memory_space<vmem>>, vector<16xf32>,
          tpu.vector_store %arg13[%swap3A_1284, %swap3A_1285], %get3A_1262 {add = true, strides = array<i32>} : memref<256x128xf32, #tpu.memory_space<vmem>>, vector<16xf32>,
          %swap3A_1287 = arith.index_cast %squeeze3A_1237 : i32 to index
          %swap3A_1288 = arith.constant 112 : index
          %swap3A_1289 = tpu.vector_load %arg13[%swap3A_1287, %swap3A_1288] {strides = array<i32>} : memref<256x128xf32, #tpu.memory_space<vmem>>, vector<16xf32>,
          tpu.vector_store %arg13[%swap3A_1287, %swap3A_1288], %get3A_1265 {add = true, strides = array<i32>} : memref<256x128xf32, #tpu.memory_space<vmem>>, vector<16xf32>,
          %slice3A_1290 = vector.extract_strided_slice %get3A_689 {offsets = [11], sizes = [1], strides = [1]} : vector<16xi32> to vector<1xi32>
          %squeeze3A_1291 = vector.extract %slice3A_1290[0] : i32 from vector<1xi32>
          %mul3A_1292 = arith.constant 16 : i32
          %mul3A_1293 = arith.muli %scan3A_682, %mul3A_1292 : i32
          %add3A_1294 = arith.constant 11 : i32
          %add3A_1295 = arith.addi %mul3A_1293, %add3A_1294 : i32
          %get3A_1296 = arith.index_cast %add3A_1295 : i32 to index
          %get3A_1297 = arith.constant 0 : index
          %get3A_1298 = tpu.vector_load %arg7[%get3A_1296, %get3A_1297] {strides = array<i32>} : memref<64x128xf32, #tpu.memory_space<vmem>>, vector<16xf32>,
          %get3A_1299 = arith.index_cast %add3A_1295 : i32 to index
          %get3A_1300 = arith.constant 16 : index
          %get3A_1301 = tpu.vector_load %arg7[%get3A_1299, %get3A_1300] {strides = array<i32>} : memref<64x128xf32, #tpu.memory_space<vmem>>, vector<16xf32>,
          %get3A_1302 = arith.index_cast %add3A_1295 : i32 to index
          %get3A_1303 = arith.constant 32 : index
          %get3A_1304 = tpu.vector_load %arg7[%get3A_1302, %get3A_1303] {strides = array<i32>} : memref<64x128xf32, #tpu.memory_space<vmem>>, vector<16xf32>,
          %get3A_1305 = arith.index_cast %add3A_1295 : i32 to index
          %get3A_1306 = arith.constant 48 : index
          %get3A_1307 = tpu.vector_load %arg7[%get3A_1305, %get3A_1306] {strides = array<i32>} : memref<64x128xf32, #tpu.memory_space<vmem>>, vector<16xf32>,
          %get3A_1308 = arith.index_cast %add3A_1295 : i32 to index
          %get3A_1309 = arith.constant 64 : index
          %get3A_1310 = tpu.vector_load %arg7[%get3A_1308, %get3A_1309] {strides = array<i32>} : memref<64x128xf32, #tpu.memory_space<vmem>>, vector<16xf32>,
          %get3A_1311 = arith.index_cast %add3A_1295 : i32 to index
          %get3A_1312 = arith.constant 80 : index
          %get3A_1313 = tpu.vector_load %arg7[%get3A_1311, %get3A_1312] {strides = array<i32>} : memref<64x128xf32, #tpu.memory_space<vmem>>, vector<16xf32>,
          %get3A_1314 = arith.index_cast %add3A_1295 : i32 to index
          %get3A_1315 = arith.constant 96 : index
          %get3A_1316 = tpu.vector_load %arg7[%get3A_1314, %get3A_1315] {strides = array<i32>} : memref<64x128xf32, #tpu.memory_space<vmem>>, vector<16xf32>,
          %get3A_1317 = arith.index_cast %add3A_1295 : i32 to index
          %get3A_1318 = arith.constant 112 : index
          %get3A_1319 = tpu.vector_load %arg7[%get3A_1317, %get3A_1318] {strides = array<i32>} : memref<64x128xf32, #tpu.memory_space<vmem>>, vector<16xf32>,
          %swap3A_1320 = arith.index_cast %squeeze3A_1291 : i32 to index
          %swap3A_1321 = arith.constant 0 : index
          %swap3A_1322 = tpu.vector_load %arg13[%swap3A_1320, %swap3A_1321] {strides = array<i32>} : memref<256x128xf32, #tpu.memory_space<vmem>>, vector<16xf32>,
          tpu.vector_store %arg13[%swap3A_1320, %swap3A_1321], %get3A_1298 {add = true, strides = array<i32>} : memref<256x128xf32, #tpu.memory_space<vmem>>, vector<16xf32>,
          %swap3A_1323 = arith.index_cast %squeeze3A_1291 : i32 to index
          %swap3A_1324 = arith.constant 16 : index
          %swap3A_1325 = tpu.vector_load %arg13[%swap3A_1323, %swap3A_1324] {strides = array<i32>} : memref<256x128xf32, #tpu.memory_space<vmem>>, vector<16xf32>,
          tpu.vector_store %arg13[%swap3A_1323, %swap3A_1324], %get3A_1301 {add = true, strides = array<i32>} : memref<256x128xf32, #tpu.memory_space<vmem>>, vector<16xf32>,
          %swap3A_1326 = arith.index_cast %squeeze3A_1291 : i32 to index
          %swap3A_1327 = arith.constant 32 : index
          %swap3A_1328 = tpu.vector_load %arg13[%swap3A_1326, %swap3A_1327] {strides = array<i32>} : memref<256x128xf32, #tpu.memory_space<vmem>>, vector<16xf32>,
          tpu.vector_store %arg13[%swap3A_1326, %swap3A_1327], %get3A_1304 {add = true, strides = array<i32>} : memref<256x128xf32, #tpu.memory_space<vmem>>, vector<16xf32>,
          %swap3A_1329 = arith.index_cast %squeeze3A_1291 : i32 to index
          %swap3A_1330 = arith.constant 48 : index
          %swap3A_1331 = tpu.vector_load %arg13[%swap3A_1329, %swap3A_1330] {strides = array<i32>} : memref<256x128xf32, #tpu.memory_space<vmem>>, vector<16xf32>,
          tpu.vector_store %arg13[%swap3A_1329, %swap3A_1330], %get3A_1307 {add = true, strides = array<i32>} : memref<256x128xf32, #tpu.memory_space<vmem>>, vector<16xf32>,
          %swap3A_1332 = arith.index_cast %squeeze3A_1291 : i32 to index
          %swap3A_1333 = arith.constant 64 : index
          %swap3A_1334 = tpu.vector_load %arg13[%swap3A_1332, %swap3A_1333] {strides = array<i32>} : memref<256x128xf32, #tpu.memory_space<vmem>>, vector<16xf32>,
          tpu.vector_store %arg13[%swap3A_1332, %swap3A_1333], %get3A_1310 {add = true, strides = array<i32>} : memref<256x128xf32, #tpu.memory_space<vmem>>, vector<16xf32>,
          %swap3A_1335 = arith.index_cast %squeeze3A_1291 : i32 to index
          %swap3A_1336 = arith.constant 80 : index
          %swap3A_1337 = tpu.vector_load %arg13[%swap3A_1335, %swap3A_1336] {strides = array<i32>} : memref<256x128xf32, #tpu.memory_space<vmem>>, vector<16xf32>,
          tpu.vector_store %arg13[%swap3A_1335, %swap3A_1336], %get3A_1313 {add = true, strides = array<i32>} : memref<256x128xf32, #tpu.memory_space<vmem>>, vector<16xf32>,
          %swap3A_1338 = arith.index_cast %squeeze3A_1291 : i32 to index
          %swap3A_1339 = arith.constant 96 : index
          %swap3A_1340 = tpu.vector_load %arg13[%swap3A_1338, %swap3A_1339] {strides = array<i32>} : memref<256x128xf32, #tpu.memory_space<vmem>>, vector<16xf32>,
          tpu.vector_store %arg13[%swap3A_1338, %swap3A_1339], %get3A_1316 {add = true, strides = array<i32>} : memref<256x128xf32, #tpu.memory_space<vmem>>, vector<16xf32>,
          %swap3A_1341 = arith.index_cast %squeeze3A_1291 : i32 to index
          %swap3A_1342 = arith.constant 112 : index
          %swap3A_1343 = tpu.vector_load %arg13[%swap3A_1341, %swap3A_1342] {strides = array<i32>} : memref<256x128xf32, #tpu.memory_space<vmem>>, vector<16xf32>,
          tpu.vector_store %arg13[%swap3A_1341, %swap3A_1342], %get3A_1319 {add = true, strides = array<i32>} : memref<256x128xf32, #tpu.memory_space<vmem>>, vector<16xf32>,
          %slice3A_1344 = vector.extract_strided_slice %get3A_689 {offsets = [12], sizes = [1], strides = [1]} : vector<16xi32> to vector<1xi32>
          %squeeze3A_1345 = vector.extract %slice3A_1344[0] : i32 from vector<1xi32>
          %mul3A_1346 = arith.constant 16 : i32
          %mul3A_1347 = arith.muli %scan3A_682, %mul3A_1346 : i32
          %add3A_1348 = arith.constant 12 : i32
          %add3A_1349 = arith.addi %mul3A_1347, %add3A_1348 : i32
          %get3A_1350 = arith.index_cast %add3A_1349 : i32 to index
          %get3A_1351 = arith.constant 0 : index
          %get3A_1352 = tpu.vector_load %arg7[%get3A_1350, %get3A_1351] {strides = array<i32>} : memref<64x128xf32, #tpu.memory_space<vmem>>, vector<16xf32>,
          %get3A_1353 = arith.index_cast %add3A_1349 : i32 to index
          %get3A_1354 = arith.constant 16 : index
          %get3A_1355 = tpu.vector_load %arg7[%get3A_1353, %get3A_1354] {strides = array<i32>} : memref<64x128xf32, #tpu.memory_space<vmem>>, vector<16xf32>,
          %get3A_1356 = arith.index_cast %add3A_1349 : i32 to index
          %get3A_1357 = arith.constant 32 : index
          %get3A_1358 = tpu.vector_load %arg7[%get3A_1356, %get3A_1357] {strides = array<i32>} : memref<64x128xf32, #tpu.memory_space<vmem>>, vector<16xf32>,
          %get3A_1359 = arith.index_cast %add3A_1349 : i32 to index
          %get3A_1360 = arith.constant 48 : index
          %get3A_1361 = tpu.vector_load %arg7[%get3A_1359, %get3A_1360] {strides = array<i32>} : memref<64x128xf32, #tpu.memory_space<vmem>>, vector<16xf32>,
          %get3A_1362 = arith.index_cast %add3A_1349 : i32 to index
          %get3A_1363 = arith.constant 64 : index
          %get3A_1364 = tpu.vector_load %arg7[%get3A_1362, %get3A_1363] {strides = array<i32>} : memref<64x128xf32, #tpu.memory_space<vmem>>, vector<16xf32>,
          %get3A_1365 = arith.index_cast %add3A_1349 : i32 to index
          %get3A_1366 = arith.constant 80 : index
          %get3A_1367 = tpu.vector_load %arg7[%get3A_1365, %get3A_1366] {strides = array<i32>} : memref<64x128xf32, #tpu.memory_space<vmem>>, vector<16xf32>,
          %get3A_1368 = arith.index_cast %add3A_1349 : i32 to index
          %get3A_1369 = arith.constant 96 : index
          %get3A_1370 = tpu.vector_load %arg7[%get3A_1368, %get3A_1369] {strides = array<i32>} : memref<64x128xf32, #tpu.memory_space<vmem>>, vector<16xf32>,
          %get3A_1371 = arith.index_cast %add3A_1349 : i32 to index
          %get3A_1372 = arith.constant 112 : index
          %get3A_1373 = tpu.vector_load %arg7[%get3A_1371, %get3A_1372] {strides = array<i32>} : memref<64x128xf32, #tpu.memory_space<vmem>>, vector<16xf32>,
          %swap3A_1374 = arith.index_cast %squeeze3A_1345 : i32 to index
          %swap3A_1375 = arith.constant 0 : index
          %swap3A_1376 = tpu.vector_load %arg13[%swap3A_1374, %swap3A_1375] {strides = array<i32>} : memref<256x128xf32, #tpu.memory_space<vmem>>, vector<16xf32>,
          tpu.vector_store %arg13[%swap3A_1374, %swap3A_1375], %get3A_1352 {add = true, strides = array<i32>} : memref<256x128xf32, #tpu.memory_space<vmem>>, vector<16xf32>,
          %swap3A_1377 = arith.index_cast %squeeze3A_1345 : i32 to index
          %swap3A_1378 = arith.constant 16 : index
          %swap3A_1379 = tpu.vector_load %arg13[%swap3A_1377, %swap3A_1378] {strides = array<i32>} : memref<256x128xf32, #tpu.memory_space<vmem>>, vector<16xf32>,
          tpu.vector_store %arg13[%swap3A_1377, %swap3A_1378], %get3A_1355 {add = true, strides = array<i32>} : memref<256x128xf32, #tpu.memory_space<vmem>>, vector<16xf32>,
          %swap3A_1380 = arith.index_cast %squeeze3A_1345 : i32 to index
          %swap3A_1381 = arith.constant 32 : index
          %swap3A_1382 = tpu.vector_load %arg13[%swap3A_1380, %swap3A_1381] {strides = array<i32>} : memref<256x128xf32, #tpu.memory_space<vmem>>, vector<16xf32>,
          tpu.vector_store %arg13[%swap3A_1380, %swap3A_1381], %get3A_1358 {add = true, strides = array<i32>} : memref<256x128xf32, #tpu.memory_space<vmem>>, vector<16xf32>,
          %swap3A_1383 = arith.index_cast %squeeze3A_1345 : i32 to index
          %swap3A_1384 = arith.constant 48 : index
          %swap3A_1385 = tpu.vector_load %arg13[%swap3A_1383, %swap3A_1384] {strides = array<i32>} : memref<256x128xf32, #tpu.memory_space<vmem>>, vector<16xf32>,
          tpu.vector_store %arg13[%swap3A_1383, %swap3A_1384], %get3A_1361 {add = true, strides = array<i32>} : memref<256x128xf32, #tpu.memory_space<vmem>>, vector<16xf32>,
          %swap3A_1386 = arith.index_cast %squeeze3A_1345 : i32 to index
          %swap3A_1387 = arith.constant 64 : index
          %swap3A_1388 = tpu.vector_load %arg13[%swap3A_1386, %swap3A_1387] {strides = array<i32>} : memref<256x128xf32, #tpu.memory_space<vmem>>, vector<16xf32>,
          tpu.vector_store %arg13[%swap3A_1386, %swap3A_1387], %get3A_1364 {add = true, strides = array<i32>} : memref<256x128xf32, #tpu.memory_space<vmem>>, vector<16xf32>,
          %swap3A_1389 = arith.index_cast %squeeze3A_1345 : i32 to index
          %swap3A_1390 = arith.constant 80 : index
          %swap3A_1391 = tpu.vector_load %arg13[%swap3A_1389, %swap3A_1390] {strides = array<i32>} : memref<256x128xf32, #tpu.memory_space<vmem>>, vector<16xf32>,
          tpu.vector_store %arg13[%swap3A_1389, %swap3A_1390], %get3A_1367 {add = true, strides = array<i32>} : memref<256x128xf32, #tpu.memory_space<vmem>>, vector<16xf32>,
          %swap3A_1392 = arith.index_cast %squeeze3A_1345 : i32 to index
          %swap3A_1393 = arith.constant 96 : index
          %swap3A_1394 = tpu.vector_load %arg13[%swap3A_1392, %swap3A_1393] {strides = array<i32>} : memref<256x128xf32, #tpu.memory_space<vmem>>, vector<16xf32>,
          tpu.vector_store %arg13[%swap3A_1392, %swap3A_1393], %get3A_1370 {add = true, strides = array<i32>} : memref<256x128xf32, #tpu.memory_space<vmem>>, vector<16xf32>,
          %swap3A_1395 = arith.index_cast %squeeze3A_1345 : i32 to index
          %swap3A_1396 = arith.constant 112 : index
          %swap3A_1397 = tpu.vector_load %arg13[%swap3A_1395, %swap3A_1396] {strides = array<i32>} : memref<256x128xf32, #tpu.memory_space<vmem>>, vector<16xf32>,
          tpu.vector_store %arg13[%swap3A_1395, %swap3A_1396], %get3A_1373 {add = true, strides = array<i32>} : memref<256x128xf32, #tpu.memory_space<vmem>>, vector<16xf32>,
          %slice3A_1398 = vector.extract_strided_slice %get3A_689 {offsets = [13], sizes = [1], strides = [1]} : vector<16xi32> to vector<1xi32>
          %squeeze3A_1399 = vector.extract %slice3A_1398[0] : i32 from vector<1xi32>
          %mul3A_1400 = arith.constant 16 : i32
          %mul3A_1401 = arith.muli %scan3A_682, %mul3A_1400 : i32
          %add3A_1402 = arith.constant 13 : i32
          %add3A_1403 = arith.addi %mul3A_1401, %add3A_1402 : i32
          %get3A_1404 = arith.index_cast %add3A_1403 : i32 to index
          %get3A_1405 = arith.constant 0 : index
          %get3A_1406 = tpu.vector_load %arg7[%get3A_1404, %get3A_1405] {strides = array<i32>} : memref<64x128xf32, #tpu.memory_space<vmem>>, vector<16xf32>,
          %get3A_1407 = arith.index_cast %add3A_1403 : i32 to index
          %get3A_1408 = arith.constant 16 : index
          %get3A_1409 = tpu.vector_load %arg7[%get3A_1407, %get3A_1408] {strides = array<i32>} : memref<64x128xf32, #tpu.memory_space<vmem>>, vector<16xf32>,
          %get3A_1410 = arith.index_cast %add3A_1403 : i32 to index
          %get3A_1411 = arith.constant 32 : index
          %get3A_1412 = tpu.vector_load %arg7[%get3A_1410, %get3A_1411] {strides = array<i32>} : memref<64x128xf32, #tpu.memory_space<vmem>>, vector<16xf32>,
          %get3A_1413 = arith.index_cast %add3A_1403 : i32 to index
          %get3A_1414 = arith.constant 48 : index
          %get3A_1415 = tpu.vector_load %arg7[%get3A_1413, %get3A_1414] {strides = array<i32>} : memref<64x128xf32, #tpu.memory_space<vmem>>, vector<16xf32>,
          %get3A_1416 = arith.index_cast %add3A_1403 : i32 to index
          %get3A_1417 = arith.constant 64 : index
          %get3A_1418 = tpu.vector_load %arg7[%get3A_1416, %get3A_1417] {strides = array<i32>} : memref<64x128xf32, #tpu.memory_space<vmem>>, vector<16xf32>,
          %get3A_1419 = arith.index_cast %add3A_1403 : i32 to index
          %get3A_1420 = arith.constant 80 : index
          %get3A_1421 = tpu.vector_load %arg7[%get3A_1419, %get3A_1420] {strides = array<i32>} : memref<64x128xf32, #tpu.memory_space<vmem>>, vector<16xf32>,
          %get3A_1422 = arith.index_cast %add3A_1403 : i32 to index
          %get3A_1423 = arith.constant 96 : index
          %get3A_1424 = tpu.vector_load %arg7[%get3A_1422, %get3A_1423] {strides = array<i32>} : memref<64x128xf32, #tpu.memory_space<vmem>>, vector<16xf32>,
          %get3A_1425 = arith.index_cast %add3A_1403 : i32 to index
          %get3A_1426 = arith.constant 112 : index
          %get3A_1427 = tpu.vector_load %arg7[%get3A_1425, %get3A_1426] {strides = array<i32>} : memref<64x128xf32, #tpu.memory_space<vmem>>, vector<16xf32>,
          %swap3A_1428 = arith.index_cast %squeeze3A_1399 : i32 to index
          %swap3A_1429 = arith.constant 0 : index
          %swap3A_1430 = tpu.vector_load %arg13[%swap3A_1428, %swap3A_1429] {strides = array<i32>} : memref<256x128xf32, #tpu.memory_space<vmem>>, vector<16xf32>,
          tpu.vector_store %arg13[%swap3A_1428, %swap3A_1429], %get3A_1406 {add = true, strides = array<i32>} : memref<256x128xf32, #tpu.memory_space<vmem>>, vector<16xf32>,
          %swap3A_1431 = arith.index_cast %squeeze3A_1399 : i32 to index
          %swap3A_1432 = arith.constant 16 : index
          %swap3A_1433 = tpu.vector_load %arg13[%swap3A_1431, %swap3A_1432] {strides = array<i32>} : memref<256x128xf32, #tpu.memory_space<vmem>>, vector<16xf32>,
          tpu.vector_store %arg13[%swap3A_1431, %swap3A_1432], %get3A_1409 {add = true, strides = array<i32>} : memref<256x128xf32, #tpu.memory_space<vmem>>, vector<16xf32>,
          %swap3A_1434 = arith.index_cast %squeeze3A_1399 : i32 to index
          %swap3A_1435 = arith.constant 32 : index
          %swap3A_1436 = tpu.vector_load %arg13[%swap3A_1434, %swap3A_1435] {strides = array<i32>} : memref<256x128xf32, #tpu.memory_space<vmem>>, vector<16xf32>,
          tpu.vector_store %arg13[%swap3A_1434, %swap3A_1435], %get3A_1412 {add = true, strides = array<i32>} : memref<256x128xf32, #tpu.memory_space<vmem>>, vector<16xf32>,
          %swap3A_1437 = arith.index_cast %squeeze3A_1399 : i32 to index
          %swap3A_1438 = arith.constant 48 : index
          %swap3A_1439 = tpu.vector_load %arg13[%swap3A_1437, %swap3A_1438] {strides = array<i32>} : memref<256x128xf32, #tpu.memory_space<vmem>>, vector<16xf32>,
          tpu.vector_store %arg13[%swap3A_1437, %swap3A_1438], %get3A_1415 {add = true, strides = array<i32>} : memref<256x128xf32, #tpu.memory_space<vmem>>, vector<16xf32>,
          %swap3A_1440 = arith.index_cast %squeeze3A_1399 : i32 to index
          %swap3A_1441 = arith.constant 64 : index
          %swap3A_1442 = tpu.vector_load %arg13[%swap3A_1440, %swap3A_1441] {strides = array<i32>} : memref<256x128xf32, #tpu.memory_space<vmem>>, vector<16xf32>,
          tpu.vector_store %arg13[%swap3A_1440, %swap3A_1441], %get3A_1418 {add = true, strides = array<i32>} : memref<256x128xf32, #tpu.memory_space<vmem>>, vector<16xf32>,
          %swap3A_1443 = arith.index_cast %squeeze3A_1399 : i32 to index
          %swap3A_1444 = arith.constant 80 : index
          %swap3A_1445 = tpu.vector_load %arg13[%swap3A_1443, %swap3A_1444] {strides = array<i32>} : memref<256x128xf32, #tpu.memory_space<vmem>>, vector<16xf32>,
          tpu.vector_store %arg13[%swap3A_1443, %swap3A_1444], %get3A_1421 {add = true, strides = array<i32>} : memref<256x128xf32, #tpu.memory_space<vmem>>, vector<16xf32>,
          %swap3A_1446 = arith.index_cast %squeeze3A_1399 : i32 to index
          %swap3A_1447 = arith.constant 96 : index
          %swap3A_1448 = tpu.vector_load %arg13[%swap3A_1446, %swap3A_1447] {strides = array<i32>} : memref<256x128xf32, #tpu.memory_space<vmem>>, vector<16xf32>,
          tpu.vector_store %arg13[%swap3A_1446, %swap3A_1447], %get3A_1424 {add = true, strides = array<i32>} : memref<256x128xf32, #tpu.memory_space<vmem>>, vector<16xf32>,
          %swap3A_1449 = arith.index_cast %squeeze3A_1399 : i32 to index
          %swap3A_1450 = arith.constant 112 : index
          %swap3A_1451 = tpu.vector_load %arg13[%swap3A_1449, %swap3A_1450] {strides = array<i32>} : memref<256x128xf32, #tpu.memory_space<vmem>>, vector<16xf32>,
          tpu.vector_store %arg13[%swap3A_1449, %swap3A_1450], %get3A_1427 {add = true, strides = array<i32>} : memref<256x128xf32, #tpu.memory_space<vmem>>, vector<16xf32>,
          %slice3A_1452 = vector.extract_strided_slice %get3A_689 {offsets = [14], sizes = [1], strides = [1]} : vector<16xi32> to vector<1xi32>
          %squeeze3A_1453 = vector.extract %slice3A_1452[0] : i32 from vector<1xi32>
          %mul3A_1454 = arith.constant 16 : i32
          %mul3A_1455 = arith.muli %scan3A_682, %mul3A_1454 : i32
          %add3A_1456 = arith.constant 14 : i32
          %add3A_1457 = arith.addi %mul3A_1455, %add3A_1456 : i32
          %get3A_1458 = arith.index_cast %add3A_1457 : i32 to index
          %get3A_1459 = arith.constant 0 : index
          %get3A_1460 = tpu.vector_load %arg7[%get3A_1458, %get3A_1459] {strides = array<i32>} : memref<64x128xf32, #tpu.memory_space<vmem>>, vector<16xf32>,
          %get3A_1461 = arith.index_cast %add3A_1457 : i32 to index
          %get3A_1462 = arith.constant 16 : index
          %get3A_1463 = tpu.vector_load %arg7[%get3A_1461, %get3A_1462] {strides = array<i32>} : memref<64x128xf32, #tpu.memory_space<vmem>>, vector<16xf32>,
          %get3A_1464 = arith.index_cast %add3A_1457 : i32 to index
          %get3A_1465 = arith.constant 32 : index
          %get3A_1466 = tpu.vector_load %arg7[%get3A_1464, %get3A_1465] {strides = array<i32>} : memref<64x128xf32, #tpu.memory_space<vmem>>, vector<16xf32>,
          %get3A_1467 = arith.index_cast %add3A_1457 : i32 to index
          %get3A_1468 = arith.constant 48 : index
          %get3A_1469 = tpu.vector_load %arg7[%get3A_1467, %get3A_1468] {strides = array<i32>} : memref<64x128xf32, #tpu.memory_space<vmem>>, vector<16xf32>,
          %get3A_1470 = arith.index_cast %add3A_1457 : i32 to index
          %get3A_1471 = arith.constant 64 : index
          %get3A_1472 = tpu.vector_load %arg7[%get3A_1470, %get3A_1471] {strides = array<i32>} : memref<64x128xf32, #tpu.memory_space<vmem>>, vector<16xf32>,
          %get3A_1473 = arith.index_cast %add3A_1457 : i32 to index
          %get3A_1474 = arith.constant 80 : index
          %get3A_1475 = tpu.vector_load %arg7[%get3A_1473, %get3A_1474] {strides = array<i32>} : memref<64x128xf32, #tpu.memory_space<vmem>>, vector<16xf32>,
          %get3A_1476 = arith.index_cast %add3A_1457 : i32 to index
          %get3A_1477 = arith.constant 96 : index
          %get3A_1478 = tpu.vector_load %arg7[%get3A_1476, %get3A_1477] {strides = array<i32>} : memref<64x128xf32, #tpu.memory_space<vmem>>, vector<16xf32>,
          %get3A_1479 = arith.index_cast %add3A_1457 : i32 to index
          %get3A_1480 = arith.constant 112 : index
          %get3A_1481 = tpu.vector_load %arg7[%get3A_1479, %get3A_1480] {strides = array<i32>} : memref<64x128xf32, #tpu.memory_space<vmem>>, vector<16xf32>,
          %swap3A_1482 = arith.index_cast %squeeze3A_1453 : i32 to index
          %swap3A_1483 = arith.constant 0 : index
          %swap3A_1484 = tpu.vector_load %arg13[%swap3A_1482, %swap3A_1483] {strides = array<i32>} : memref<256x128xf32, #tpu.memory_space<vmem>>, vector<16xf32>,
          tpu.vector_store %arg13[%swap3A_1482, %swap3A_1483], %get3A_1460 {add = true, strides = array<i32>} : memref<256x128xf32, #tpu.memory_space<vmem>>, vector<16xf32>,
          %swap3A_1485 = arith.index_cast %squeeze3A_1453 : i32 to index
          %swap3A_1486 = arith.constant 16 : index
          %swap3A_1487 = tpu.vector_load %arg13[%swap3A_1485, %swap3A_1486] {strides = array<i32>} : memref<256x128xf32, #tpu.memory_space<vmem>>, vector<16xf32>,
          tpu.vector_store %arg13[%swap3A_1485, %swap3A_1486], %get3A_1463 {add = true, strides = array<i32>} : memref<256x128xf32, #tpu.memory_space<vmem>>, vector<16xf32>,
          %swap3A_1488 = arith.index_cast %squeeze3A_1453 : i32 to index
          %swap3A_1489 = arith.constant 32 : index
          %swap3A_1490 = tpu.vector_load %arg13[%swap3A_1488, %swap3A_1489] {strides = array<i32>} : memref<256x128xf32, #tpu.memory_space<vmem>>, vector<16xf32>,
          tpu.vector_store %arg13[%swap3A_1488, %swap3A_1489], %get3A_1466 {add = true, strides = array<i32>} : memref<256x128xf32, #tpu.memory_space<vmem>>, vector<16xf32>,
          %swap3A_1491 = arith.index_cast %squeeze3A_1453 : i32 to index
          %swap3A_1492 = arith.constant 48 : index
          %swap3A_1493 = tpu.vector_load %arg13[%swap3A_1491, %swap3A_1492] {strides = array<i32>} : memref<256x128xf32, #tpu.memory_space<vmem>>, vector<16xf32>,
          tpu.vector_store %arg13[%swap3A_1491, %swap3A_1492], %get3A_1469 {add = true, strides = array<i32>} : memref<256x128xf32, #tpu.memory_space<vmem>>, vector<16xf32>,
          %swap3A_1494 = arith.index_cast %squeeze3A_1453 : i32 to index
          %swap3A_1495 = arith.constant 64 : index
          %swap3A_1496 = tpu.vector_load %arg13[%swap3A_1494, %swap3A_1495] {strides = array<i32>} : memref<256x128xf32, #tpu.memory_space<vmem>>, vector<16xf32>,
          tpu.vector_store %arg13[%swap3A_1494, %swap3A_1495], %get3A_1472 {add = true, strides = array<i32>} : memref<256x128xf32, #tpu.memory_space<vmem>>, vector<16xf32>,
          %swap3A_1497 = arith.index_cast %squeeze3A_1453 : i32 to index
          %swap3A_1498 = arith.constant 80 : index
          %swap3A_1499 = tpu.vector_load %arg13[%swap3A_1497, %swap3A_1498] {strides = array<i32>} : memref<256x128xf32, #tpu.memory_space<vmem>>, vector<16xf32>,
          tpu.vector_store %arg13[%swap3A_1497, %swap3A_1498], %get3A_1475 {add = true, strides = array<i32>} : memref<256x128xf32, #tpu.memory_space<vmem>>, vector<16xf32>,
          %swap3A_1500 = arith.index_cast %squeeze3A_1453 : i32 to index
          %swap3A_1501 = arith.constant 96 : index
          %swap3A_1502 = tpu.vector_load %arg13[%swap3A_1500, %swap3A_1501] {strides = array<i32>} : memref<256x128xf32, #tpu.memory_space<vmem>>, vector<16xf32>,
          tpu.vector_store %arg13[%swap3A_1500, %swap3A_1501], %get3A_1478 {add = true, strides = array<i32>} : memref<256x128xf32, #tpu.memory_space<vmem>>, vector<16xf32>,
          %swap3A_1503 = arith.index_cast %squeeze3A_1453 : i32 to index
          %swap3A_1504 = arith.constant 112 : index
          %swap3A_1505 = tpu.vector_load %arg13[%swap3A_1503, %swap3A_1504] {strides = array<i32>} : memref<256x128xf32, #tpu.memory_space<vmem>>, vector<16xf32>,
          tpu.vector_store %arg13[%swap3A_1503, %swap3A_1504], %get3A_1481 {add = true, strides = array<i32>} : memref<256x128xf32, #tpu.memory_space<vmem>>, vector<16xf32>,
          %slice3A_1506 = vector.extract_strided_slice %get3A_689 {offsets = [15], sizes = [1], strides = [1]} : vector<16xi32> to vector<1xi32>
          %squeeze3A_1507 = vector.extract %slice3A_1506[0] : i32 from vector<1xi32>
          %mul3A_1508 = arith.constant 16 : i32
          %mul3A_1509 = arith.muli %scan3A_682, %mul3A_1508 : i32
          %add3A_1510 = arith.constant 15 : i32
          %add3A_1511 = arith.addi %mul3A_1509, %add3A_1510 : i32
          %get3A_1512 = arith.index_cast %add3A_1511 : i32 to index
          %get3A_1513 = arith.constant 0 : index
          %get3A_1514 = tpu.vector_load %arg7[%get3A_1512, %get3A_1513] {strides = array<i32>} : memref<64x128xf32, #tpu.memory_space<vmem>>, vector<16xf32>,
          %get3A_1515 = arith.index_cast %add3A_1511 : i32 to index
          %get3A_1516 = arith.constant 16 : index
          %get3A_1517 = tpu.vector_load %arg7[%get3A_1515, %get3A_1516] {strides = array<i32>} : memref<64x128xf32, #tpu.memory_space<vmem>>, vector<16xf32>,
          %get3A_1518 = arith.index_cast %add3A_1511 : i32 to index
          %get3A_1519 = arith.constant 32 : index
          %get3A_1520 = tpu.vector_load %arg7[%get3A_1518, %get3A_1519] {strides = array<i32>} : memref<64x128xf32, #tpu.memory_space<vmem>>, vector<16xf32>,
          %get3A_1521 = arith.index_cast %add3A_1511 : i32 to index
          %get3A_1522 = arith.constant 48 : index
          %get3A_1523 = tpu.vector_load %arg7[%get3A_1521, %get3A_1522] {strides = array<i32>} : memref<64x128xf32, #tpu.memory_space<vmem>>, vector<16xf32>,
          %get3A_1524 = arith.index_cast %add3A_1511 : i32 to index
          %get3A_1525 = arith.constant 64 : index
          %get3A_1526 = tpu.vector_load %arg7[%get3A_1524, %get3A_1525] {strides = array<i32>} : memref<64x128xf32, #tpu.memory_space<vmem>>, vector<16xf32>,
          %get3A_1527 = arith.index_cast %add3A_1511 : i32 to index
          %get3A_1528 = arith.constant 80 : index
          %get3A_1529 = tpu.vector_load %arg7[%get3A_1527, %get3A_1528] {strides = array<i32>} : memref<64x128xf32, #tpu.memory_space<vmem>>, vector<16xf32>,
          %get3A_1530 = arith.index_cast %add3A_1511 : i32 to index
          %get3A_1531 = arith.constant 96 : index
          %get3A_1532 = tpu.vector_load %arg7[%get3A_1530, %get3A_1531] {strides = array<i32>} : memref<64x128xf32, #tpu.memory_space<vmem>>, vector<16xf32>,
          %get3A_1533 = arith.index_cast %add3A_1511 : i32 to index
          %get3A_1534 = arith.constant 112 : index
          %get3A_1535 = tpu.vector_load %arg7[%get3A_1533, %get3A_1534] {strides = array<i32>} : memref<64x128xf32, #tpu.memory_space<vmem>>, vector<16xf32>,
          %swap3A_1536 = arith.index_cast %squeeze3A_1507 : i32 to index
          %swap3A_1537 = arith.constant 0 : index
          %swap3A_1538 = tpu.vector_load %arg13[%swap3A_1536, %swap3A_1537] {strides = array<i32>} : memref<256x128xf32, #tpu.memory_space<vmem>>, vector<16xf32>,
          tpu.vector_store %arg13[%swap3A_1536, %swap3A_1537], %get3A_1514 {add = true, strides = array<i32>} : memref<256x128xf32, #tpu.memory_space<vmem>>, vector<16xf32>,
          %swap3A_1539 = arith.index_cast %squeeze3A_1507 : i32 to index
          %swap3A_1540 = arith.constant 16 : index
          %swap3A_1541 = tpu.vector_load %arg13[%swap3A_1539, %swap3A_1540] {strides = array<i32>} : memref<256x128xf32, #tpu.memory_space<vmem>>, vector<16xf32>,
          tpu.vector_store %arg13[%swap3A_1539, %swap3A_1540], %get3A_1517 {add = true, strides = array<i32>} : memref<256x128xf32, #tpu.memory_space<vmem>>, vector<16xf32>,
          %swap3A_1542 = arith.index_cast %squeeze3A_1507 : i32 to index
          %swap3A_1543 = arith.constant 32 : index
          %swap3A_1544 = tpu.vector_load %arg13[%swap3A_1542, %swap3A_1543] {strides = array<i32>} : memref<256x128xf32, #tpu.memory_space<vmem>>, vector<16xf32>,
          tpu.vector_store %arg13[%swap3A_1542, %swap3A_1543], %get3A_1520 {add = true, strides = array<i32>} : memref<256x128xf32, #tpu.memory_space<vmem>>, vector<16xf32>,
          %swap3A_1545 = arith.index_cast %squeeze3A_1507 : i32 to index
          %swap3A_1546 = arith.constant 48 : index
          %swap3A_1547 = tpu.vector_load %arg13[%swap3A_1545, %swap3A_1546] {strides = array<i32>} : memref<256x128xf32, #tpu.memory_space<vmem>>, vector<16xf32>,
          tpu.vector_store %arg13[%swap3A_1545, %swap3A_1546], %get3A_1523 {add = true, strides = array<i32>} : memref<256x128xf32, #tpu.memory_space<vmem>>, vector<16xf32>,
          %swap3A_1548 = arith.index_cast %squeeze3A_1507 : i32 to index
          %swap3A_1549 = arith.constant 64 : index
          %swap3A_1550 = tpu.vector_load %arg13[%swap3A_1548, %swap3A_1549] {strides = array<i32>} : memref<256x128xf32, #tpu.memory_space<vmem>>, vector<16xf32>,
          tpu.vector_store %arg13[%swap3A_1548, %swap3A_1549], %get3A_1526 {add = true, strides = array<i32>} : memref<256x128xf32, #tpu.memory_space<vmem>>, vector<16xf32>,
          %swap3A_1551 = arith.index_cast %squeeze3A_1507 : i32 to index
          %swap3A_1552 = arith.constant 80 : index
          %swap3A_1553 = tpu.vector_load %arg13[%swap3A_1551, %swap3A_1552] {strides = array<i32>} : memref<256x128xf32, #tpu.memory_space<vmem>>, vector<16xf32>,
          tpu.vector_store %arg13[%swap3A_1551, %swap3A_1552], %get3A_1529 {add = true, strides = array<i32>} : memref<256x128xf32, #tpu.memory_space<vmem>>, vector<16xf32>,
          %swap3A_1554 = arith.index_cast %squeeze3A_1507 : i32 to index
          %swap3A_1555 = arith.constant 96 : index
          %swap3A_1556 = tpu.vector_load %arg13[%swap3A_1554, %swap3A_1555] {strides = array<i32>} : memref<256x128xf32, #tpu.memory_space<vmem>>, vector<16xf32>,
          tpu.vector_store %arg13[%swap3A_1554, %swap3A_1555], %get3A_1532 {add = true, strides = array<i32>} : memref<256x128xf32, #tpu.memory_space<vmem>>, vector<16xf32>,
          %swap3A_1557 = arith.index_cast %squeeze3A_1507 : i32 to index
          %swap3A_1558 = arith.constant 112 : index
          %swap3A_1559 = tpu.vector_load %arg13[%swap3A_1557, %swap3A_1558] {strides = array<i32>} : memref<256x128xf32, #tpu.memory_space<vmem>>, vector<16xf32>,
          tpu.vector_store %arg13[%swap3A_1557, %swap3A_1558], %get3A_1535 {add = true, strides = array<i32>} : memref<256x128xf32, #tpu.memory_space<vmem>>, vector<16xf32>,
        }
      }
      %scan3A_663 = arith.constant 4 : i32
      %lt3A_664 = arith.constant 1 : i32
      %lt3A_665 = arith.cmpi slt, %scan3A_644, %lt3A_664 : i32
      %convert_element_type3A = arith.extui %lt3A_665 : i1 to i32
      %cond3A = arith.constant 0 : i32
      %cond3A_666 = arith.cmpi ne, %convert_element_type3A, %cond3A : i32
      scf.if %cond3A_666 {
        %add3A_682 = arith.constant 2 : i32
        %add3A_683 = arith.addi %mul3A_646, %add3A_682 : i32
        %mul3A_684 = arith.constant 64 : i32
        %mul3A_685 = arith.muli %add3A_683, %mul3A_684 : i32
        %add3A_686 = arith.addi %mul3A_18, %mul3A_685 : i32
        %dma_start3A_687 = tpu.memref_slice %arg2[%add3A_686, %mul3A_34] : memref<16384x512xf32, #tpu.memory_space<hbm>> -> memref<64x128xf32, #tpu.memory_space<hbm>>
        %dma_start3A_688 = tpu.memref_slice %arg2[%add3A_686, %mul3A_34] : memref<16384x512xf32, #tpu.memory_space<hbm>> -> memref<64x128xf32, #tpu.memory_space<hbm>>
        tpu.enqueue_dma source(%dma_start3A_688 : memref<64x128xf32, #tpu.memory_space<hbm>>) target(%arg7 : memref<64x128xf32, #tpu.memory_space<vmem>>) target_semaphore(%arg14 : memref<!tpu.dma_semaphore, #tpu.memory_space<semaphore_mem>>)
      } else {
      }
      %add3A_667 = arith.constant 1 : i32
      %add3A_668 = arith.addi %mul3A_646, %add3A_667 : i32
      %mul3A_669 = arith.constant 64 : i32
      %mul3A_670 = arith.muli %add3A_668, %mul3A_669 : i32
      %add3A_671 = arith.addi %mul3A_18, %mul3A_670 : i32
      %dma_wait3A_672 = tpu.memref_slice %arg2[%add3A_671, %mul3A_34] : memref<16384x512xf32, #tpu.memory_space<hbm>> -> memref<64x128xf32, #tpu.memory_space<hbm>>
      %dma_wait3A_673 = tpu.memref_slice %arg2[%add3A_671, %mul3A_34] : memref<16384x512xf32, #tpu.memory_space<hbm>> -> memref<64x128xf32, #tpu.memory_space<hbm>>
      tpu.wait_dma2 semaphore(%arg15 : memref<!tpu.dma_semaphore, #tpu.memory_space<semaphore_mem>>) src(%dma_wait3A_673 : memref<64x128xf32, #tpu.memory_space<hbm>>) dst(%arg8 : memref<64x128xf32, #tpu.memory_space<vmem>>)
      %add3A_674 = arith.constant 1 : i32
      %add3A_675 = arith.addi %mul3A_646, %add3A_674 : i32
      %scan3A_676 = arith.constant 0 : i32
      %scan3A_677 = arith.constant 0 : i32
      %scan3A_678 = arith.constant 4 : i32
      %scan3A_679 = arith.addi %scan3A_677, %scan3A_678 : i32
      %scan3A_680 = arith.constant 1 : i32
      scf.for %scan3A_682 = %scan3A_677 to %scan3A_679 step %scan3A_680  : i32 {
        %mul3A_683 = arith.constant 64 : i32
        %mul3A_684 = arith.muli %add3A_675, %mul3A_683 : i32
        %mul3A_685 = arith.constant 16 : i32
        %mul3A_686 = arith.muli %scan3A_682, %mul3A_685 : i32
        %add3A_687 = arith.addi %mul3A_684, %mul3A_686 : i32
        %get3A_688 = arith.index_cast %add3A_687 : i32 to index
        %get3A_689 = tpu.vector_load %arg9[%get3A_688] {strides = array<i32>} : memref<256xi32, #tpu.memory_space<vmem>>, vector<16xi32>,
        %slice3A = vector.extract_strided_slice %get3A_689 {offsets = [0], sizes = [1], strides = [1]} : vector<16xi32> to vector<1xi32>
        %squeeze3A = vector.extract %slice3A[0] : i32 from vector<1xi32>
        %slice3A_690 = vector.extract_strided_slice %get3A_689 {offsets = [15], sizes = [1], strides = [1]} : vector<16xi32> to vector<1xi32>
        %squeeze3A_691 = vector.extract %slice3A_690[0] : i32 from vector<1xi32>
        %eq3A_692 = arith.cmpi eq, %squeeze3A, %squeeze3A_691 : i32
        %convert_element_type3A_693 = arith.extui %eq3A_692 : i1 to i32
        %cond3A_694 = arith.constant 0 : i32
        %cond3A_695 = arith.cmpi ne, %convert_element_type3A_693, %cond3A_694 : i32
        scf.if %cond3A_695 {
          %parallel_loop3A = arith.constant 0 : i32
          %parallel_loop3A_696 = arith.constant 8 : i32
          %parallel_loop3A_697 = arith.constant 1 : i32
          scf.for %parallel_loop3A_698 = %parallel_loop3A to %parallel_loop3A_696 step %parallel_loop3A_697  : i32 {
            %parallel_loop3A_699 = arith.constant 16 : i32
            %parallel_loop3A_700 = arith.muli %scan3A_682, %parallel_loop3A_699 : i32
            %parallel_loop3A_701 = arith.constant 0 : i32
            %parallel_loop3A_702 = arith.addi %parallel_loop3A_700, %parallel_loop3A_701 : i32
            %parallel_loop3A_703 = arith.constant 16 : i32
            %parallel_loop3A_704 = arith.muli %parallel_loop3A_698, %parallel_loop3A_703 : i32
            %parallel_loop3A_705 = arith.index_cast %parallel_loop3A_702 : i32 to index
            %parallel_loop3A_706 = arith.index_cast %parallel_loop3A_704 : i32 to index
            %parallel_loop3A_707 = tpu.vector_load %arg8[%parallel_loop3A_705, %parallel_loop3A_706] {strides = array<i32>} : memref<64x128xf32, #tpu.memory_space<vmem>>, vector<16xf32>,
            %parallel_loop3A_708 = arith.constant 16 : i32
            %parallel_loop3A_709 = arith.muli %scan3A_682, %parallel_loop3A_708 : i32
            %parallel_loop3A_710 = arith.constant 1 : i32
            %parallel_loop3A_711 = arith.addi %parallel_loop3A_709, %parallel_loop3A_710 : i32
            %parallel_loop3A_712 = arith.constant 16 : i32
            %parallel_loop3A_713 = arith.muli %parallel_loop3A_698, %parallel_loop3A_712 : i32
            %parallel_loop3A_714 = arith.index_cast %parallel_loop3A_711 : i32 to index
            %parallel_loop3A_715 = arith.index_cast %parallel_loop3A_713 : i32 to index
            %parallel_loop3A_716 = tpu.vector_load %arg8[%parallel_loop3A_714, %parallel_loop3A_715] {strides = array<i32>} : memref<64x128xf32, #tpu.memory_space<vmem>>, vector<16xf32>,
            %parallel_loop3A_717 = arith.constant 16 : i32
            %parallel_loop3A_718 = arith.muli %scan3A_682, %parallel_loop3A_717 : i32
            %parallel_loop3A_719 = arith.constant 2 : i32
            %parallel_loop3A_720 = arith.addi %parallel_loop3A_718, %parallel_loop3A_719 : i32
            %parallel_loop3A_721 = arith.constant 16 : i32
            %parallel_loop3A_722 = arith.muli %parallel_loop3A_698, %parallel_loop3A_721 : i32
            %parallel_loop3A_723 = arith.index_cast %parallel_loop3A_720 : i32 to index
            %parallel_loop3A_724 = arith.index_cast %parallel_loop3A_722 : i32 to index
            %parallel_loop3A_725 = tpu.vector_load %arg8[%parallel_loop3A_723, %parallel_loop3A_724] {strides = array<i32>} : memref<64x128xf32, #tpu.memory_space<vmem>>, vector<16xf32>,
            %parallel_loop3A_726 = arith.constant 16 : i32
            %parallel_loop3A_727 = arith.muli %scan3A_682, %parallel_loop3A_726 : i32
            %parallel_loop3A_728 = arith.constant 3 : i32
            %parallel_loop3A_729 = arith.addi %parallel_loop3A_727, %parallel_loop3A_728 : i32
            %parallel_loop3A_730 = arith.constant 16 : i32
            %parallel_loop3A_731 = arith.muli %parallel_loop3A_698, %parallel_loop3A_730 : i32
            %parallel_loop3A_732 = arith.index_cast %parallel_loop3A_729 : i32 to index
            %parallel_loop3A_733 = arith.index_cast %parallel_loop3A_731 : i32 to index
            %parallel_loop3A_734 = tpu.vector_load %arg8[%parallel_loop3A_732, %parallel_loop3A_733] {strides = array<i32>} : memref<64x128xf32, #tpu.memory_space<vmem>>, vector<16xf32>,
            %parallel_loop3A_735 = arith.constant 16 : i32
            %parallel_loop3A_736 = arith.muli %scan3A_682, %parallel_loop3A_735 : i32
            %parallel_loop3A_737 = arith.constant 4 : i32
            %parallel_loop3A_738 = arith.addi %parallel_loop3A_736, %parallel_loop3A_737 : i32
            %parallel_loop3A_739 = arith.constant 16 : i32
            %parallel_loop3A_740 = arith.muli %parallel_loop3A_698, %parallel_loop3A_739 : i32
            %parallel_loop3A_741 = arith.index_cast %parallel_loop3A_738 : i32 to index
            %parallel_loop3A_742 = arith.index_cast %parallel_loop3A_740 : i32 to index
            %parallel_loop3A_743 = tpu.vector_load %arg8[%parallel_loop3A_741, %parallel_loop3A_742] {strides = array<i32>} : memref<64x128xf32, #tpu.memory_space<vmem>>, vector<16xf32>,
            %parallel_loop3A_744 = arith.constant 16 : i32
            %parallel_loop3A_745 = arith.muli %scan3A_682, %parallel_loop3A_744 : i32
            %parallel_loop3A_746 = arith.constant 5 : i32
            %parallel_loop3A_747 = arith.addi %parallel_loop3A_745, %parallel_loop3A_746 : i32
            %parallel_loop3A_748 = arith.constant 16 : i32
            %parallel_loop3A_749 = arith.muli %parallel_loop3A_698, %parallel_loop3A_748 : i32
            %parallel_loop3A_750 = arith.index_cast %parallel_loop3A_747 : i32 to index
            %parallel_loop3A_751 = arith.index_cast %parallel_loop3A_749 : i32 to index
            %parallel_loop3A_752 = tpu.vector_load %arg8[%parallel_loop3A_750, %parallel_loop3A_751] {strides = array<i32>} : memref<64x128xf32, #tpu.memory_space<vmem>>, vector<16xf32>,
            %parallel_loop3A_753 = arith.constant 16 : i32
            %parallel_loop3A_754 = arith.muli %scan3A_682, %parallel_loop3A_753 : i32
            %parallel_loop3A_755 = arith.constant 6 : i32
            %parallel_loop3A_756 = arith.addi %parallel_loop3A_754, %parallel_loop3A_755 : i32
            %parallel_loop3A_757 = arith.constant 16 : i32
            %parallel_loop3A_758 = arith.muli %parallel_loop3A_698, %parallel_loop3A_757 : i32
            %parallel_loop3A_759 = arith.index_cast %parallel_loop3A_756 : i32 to index
            %parallel_loop3A_760 = arith.index_cast %parallel_loop3A_758 : i32 to index
            %parallel_loop3A_761 = tpu.vector_load %arg8[%parallel_loop3A_759, %parallel_loop3A_760] {strides = array<i32>} : memref<64x128xf32, #tpu.memory_space<vmem>>, vector<16xf32>,
            %parallel_loop3A_762 = arith.constant 16 : i32
            %parallel_loop3A_763 = arith.muli %scan3A_682, %parallel_loop3A_762 : i32
            %parallel_loop3A_764 = arith.constant 7 : i32
            %parallel_loop3A_765 = arith.addi %parallel_loop3A_763, %parallel_loop3A_764 : i32
            %parallel_loop3A_766 = arith.constant 16 : i32
            %parallel_loop3A_767 = arith.muli %parallel_loop3A_698, %parallel_loop3A_766 : i32
            %parallel_loop3A_768 = arith.index_cast %parallel_loop3A_765 : i32 to index
            %parallel_loop3A_769 = arith.index_cast %parallel_loop3A_767 : i32 to index
            %parallel_loop3A_770 = tpu.vector_load %arg8[%parallel_loop3A_768, %parallel_loop3A_769] {strides = array<i32>} : memref<64x128xf32, #tpu.memory_space<vmem>>, vector<16xf32>,
            %parallel_loop3A_771 = arith.constant 16 : i32
            %parallel_loop3A_772 = arith.muli %scan3A_682, %parallel_loop3A_771 : i32
            %parallel_loop3A_773 = arith.constant 8 : i32
            %parallel_loop3A_774 = arith.addi %parallel_loop3A_772, %parallel_loop3A_773 : i32
            %parallel_loop3A_775 = arith.constant 16 : i32
            %parallel_loop3A_776 = arith.muli %parallel_loop3A_698, %parallel_loop3A_775 : i32
            %parallel_loop3A_777 = arith.index_cast %parallel_loop3A_774 : i32 to index
            %parallel_loop3A_778 = arith.index_cast %parallel_loop3A_776 : i32 to index
            %parallel_loop3A_779 = tpu.vector_load %arg8[%parallel_loop3A_777, %parallel_loop3A_778] {strides = array<i32>} : memref<64x128xf32, #tpu.memory_space<vmem>>, vector<16xf32>,
            %parallel_loop3A_780 = arith.constant 16 : i32
            %parallel_loop3A_781 = arith.muli %scan3A_682, %parallel_loop3A_780 : i32
            %parallel_loop3A_782 = arith.constant 9 : i32
            %parallel_loop3A_783 = arith.addi %parallel_loop3A_781, %parallel_loop3A_782 : i32
            %parallel_loop3A_784 = arith.constant 16 : i32
            %parallel_loop3A_785 = arith.muli %parallel_loop3A_698, %parallel_loop3A_784 : i32
            %parallel_loop3A_786 = arith.index_cast %parallel_loop3A_783 : i32 to index
            %parallel_loop3A_787 = arith.index_cast %parallel_loop3A_785 : i32 to index
            %parallel_loop3A_788 = tpu.vector_load %arg8[%parallel_loop3A_786, %parallel_loop3A_787] {strides = array<i32>} : memref<64x128xf32, #tpu.memory_space<vmem>>, vector<16xf32>,
            %parallel_loop3A_789 = arith.constant 16 : i32
            %parallel_loop3A_790 = arith.muli %scan3A_682, %parallel_loop3A_789 : i32
            %parallel_loop3A_791 = arith.constant 10 : i32
            %parallel_loop3A_792 = arith.addi %parallel_loop3A_790, %parallel_loop3A_791 : i32
            %parallel_loop3A_793 = arith.constant 16 : i32
            %parallel_loop3A_794 = arith.muli %parallel_loop3A_698, %parallel_loop3A_793 : i32
            %parallel_loop3A_795 = arith.index_cast %parallel_loop3A_792 : i32 to index
            %parallel_loop3A_796 = arith.index_cast %parallel_loop3A_794 : i32 to index
            %parallel_loop3A_797 = tpu.vector_load %arg8[%parallel_loop3A_795, %parallel_loop3A_796] {strides = array<i32>} : memref<64x128xf32, #tpu.memory_space<vmem>>, vector<16xf32>,
            %parallel_loop3A_798 = arith.constant 16 : i32
            %parallel_loop3A_799 = arith.muli %scan3A_682, %parallel_loop3A_798 : i32
            %parallel_loop3A_800 = arith.constant 11 : i32
            %parallel_loop3A_801 = arith.addi %parallel_loop3A_799, %parallel_loop3A_800 : i32
            %parallel_loop3A_802 = arith.constant 16 : i32
            %parallel_loop3A_803 = arith.muli %parallel_loop3A_698, %parallel_loop3A_802 : i32
            %parallel_loop3A_804 = arith.index_cast %parallel_loop3A_801 : i32 to index
            %parallel_loop3A_805 = arith.index_cast %parallel_loop3A_803 : i32 to index
            %parallel_loop3A_806 = tpu.vector_load %arg8[%parallel_loop3A_804, %parallel_loop3A_805] {strides = array<i32>} : memref<64x128xf32, #tpu.memory_space<vmem>>, vector<16xf32>,
            %parallel_loop3A_807 = arith.constant 16 : i32
            %parallel_loop3A_808 = arith.muli %scan3A_682, %parallel_loop3A_807 : i32
            %parallel_loop3A_809 = arith.constant 12 : i32
            %parallel_loop3A_810 = arith.addi %parallel_loop3A_808, %parallel_loop3A_809 : i32
            %parallel_loop3A_811 = arith.constant 16 : i32
            %parallel_loop3A_812 = arith.muli %parallel_loop3A_698, %parallel_loop3A_811 : i32
            %parallel_loop3A_813 = arith.index_cast %parallel_loop3A_810 : i32 to index
            %parallel_loop3A_814 = arith.index_cast %parallel_loop3A_812 : i32 to index
            %parallel_loop3A_815 = tpu.vector_load %arg8[%parallel_loop3A_813, %parallel_loop3A_814] {strides = array<i32>} : memref<64x128xf32, #tpu.memory_space<vmem>>, vector<16xf32>,
            %parallel_loop3A_816 = arith.constant 16 : i32
            %parallel_loop3A_817 = arith.muli %scan3A_682, %parallel_loop3A_816 : i32
            %parallel_loop3A_818 = arith.constant 13 : i32
            %parallel_loop3A_819 = arith.addi %parallel_loop3A_817, %parallel_loop3A_818 : i32
            %parallel_loop3A_820 = arith.constant 16 : i32
            %parallel_loop3A_821 = arith.muli %parallel_loop3A_698, %parallel_loop3A_820 : i32
            %parallel_loop3A_822 = arith.index_cast %parallel_loop3A_819 : i32 to index
            %parallel_loop3A_823 = arith.index_cast %parallel_loop3A_821 : i32 to index
            %parallel_loop3A_824 = tpu.vector_load %arg8[%parallel_loop3A_822, %parallel_loop3A_823] {strides = array<i32>} : memref<64x128xf32, #tpu.memory_space<vmem>>, vector<16xf32>,
            %parallel_loop3A_825 = arith.constant 16 : i32
            %parallel_loop3A_826 = arith.muli %scan3A_682, %parallel_loop3A_825 : i32
            %parallel_loop3A_827 = arith.constant 14 : i32
            %parallel_loop3A_828 = arith.addi %parallel_loop3A_826, %parallel_loop3A_827 : i32
            %parallel_loop3A_829 = arith.constant 16 : i32
            %parallel_loop3A_830 = arith.muli %parallel_loop3A_698, %parallel_loop3A_829 : i32
            %parallel_loop3A_831 = arith.index_cast %parallel_loop3A_828 : i32 to index
            %parallel_loop3A_832 = arith.index_cast %parallel_loop3A_830 : i32 to index
            %parallel_loop3A_833 = tpu.vector_load %arg8[%parallel_loop3A_831, %parallel_loop3A_832] {strides = array<i32>} : memref<64x128xf32, #tpu.memory_space<vmem>>, vector<16xf32>,
            %parallel_loop3A_834 = arith.constant 16 : i32
            %parallel_loop3A_835 = arith.muli %scan3A_682, %parallel_loop3A_834 : i32
            %parallel_loop3A_836 = arith.constant 15 : i32
            %parallel_loop3A_837 = arith.addi %parallel_loop3A_835, %parallel_loop3A_836 : i32
            %parallel_loop3A_838 = arith.constant 16 : i32
            %parallel_loop3A_839 = arith.muli %parallel_loop3A_698, %parallel_loop3A_838 : i32
            %parallel_loop3A_840 = arith.index_cast %parallel_loop3A_837 : i32 to index
            %parallel_loop3A_841 = arith.index_cast %parallel_loop3A_839 : i32 to index
            %parallel_loop3A_842 = tpu.vector_load %arg8[%parallel_loop3A_840, %parallel_loop3A_841] {strides = array<i32>} : memref<64x128xf32, #tpu.memory_space<vmem>>, vector<16xf32>,
            %parallel_loop3A_843 = arith.addf %parallel_loop3A_707, %parallel_loop3A_716 : vector<16xf32>
            %parallel_loop3A_844 = arith.addf %parallel_loop3A_725, %parallel_loop3A_734 : vector<16xf32>
            %parallel_loop3A_845 = arith.addf %parallel_loop3A_743, %parallel_loop3A_752 : vector<16xf32>
            %parallel_loop3A_846 = arith.addf %parallel_loop3A_761, %parallel_loop3A_770 : vector<16xf32>
            %parallel_loop3A_847 = arith.addf %parallel_loop3A_779, %parallel_loop3A_788 : vector<16xf32>
            %parallel_loop3A_848 = arith.addf %parallel_loop3A_797, %parallel_loop3A_806 : vector<16xf32>
            %parallel_loop3A_849 = arith.addf %parallel_loop3A_815, %parallel_loop3A_824 : vector<16xf32>
            %parallel_loop3A_850 = arith.addf %parallel_loop3A_833, %parallel_loop3A_842 : vector<16xf32>
            %parallel_loop3A_851 = arith.addf %parallel_loop3A_843, %parallel_loop3A_844 : vector<16xf32>
            %parallel_loop3A_852 = arith.addf %parallel_loop3A_845, %parallel_loop3A_846 : vector<16xf32>
            %parallel_loop3A_853 = arith.addf %parallel_loop3A_847, %parallel_loop3A_848 : vector<16xf32>
            %parallel_loop3A_854 = arith.addf %parallel_loop3A_849, %parallel_loop3A_850 : vector<16xf32>
            %parallel_loop3A_855 = arith.addf %parallel_loop3A_851, %parallel_loop3A_852 : vector<16xf32>
            %parallel_loop3A_856 = arith.addf %parallel_loop3A_853, %parallel_loop3A_854 : vector<16xf32>
            %parallel_loop3A_857 = arith.addf %parallel_loop3A_855, %parallel_loop3A_856 : vector<16xf32>
            %parallel_loop3A_858 = arith.constant 16 : i32
            %parallel_loop3A_859 = arith.muli %parallel_loop3A_698, %parallel_loop3A_858 : i32
            %parallel_loop3A_860 = arith.index_cast %squeeze3A : i32 to index
            %parallel_loop3A_861 = arith.index_cast %parallel_loop3A_859 : i32 to index
            %parallel_loop3A_862 = tpu.vector_load %arg13[%parallel_loop3A_860, %parallel_loop3A_861] {strides = array<i32>} : memref<256x128xf32, #tpu.memory_space<vmem>>, vector<16xf32>,
            tpu.vector_store %arg13[%parallel_loop3A_860, %parallel_loop3A_861], %parallel_loop3A_857 {add = true, strides = array<i32>} : memref<256x128xf32, #tpu.memory_space<vmem>>, vector<16xf32>,
          } {sc.loop_unroll_factor = 2 : i64, sc.parallel_access}
        } else {
          %slice3A_696 = vector.extract_strided_slice %get3A_689 {offsets = [0], sizes = [1], strides = [1]} : vector<16xi32> to vector<1xi32>
          %squeeze3A_697 = vector.extract %slice3A_696[0] : i32 from vector<1xi32>
          %mul3A_698 = arith.constant 16 : i32
          %mul3A_699 = arith.muli %scan3A_682, %mul3A_698 : i32
          %add3A_700 = arith.constant 0 : i32
          %add3A_701 = arith.addi %mul3A_699, %add3A_700 : i32
          %get3A_702 = arith.index_cast %add3A_701 : i32 to index
          %get3A_703 = arith.constant 0 : index
          %get3A_704 = tpu.vector_load %arg8[%get3A_702, %get3A_703] {strides = array<i32>} : memref<64x128xf32, #tpu.memory_space<vmem>>, vector<16xf32>,
          %get3A_705 = arith.index_cast %add3A_701 : i32 to index
          %get3A_706 = arith.constant 16 : index
          %get3A_707 = tpu.vector_load %arg8[%get3A_705, %get3A_706] {strides = array<i32>} : memref<64x128xf32, #tpu.memory_space<vmem>>, vector<16xf32>,
          %get3A_708 = arith.index_cast %add3A_701 : i32 to index
          %get3A_709 = arith.constant 32 : index
          %get3A_710 = tpu.vector_load %arg8[%get3A_708, %get3A_709] {strides = array<i32>} : memref<64x128xf32, #tpu.memory_space<vmem>>, vector<16xf32>,
          %get3A_711 = arith.index_cast %add3A_701 : i32 to index
          %get3A_712 = arith.constant 48 : index
          %get3A_713 = tpu.vector_load %arg8[%get3A_711, %get3A_712] {strides = array<i32>} : memref<64x128xf32, #tpu.memory_space<vmem>>, vector<16xf32>,
          %get3A_714 = arith.index_cast %add3A_701 : i32 to index
          %get3A_715 = arith.constant 64 : index
          %get3A_716 = tpu.vector_load %arg8[%get3A_714, %get3A_715] {strides = array<i32>} : memref<64x128xf32, #tpu.memory_space<vmem>>, vector<16xf32>,
          %get3A_717 = arith.index_cast %add3A_701 : i32 to index
          %get3A_718 = arith.constant 80 : index
          %get3A_719 = tpu.vector_load %arg8[%get3A_717, %get3A_718] {strides = array<i32>} : memref<64x128xf32, #tpu.memory_space<vmem>>, vector<16xf32>,
          %get3A_720 = arith.index_cast %add3A_701 : i32 to index
          %get3A_721 = arith.constant 96 : index
          %get3A_722 = tpu.vector_load %arg8[%get3A_720, %get3A_721] {strides = array<i32>} : memref<64x128xf32, #tpu.memory_space<vmem>>, vector<16xf32>,
          %get3A_723 = arith.index_cast %add3A_701 : i32 to index
          %get3A_724 = arith.constant 112 : index
          %get3A_725 = tpu.vector_load %arg8[%get3A_723, %get3A_724] {strides = array<i32>} : memref<64x128xf32, #tpu.memory_space<vmem>>, vector<16xf32>,
          %swap3A_726 = arith.index_cast %squeeze3A_697 : i32 to index
          %swap3A_727 = arith.constant 0 : index
          %swap3A_728 = tpu.vector_load %arg13[%swap3A_726, %swap3A_727] {strides = array<i32>} : memref<256x128xf32, #tpu.memory_space<vmem>>, vector<16xf32>,
          tpu.vector_store %arg13[%swap3A_726, %swap3A_727], %get3A_704 {add = true, strides = array<i32>} : memref<256x128xf32, #tpu.memory_space<vmem>>, vector<16xf32>,
          %swap3A_729 = arith.index_cast %squeeze3A_697 : i32 to index
          %swap3A_730 = arith.constant 16 : index
          %swap3A_731 = tpu.vector_load %arg13[%swap3A_729, %swap3A_730] {strides = array<i32>} : memref<256x128xf32, #tpu.memory_space<vmem>>, vector<16xf32>,
          tpu.vector_store %arg13[%swap3A_729, %swap3A_730], %get3A_707 {add = true, strides = array<i32>} : memref<256x128xf32, #tpu.memory_space<vmem>>, vector<16xf32>,
          %swap3A_732 = arith.index_cast %squeeze3A_697 : i32 to index
          %swap3A_733 = arith.constant 32 : index
          %swap3A_734 = tpu.vector_load %arg13[%swap3A_732, %swap3A_733] {strides = array<i32>} : memref<256x128xf32, #tpu.memory_space<vmem>>, vector<16xf32>,
          tpu.vector_store %arg13[%swap3A_732, %swap3A_733], %get3A_710 {add = true, strides = array<i32>} : memref<256x128xf32, #tpu.memory_space<vmem>>, vector<16xf32>,
          %swap3A_735 = arith.index_cast %squeeze3A_697 : i32 to index
          %swap3A_736 = arith.constant 48 : index
          %swap3A_737 = tpu.vector_load %arg13[%swap3A_735, %swap3A_736] {strides = array<i32>} : memref<256x128xf32, #tpu.memory_space<vmem>>, vector<16xf32>,
          tpu.vector_store %arg13[%swap3A_735, %swap3A_736], %get3A_713 {add = true, strides = array<i32>} : memref<256x128xf32, #tpu.memory_space<vmem>>, vector<16xf32>,
          %swap3A_738 = arith.index_cast %squeeze3A_697 : i32 to index
          %swap3A_739 = arith.constant 64 : index
          %swap3A_740 = tpu.vector_load %arg13[%swap3A_738, %swap3A_739] {strides = array<i32>} : memref<256x128xf32, #tpu.memory_space<vmem>>, vector<16xf32>,
          tpu.vector_store %arg13[%swap3A_738, %swap3A_739], %get3A_716 {add = true, strides = array<i32>} : memref<256x128xf32, #tpu.memory_space<vmem>>, vector<16xf32>,
          %swap3A_741 = arith.index_cast %squeeze3A_697 : i32 to index
          %swap3A_742 = arith.constant 80 : index
          %swap3A_743 = tpu.vector_load %arg13[%swap3A_741, %swap3A_742] {strides = array<i32>} : memref<256x128xf32, #tpu.memory_space<vmem>>, vector<16xf32>,
          tpu.vector_store %arg13[%swap3A_741, %swap3A_742], %get3A_719 {add = true, strides = array<i32>} : memref<256x128xf32, #tpu.memory_space<vmem>>, vector<16xf32>,
          %swap3A_744 = arith.index_cast %squeeze3A_697 : i32 to index
          %swap3A_745 = arith.constant 96 : index
          %swap3A_746 = tpu.vector_load %arg13[%swap3A_744, %swap3A_745] {strides = array<i32>} : memref<256x128xf32, #tpu.memory_space<vmem>>, vector<16xf32>,
          tpu.vector_store %arg13[%swap3A_744, %swap3A_745], %get3A_722 {add = true, strides = array<i32>} : memref<256x128xf32, #tpu.memory_space<vmem>>, vector<16xf32>,
          %swap3A_747 = arith.index_cast %squeeze3A_697 : i32 to index
          %swap3A_748 = arith.constant 112 : index
          %swap3A_749 = tpu.vector_load %arg13[%swap3A_747, %swap3A_748] {strides = array<i32>} : memref<256x128xf32, #tpu.memory_space<vmem>>, vector<16xf32>,
          tpu.vector_store %arg13[%swap3A_747, %swap3A_748], %get3A_725 {add = true, strides = array<i32>} : memref<256x128xf32, #tpu.memory_space<vmem>>, vector<16xf32>,
          %slice3A_750 = vector.extract_strided_slice %get3A_689 {offsets = [1], sizes = [1], strides = [1]} : vector<16xi32> to vector<1xi32>
          %squeeze3A_751 = vector.extract %slice3A_750[0] : i32 from vector<1xi32>
          %mul3A_752 = arith.constant 16 : i32
          %mul3A_753 = arith.muli %scan3A_682, %mul3A_752 : i32
          %add3A_754 = arith.constant 1 : i32
          %add3A_755 = arith.addi %mul3A_753, %add3A_754 : i32
          %get3A_756 = arith.index_cast %add3A_755 : i32 to index
          %get3A_757 = arith.constant 0 : index
          %get3A_758 = tpu.vector_load %arg8[%get3A_756, %get3A_757] {strides = array<i32>} : memref<64x128xf32, #tpu.memory_space<vmem>>, vector<16xf32>,
          %get3A_759 = arith.index_cast %add3A_755 : i32 to index
          %get3A_760 = arith.constant 16 : index
          %get3A_761 = tpu.vector_load %arg8[%get3A_759, %get3A_760] {strides = array<i32>} : memref<64x128xf32, #tpu.memory_space<vmem>>, vector<16xf32>,
          %get3A_762 = arith.index_cast %add3A_755 : i32 to index
          %get3A_763 = arith.constant 32 : index
          %get3A_764 = tpu.vector_load %arg8[%get3A_762, %get3A_763] {strides = array<i32>} : memref<64x128xf32, #tpu.memory_space<vmem>>, vector<16xf32>,
          %get3A_765 = arith.index_cast %add3A_755 : i32 to index
          %get3A_766 = arith.constant 48 : index
          %get3A_767 = tpu.vector_load %arg8[%get3A_765, %get3A_766] {strides = array<i32>} : memref<64x128xf32, #tpu.memory_space<vmem>>, vector<16xf32>,
          %get3A_768 = arith.index_cast %add3A_755 : i32 to index
          %get3A_769 = arith.constant 64 : index
          %get3A_770 = tpu.vector_load %arg8[%get3A_768, %get3A_769] {strides = array<i32>} : memref<64x128xf32, #tpu.memory_space<vmem>>, vector<16xf32>,
          %get3A_771 = arith.index_cast %add3A_755 : i32 to index
          %get3A_772 = arith.constant 80 : index
          %get3A_773 = tpu.vector_load %arg8[%get3A_771, %get3A_772] {strides = array<i32>} : memref<64x128xf32, #tpu.memory_space<vmem>>, vector<16xf32>,
          %get3A_774 = arith.index_cast %add3A_755 : i32 to index
          %get3A_775 = arith.constant 96 : index
          %get3A_776 = tpu.vector_load %arg8[%get3A_774, %get3A_775] {strides = array<i32>} : memref<64x128xf32, #tpu.memory_space<vmem>>, vector<16xf32>,
          %get3A_777 = arith.index_cast %add3A_755 : i32 to index
          %get3A_778 = arith.constant 112 : index
          %get3A_779 = tpu.vector_load %arg8[%get3A_777, %get3A_778] {strides = array<i32>} : memref<64x128xf32, #tpu.memory_space<vmem>>, vector<16xf32>,
          %swap3A_780 = arith.index_cast %squeeze3A_751 : i32 to index
          %swap3A_781 = arith.constant 0 : index
          %swap3A_782 = tpu.vector_load %arg13[%swap3A_780, %swap3A_781] {strides = array<i32>} : memref<256x128xf32, #tpu.memory_space<vmem>>, vector<16xf32>,
          tpu.vector_store %arg13[%swap3A_780, %swap3A_781], %get3A_758 {add = true, strides = array<i32>} : memref<256x128xf32, #tpu.memory_space<vmem>>, vector<16xf32>,
          %swap3A_783 = arith.index_cast %squeeze3A_751 : i32 to index
          %swap3A_784 = arith.constant 16 : index
          %swap3A_785 = tpu.vector_load %arg13[%swap3A_783, %swap3A_784] {strides = array<i32>} : memref<256x128xf32, #tpu.memory_space<vmem>>, vector<16xf32>,
          tpu.vector_store %arg13[%swap3A_783, %swap3A_784], %get3A_761 {add = true, strides = array<i32>} : memref<256x128xf32, #tpu.memory_space<vmem>>, vector<16xf32>,
          %swap3A_786 = arith.index_cast %squeeze3A_751 : i32 to index
          %swap3A_787 = arith.constant 32 : index
          %swap3A_788 = tpu.vector_load %arg13[%swap3A_786, %swap3A_787] {strides = array<i32>} : memref<256x128xf32, #tpu.memory_space<vmem>>, vector<16xf32>,
          tpu.vector_store %arg13[%swap3A_786, %swap3A_787], %get3A_764 {add = true, strides = array<i32>} : memref<256x128xf32, #tpu.memory_space<vmem>>, vector<16xf32>,
          %swap3A_789 = arith.index_cast %squeeze3A_751 : i32 to index
          %swap3A_790 = arith.constant 48 : index
          %swap3A_791 = tpu.vector_load %arg13[%swap3A_789, %swap3A_790] {strides = array<i32>} : memref<256x128xf32, #tpu.memory_space<vmem>>, vector<16xf32>,
          tpu.vector_store %arg13[%swap3A_789, %swap3A_790], %get3A_767 {add = true, strides = array<i32>} : memref<256x128xf32, #tpu.memory_space<vmem>>, vector<16xf32>,
          %swap3A_792 = arith.index_cast %squeeze3A_751 : i32 to index
          %swap3A_793 = arith.constant 64 : index
          %swap3A_794 = tpu.vector_load %arg13[%swap3A_792, %swap3A_793] {strides = array<i32>} : memref<256x128xf32, #tpu.memory_space<vmem>>, vector<16xf32>,
          tpu.vector_store %arg13[%swap3A_792, %swap3A_793], %get3A_770 {add = true, strides = array<i32>} : memref<256x128xf32, #tpu.memory_space<vmem>>, vector<16xf32>,
          %swap3A_795 = arith.index_cast %squeeze3A_751 : i32 to index
          %swap3A_796 = arith.constant 80 : index
          %swap3A_797 = tpu.vector_load %arg13[%swap3A_795, %swap3A_796] {strides = array<i32>} : memref<256x128xf32, #tpu.memory_space<vmem>>, vector<16xf32>,
          tpu.vector_store %arg13[%swap3A_795, %swap3A_796], %get3A_773 {add = true, strides = array<i32>} : memref<256x128xf32, #tpu.memory_space<vmem>>, vector<16xf32>,
          %swap3A_798 = arith.index_cast %squeeze3A_751 : i32 to index
          %swap3A_799 = arith.constant 96 : index
          %swap3A_800 = tpu.vector_load %arg13[%swap3A_798, %swap3A_799] {strides = array<i32>} : memref<256x128xf32, #tpu.memory_space<vmem>>, vector<16xf32>,
          tpu.vector_store %arg13[%swap3A_798, %swap3A_799], %get3A_776 {add = true, strides = array<i32>} : memref<256x128xf32, #tpu.memory_space<vmem>>, vector<16xf32>,
          %swap3A_801 = arith.index_cast %squeeze3A_751 : i32 to index
          %swap3A_802 = arith.constant 112 : index
          %swap3A_803 = tpu.vector_load %arg13[%swap3A_801, %swap3A_802] {strides = array<i32>} : memref<256x128xf32, #tpu.memory_space<vmem>>, vector<16xf32>,
          tpu.vector_store %arg13[%swap3A_801, %swap3A_802], %get3A_779 {add = true, strides = array<i32>} : memref<256x128xf32, #tpu.memory_space<vmem>>, vector<16xf32>,
          %slice3A_804 = vector.extract_strided_slice %get3A_689 {offsets = [2], sizes = [1], strides = [1]} : vector<16xi32> to vector<1xi32>
          %squeeze3A_805 = vector.extract %slice3A_804[0] : i32 from vector<1xi32>
          %mul3A_806 = arith.constant 16 : i32
          %mul3A_807 = arith.muli %scan3A_682, %mul3A_806 : i32
          %add3A_808 = arith.constant 2 : i32
          %add3A_809 = arith.addi %mul3A_807, %add3A_808 : i32
          %get3A_810 = arith.index_cast %add3A_809 : i32 to index
          %get3A_811 = arith.constant 0 : index
          %get3A_812 = tpu.vector_load %arg8[%get3A_810, %get3A_811] {strides = array<i32>} : memref<64x128xf32, #tpu.memory_space<vmem>>, vector<16xf32>,
          %get3A_813 = arith.index_cast %add3A_809 : i32 to index
          %get3A_814 = arith.constant 16 : index
          %get3A_815 = tpu.vector_load %arg8[%get3A_813, %get3A_814] {strides = array<i32>} : memref<64x128xf32, #tpu.memory_space<vmem>>, vector<16xf32>,
          %get3A_816 = arith.index_cast %add3A_809 : i32 to index
          %get3A_817 = arith.constant 32 : index
          %get3A_818 = tpu.vector_load %arg8[%get3A_816, %get3A_817] {strides = array<i32>} : memref<64x128xf32, #tpu.memory_space<vmem>>, vector<16xf32>,
          %get3A_819 = arith.index_cast %add3A_809 : i32 to index
          %get3A_820 = arith.constant 48 : index
          %get3A_821 = tpu.vector_load %arg8[%get3A_819, %get3A_820] {strides = array<i32>} : memref<64x128xf32, #tpu.memory_space<vmem>>, vector<16xf32>,
          %get3A_822 = arith.index_cast %add3A_809 : i32 to index
          %get3A_823 = arith.constant 64 : index
          %get3A_824 = tpu.vector_load %arg8[%get3A_822, %get3A_823] {strides = array<i32>} : memref<64x128xf32, #tpu.memory_space<vmem>>, vector<16xf32>,
          %get3A_825 = arith.index_cast %add3A_809 : i32 to index
          %get3A_826 = arith.constant 80 : index
          %get3A_827 = tpu.vector_load %arg8[%get3A_825, %get3A_826] {strides = array<i32>} : memref<64x128xf32, #tpu.memory_space<vmem>>, vector<16xf32>,
          %get3A_828 = arith.index_cast %add3A_809 : i32 to index
          %get3A_829 = arith.constant 96 : index
          %get3A_830 = tpu.vector_load %arg8[%get3A_828, %get3A_829] {strides = array<i32>} : memref<64x128xf32, #tpu.memory_space<vmem>>, vector<16xf32>,
          %get3A_831 = arith.index_cast %add3A_809 : i32 to index
          %get3A_832 = arith.constant 112 : index
          %get3A_833 = tpu.vector_load %arg8[%get3A_831, %get3A_832] {strides = array<i32>} : memref<64x128xf32, #tpu.memory_space<vmem>>, vector<16xf32>,
          %swap3A_834 = arith.index_cast %squeeze3A_805 : i32 to index
          %swap3A_835 = arith.constant 0 : index
          %swap3A_836 = tpu.vector_load %arg13[%swap3A_834, %swap3A_835] {strides = array<i32>} : memref<256x128xf32, #tpu.memory_space<vmem>>, vector<16xf32>,
          tpu.vector_store %arg13[%swap3A_834, %swap3A_835], %get3A_812 {add = true, strides = array<i32>} : memref<256x128xf32, #tpu.memory_space<vmem>>, vector<16xf32>,
          %swap3A_837 = arith.index_cast %squeeze3A_805 : i32 to index
          %swap3A_838 = arith.constant 16 : index
          %swap3A_839 = tpu.vector_load %arg13[%swap3A_837, %swap3A_838] {strides = array<i32>} : memref<256x128xf32, #tpu.memory_space<vmem>>, vector<16xf32>,
          tpu.vector_store %arg13[%swap3A_837, %swap3A_838], %get3A_815 {add = true, strides = array<i32>} : memref<256x128xf32, #tpu.memory_space<vmem>>, vector<16xf32>,
          %swap3A_840 = arith.index_cast %squeeze3A_805 : i32 to index
          %swap3A_841 = arith.constant 32 : index
          %swap3A_842 = tpu.vector_load %arg13[%swap3A_840, %swap3A_841] {strides = array<i32>} : memref<256x128xf32, #tpu.memory_space<vmem>>, vector<16xf32>,
          tpu.vector_store %arg13[%swap3A_840, %swap3A_841], %get3A_818 {add = true, strides = array<i32>} : memref<256x128xf32, #tpu.memory_space<vmem>>, vector<16xf32>,
          %swap3A_843 = arith.index_cast %squeeze3A_805 : i32 to index
          %swap3A_844 = arith.constant 48 : index
          %swap3A_845 = tpu.vector_load %arg13[%swap3A_843, %swap3A_844] {strides = array<i32>} : memref<256x128xf32, #tpu.memory_space<vmem>>, vector<16xf32>,
          tpu.vector_store %arg13[%swap3A_843, %swap3A_844], %get3A_821 {add = true, strides = array<i32>} : memref<256x128xf32, #tpu.memory_space<vmem>>, vector<16xf32>,
          %swap3A_846 = arith.index_cast %squeeze3A_805 : i32 to index
          %swap3A_847 = arith.constant 64 : index
          %swap3A_848 = tpu.vector_load %arg13[%swap3A_846, %swap3A_847] {strides = array<i32>} : memref<256x128xf32, #tpu.memory_space<vmem>>, vector<16xf32>,
          tpu.vector_store %arg13[%swap3A_846, %swap3A_847], %get3A_824 {add = true, strides = array<i32>} : memref<256x128xf32, #tpu.memory_space<vmem>>, vector<16xf32>,
          %swap3A_849 = arith.index_cast %squeeze3A_805 : i32 to index
          %swap3A_850 = arith.constant 80 : index
          %swap3A_851 = tpu.vector_load %arg13[%swap3A_849, %swap3A_850] {strides = array<i32>} : memref<256x128xf32, #tpu.memory_space<vmem>>, vector<16xf32>,
          tpu.vector_store %arg13[%swap3A_849, %swap3A_850], %get3A_827 {add = true, strides = array<i32>} : memref<256x128xf32, #tpu.memory_space<vmem>>, vector<16xf32>,
          %swap3A_852 = arith.index_cast %squeeze3A_805 : i32 to index
          %swap3A_853 = arith.constant 96 : index
          %swap3A_854 = tpu.vector_load %arg13[%swap3A_852, %swap3A_853] {strides = array<i32>} : memref<256x128xf32, #tpu.memory_space<vmem>>, vector<16xf32>,
          tpu.vector_store %arg13[%swap3A_852, %swap3A_853], %get3A_830 {add = true, strides = array<i32>} : memref<256x128xf32, #tpu.memory_space<vmem>>, vector<16xf32>,
          %swap3A_855 = arith.index_cast %squeeze3A_805 : i32 to index
          %swap3A_856 = arith.constant 112 : index
          %swap3A_857 = tpu.vector_load %arg13[%swap3A_855, %swap3A_856] {strides = array<i32>} : memref<256x128xf32, #tpu.memory_space<vmem>>, vector<16xf32>,
          tpu.vector_store %arg13[%swap3A_855, %swap3A_856], %get3A_833 {add = true, strides = array<i32>} : memref<256x128xf32, #tpu.memory_space<vmem>>, vector<16xf32>,
          %slice3A_858 = vector.extract_strided_slice %get3A_689 {offsets = [3], sizes = [1], strides = [1]} : vector<16xi32> to vector<1xi32>
          %squeeze3A_859 = vector.extract %slice3A_858[0] : i32 from vector<1xi32>
          %mul3A_860 = arith.constant 16 : i32
          %mul3A_861 = arith.muli %scan3A_682, %mul3A_860 : i32
          %add3A_862 = arith.constant 3 : i32
          %add3A_863 = arith.addi %mul3A_861, %add3A_862 : i32
          %get3A_864 = arith.index_cast %add3A_863 : i32 to index
          %get3A_865 = arith.constant 0 : index
          %get3A_866 = tpu.vector_load %arg8[%get3A_864, %get3A_865] {strides = array<i32>} : memref<64x128xf32, #tpu.memory_space<vmem>>, vector<16xf32>,
          %get3A_867 = arith.index_cast %add3A_863 : i32 to index
          %get3A_868 = arith.constant 16 : index
          %get3A_869 = tpu.vector_load %arg8[%get3A_867, %get3A_868] {strides = array<i32>} : memref<64x128xf32, #tpu.memory_space<vmem>>, vector<16xf32>,
          %get3A_870 = arith.index_cast %add3A_863 : i32 to index
          %get3A_871 = arith.constant 32 : index
          %get3A_872 = tpu.vector_load %arg8[%get3A_870, %get3A_871] {strides = array<i32>} : memref<64x128xf32, #tpu.memory_space<vmem>>, vector<16xf32>,
          %get3A_873 = arith.index_cast %add3A_863 : i32 to index
          %get3A_874 = arith.constant 48 : index
          %get3A_875 = tpu.vector_load %arg8[%get3A_873, %get3A_874] {strides = array<i32>} : memref<64x128xf32, #tpu.memory_space<vmem>>, vector<16xf32>,
          %get3A_876 = arith.index_cast %add3A_863 : i32 to index
          %get3A_877 = arith.constant 64 : index
          %get3A_878 = tpu.vector_load %arg8[%get3A_876, %get3A_877] {strides = array<i32>} : memref<64x128xf32, #tpu.memory_space<vmem>>, vector<16xf32>,
          %get3A_879 = arith.index_cast %add3A_863 : i32 to index
          %get3A_880 = arith.constant 80 : index
          %get3A_881 = tpu.vector_load %arg8[%get3A_879, %get3A_880] {strides = array<i32>} : memref<64x128xf32, #tpu.memory_space<vmem>>, vector<16xf32>,
          %get3A_882 = arith.index_cast %add3A_863 : i32 to index
          %get3A_883 = arith.constant 96 : index
          %get3A_884 = tpu.vector_load %arg8[%get3A_882, %get3A_883] {strides = array<i32>} : memref<64x128xf32, #tpu.memory_space<vmem>>, vector<16xf32>,
          %get3A_885 = arith.index_cast %add3A_863 : i32 to index
          %get3A_886 = arith.constant 112 : index
          %get3A_887 = tpu.vector_load %arg8[%get3A_885, %get3A_886] {strides = array<i32>} : memref<64x128xf32, #tpu.memory_space<vmem>>, vector<16xf32>,
          %swap3A_888 = arith.index_cast %squeeze3A_859 : i32 to index
          %swap3A_889 = arith.constant 0 : index
          %swap3A_890 = tpu.vector_load %arg13[%swap3A_888, %swap3A_889] {strides = array<i32>} : memref<256x128xf32, #tpu.memory_space<vmem>>, vector<16xf32>,
          tpu.vector_store %arg13[%swap3A_888, %swap3A_889], %get3A_866 {add = true, strides = array<i32>} : memref<256x128xf32, #tpu.memory_space<vmem>>, vector<16xf32>,
          %swap3A_891 = arith.index_cast %squeeze3A_859 : i32 to index
          %swap3A_892 = arith.constant 16 : index
          %swap3A_893 = tpu.vector_load %arg13[%swap3A_891, %swap3A_892] {strides = array<i32>} : memref<256x128xf32, #tpu.memory_space<vmem>>, vector<16xf32>,
          tpu.vector_store %arg13[%swap3A_891, %swap3A_892], %get3A_869 {add = true, strides = array<i32>} : memref<256x128xf32, #tpu.memory_space<vmem>>, vector<16xf32>,
          %swap3A_894 = arith.index_cast %squeeze3A_859 : i32 to index
          %swap3A_895 = arith.constant 32 : index
          %swap3A_896 = tpu.vector_load %arg13[%swap3A_894, %swap3A_895] {strides = array<i32>} : memref<256x128xf32, #tpu.memory_space<vmem>>, vector<16xf32>,
          tpu.vector_store %arg13[%swap3A_894, %swap3A_895], %get3A_872 {add = true, strides = array<i32>} : memref<256x128xf32, #tpu.memory_space<vmem>>, vector<16xf32>,
          %swap3A_897 = arith.index_cast %squeeze3A_859 : i32 to index
          %swap3A_898 = arith.constant 48 : index
          %swap3A_899 = tpu.vector_load %arg13[%swap3A_897, %swap3A_898] {strides = array<i32>} : memref<256x128xf32, #tpu.memory_space<vmem>>, vector<16xf32>,
          tpu.vector_store %arg13[%swap3A_897, %swap3A_898], %get3A_875 {add = true, strides = array<i32>} : memref<256x128xf32, #tpu.memory_space<vmem>>, vector<16xf32>,
          %swap3A_900 = arith.index_cast %squeeze3A_859 : i32 to index
          %swap3A_901 = arith.constant 64 : index
          %swap3A_902 = tpu.vector_load %arg13[%swap3A_900, %swap3A_901] {strides = array<i32>} : memref<256x128xf32, #tpu.memory_space<vmem>>, vector<16xf32>,
          tpu.vector_store %arg13[%swap3A_900, %swap3A_901], %get3A_878 {add = true, strides = array<i32>} : memref<256x128xf32, #tpu.memory_space<vmem>>, vector<16xf32>,
          %swap3A_903 = arith.index_cast %squeeze3A_859 : i32 to index
          %swap3A_904 = arith.constant 80 : index
          %swap3A_905 = tpu.vector_load %arg13[%swap3A_903, %swap3A_904] {strides = array<i32>} : memref<256x128xf32, #tpu.memory_space<vmem>>, vector<16xf32>,
          tpu.vector_store %arg13[%swap3A_903, %swap3A_904], %get3A_881 {add = true, strides = array<i32>} : memref<256x128xf32, #tpu.memory_space<vmem>>, vector<16xf32>,
          %swap3A_906 = arith.index_cast %squeeze3A_859 : i32 to index
          %swap3A_907 = arith.constant 96 : index
          %swap3A_908 = tpu.vector_load %arg13[%swap3A_906, %swap3A_907] {strides = array<i32>} : memref<256x128xf32, #tpu.memory_space<vmem>>, vector<16xf32>,
          tpu.vector_store %arg13[%swap3A_906, %swap3A_907], %get3A_884 {add = true, strides = array<i32>} : memref<256x128xf32, #tpu.memory_space<vmem>>, vector<16xf32>,
          %swap3A_909 = arith.index_cast %squeeze3A_859 : i32 to index
          %swap3A_910 = arith.constant 112 : index
          %swap3A_911 = tpu.vector_load %arg13[%swap3A_909, %swap3A_910] {strides = array<i32>} : memref<256x128xf32, #tpu.memory_space<vmem>>, vector<16xf32>,
          tpu.vector_store %arg13[%swap3A_909, %swap3A_910], %get3A_887 {add = true, strides = array<i32>} : memref<256x128xf32, #tpu.memory_space<vmem>>, vector<16xf32>,
          %slice3A_912 = vector.extract_strided_slice %get3A_689 {offsets = [4], sizes = [1], strides = [1]} : vector<16xi32> to vector<1xi32>
          %squeeze3A_913 = vector.extract %slice3A_912[0] : i32 from vector<1xi32>
          %mul3A_914 = arith.constant 16 : i32
          %mul3A_915 = arith.muli %scan3A_682, %mul3A_914 : i32
          %add3A_916 = arith.constant 4 : i32
          %add3A_917 = arith.addi %mul3A_915, %add3A_916 : i32
          %get3A_918 = arith.index_cast %add3A_917 : i32 to index
          %get3A_919 = arith.constant 0 : index
          %get3A_920 = tpu.vector_load %arg8[%get3A_918, %get3A_919] {strides = array<i32>} : memref<64x128xf32, #tpu.memory_space<vmem>>, vector<16xf32>,
          %get3A_921 = arith.index_cast %add3A_917 : i32 to index
          %get3A_922 = arith.constant 16 : index
          %get3A_923 = tpu.vector_load %arg8[%get3A_921, %get3A_922] {strides = array<i32>} : memref<64x128xf32, #tpu.memory_space<vmem>>, vector<16xf32>,
          %get3A_924 = arith.index_cast %add3A_917 : i32 to index
          %get3A_925 = arith.constant 32 : index
          %get3A_926 = tpu.vector_load %arg8[%get3A_924, %get3A_925] {strides = array<i32>} : memref<64x128xf32, #tpu.memory_space<vmem>>, vector<16xf32>,
          %get3A_927 = arith.index_cast %add3A_917 : i32 to index
          %get3A_928 = arith.constant 48 : index
          %get3A_929 = tpu.vector_load %arg8[%get3A_927, %get3A_928] {strides = array<i32>} : memref<64x128xf32, #tpu.memory_space<vmem>>, vector<16xf32>,
          %get3A_930 = arith.index_cast %add3A_917 : i32 to index
          %get3A_931 = arith.constant 64 : index
          %get3A_932 = tpu.vector_load %arg8[%get3A_930, %get3A_931] {strides = array<i32>} : memref<64x128xf32, #tpu.memory_space<vmem>>, vector<16xf32>,
          %get3A_933 = arith.index_cast %add3A_917 : i32 to index
          %get3A_934 = arith.constant 80 : index
          %get3A_935 = tpu.vector_load %arg8[%get3A_933, %get3A_934] {strides = array<i32>} : memref<64x128xf32, #tpu.memory_space<vmem>>, vector<16xf32>,
          %get3A_936 = arith.index_cast %add3A_917 : i32 to index
          %get3A_937 = arith.constant 96 : index
          %get3A_938 = tpu.vector_load %arg8[%get3A_936, %get3A_937] {strides = array<i32>} : memref<64x128xf32, #tpu.memory_space<vmem>>, vector<16xf32>,
          %get3A_939 = arith.index_cast %add3A_917 : i32 to index
          %get3A_940 = arith.constant 112 : index
          %get3A_941 = tpu.vector_load %arg8[%get3A_939, %get3A_940] {strides = array<i32>} : memref<64x128xf32, #tpu.memory_space<vmem>>, vector<16xf32>,
          %swap3A_942 = arith.index_cast %squeeze3A_913 : i32 to index
          %swap3A_943 = arith.constant 0 : index
          %swap3A_944 = tpu.vector_load %arg13[%swap3A_942, %swap3A_943] {strides = array<i32>} : memref<256x128xf32, #tpu.memory_space<vmem>>, vector<16xf32>,
          tpu.vector_store %arg13[%swap3A_942, %swap3A_943], %get3A_920 {add = true, strides = array<i32>} : memref<256x128xf32, #tpu.memory_space<vmem>>, vector<16xf32>,
          %swap3A_945 = arith.index_cast %squeeze3A_913 : i32 to index
          %swap3A_946 = arith.constant 16 : index
          %swap3A_947 = tpu.vector_load %arg13[%swap3A_945, %swap3A_946] {strides = array<i32>} : memref<256x128xf32, #tpu.memory_space<vmem>>, vector<16xf32>,
          tpu.vector_store %arg13[%swap3A_945, %swap3A_946], %get3A_923 {add = true, strides = array<i32>} : memref<256x128xf32, #tpu.memory_space<vmem>>, vector<16xf32>,
          %swap3A_948 = arith.index_cast %squeeze3A_913 : i32 to index
          %swap3A_949 = arith.constant 32 : index
          %swap3A_950 = tpu.vector_load %arg13[%swap3A_948, %swap3A_949] {strides = array<i32>} : memref<256x128xf32, #tpu.memory_space<vmem>>, vector<16xf32>,
          tpu.vector_store %arg13[%swap3A_948, %swap3A_949], %get3A_926 {add = true, strides = array<i32>} : memref<256x128xf32, #tpu.memory_space<vmem>>, vector<16xf32>,
          %swap3A_951 = arith.index_cast %squeeze3A_913 : i32 to index
          %swap3A_952 = arith.constant 48 : index
          %swap3A_953 = tpu.vector_load %arg13[%swap3A_951, %swap3A_952] {strides = array<i32>} : memref<256x128xf32, #tpu.memory_space<vmem>>, vector<16xf32>,
          tpu.vector_store %arg13[%swap3A_951, %swap3A_952], %get3A_929 {add = true, strides = array<i32>} : memref<256x128xf32, #tpu.memory_space<vmem>>, vector<16xf32>,
          %swap3A_954 = arith.index_cast %squeeze3A_913 : i32 to index
          %swap3A_955 = arith.constant 64 : index
          %swap3A_956 = tpu.vector_load %arg13[%swap3A_954, %swap3A_955] {strides = array<i32>} : memref<256x128xf32, #tpu.memory_space<vmem>>, vector<16xf32>,
          tpu.vector_store %arg13[%swap3A_954, %swap3A_955], %get3A_932 {add = true, strides = array<i32>} : memref<256x128xf32, #tpu.memory_space<vmem>>, vector<16xf32>,
          %swap3A_957 = arith.index_cast %squeeze3A_913 : i32 to index
          %swap3A_958 = arith.constant 80 : index
          %swap3A_959 = tpu.vector_load %arg13[%swap3A_957, %swap3A_958] {strides = array<i32>} : memref<256x128xf32, #tpu.memory_space<vmem>>, vector<16xf32>,
          tpu.vector_store %arg13[%swap3A_957, %swap3A_958], %get3A_935 {add = true, strides = array<i32>} : memref<256x128xf32, #tpu.memory_space<vmem>>, vector<16xf32>,
          %swap3A_960 = arith.index_cast %squeeze3A_913 : i32 to index
          %swap3A_961 = arith.constant 96 : index
          %swap3A_962 = tpu.vector_load %arg13[%swap3A_960, %swap3A_961] {strides = array<i32>} : memref<256x128xf32, #tpu.memory_space<vmem>>, vector<16xf32>,
          tpu.vector_store %arg13[%swap3A_960, %swap3A_961], %get3A_938 {add = true, strides = array<i32>} : memref<256x128xf32, #tpu.memory_space<vmem>>, vector<16xf32>,
          %swap3A_963 = arith.index_cast %squeeze3A_913 : i32 to index
          %swap3A_964 = arith.constant 112 : index
          %swap3A_965 = tpu.vector_load %arg13[%swap3A_963, %swap3A_964] {strides = array<i32>} : memref<256x128xf32, #tpu.memory_space<vmem>>, vector<16xf32>,
          tpu.vector_store %arg13[%swap3A_963, %swap3A_964], %get3A_941 {add = true, strides = array<i32>} : memref<256x128xf32, #tpu.memory_space<vmem>>, vector<16xf32>,
          %slice3A_966 = vector.extract_strided_slice %get3A_689 {offsets = [5], sizes = [1], strides = [1]} : vector<16xi32> to vector<1xi32>
          %squeeze3A_967 = vector.extract %slice3A_966[0] : i32 from vector<1xi32>
          %mul3A_968 = arith.constant 16 : i32
          %mul3A_969 = arith.muli %scan3A_682, %mul3A_968 : i32
          %add3A_970 = arith.constant 5 : i32
          %add3A_971 = arith.addi %mul3A_969, %add3A_970 : i32
          %get3A_972 = arith.index_cast %add3A_971 : i32 to index
          %get3A_973 = arith.constant 0 : index
          %get3A_974 = tpu.vector_load %arg8[%get3A_972, %get3A_973] {strides = array<i32>} : memref<64x128xf32, #tpu.memory_space<vmem>>, vector<16xf32>,
          %get3A_975 = arith.index_cast %add3A_971 : i32 to index
          %get3A_976 = arith.constant 16 : index
          %get3A_977 = tpu.vector_load %arg8[%get3A_975, %get3A_976] {strides = array<i32>} : memref<64x128xf32, #tpu.memory_space<vmem>>, vector<16xf32>,
          %get3A_978 = arith.index_cast %add3A_971 : i32 to index
          %get3A_979 = arith.constant 32 : index
          %get3A_980 = tpu.vector_load %arg8[%get3A_978, %get3A_979] {strides = array<i32>} : memref<64x128xf32, #tpu.memory_space<vmem>>, vector<16xf32>,
          %get3A_981 = arith.index_cast %add3A_971 : i32 to index
          %get3A_982 = arith.constant 48 : index
          %get3A_983 = tpu.vector_load %arg8[%get3A_981, %get3A_982] {strides = array<i32>} : memref<64x128xf32, #tpu.memory_space<vmem>>, vector<16xf32>,
          %get3A_984 = arith.index_cast %add3A_971 : i32 to index
          %get3A_985 = arith.constant 64 : index
          %get3A_986 = tpu.vector_load %arg8[%get3A_984, %get3A_985] {strides = array<i32>} : memref<64x128xf32, #tpu.memory_space<vmem>>, vector<16xf32>,
          %get3A_987 = arith.index_cast %add3A_971 : i32 to index
          %get3A_988 = arith.constant 80 : index
          %get3A_989 = tpu.vector_load %arg8[%get3A_987, %get3A_988] {strides = array<i32>} : memref<64x128xf32, #tpu.memory_space<vmem>>, vector<16xf32>,
          %get3A_990 = arith.index_cast %add3A_971 : i32 to index
          %get3A_991 = arith.constant 96 : index
          %get3A_992 = tpu.vector_load %arg8[%get3A_990, %get3A_991] {strides = array<i32>} : memref<64x128xf32, #tpu.memory_space<vmem>>, vector<16xf32>,
          %get3A_993 = arith.index_cast %add3A_971 : i32 to index
          %get3A_994 = arith.constant 112 : index
          %get3A_995 = tpu.vector_load %arg8[%get3A_993, %get3A_994] {strides = array<i32>} : memref<64x128xf32, #tpu.memory_space<vmem>>, vector<16xf32>,
          %swap3A_996 = arith.index_cast %squeeze3A_967 : i32 to index
          %swap3A_997 = arith.constant 0 : index
          %swap3A_998 = tpu.vector_load %arg13[%swap3A_996, %swap3A_997] {strides = array<i32>} : memref<256x128xf32, #tpu.memory_space<vmem>>, vector<16xf32>,
          tpu.vector_store %arg13[%swap3A_996, %swap3A_997], %get3A_974 {add = true, strides = array<i32>} : memref<256x128xf32, #tpu.memory_space<vmem>>, vector<16xf32>,
          %swap3A_999 = arith.index_cast %squeeze3A_967 : i32 to index
          %swap3A_1000 = arith.constant 16 : index
          %swap3A_1001 = tpu.vector_load %arg13[%swap3A_999, %swap3A_1000] {strides = array<i32>} : memref<256x128xf32, #tpu.memory_space<vmem>>, vector<16xf32>,
          tpu.vector_store %arg13[%swap3A_999, %swap3A_1000], %get3A_977 {add = true, strides = array<i32>} : memref<256x128xf32, #tpu.memory_space<vmem>>, vector<16xf32>,
          %swap3A_1002 = arith.index_cast %squeeze3A_967 : i32 to index
          %swap3A_1003 = arith.constant 32 : index
          %swap3A_1004 = tpu.vector_load %arg13[%swap3A_1002, %swap3A_1003] {strides = array<i32>} : memref<256x128xf32, #tpu.memory_space<vmem>>, vector<16xf32>,
          tpu.vector_store %arg13[%swap3A_1002, %swap3A_1003], %get3A_980 {add = true, strides = array<i32>} : memref<256x128xf32, #tpu.memory_space<vmem>>, vector<16xf32>,
          %swap3A_1005 = arith.index_cast %squeeze3A_967 : i32 to index
          %swap3A_1006 = arith.constant 48 : index
          %swap3A_1007 = tpu.vector_load %arg13[%swap3A_1005, %swap3A_1006] {strides = array<i32>} : memref<256x128xf32, #tpu.memory_space<vmem>>, vector<16xf32>,
          tpu.vector_store %arg13[%swap3A_1005, %swap3A_1006], %get3A_983 {add = true, strides = array<i32>} : memref<256x128xf32, #tpu.memory_space<vmem>>, vector<16xf32>,
          %swap3A_1008 = arith.index_cast %squeeze3A_967 : i32 to index
          %swap3A_1009 = arith.constant 64 : index
          %swap3A_1010 = tpu.vector_load %arg13[%swap3A_1008, %swap3A_1009] {strides = array<i32>} : memref<256x128xf32, #tpu.memory_space<vmem>>, vector<16xf32>,
          tpu.vector_store %arg13[%swap3A_1008, %swap3A_1009], %get3A_986 {add = true, strides = array<i32>} : memref<256x128xf32, #tpu.memory_space<vmem>>, vector<16xf32>,
          %swap3A_1011 = arith.index_cast %squeeze3A_967 : i32 to index
          %swap3A_1012 = arith.constant 80 : index
          %swap3A_1013 = tpu.vector_load %arg13[%swap3A_1011, %swap3A_1012] {strides = array<i32>} : memref<256x128xf32, #tpu.memory_space<vmem>>, vector<16xf32>,
          tpu.vector_store %arg13[%swap3A_1011, %swap3A_1012], %get3A_989 {add = true, strides = array<i32>} : memref<256x128xf32, #tpu.memory_space<vmem>>, vector<16xf32>,
          %swap3A_1014 = arith.index_cast %squeeze3A_967 : i32 to index
          %swap3A_1015 = arith.constant 96 : index
          %swap3A_1016 = tpu.vector_load %arg13[%swap3A_1014, %swap3A_1015] {strides = array<i32>} : memref<256x128xf32, #tpu.memory_space<vmem>>, vector<16xf32>,
          tpu.vector_store %arg13[%swap3A_1014, %swap3A_1015], %get3A_992 {add = true, strides = array<i32>} : memref<256x128xf32, #tpu.memory_space<vmem>>, vector<16xf32>,
          %swap3A_1017 = arith.index_cast %squeeze3A_967 : i32 to index
          %swap3A_1018 = arith.constant 112 : index
          %swap3A_1019 = tpu.vector_load %arg13[%swap3A_1017, %swap3A_1018] {strides = array<i32>} : memref<256x128xf32, #tpu.memory_space<vmem>>, vector<16xf32>,
          tpu.vector_store %arg13[%swap3A_1017, %swap3A_1018], %get3A_995 {add = true, strides = array<i32>} : memref<256x128xf32, #tpu.memory_space<vmem>>, vector<16xf32>,
          %slice3A_1020 = vector.extract_strided_slice %get3A_689 {offsets = [6], sizes = [1], strides = [1]} : vector<16xi32> to vector<1xi32>
          %squeeze3A_1021 = vector.extract %slice3A_1020[0] : i32 from vector<1xi32>
          %mul3A_1022 = arith.constant 16 : i32
          %mul3A_1023 = arith.muli %scan3A_682, %mul3A_1022 : i32
          %add3A_1024 = arith.constant 6 : i32
          %add3A_1025 = arith.addi %mul3A_1023, %add3A_1024 : i32
          %get3A_1026 = arith.index_cast %add3A_1025 : i32 to index
          %get3A_1027 = arith.constant 0 : index
          %get3A_1028 = tpu.vector_load %arg8[%get3A_1026, %get3A_1027] {strides = array<i32>} : memref<64x128xf32, #tpu.memory_space<vmem>>, vector<16xf32>,
          %get3A_1029 = arith.index_cast %add3A_1025 : i32 to index
          %get3A_1030 = arith.constant 16 : index
          %get3A_1031 = tpu.vector_load %arg8[%get3A_1029, %get3A_1030] {strides = array<i32>} : memref<64x128xf32, #tpu.memory_space<vmem>>, vector<16xf32>,
          %get3A_1032 = arith.index_cast %add3A_1025 : i32 to index
          %get3A_1033 = arith.constant 32 : index
          %get3A_1034 = tpu.vector_load %arg8[%get3A_1032, %get3A_1033] {strides = array<i32>} : memref<64x128xf32, #tpu.memory_space<vmem>>, vector<16xf32>,
          %get3A_1035 = arith.index_cast %add3A_1025 : i32 to index
          %get3A_1036 = arith.constant 48 : index
          %get3A_1037 = tpu.vector_load %arg8[%get3A_1035, %get3A_1036] {strides = array<i32>} : memref<64x128xf32, #tpu.memory_space<vmem>>, vector<16xf32>,
          %get3A_1038 = arith.index_cast %add3A_1025 : i32 to index
          %get3A_1039 = arith.constant 64 : index
          %get3A_1040 = tpu.vector_load %arg8[%get3A_1038, %get3A_1039] {strides = array<i32>} : memref<64x128xf32, #tpu.memory_space<vmem>>, vector<16xf32>,
          %get3A_1041 = arith.index_cast %add3A_1025 : i32 to index
          %get3A_1042 = arith.constant 80 : index
          %get3A_1043 = tpu.vector_load %arg8[%get3A_1041, %get3A_1042] {strides = array<i32>} : memref<64x128xf32, #tpu.memory_space<vmem>>, vector<16xf32>,
          %get3A_1044 = arith.index_cast %add3A_1025 : i32 to index
          %get3A_1045 = arith.constant 96 : index
          %get3A_1046 = tpu.vector_load %arg8[%get3A_1044, %get3A_1045] {strides = array<i32>} : memref<64x128xf32, #tpu.memory_space<vmem>>, vector<16xf32>,
          %get3A_1047 = arith.index_cast %add3A_1025 : i32 to index
          %get3A_1048 = arith.constant 112 : index
          %get3A_1049 = tpu.vector_load %arg8[%get3A_1047, %get3A_1048] {strides = array<i32>} : memref<64x128xf32, #tpu.memory_space<vmem>>, vector<16xf32>,
          %swap3A_1050 = arith.index_cast %squeeze3A_1021 : i32 to index
          %swap3A_1051 = arith.constant 0 : index
          %swap3A_1052 = tpu.vector_load %arg13[%swap3A_1050, %swap3A_1051] {strides = array<i32>} : memref<256x128xf32, #tpu.memory_space<vmem>>, vector<16xf32>,
          tpu.vector_store %arg13[%swap3A_1050, %swap3A_1051], %get3A_1028 {add = true, strides = array<i32>} : memref<256x128xf32, #tpu.memory_space<vmem>>, vector<16xf32>,
          %swap3A_1053 = arith.index_cast %squeeze3A_1021 : i32 to index
          %swap3A_1054 = arith.constant 16 : index
          %swap3A_1055 = tpu.vector_load %arg13[%swap3A_1053, %swap3A_1054] {strides = array<i32>} : memref<256x128xf32, #tpu.memory_space<vmem>>, vector<16xf32>,
          tpu.vector_store %arg13[%swap3A_1053, %swap3A_1054], %get3A_1031 {add = true, strides = array<i32>} : memref<256x128xf32, #tpu.memory_space<vmem>>, vector<16xf32>,
          %swap3A_1056 = arith.index_cast %squeeze3A_1021 : i32 to index
          %swap3A_1057 = arith.constant 32 : index
          %swap3A_1058 = tpu.vector_load %arg13[%swap3A_1056, %swap3A_1057] {strides = array<i32>} : memref<256x128xf32, #tpu.memory_space<vmem>>, vector<16xf32>,
          tpu.vector_store %arg13[%swap3A_1056, %swap3A_1057], %get3A_1034 {add = true, strides = array<i32>} : memref<256x128xf32, #tpu.memory_space<vmem>>, vector<16xf32>,
          %swap3A_1059 = arith.index_cast %squeeze3A_1021 : i32 to index
          %swap3A_1060 = arith.constant 48 : index
          %swap3A_1061 = tpu.vector_load %arg13[%swap3A_1059, %swap3A_1060] {strides = array<i32>} : memref<256x128xf32, #tpu.memory_space<vmem>>, vector<16xf32>,
          tpu.vector_store %arg13[%swap3A_1059, %swap3A_1060], %get3A_1037 {add = true, strides = array<i32>} : memref<256x128xf32, #tpu.memory_space<vmem>>, vector<16xf32>,
          %swap3A_1062 = arith.index_cast %squeeze3A_1021 : i32 to index
          %swap3A_1063 = arith.constant 64 : index
          %swap3A_1064 = tpu.vector_load %arg13[%swap3A_1062, %swap3A_1063] {strides = array<i32>} : memref<256x128xf32, #tpu.memory_space<vmem>>, vector<16xf32>,
          tpu.vector_store %arg13[%swap3A_1062, %swap3A_1063], %get3A_1040 {add = true, strides = array<i32>} : memref<256x128xf32, #tpu.memory_space<vmem>>, vector<16xf32>,
          %swap3A_1065 = arith.index_cast %squeeze3A_1021 : i32 to index
          %swap3A_1066 = arith.constant 80 : index
          %swap3A_1067 = tpu.vector_load %arg13[%swap3A_1065, %swap3A_1066] {strides = array<i32>} : memref<256x128xf32, #tpu.memory_space<vmem>>, vector<16xf32>,
          tpu.vector_store %arg13[%swap3A_1065, %swap3A_1066], %get3A_1043 {add = true, strides = array<i32>} : memref<256x128xf32, #tpu.memory_space<vmem>>, vector<16xf32>,
          %swap3A_1068 = arith.index_cast %squeeze3A_1021 : i32 to index
          %swap3A_1069 = arith.constant 96 : index
          %swap3A_1070 = tpu.vector_load %arg13[%swap3A_1068, %swap3A_1069] {strides = array<i32>} : memref<256x128xf32, #tpu.memory_space<vmem>>, vector<16xf32>,
          tpu.vector_store %arg13[%swap3A_1068, %swap3A_1069], %get3A_1046 {add = true, strides = array<i32>} : memref<256x128xf32, #tpu.memory_space<vmem>>, vector<16xf32>,
          %swap3A_1071 = arith.index_cast %squeeze3A_1021 : i32 to index
          %swap3A_1072 = arith.constant 112 : index
          %swap3A_1073 = tpu.vector_load %arg13[%swap3A_1071, %swap3A_1072] {strides = array<i32>} : memref<256x128xf32, #tpu.memory_space<vmem>>, vector<16xf32>,
          tpu.vector_store %arg13[%swap3A_1071, %swap3A_1072], %get3A_1049 {add = true, strides = array<i32>} : memref<256x128xf32, #tpu.memory_space<vmem>>, vector<16xf32>,
          %slice3A_1074 = vector.extract_strided_slice %get3A_689 {offsets = [7], sizes = [1], strides = [1]} : vector<16xi32> to vector<1xi32>
          %squeeze3A_1075 = vector.extract %slice3A_1074[0] : i32 from vector<1xi32>
          %mul3A_1076 = arith.constant 16 : i32
          %mul3A_1077 = arith.muli %scan3A_682, %mul3A_1076 : i32
          %add3A_1078 = arith.constant 7 : i32
          %add3A_1079 = arith.addi %mul3A_1077, %add3A_1078 : i32
          %get3A_1080 = arith.index_cast %add3A_1079 : i32 to index
          %get3A_1081 = arith.constant 0 : index
          %get3A_1082 = tpu.vector_load %arg8[%get3A_1080, %get3A_1081] {strides = array<i32>} : memref<64x128xf32, #tpu.memory_space<vmem>>, vector<16xf32>,
          %get3A_1083 = arith.index_cast %add3A_1079 : i32 to index
          %get3A_1084 = arith.constant 16 : index
          %get3A_1085 = tpu.vector_load %arg8[%get3A_1083, %get3A_1084] {strides = array<i32>} : memref<64x128xf32, #tpu.memory_space<vmem>>, vector<16xf32>,
          %get3A_1086 = arith.index_cast %add3A_1079 : i32 to index
          %get3A_1087 = arith.constant 32 : index
          %get3A_1088 = tpu.vector_load %arg8[%get3A_1086, %get3A_1087] {strides = array<i32>} : memref<64x128xf32, #tpu.memory_space<vmem>>, vector<16xf32>,
          %get3A_1089 = arith.index_cast %add3A_1079 : i32 to index
          %get3A_1090 = arith.constant 48 : index
          %get3A_1091 = tpu.vector_load %arg8[%get3A_1089, %get3A_1090] {strides = array<i32>} : memref<64x128xf32, #tpu.memory_space<vmem>>, vector<16xf32>,
          %get3A_1092 = arith.index_cast %add3A_1079 : i32 to index
          %get3A_1093 = arith.constant 64 : index
          %get3A_1094 = tpu.vector_load %arg8[%get3A_1092, %get3A_1093] {strides = array<i32>} : memref<64x128xf32, #tpu.memory_space<vmem>>, vector<16xf32>,
          %get3A_1095 = arith.index_cast %add3A_1079 : i32 to index
          %get3A_1096 = arith.constant 80 : index
          %get3A_1097 = tpu.vector_load %arg8[%get3A_1095, %get3A_1096] {strides = array<i32>} : memref<64x128xf32, #tpu.memory_space<vmem>>, vector<16xf32>,
          %get3A_1098 = arith.index_cast %add3A_1079 : i32 to index
          %get3A_1099 = arith.constant 96 : index
          %get3A_1100 = tpu.vector_load %arg8[%get3A_1098, %get3A_1099] {strides = array<i32>} : memref<64x128xf32, #tpu.memory_space<vmem>>, vector<16xf32>,
          %get3A_1101 = arith.index_cast %add3A_1079 : i32 to index
          %get3A_1102 = arith.constant 112 : index
          %get3A_1103 = tpu.vector_load %arg8[%get3A_1101, %get3A_1102] {strides = array<i32>} : memref<64x128xf32, #tpu.memory_space<vmem>>, vector<16xf32>,
          %swap3A_1104 = arith.index_cast %squeeze3A_1075 : i32 to index
          %swap3A_1105 = arith.constant 0 : index
          %swap3A_1106 = tpu.vector_load %arg13[%swap3A_1104, %swap3A_1105] {strides = array<i32>} : memref<256x128xf32, #tpu.memory_space<vmem>>, vector<16xf32>,
          tpu.vector_store %arg13[%swap3A_1104, %swap3A_1105], %get3A_1082 {add = true, strides = array<i32>} : memref<256x128xf32, #tpu.memory_space<vmem>>, vector<16xf32>,
          %swap3A_1107 = arith.index_cast %squeeze3A_1075 : i32 to index
          %swap3A_1108 = arith.constant 16 : index
          %swap3A_1109 = tpu.vector_load %arg13[%swap3A_1107, %swap3A_1108] {strides = array<i32>} : memref<256x128xf32, #tpu.memory_space<vmem>>, vector<16xf32>,
          tpu.vector_store %arg13[%swap3A_1107, %swap3A_1108], %get3A_1085 {add = true, strides = array<i32>} : memref<256x128xf32, #tpu.memory_space<vmem>>, vector<16xf32>,
          %swap3A_1110 = arith.index_cast %squeeze3A_1075 : i32 to index
          %swap3A_1111 = arith.constant 32 : index
          %swap3A_1112 = tpu.vector_load %arg13[%swap3A_1110, %swap3A_1111] {strides = array<i32>} : memref<256x128xf32, #tpu.memory_space<vmem>>, vector<16xf32>,
          tpu.vector_store %arg13[%swap3A_1110, %swap3A_1111], %get3A_1088 {add = true, strides = array<i32>} : memref<256x128xf32, #tpu.memory_space<vmem>>, vector<16xf32>,
          %swap3A_1113 = arith.index_cast %squeeze3A_1075 : i32 to index
          %swap3A_1114 = arith.constant 48 : index
          %swap3A_1115 = tpu.vector_load %arg13[%swap3A_1113, %swap3A_1114] {strides = array<i32>} : memref<256x128xf32, #tpu.memory_space<vmem>>, vector<16xf32>,
          tpu.vector_store %arg13[%swap3A_1113, %swap3A_1114], %get3A_1091 {add = true, strides = array<i32>} : memref<256x128xf32, #tpu.memory_space<vmem>>, vector<16xf32>,
          %swap3A_1116 = arith.index_cast %squeeze3A_1075 : i32 to index
          %swap3A_1117 = arith.constant 64 : index
          %swap3A_1118 = tpu.vector_load %arg13[%swap3A_1116, %swap3A_1117] {strides = array<i32>} : memref<256x128xf32, #tpu.memory_space<vmem>>, vector<16xf32>,
          tpu.vector_store %arg13[%swap3A_1116, %swap3A_1117], %get3A_1094 {add = true, strides = array<i32>} : memref<256x128xf32, #tpu.memory_space<vmem>>, vector<16xf32>,
          %swap3A_1119 = arith.index_cast %squeeze3A_1075 : i32 to index
          %swap3A_1120 = arith.constant 80 : index
          %swap3A_1121 = tpu.vector_load %arg13[%swap3A_1119, %swap3A_1120] {strides = array<i32>} : memref<256x128xf32, #tpu.memory_space<vmem>>, vector<16xf32>,
          tpu.vector_store %arg13[%swap3A_1119, %swap3A_1120], %get3A_1097 {add = true, strides = array<i32>} : memref<256x128xf32, #tpu.memory_space<vmem>>, vector<16xf32>,
          %swap3A_1122 = arith.index_cast %squeeze3A_1075 : i32 to index
          %swap3A_1123 = arith.constant 96 : index
          %swap3A_1124 = tpu.vector_load %arg13[%swap3A_1122, %swap3A_1123] {strides = array<i32>} : memref<256x128xf32, #tpu.memory_space<vmem>>, vector<16xf32>,
          tpu.vector_store %arg13[%swap3A_1122, %swap3A_1123], %get3A_1100 {add = true, strides = array<i32>} : memref<256x128xf32, #tpu.memory_space<vmem>>, vector<16xf32>,
          %swap3A_1125 = arith.index_cast %squeeze3A_1075 : i32 to index
          %swap3A_1126 = arith.constant 112 : index
          %swap3A_1127 = tpu.vector_load %arg13[%swap3A_1125, %swap3A_1126] {strides = array<i32>} : memref<256x128xf32, #tpu.memory_space<vmem>>, vector<16xf32>,
          tpu.vector_store %arg13[%swap3A_1125, %swap3A_1126], %get3A_1103 {add = true, strides = array<i32>} : memref<256x128xf32, #tpu.memory_space<vmem>>, vector<16xf32>,
          %slice3A_1128 = vector.extract_strided_slice %get3A_689 {offsets = [8], sizes = [1], strides = [1]} : vector<16xi32> to vector<1xi32>
          %squeeze3A_1129 = vector.extract %slice3A_1128[0] : i32 from vector<1xi32>
          %mul3A_1130 = arith.constant 16 : i32
          %mul3A_1131 = arith.muli %scan3A_682, %mul3A_1130 : i32
          %add3A_1132 = arith.constant 8 : i32
          %add3A_1133 = arith.addi %mul3A_1131, %add3A_1132 : i32
          %get3A_1134 = arith.index_cast %add3A_1133 : i32 to index
          %get3A_1135 = arith.constant 0 : index
          %get3A_1136 = tpu.vector_load %arg8[%get3A_1134, %get3A_1135] {strides = array<i32>} : memref<64x128xf32, #tpu.memory_space<vmem>>, vector<16xf32>,
          %get3A_1137 = arith.index_cast %add3A_1133 : i32 to index
          %get3A_1138 = arith.constant 16 : index
          %get3A_1139 = tpu.vector_load %arg8[%get3A_1137, %get3A_1138] {strides = array<i32>} : memref<64x128xf32, #tpu.memory_space<vmem>>, vector<16xf32>,
          %get3A_1140 = arith.index_cast %add3A_1133 : i32 to index
          %get3A_1141 = arith.constant 32 : index
          %get3A_1142 = tpu.vector_load %arg8[%get3A_1140, %get3A_1141] {strides = array<i32>} : memref<64x128xf32, #tpu.memory_space<vmem>>, vector<16xf32>,
          %get3A_1143 = arith.index_cast %add3A_1133 : i32 to index
          %get3A_1144 = arith.constant 48 : index
          %get3A_1145 = tpu.vector_load %arg8[%get3A_1143, %get3A_1144] {strides = array<i32>} : memref<64x128xf32, #tpu.memory_space<vmem>>, vector<16xf32>,
          %get3A_1146 = arith.index_cast %add3A_1133 : i32 to index
          %get3A_1147 = arith.constant 64 : index
          %get3A_1148 = tpu.vector_load %arg8[%get3A_1146, %get3A_1147] {strides = array<i32>} : memref<64x128xf32, #tpu.memory_space<vmem>>, vector<16xf32>,
          %get3A_1149 = arith.index_cast %add3A_1133 : i32 to index
          %get3A_1150 = arith.constant 80 : index
          %get3A_1151 = tpu.vector_load %arg8[%get3A_1149, %get3A_1150] {strides = array<i32>} : memref<64x128xf32, #tpu.memory_space<vmem>>, vector<16xf32>,
          %get3A_1152 = arith.index_cast %add3A_1133 : i32 to index
          %get3A_1153 = arith.constant 96 : index
          %get3A_1154 = tpu.vector_load %arg8[%get3A_1152, %get3A_1153] {strides = array<i32>} : memref<64x128xf32, #tpu.memory_space<vmem>>, vector<16xf32>,
          %get3A_1155 = arith.index_cast %add3A_1133 : i32 to index
          %get3A_1156 = arith.constant 112 : index
          %get3A_1157 = tpu.vector_load %arg8[%get3A_1155, %get3A_1156] {strides = array<i32>} : memref<64x128xf32, #tpu.memory_space<vmem>>, vector<16xf32>,
          %swap3A_1158 = arith.index_cast %squeeze3A_1129 : i32 to index
          %swap3A_1159 = arith.constant 0 : index
          %swap3A_1160 = tpu.vector_load %arg13[%swap3A_1158, %swap3A_1159] {strides = array<i32>} : memref<256x128xf32, #tpu.memory_space<vmem>>, vector<16xf32>,
          tpu.vector_store %arg13[%swap3A_1158, %swap3A_1159], %get3A_1136 {add = true, strides = array<i32>} : memref<256x128xf32, #tpu.memory_space<vmem>>, vector<16xf32>,
          %swap3A_1161 = arith.index_cast %squeeze3A_1129 : i32 to index
          %swap3A_1162 = arith.constant 16 : index
          %swap3A_1163 = tpu.vector_load %arg13[%swap3A_1161, %swap3A_1162] {strides = array<i32>} : memref<256x128xf32, #tpu.memory_space<vmem>>, vector<16xf32>,
          tpu.vector_store %arg13[%swap3A_1161, %swap3A_1162], %get3A_1139 {add = true, strides = array<i32>} : memref<256x128xf32, #tpu.memory_space<vmem>>, vector<16xf32>,
          %swap3A_1164 = arith.index_cast %squeeze3A_1129 : i32 to index
          %swap3A_1165 = arith.constant 32 : index
          %swap3A_1166 = tpu.vector_load %arg13[%swap3A_1164, %swap3A_1165] {strides = array<i32>} : memref<256x128xf32, #tpu.memory_space<vmem>>, vector<16xf32>,
          tpu.vector_store %arg13[%swap3A_1164, %swap3A_1165], %get3A_1142 {add = true, strides = array<i32>} : memref<256x128xf32, #tpu.memory_space<vmem>>, vector<16xf32>,
          %swap3A_1167 = arith.index_cast %squeeze3A_1129 : i32 to index
          %swap3A_1168 = arith.constant 48 : index
          %swap3A_1169 = tpu.vector_load %arg13[%swap3A_1167, %swap3A_1168] {strides = array<i32>} : memref<256x128xf32, #tpu.memory_space<vmem>>, vector<16xf32>,
          tpu.vector_store %arg13[%swap3A_1167, %swap3A_1168], %get3A_1145 {add = true, strides = array<i32>} : memref<256x128xf32, #tpu.memory_space<vmem>>, vector<16xf32>,
          %swap3A_1170 = arith.index_cast %squeeze3A_1129 : i32 to index
          %swap3A_1171 = arith.constant 64 : index
          %swap3A_1172 = tpu.vector_load %arg13[%swap3A_1170, %swap3A_1171] {strides = array<i32>} : memref<256x128xf32, #tpu.memory_space<vmem>>, vector<16xf32>,
          tpu.vector_store %arg13[%swap3A_1170, %swap3A_1171], %get3A_1148 {add = true, strides = array<i32>} : memref<256x128xf32, #tpu.memory_space<vmem>>, vector<16xf32>,
          %swap3A_1173 = arith.index_cast %squeeze3A_1129 : i32 to index
          %swap3A_1174 = arith.constant 80 : index
          %swap3A_1175 = tpu.vector_load %arg13[%swap3A_1173, %swap3A_1174] {strides = array<i32>} : memref<256x128xf32, #tpu.memory_space<vmem>>, vector<16xf32>,
          tpu.vector_store %arg13[%swap3A_1173, %swap3A_1174], %get3A_1151 {add = true, strides = array<i32>} : memref<256x128xf32, #tpu.memory_space<vmem>>, vector<16xf32>,
          %swap3A_1176 = arith.index_cast %squeeze3A_1129 : i32 to index
          %swap3A_1177 = arith.constant 96 : index
          %swap3A_1178 = tpu.vector_load %arg13[%swap3A_1176, %swap3A_1177] {strides = array<i32>} : memref<256x128xf32, #tpu.memory_space<vmem>>, vector<16xf32>,
          tpu.vector_store %arg13[%swap3A_1176, %swap3A_1177], %get3A_1154 {add = true, strides = array<i32>} : memref<256x128xf32, #tpu.memory_space<vmem>>, vector<16xf32>,
          %swap3A_1179 = arith.index_cast %squeeze3A_1129 : i32 to index
          %swap3A_1180 = arith.constant 112 : index
          %swap3A_1181 = tpu.vector_load %arg13[%swap3A_1179, %swap3A_1180] {strides = array<i32>} : memref<256x128xf32, #tpu.memory_space<vmem>>, vector<16xf32>,
          tpu.vector_store %arg13[%swap3A_1179, %swap3A_1180], %get3A_1157 {add = true, strides = array<i32>} : memref<256x128xf32, #tpu.memory_space<vmem>>, vector<16xf32>,
          %slice3A_1182 = vector.extract_strided_slice %get3A_689 {offsets = [9], sizes = [1], strides = [1]} : vector<16xi32> to vector<1xi32>
          %squeeze3A_1183 = vector.extract %slice3A_1182[0] : i32 from vector<1xi32>
          %mul3A_1184 = arith.constant 16 : i32
          %mul3A_1185 = arith.muli %scan3A_682, %mul3A_1184 : i32
          %add3A_1186 = arith.constant 9 : i32
          %add3A_1187 = arith.addi %mul3A_1185, %add3A_1186 : i32
          %get3A_1188 = arith.index_cast %add3A_1187 : i32 to index
          %get3A_1189 = arith.constant 0 : index
          %get3A_1190 = tpu.vector_load %arg8[%get3A_1188, %get3A_1189] {strides = array<i32>} : memref<64x128xf32, #tpu.memory_space<vmem>>, vector<16xf32>,
          %get3A_1191 = arith.index_cast %add3A_1187 : i32 to index
          %get3A_1192 = arith.constant 16 : index
          %get3A_1193 = tpu.vector_load %arg8[%get3A_1191, %get3A_1192] {strides = array<i32>} : memref<64x128xf32, #tpu.memory_space<vmem>>, vector<16xf32>,
          %get3A_1194 = arith.index_cast %add3A_1187 : i32 to index
          %get3A_1195 = arith.constant 32 : index
          %get3A_1196 = tpu.vector_load %arg8[%get3A_1194, %get3A_1195] {strides = array<i32>} : memref<64x128xf32, #tpu.memory_space<vmem>>, vector<16xf32>,
          %get3A_1197 = arith.index_cast %add3A_1187 : i32 to index
          %get3A_1198 = arith.constant 48 : index
          %get3A_1199 = tpu.vector_load %arg8[%get3A_1197, %get3A_1198] {strides = array<i32>} : memref<64x128xf32, #tpu.memory_space<vmem>>, vector<16xf32>,
          %get3A_1200 = arith.index_cast %add3A_1187 : i32 to index
          %get3A_1201 = arith.constant 64 : index
          %get3A_1202 = tpu.vector_load %arg8[%get3A_1200, %get3A_1201] {strides = array<i32>} : memref<64x128xf32, #tpu.memory_space<vmem>>, vector<16xf32>,
          %get3A_1203 = arith.index_cast %add3A_1187 : i32 to index
          %get3A_1204 = arith.constant 80 : index
          %get3A_1205 = tpu.vector_load %arg8[%get3A_1203, %get3A_1204] {strides = array<i32>} : memref<64x128xf32, #tpu.memory_space<vmem>>, vector<16xf32>,
          %get3A_1206 = arith.index_cast %add3A_1187 : i32 to index
          %get3A_1207 = arith.constant 96 : index
          %get3A_1208 = tpu.vector_load %arg8[%get3A_1206, %get3A_1207] {strides = array<i32>} : memref<64x128xf32, #tpu.memory_space<vmem>>, vector<16xf32>,
          %get3A_1209 = arith.index_cast %add3A_1187 : i32 to index
          %get3A_1210 = arith.constant 112 : index
          %get3A_1211 = tpu.vector_load %arg8[%get3A_1209, %get3A_1210] {strides = array<i32>} : memref<64x128xf32, #tpu.memory_space<vmem>>, vector<16xf32>,
          %swap3A_1212 = arith.index_cast %squeeze3A_1183 : i32 to index
          %swap3A_1213 = arith.constant 0 : index
          %swap3A_1214 = tpu.vector_load %arg13[%swap3A_1212, %swap3A_1213] {strides = array<i32>} : memref<256x128xf32, #tpu.memory_space<vmem>>, vector<16xf32>,
          tpu.vector_store %arg13[%swap3A_1212, %swap3A_1213], %get3A_1190 {add = true, strides = array<i32>} : memref<256x128xf32, #tpu.memory_space<vmem>>, vector<16xf32>,
          %swap3A_1215 = arith.index_cast %squeeze3A_1183 : i32 to index
          %swap3A_1216 = arith.constant 16 : index
          %swap3A_1217 = tpu.vector_load %arg13[%swap3A_1215, %swap3A_1216] {strides = array<i32>} : memref<256x128xf32, #tpu.memory_space<vmem>>, vector<16xf32>,
          tpu.vector_store %arg13[%swap3A_1215, %swap3A_1216], %get3A_1193 {add = true, strides = array<i32>} : memref<256x128xf32, #tpu.memory_space<vmem>>, vector<16xf32>,
          %swap3A_1218 = arith.index_cast %squeeze3A_1183 : i32 to index
          %swap3A_1219 = arith.constant 32 : index
          %swap3A_1220 = tpu.vector_load %arg13[%swap3A_1218, %swap3A_1219] {strides = array<i32>} : memref<256x128xf32, #tpu.memory_space<vmem>>, vector<16xf32>,
          tpu.vector_store %arg13[%swap3A_1218, %swap3A_1219], %get3A_1196 {add = true, strides = array<i32>} : memref<256x128xf32, #tpu.memory_space<vmem>>, vector<16xf32>,
          %swap3A_1221 = arith.index_cast %squeeze3A_1183 : i32 to index
          %swap3A_1222 = arith.constant 48 : index
          %swap3A_1223 = tpu.vector_load %arg13[%swap3A_1221, %swap3A_1222] {strides = array<i32>} : memref<256x128xf32, #tpu.memory_space<vmem>>, vector<16xf32>,
          tpu.vector_store %arg13[%swap3A_1221, %swap3A_1222], %get3A_1199 {add = true, strides = array<i32>} : memref<256x128xf32, #tpu.memory_space<vmem>>, vector<16xf32>,
          %swap3A_1224 = arith.index_cast %squeeze3A_1183 : i32 to index
          %swap3A_1225 = arith.constant 64 : index
          %swap3A_1226 = tpu.vector_load %arg13[%swap3A_1224, %swap3A_1225] {strides = array<i32>} : memref<256x128xf32, #tpu.memory_space<vmem>>, vector<16xf32>,
          tpu.vector_store %arg13[%swap3A_1224, %swap3A_1225], %get3A_1202 {add = true, strides = array<i32>} : memref<256x128xf32, #tpu.memory_space<vmem>>, vector<16xf32>,
          %swap3A_1227 = arith.index_cast %squeeze3A_1183 : i32 to index
          %swap3A_1228 = arith.constant 80 : index
          %swap3A_1229 = tpu.vector_load %arg13[%swap3A_1227, %swap3A_1228] {strides = array<i32>} : memref<256x128xf32, #tpu.memory_space<vmem>>, vector<16xf32>,
          tpu.vector_store %arg13[%swap3A_1227, %swap3A_1228], %get3A_1205 {add = true, strides = array<i32>} : memref<256x128xf32, #tpu.memory_space<vmem>>, vector<16xf32>,
          %swap3A_1230 = arith.index_cast %squeeze3A_1183 : i32 to index
          %swap3A_1231 = arith.constant 96 : index
          %swap3A_1232 = tpu.vector_load %arg13[%swap3A_1230, %swap3A_1231] {strides = array<i32>} : memref<256x128xf32, #tpu.memory_space<vmem>>, vector<16xf32>,
          tpu.vector_store %arg13[%swap3A_1230, %swap3A_1231], %get3A_1208 {add = true, strides = array<i32>} : memref<256x128xf32, #tpu.memory_space<vmem>>, vector<16xf32>,
          %swap3A_1233 = arith.index_cast %squeeze3A_1183 : i32 to index
          %swap3A_1234 = arith.constant 112 : index
          %swap3A_1235 = tpu.vector_load %arg13[%swap3A_1233, %swap3A_1234] {strides = array<i32>} : memref<256x128xf32, #tpu.memory_space<vmem>>, vector<16xf32>,
          tpu.vector_store %arg13[%swap3A_1233, %swap3A_1234], %get3A_1211 {add = true, strides = array<i32>} : memref<256x128xf32, #tpu.memory_space<vmem>>, vector<16xf32>,
          %slice3A_1236 = vector.extract_strided_slice %get3A_689 {offsets = [10], sizes = [1], strides = [1]} : vector<16xi32> to vector<1xi32>
          %squeeze3A_1237 = vector.extract %slice3A_1236[0] : i32 from vector<1xi32>
          %mul3A_1238 = arith.constant 16 : i32
          %mul3A_1239 = arith.muli %scan3A_682, %mul3A_1238 : i32
          %add3A_1240 = arith.constant 10 : i32
          %add3A_1241 = arith.addi %mul3A_1239, %add3A_1240 : i32
          %get3A_1242 = arith.index_cast %add3A_1241 : i32 to index
          %get3A_1243 = arith.constant 0 : index
          %get3A_1244 = tpu.vector_load %arg8[%get3A_1242, %get3A_1243] {strides = array<i32>} : memref<64x128xf32, #tpu.memory_space<vmem>>, vector<16xf32>,
          %get3A_1245 = arith.index_cast %add3A_1241 : i32 to index
          %get3A_1246 = arith.constant 16 : index
          %get3A_1247 = tpu.vector_load %arg8[%get3A_1245, %get3A_1246] {strides = array<i32>} : memref<64x128xf32, #tpu.memory_space<vmem>>, vector<16xf32>,
          %get3A_1248 = arith.index_cast %add3A_1241 : i32 to index
          %get3A_1249 = arith.constant 32 : index
          %get3A_1250 = tpu.vector_load %arg8[%get3A_1248, %get3A_1249] {strides = array<i32>} : memref<64x128xf32, #tpu.memory_space<vmem>>, vector<16xf32>,
          %get3A_1251 = arith.index_cast %add3A_1241 : i32 to index
          %get3A_1252 = arith.constant 48 : index
          %get3A_1253 = tpu.vector_load %arg8[%get3A_1251, %get3A_1252] {strides = array<i32>} : memref<64x128xf32, #tpu.memory_space<vmem>>, vector<16xf32>,
          %get3A_1254 = arith.index_cast %add3A_1241 : i32 to index
          %get3A_1255 = arith.constant 64 : index
          %get3A_1256 = tpu.vector_load %arg8[%get3A_1254, %get3A_1255] {strides = array<i32>} : memref<64x128xf32, #tpu.memory_space<vmem>>, vector<16xf32>,
          %get3A_1257 = arith.index_cast %add3A_1241 : i32 to index
          %get3A_1258 = arith.constant 80 : index
          %get3A_1259 = tpu.vector_load %arg8[%get3A_1257, %get3A_1258] {strides = array<i32>} : memref<64x128xf32, #tpu.memory_space<vmem>>, vector<16xf32>,
          %get3A_1260 = arith.index_cast %add3A_1241 : i32 to index
          %get3A_1261 = arith.constant 96 : index
          %get3A_1262 = tpu.vector_load %arg8[%get3A_1260, %get3A_1261] {strides = array<i32>} : memref<64x128xf32, #tpu.memory_space<vmem>>, vector<16xf32>,
          %get3A_1263 = arith.index_cast %add3A_1241 : i32 to index
          %get3A_1264 = arith.constant 112 : index
          %get3A_1265 = tpu.vector_load %arg8[%get3A_1263, %get3A_1264] {strides = array<i32>} : memref<64x128xf32, #tpu.memory_space<vmem>>, vector<16xf32>,
          %swap3A_1266 = arith.index_cast %squeeze3A_1237 : i32 to index
          %swap3A_1267 = arith.constant 0 : index
          %swap3A_1268 = tpu.vector_load %arg13[%swap3A_1266, %swap3A_1267] {strides = array<i32>} : memref<256x128xf32, #tpu.memory_space<vmem>>, vector<16xf32>,
          tpu.vector_store %arg13[%swap3A_1266, %swap3A_1267], %get3A_1244 {add = true, strides = array<i32>} : memref<256x128xf32, #tpu.memory_space<vmem>>, vector<16xf32>,
          %swap3A_1269 = arith.index_cast %squeeze3A_1237 : i32 to index
          %swap3A_1270 = arith.constant 16 : index
          %swap3A_1271 = tpu.vector_load %arg13[%swap3A_1269, %swap3A_1270] {strides = array<i32>} : memref<256x128xf32, #tpu.memory_space<vmem>>, vector<16xf32>,
          tpu.vector_store %arg13[%swap3A_1269, %swap3A_1270], %get3A_1247 {add = true, strides = array<i32>} : memref<256x128xf32, #tpu.memory_space<vmem>>, vector<16xf32>,
          %swap3A_1272 = arith.index_cast %squeeze3A_1237 : i32 to index
          %swap3A_1273 = arith.constant 32 : index
          %swap3A_1274 = tpu.vector_load %arg13[%swap3A_1272, %swap3A_1273] {strides = array<i32>} : memref<256x128xf32, #tpu.memory_space<vmem>>, vector<16xf32>,
          tpu.vector_store %arg13[%swap3A_1272, %swap3A_1273], %get3A_1250 {add = true, strides = array<i32>} : memref<256x128xf32, #tpu.memory_space<vmem>>, vector<16xf32>,
          %swap3A_1275 = arith.index_cast %squeeze3A_1237 : i32 to index
          %swap3A_1276 = arith.constant 48 : index
          %swap3A_1277 = tpu.vector_load %arg13[%swap3A_1275, %swap3A_1276] {strides = array<i32>} : memref<256x128xf32, #tpu.memory_space<vmem>>, vector<16xf32>,
          tpu.vector_store %arg13[%swap3A_1275, %swap3A_1276], %get3A_1253 {add = true, strides = array<i32>} : memref<256x128xf32, #tpu.memory_space<vmem>>, vector<16xf32>,
          %swap3A_1278 = arith.index_cast %squeeze3A_1237 : i32 to index
          %swap3A_1279 = arith.constant 64 : index
          %swap3A_1280 = tpu.vector_load %arg13[%swap3A_1278, %swap3A_1279] {strides = array<i32>} : memref<256x128xf32, #tpu.memory_space<vmem>>, vector<16xf32>,
          tpu.vector_store %arg13[%swap3A_1278, %swap3A_1279], %get3A_1256 {add = true, strides = array<i32>} : memref<256x128xf32, #tpu.memory_space<vmem>>, vector<16xf32>,
          %swap3A_1281 = arith.index_cast %squeeze3A_1237 : i32 to index
          %swap3A_1282 = arith.constant 80 : index
          %swap3A_1283 = tpu.vector_load %arg13[%swap3A_1281, %swap3A_1282] {strides = array<i32>} : memref<256x128xf32, #tpu.memory_space<vmem>>, vector<16xf32>,
          tpu.vector_store %arg13[%swap3A_1281, %swap3A_1282], %get3A_1259 {add = true, strides = array<i32>} : memref<256x128xf32, #tpu.memory_space<vmem>>, vector<16xf32>,
          %swap3A_1284 = arith.index_cast %squeeze3A_1237 : i32 to index
          %swap3A_1285 = arith.constant 96 : index
          %swap3A_1286 = tpu.vector_load %arg13[%swap3A_1284, %swap3A_1285] {strides = array<i32>} : memref<256x128xf32, #tpu.memory_space<vmem>>, vector<16xf32>,
          tpu.vector_store %arg13[%swap3A_1284, %swap3A_1285], %get3A_1262 {add = true, strides = array<i32>} : memref<256x128xf32, #tpu.memory_space<vmem>>, vector<16xf32>,
          %swap3A_1287 = arith.index_cast %squeeze3A_1237 : i32 to index
          %swap3A_1288 = arith.constant 112 : index
          %swap3A_1289 = tpu.vector_load %arg13[%swap3A_1287, %swap3A_1288] {strides = array<i32>} : memref<256x128xf32, #tpu.memory_space<vmem>>, vector<16xf32>,
          tpu.vector_store %arg13[%swap3A_1287, %swap3A_1288], %get3A_1265 {add = true, strides = array<i32>} : memref<256x128xf32, #tpu.memory_space<vmem>>, vector<16xf32>,
          %slice3A_1290 = vector.extract_strided_slice %get3A_689 {offsets = [11], sizes = [1], strides = [1]} : vector<16xi32> to vector<1xi32>
          %squeeze3A_1291 = vector.extract %slice3A_1290[0] : i32 from vector<1xi32>
          %mul3A_1292 = arith.constant 16 : i32
          %mul3A_1293 = arith.muli %scan3A_682, %mul3A_1292 : i32
          %add3A_1294 = arith.constant 11 : i32
          %add3A_1295 = arith.addi %mul3A_1293, %add3A_1294 : i32
          %get3A_1296 = arith.index_cast %add3A_1295 : i32 to index
          %get3A_1297 = arith.constant 0 : index
          %get3A_1298 = tpu.vector_load %arg8[%get3A_1296, %get3A_1297] {strides = array<i32>} : memref<64x128xf32, #tpu.memory_space<vmem>>, vector<16xf32>,
          %get3A_1299 = arith.index_cast %add3A_1295 : i32 to index
          %get3A_1300 = arith.constant 16 : index
          %get3A_1301 = tpu.vector_load %arg8[%get3A_1299, %get3A_1300] {strides = array<i32>} : memref<64x128xf32, #tpu.memory_space<vmem>>, vector<16xf32>,
          %get3A_1302 = arith.index_cast %add3A_1295 : i32 to index
          %get3A_1303 = arith.constant 32 : index
          %get3A_1304 = tpu.vector_load %arg8[%get3A_1302, %get3A_1303] {strides = array<i32>} : memref<64x128xf32, #tpu.memory_space<vmem>>, vector<16xf32>,
          %get3A_1305 = arith.index_cast %add3A_1295 : i32 to index
          %get3A_1306 = arith.constant 48 : index
          %get3A_1307 = tpu.vector_load %arg8[%get3A_1305, %get3A_1306] {strides = array<i32>} : memref<64x128xf32, #tpu.memory_space<vmem>>, vector<16xf32>,
          %get3A_1308 = arith.index_cast %add3A_1295 : i32 to index
          %get3A_1309 = arith.constant 64 : index
          %get3A_1310 = tpu.vector_load %arg8[%get3A_1308, %get3A_1309] {strides = array<i32>} : memref<64x128xf32, #tpu.memory_space<vmem>>, vector<16xf32>,
          %get3A_1311 = arith.index_cast %add3A_1295 : i32 to index
          %get3A_1312 = arith.constant 80 : index
          %get3A_1313 = tpu.vector_load %arg8[%get3A_1311, %get3A_1312] {strides = array<i32>} : memref<64x128xf32, #tpu.memory_space<vmem>>, vector<16xf32>,
          %get3A_1314 = arith.index_cast %add3A_1295 : i32 to index
          %get3A_1315 = arith.constant 96 : index
          %get3A_1316 = tpu.vector_load %arg8[%get3A_1314, %get3A_1315] {strides = array<i32>} : memref<64x128xf32, #tpu.memory_space<vmem>>, vector<16xf32>,
          %get3A_1317 = arith.index_cast %add3A_1295 : i32 to index
          %get3A_1318 = arith.constant 112 : index
          %get3A_1319 = tpu.vector_load %arg8[%get3A_1317, %get3A_1318] {strides = array<i32>} : memref<64x128xf32, #tpu.memory_space<vmem>>, vector<16xf32>,
          %swap3A_1320 = arith.index_cast %squeeze3A_1291 : i32 to index
          %swap3A_1321 = arith.constant 0 : index
          %swap3A_1322 = tpu.vector_load %arg13[%swap3A_1320, %swap3A_1321] {strides = array<i32>} : memref<256x128xf32, #tpu.memory_space<vmem>>, vector<16xf32>,
          tpu.vector_store %arg13[%swap3A_1320, %swap3A_1321], %get3A_1298 {add = true, strides = array<i32>} : memref<256x128xf32, #tpu.memory_space<vmem>>, vector<16xf32>,
          %swap3A_1323 = arith.index_cast %squeeze3A_1291 : i32 to index
          %swap3A_1324 = arith.constant 16 : index
          %swap3A_1325 = tpu.vector_load %arg13[%swap3A_1323, %swap3A_1324] {strides = array<i32>} : memref<256x128xf32, #tpu.memory_space<vmem>>, vector<16xf32>,
          tpu.vector_store %arg13[%swap3A_1323, %swap3A_1324], %get3A_1301 {add = true, strides = array<i32>} : memref<256x128xf32, #tpu.memory_space<vmem>>, vector<16xf32>,
          %swap3A_1326 = arith.index_cast %squeeze3A_1291 : i32 to index
          %swap3A_1327 = arith.constant 32 : index
          %swap3A_1328 = tpu.vector_load %arg13[%swap3A_1326, %swap3A_1327] {strides = array<i32>} : memref<256x128xf32, #tpu.memory_space<vmem>>, vector<16xf32>,
          tpu.vector_store %arg13[%swap3A_1326, %swap3A_1327], %get3A_1304 {add = true, strides = array<i32>} : memref<256x128xf32, #tpu.memory_space<vmem>>, vector<16xf32>,
          %swap3A_1329 = arith.index_cast %squeeze3A_1291 : i32 to index
          %swap3A_1330 = arith.constant 48 : index
          %swap3A_1331 = tpu.vector_load %arg13[%swap3A_1329, %swap3A_1330] {strides = array<i32>} : memref<256x128xf32, #tpu.memory_space<vmem>>, vector<16xf32>,
          tpu.vector_store %arg13[%swap3A_1329, %swap3A_1330], %get3A_1307 {add = true, strides = array<i32>} : memref<256x128xf32, #tpu.memory_space<vmem>>, vector<16xf32>,
          %swap3A_1332 = arith.index_cast %squeeze3A_1291 : i32 to index
          %swap3A_1333 = arith.constant 64 : index
          %swap3A_1334 = tpu.vector_load %arg13[%swap3A_1332, %swap3A_1333] {strides = array<i32>} : memref<256x128xf32, #tpu.memory_space<vmem>>, vector<16xf32>,
          tpu.vector_store %arg13[%swap3A_1332, %swap3A_1333], %get3A_1310 {add = true, strides = array<i32>} : memref<256x128xf32, #tpu.memory_space<vmem>>, vector<16xf32>,
          %swap3A_1335 = arith.index_cast %squeeze3A_1291 : i32 to index
          %swap3A_1336 = arith.constant 80 : index
          %swap3A_1337 = tpu.vector_load %arg13[%swap3A_1335, %swap3A_1336] {strides = array<i32>} : memref<256x128xf32, #tpu.memory_space<vmem>>, vector<16xf32>,
          tpu.vector_store %arg13[%swap3A_1335, %swap3A_1336], %get3A_1313 {add = true, strides = array<i32>} : memref<256x128xf32, #tpu.memory_space<vmem>>, vector<16xf32>,
          %swap3A_1338 = arith.index_cast %squeeze3A_1291 : i32 to index
          %swap3A_1339 = arith.constant 96 : index
          %swap3A_1340 = tpu.vector_load %arg13[%swap3A_1338, %swap3A_1339] {strides = array<i32>} : memref<256x128xf32, #tpu.memory_space<vmem>>, vector<16xf32>,
          tpu.vector_store %arg13[%swap3A_1338, %swap3A_1339], %get3A_1316 {add = true, strides = array<i32>} : memref<256x128xf32, #tpu.memory_space<vmem>>, vector<16xf32>,
          %swap3A_1341 = arith.index_cast %squeeze3A_1291 : i32 to index
          %swap3A_1342 = arith.constant 112 : index
          %swap3A_1343 = tpu.vector_load %arg13[%swap3A_1341, %swap3A_1342] {strides = array<i32>} : memref<256x128xf32, #tpu.memory_space<vmem>>, vector<16xf32>,
          tpu.vector_store %arg13[%swap3A_1341, %swap3A_1342], %get3A_1319 {add = true, strides = array<i32>} : memref<256x128xf32, #tpu.memory_space<vmem>>, vector<16xf32>,
          %slice3A_1344 = vector.extract_strided_slice %get3A_689 {offsets = [12], sizes = [1], strides = [1]} : vector<16xi32> to vector<1xi32>
          %squeeze3A_1345 = vector.extract %slice3A_1344[0] : i32 from vector<1xi32>
          %mul3A_1346 = arith.constant 16 : i32
          %mul3A_1347 = arith.muli %scan3A_682, %mul3A_1346 : i32
          %add3A_1348 = arith.constant 12 : i32
          %add3A_1349 = arith.addi %mul3A_1347, %add3A_1348 : i32
          %get3A_1350 = arith.index_cast %add3A_1349 : i32 to index
          %get3A_1351 = arith.constant 0 : index
          %get3A_1352 = tpu.vector_load %arg8[%get3A_1350, %get3A_1351] {strides = array<i32>} : memref<64x128xf32, #tpu.memory_space<vmem>>, vector<16xf32>,
          %get3A_1353 = arith.index_cast %add3A_1349 : i32 to index
          %get3A_1354 = arith.constant 16 : index
          %get3A_1355 = tpu.vector_load %arg8[%get3A_1353, %get3A_1354] {strides = array<i32>} : memref<64x128xf32, #tpu.memory_space<vmem>>, vector<16xf32>,
          %get3A_1356 = arith.index_cast %add3A_1349 : i32 to index
          %get3A_1357 = arith.constant 32 : index
          %get3A_1358 = tpu.vector_load %arg8[%get3A_1356, %get3A_1357] {strides = array<i32>} : memref<64x128xf32, #tpu.memory_space<vmem>>, vector<16xf32>,
          %get3A_1359 = arith.index_cast %add3A_1349 : i32 to index
          %get3A_1360 = arith.constant 48 : index
          %get3A_1361 = tpu.vector_load %arg8[%get3A_1359, %get3A_1360] {strides = array<i32>} : memref<64x128xf32, #tpu.memory_space<vmem>>, vector<16xf32>,
          %get3A_1362 = arith.index_cast %add3A_1349 : i32 to index
          %get3A_1363 = arith.constant 64 : index
          %get3A_1364 = tpu.vector_load %arg8[%get3A_1362, %get3A_1363] {strides = array<i32>} : memref<64x128xf32, #tpu.memory_space<vmem>>, vector<16xf32>,
          %get3A_1365 = arith.index_cast %add3A_1349 : i32 to index
          %get3A_1366 = arith.constant 80 : index
          %get3A_1367 = tpu.vector_load %arg8[%get3A_1365, %get3A_1366] {strides = array<i32>} : memref<64x128xf32, #tpu.memory_space<vmem>>, vector<16xf32>,
          %get3A_1368 = arith.index_cast %add3A_1349 : i32 to index
          %get3A_1369 = arith.constant 96 : index
          %get3A_1370 = tpu.vector_load %arg8[%get3A_1368, %get3A_1369] {strides = array<i32>} : memref<64x128xf32, #tpu.memory_space<vmem>>, vector<16xf32>,
          %get3A_1371 = arith.index_cast %add3A_1349 : i32 to index
          %get3A_1372 = arith.constant 112 : index
          %get3A_1373 = tpu.vector_load %arg8[%get3A_1371, %get3A_1372] {strides = array<i32>} : memref<64x128xf32, #tpu.memory_space<vmem>>, vector<16xf32>,
          %swap3A_1374 = arith.index_cast %squeeze3A_1345 : i32 to index
          %swap3A_1375 = arith.constant 0 : index
          %swap3A_1376 = tpu.vector_load %arg13[%swap3A_1374, %swap3A_1375] {strides = array<i32>} : memref<256x128xf32, #tpu.memory_space<vmem>>, vector<16xf32>,
          tpu.vector_store %arg13[%swap3A_1374, %swap3A_1375], %get3A_1352 {add = true, strides = array<i32>} : memref<256x128xf32, #tpu.memory_space<vmem>>, vector<16xf32>,
          %swap3A_1377 = arith.index_cast %squeeze3A_1345 : i32 to index
          %swap3A_1378 = arith.constant 16 : index
          %swap3A_1379 = tpu.vector_load %arg13[%swap3A_1377, %swap3A_1378] {strides = array<i32>} : memref<256x128xf32, #tpu.memory_space<vmem>>, vector<16xf32>,
          tpu.vector_store %arg13[%swap3A_1377, %swap3A_1378], %get3A_1355 {add = true, strides = array<i32>} : memref<256x128xf32, #tpu.memory_space<vmem>>, vector<16xf32>,
          %swap3A_1380 = arith.index_cast %squeeze3A_1345 : i32 to index
          %swap3A_1381 = arith.constant 32 : index
          %swap3A_1382 = tpu.vector_load %arg13[%swap3A_1380, %swap3A_1381] {strides = array<i32>} : memref<256x128xf32, #tpu.memory_space<vmem>>, vector<16xf32>,
          tpu.vector_store %arg13[%swap3A_1380, %swap3A_1381], %get3A_1358 {add = true, strides = array<i32>} : memref<256x128xf32, #tpu.memory_space<vmem>>, vector<16xf32>,
          %swap3A_1383 = arith.index_cast %squeeze3A_1345 : i32 to index
          %swap3A_1384 = arith.constant 48 : index
          %swap3A_1385 = tpu.vector_load %arg13[%swap3A_1383, %swap3A_1384] {strides = array<i32>} : memref<256x128xf32, #tpu.memory_space<vmem>>, vector<16xf32>,
          tpu.vector_store %arg13[%swap3A_1383, %swap3A_1384], %get3A_1361 {add = true, strides = array<i32>} : memref<256x128xf32, #tpu.memory_space<vmem>>, vector<16xf32>,
          %swap3A_1386 = arith.index_cast %squeeze3A_1345 : i32 to index
          %swap3A_1387 = arith.constant 64 : index
          %swap3A_1388 = tpu.vector_load %arg13[%swap3A_1386, %swap3A_1387] {strides = array<i32>} : memref<256x128xf32, #tpu.memory_space<vmem>>, vector<16xf32>,
          tpu.vector_store %arg13[%swap3A_1386, %swap3A_1387], %get3A_1364 {add = true, strides = array<i32>} : memref<256x128xf32, #tpu.memory_space<vmem>>, vector<16xf32>,
          %swap3A_1389 = arith.index_cast %squeeze3A_1345 : i32 to index
          %swap3A_1390 = arith.constant 80 : index
          %swap3A_1391 = tpu.vector_load %arg13[%swap3A_1389, %swap3A_1390] {strides = array<i32>} : memref<256x128xf32, #tpu.memory_space<vmem>>, vector<16xf32>,
          tpu.vector_store %arg13[%swap3A_1389, %swap3A_1390], %get3A_1367 {add = true, strides = array<i32>} : memref<256x128xf32, #tpu.memory_space<vmem>>, vector<16xf32>,
          %swap3A_1392 = arith.index_cast %squeeze3A_1345 : i32 to index
          %swap3A_1393 = arith.constant 96 : index
          %swap3A_1394 = tpu.vector_load %arg13[%swap3A_1392, %swap3A_1393] {strides = array<i32>} : memref<256x128xf32, #tpu.memory_space<vmem>>, vector<16xf32>,
          tpu.vector_store %arg13[%swap3A_1392, %swap3A_1393], %get3A_1370 {add = true, strides = array<i32>} : memref<256x128xf32, #tpu.memory_space<vmem>>, vector<16xf32>,
          %swap3A_1395 = arith.index_cast %squeeze3A_1345 : i32 to index
          %swap3A_1396 = arith.constant 112 : index
          %swap3A_1397 = tpu.vector_load %arg13[%swap3A_1395, %swap3A_1396] {strides = array<i32>} : memref<256x128xf32, #tpu.memory_space<vmem>>, vector<16xf32>,
          tpu.vector_store %arg13[%swap3A_1395, %swap3A_1396], %get3A_1373 {add = true, strides = array<i32>} : memref<256x128xf32, #tpu.memory_space<vmem>>, vector<16xf32>,
          %slice3A_1398 = vector.extract_strided_slice %get3A_689 {offsets = [13], sizes = [1], strides = [1]} : vector<16xi32> to vector<1xi32>
          %squeeze3A_1399 = vector.extract %slice3A_1398[0] : i32 from vector<1xi32>
          %mul3A_1400 = arith.constant 16 : i32
          %mul3A_1401 = arith.muli %scan3A_682, %mul3A_1400 : i32
          %add3A_1402 = arith.constant 13 : i32
          %add3A_1403 = arith.addi %mul3A_1401, %add3A_1402 : i32
          %get3A_1404 = arith.index_cast %add3A_1403 : i32 to index
          %get3A_1405 = arith.constant 0 : index
          %get3A_1406 = tpu.vector_load %arg8[%get3A_1404, %get3A_1405] {strides = array<i32>} : memref<64x128xf32, #tpu.memory_space<vmem>>, vector<16xf32>,
          %get3A_1407 = arith.index_cast %add3A_1403 : i32 to index
          %get3A_1408 = arith.constant 16 : index
          %get3A_1409 = tpu.vector_load %arg8[%get3A_1407, %get3A_1408] {strides = array<i32>} : memref<64x128xf32, #tpu.memory_space<vmem>>, vector<16xf32>,
          %get3A_1410 = arith.index_cast %add3A_1403 : i32 to index
          %get3A_1411 = arith.constant 32 : index
          %get3A_1412 = tpu.vector_load %arg8[%get3A_1410, %get3A_1411] {strides = array<i32>} : memref<64x128xf32, #tpu.memory_space<vmem>>, vector<16xf32>,
          %get3A_1413 = arith.index_cast %add3A_1403 : i32 to index
          %get3A_1414 = arith.constant 48 : index
          %get3A_1415 = tpu.vector_load %arg8[%get3A_1413, %get3A_1414] {strides = array<i32>} : memref<64x128xf32, #tpu.memory_space<vmem>>, vector<16xf32>,
          %get3A_1416 = arith.index_cast %add3A_1403 : i32 to index
          %get3A_1417 = arith.constant 64 : index
          %get3A_1418 = tpu.vector_load %arg8[%get3A_1416, %get3A_1417] {strides = array<i32>} : memref<64x128xf32, #tpu.memory_space<vmem>>, vector<16xf32>,
          %get3A_1419 = arith.index_cast %add3A_1403 : i32 to index
          %get3A_1420 = arith.constant 80 : index
          %get3A_1421 = tpu.vector_load %arg8[%get3A_1419, %get3A_1420] {strides = array<i32>} : memref<64x128xf32, #tpu.memory_space<vmem>>, vector<16xf32>,
          %get3A_1422 = arith.index_cast %add3A_1403 : i32 to index
          %get3A_1423 = arith.constant 96 : index
          %get3A_1424 = tpu.vector_load %arg8[%get3A_1422, %get3A_1423] {strides = array<i32>} : memref<64x128xf32, #tpu.memory_space<vmem>>, vector<16xf32>,
          %get3A_1425 = arith.index_cast %add3A_1403 : i32 to index
          %get3A_1426 = arith.constant 112 : index
          %get3A_1427 = tpu.vector_load %arg8[%get3A_1425, %get3A_1426] {strides = array<i32>} : memref<64x128xf32, #tpu.memory_space<vmem>>, vector<16xf32>,
          %swap3A_1428 = arith.index_cast %squeeze3A_1399 : i32 to index
          %swap3A_1429 = arith.constant 0 : index
          %swap3A_1430 = tpu.vector_load %arg13[%swap3A_1428, %swap3A_1429] {strides = array<i32>} : memref<256x128xf32, #tpu.memory_space<vmem>>, vector<16xf32>,
          tpu.vector_store %arg13[%swap3A_1428, %swap3A_1429], %get3A_1406 {add = true, strides = array<i32>} : memref<256x128xf32, #tpu.memory_space<vmem>>, vector<16xf32>,
          %swap3A_1431 = arith.index_cast %squeeze3A_1399 : i32 to index
          %swap3A_1432 = arith.constant 16 : index
          %swap3A_1433 = tpu.vector_load %arg13[%swap3A_1431, %swap3A_1432] {strides = array<i32>} : memref<256x128xf32, #tpu.memory_space<vmem>>, vector<16xf32>,
          tpu.vector_store %arg13[%swap3A_1431, %swap3A_1432], %get3A_1409 {add = true, strides = array<i32>} : memref<256x128xf32, #tpu.memory_space<vmem>>, vector<16xf32>,
          %swap3A_1434 = arith.index_cast %squeeze3A_1399 : i32 to index
          %swap3A_1435 = arith.constant 32 : index
          %swap3A_1436 = tpu.vector_load %arg13[%swap3A_1434, %swap3A_1435] {strides = array<i32>} : memref<256x128xf32, #tpu.memory_space<vmem>>, vector<16xf32>,
          tpu.vector_store %arg13[%swap3A_1434, %swap3A_1435], %get3A_1412 {add = true, strides = array<i32>} : memref<256x128xf32, #tpu.memory_space<vmem>>, vector<16xf32>,
          %swap3A_1437 = arith.index_cast %squeeze3A_1399 : i32 to index
          %swap3A_1438 = arith.constant 48 : index
          %swap3A_1439 = tpu.vector_load %arg13[%swap3A_1437, %swap3A_1438] {strides = array<i32>} : memref<256x128xf32, #tpu.memory_space<vmem>>, vector<16xf32>,
          tpu.vector_store %arg13[%swap3A_1437, %swap3A_1438], %get3A_1415 {add = true, strides = array<i32>} : memref<256x128xf32, #tpu.memory_space<vmem>>, vector<16xf32>,
          %swap3A_1440 = arith.index_cast %squeeze3A_1399 : i32 to index
          %swap3A_1441 = arith.constant 64 : index
          %swap3A_1442 = tpu.vector_load %arg13[%swap3A_1440, %swap3A_1441] {strides = array<i32>} : memref<256x128xf32, #tpu.memory_space<vmem>>, vector<16xf32>,
          tpu.vector_store %arg13[%swap3A_1440, %swap3A_1441], %get3A_1418 {add = true, strides = array<i32>} : memref<256x128xf32, #tpu.memory_space<vmem>>, vector<16xf32>,
          %swap3A_1443 = arith.index_cast %squeeze3A_1399 : i32 to index
          %swap3A_1444 = arith.constant 80 : index
          %swap3A_1445 = tpu.vector_load %arg13[%swap3A_1443, %swap3A_1444] {strides = array<i32>} : memref<256x128xf32, #tpu.memory_space<vmem>>, vector<16xf32>,
          tpu.vector_store %arg13[%swap3A_1443, %swap3A_1444], %get3A_1421 {add = true, strides = array<i32>} : memref<256x128xf32, #tpu.memory_space<vmem>>, vector<16xf32>,
          %swap3A_1446 = arith.index_cast %squeeze3A_1399 : i32 to index
          %swap3A_1447 = arith.constant 96 : index
          %swap3A_1448 = tpu.vector_load %arg13[%swap3A_1446, %swap3A_1447] {strides = array<i32>} : memref<256x128xf32, #tpu.memory_space<vmem>>, vector<16xf32>,
          tpu.vector_store %arg13[%swap3A_1446, %swap3A_1447], %get3A_1424 {add = true, strides = array<i32>} : memref<256x128xf32, #tpu.memory_space<vmem>>, vector<16xf32>,
          %swap3A_1449 = arith.index_cast %squeeze3A_1399 : i32 to index
          %swap3A_1450 = arith.constant 112 : index
          %swap3A_1451 = tpu.vector_load %arg13[%swap3A_1449, %swap3A_1450] {strides = array<i32>} : memref<256x128xf32, #tpu.memory_space<vmem>>, vector<16xf32>,
          tpu.vector_store %arg13[%swap3A_1449, %swap3A_1450], %get3A_1427 {add = true, strides = array<i32>} : memref<256x128xf32, #tpu.memory_space<vmem>>, vector<16xf32>,
          %slice3A_1452 = vector.extract_strided_slice %get3A_689 {offsets = [14], sizes = [1], strides = [1]} : vector<16xi32> to vector<1xi32>
          %squeeze3A_1453 = vector.extract %slice3A_1452[0] : i32 from vector<1xi32>
          %mul3A_1454 = arith.constant 16 : i32
          %mul3A_1455 = arith.muli %scan3A_682, %mul3A_1454 : i32
          %add3A_1456 = arith.constant 14 : i32
          %add3A_1457 = arith.addi %mul3A_1455, %add3A_1456 : i32
          %get3A_1458 = arith.index_cast %add3A_1457 : i32 to index
          %get3A_1459 = arith.constant 0 : index
          %get3A_1460 = tpu.vector_load %arg8[%get3A_1458, %get3A_1459] {strides = array<i32>} : memref<64x128xf32, #tpu.memory_space<vmem>>, vector<16xf32>,
          %get3A_1461 = arith.index_cast %add3A_1457 : i32 to index
          %get3A_1462 = arith.constant 16 : index
          %get3A_1463 = tpu.vector_load %arg8[%get3A_1461, %get3A_1462] {strides = array<i32>} : memref<64x128xf32, #tpu.memory_space<vmem>>, vector<16xf32>,
          %get3A_1464 = arith.index_cast %add3A_1457 : i32 to index
          %get3A_1465 = arith.constant 32 : index
          %get3A_1466 = tpu.vector_load %arg8[%get3A_1464, %get3A_1465] {strides = array<i32>} : memref<64x128xf32, #tpu.memory_space<vmem>>, vector<16xf32>,
          %get3A_1467 = arith.index_cast %add3A_1457 : i32 to index
          %get3A_1468 = arith.constant 48 : index
          %get3A_1469 = tpu.vector_load %arg8[%get3A_1467, %get3A_1468] {strides = array<i32>} : memref<64x128xf32, #tpu.memory_space<vmem>>, vector<16xf32>,
          %get3A_1470 = arith.index_cast %add3A_1457 : i32 to index
          %get3A_1471 = arith.constant 64 : index
          %get3A_1472 = tpu.vector_load %arg8[%get3A_1470, %get3A_1471] {strides = array<i32>} : memref<64x128xf32, #tpu.memory_space<vmem>>, vector<16xf32>,
          %get3A_1473 = arith.index_cast %add3A_1457 : i32 to index
          %get3A_1474 = arith.constant 80 : index
          %get3A_1475 = tpu.vector_load %arg8[%get3A_1473, %get3A_1474] {strides = array<i32>} : memref<64x128xf32, #tpu.memory_space<vmem>>, vector<16xf32>,
          %get3A_1476 = arith.index_cast %add3A_1457 : i32 to index
          %get3A_1477 = arith.constant 96 : index
          %get3A_1478 = tpu.vector_load %arg8[%get3A_1476, %get3A_1477] {strides = array<i32>} : memref<64x128xf32, #tpu.memory_space<vmem>>, vector<16xf32>,
          %get3A_1479 = arith.index_cast %add3A_1457 : i32 to index
          %get3A_1480 = arith.constant 112 : index
          %get3A_1481 = tpu.vector_load %arg8[%get3A_1479, %get3A_1480] {strides = array<i32>} : memref<64x128xf32, #tpu.memory_space<vmem>>, vector<16xf32>,
          %swap3A_1482 = arith.index_cast %squeeze3A_1453 : i32 to index
          %swap3A_1483 = arith.constant 0 : index
          %swap3A_1484 = tpu.vector_load %arg13[%swap3A_1482, %swap3A_1483] {strides = array<i32>} : memref<256x128xf32, #tpu.memory_space<vmem>>, vector<16xf32>,
          tpu.vector_store %arg13[%swap3A_1482, %swap3A_1483], %get3A_1460 {add = true, strides = array<i32>} : memref<256x128xf32, #tpu.memory_space<vmem>>, vector<16xf32>,
          %swap3A_1485 = arith.index_cast %squeeze3A_1453 : i32 to index
          %swap3A_1486 = arith.constant 16 : index
          %swap3A_1487 = tpu.vector_load %arg13[%swap3A_1485, %swap3A_1486] {strides = array<i32>} : memref<256x128xf32, #tpu.memory_space<vmem>>, vector<16xf32>,
          tpu.vector_store %arg13[%swap3A_1485, %swap3A_1486], %get3A_1463 {add = true, strides = array<i32>} : memref<256x128xf32, #tpu.memory_space<vmem>>, vector<16xf32>,
          %swap3A_1488 = arith.index_cast %squeeze3A_1453 : i32 to index
          %swap3A_1489 = arith.constant 32 : index
          %swap3A_1490 = tpu.vector_load %arg13[%swap3A_1488, %swap3A_1489] {strides = array<i32>} : memref<256x128xf32, #tpu.memory_space<vmem>>, vector<16xf32>,
          tpu.vector_store %arg13[%swap3A_1488, %swap3A_1489], %get3A_1466 {add = true, strides = array<i32>} : memref<256x128xf32, #tpu.memory_space<vmem>>, vector<16xf32>,
          %swap3A_1491 = arith.index_cast %squeeze3A_1453 : i32 to index
          %swap3A_1492 = arith.constant 48 : index
          %swap3A_1493 = tpu.vector_load %arg13[%swap3A_1491, %swap3A_1492] {strides = array<i32>} : memref<256x128xf32, #tpu.memory_space<vmem>>, vector<16xf32>,
          tpu.vector_store %arg13[%swap3A_1491, %swap3A_1492], %get3A_1469 {add = true, strides = array<i32>} : memref<256x128xf32, #tpu.memory_space<vmem>>, vector<16xf32>,
          %swap3A_1494 = arith.index_cast %squeeze3A_1453 : i32 to index
          %swap3A_1495 = arith.constant 64 : index
          %swap3A_1496 = tpu.vector_load %arg13[%swap3A_1494, %swap3A_1495] {strides = array<i32>} : memref<256x128xf32, #tpu.memory_space<vmem>>, vector<16xf32>,
          tpu.vector_store %arg13[%swap3A_1494, %swap3A_1495], %get3A_1472 {add = true, strides = array<i32>} : memref<256x128xf32, #tpu.memory_space<vmem>>, vector<16xf32>,
          %swap3A_1497 = arith.index_cast %squeeze3A_1453 : i32 to index
          %swap3A_1498 = arith.constant 80 : index
          %swap3A_1499 = tpu.vector_load %arg13[%swap3A_1497, %swap3A_1498] {strides = array<i32>} : memref<256x128xf32, #tpu.memory_space<vmem>>, vector<16xf32>,
          tpu.vector_store %arg13[%swap3A_1497, %swap3A_1498], %get3A_1475 {add = true, strides = array<i32>} : memref<256x128xf32, #tpu.memory_space<vmem>>, vector<16xf32>,
          %swap3A_1500 = arith.index_cast %squeeze3A_1453 : i32 to index
          %swap3A_1501 = arith.constant 96 : index
          %swap3A_1502 = tpu.vector_load %arg13[%swap3A_1500, %swap3A_1501] {strides = array<i32>} : memref<256x128xf32, #tpu.memory_space<vmem>>, vector<16xf32>,
          tpu.vector_store %arg13[%swap3A_1500, %swap3A_1501], %get3A_1478 {add = true, strides = array<i32>} : memref<256x128xf32, #tpu.memory_space<vmem>>, vector<16xf32>,
          %swap3A_1503 = arith.index_cast %squeeze3A_1453 : i32 to index
          %swap3A_1504 = arith.constant 112 : index
          %swap3A_1505 = tpu.vector_load %arg13[%swap3A_1503, %swap3A_1504] {strides = array<i32>} : memref<256x128xf32, #tpu.memory_space<vmem>>, vector<16xf32>,
          tpu.vector_store %arg13[%swap3A_1503, %swap3A_1504], %get3A_1481 {add = true, strides = array<i32>} : memref<256x128xf32, #tpu.memory_space<vmem>>, vector<16xf32>,
          %slice3A_1506 = vector.extract_strided_slice %get3A_689 {offsets = [15], sizes = [1], strides = [1]} : vector<16xi32> to vector<1xi32>
          %squeeze3A_1507 = vector.extract %slice3A_1506[0] : i32 from vector<1xi32>
          %mul3A_1508 = arith.constant 16 : i32
          %mul3A_1509 = arith.muli %scan3A_682, %mul3A_1508 : i32
          %add3A_1510 = arith.constant 15 : i32
          %add3A_1511 = arith.addi %mul3A_1509, %add3A_1510 : i32
          %get3A_1512 = arith.index_cast %add3A_1511 : i32 to index
          %get3A_1513 = arith.constant 0 : index
          %get3A_1514 = tpu.vector_load %arg8[%get3A_1512, %get3A_1513] {strides = array<i32>} : memref<64x128xf32, #tpu.memory_space<vmem>>, vector<16xf32>,
          %get3A_1515 = arith.index_cast %add3A_1511 : i32 to index
          %get3A_1516 = arith.constant 16 : index
          %get3A_1517 = tpu.vector_load %arg8[%get3A_1515, %get3A_1516] {strides = array<i32>} : memref<64x128xf32, #tpu.memory_space<vmem>>, vector<16xf32>,
          %get3A_1518 = arith.index_cast %add3A_1511 : i32 to index
          %get3A_1519 = arith.constant 32 : index
          %get3A_1520 = tpu.vector_load %arg8[%get3A_1518, %get3A_1519] {strides = array<i32>} : memref<64x128xf32, #tpu.memory_space<vmem>>, vector<16xf32>,
          %get3A_1521 = arith.index_cast %add3A_1511 : i32 to index
          %get3A_1522 = arith.constant 48 : index
          %get3A_1523 = tpu.vector_load %arg8[%get3A_1521, %get3A_1522] {strides = array<i32>} : memref<64x128xf32, #tpu.memory_space<vmem>>, vector<16xf32>,
          %get3A_1524 = arith.index_cast %add3A_1511 : i32 to index
          %get3A_1525 = arith.constant 64 : index
          %get3A_1526 = tpu.vector_load %arg8[%get3A_1524, %get3A_1525] {strides = array<i32>} : memref<64x128xf32, #tpu.memory_space<vmem>>, vector<16xf32>,
          %get3A_1527 = arith.index_cast %add3A_1511 : i32 to index
          %get3A_1528 = arith.constant 80 : index
          %get3A_1529 = tpu.vector_load %arg8[%get3A_1527, %get3A_1528] {strides = array<i32>} : memref<64x128xf32, #tpu.memory_space<vmem>>, vector<16xf32>,
          %get3A_1530 = arith.index_cast %add3A_1511 : i32 to index
          %get3A_1531 = arith.constant 96 : index
          %get3A_1532 = tpu.vector_load %arg8[%get3A_1530, %get3A_1531] {strides = array<i32>} : memref<64x128xf32, #tpu.memory_space<vmem>>, vector<16xf32>,
          %get3A_1533 = arith.index_cast %add3A_1511 : i32 to index
          %get3A_1534 = arith.constant 112 : index
          %get3A_1535 = tpu.vector_load %arg8[%get3A_1533, %get3A_1534] {strides = array<i32>} : memref<64x128xf32, #tpu.memory_space<vmem>>, vector<16xf32>,
          %swap3A_1536 = arith.index_cast %squeeze3A_1507 : i32 to index
          %swap3A_1537 = arith.constant 0 : index
          %swap3A_1538 = tpu.vector_load %arg13[%swap3A_1536, %swap3A_1537] {strides = array<i32>} : memref<256x128xf32, #tpu.memory_space<vmem>>, vector<16xf32>,
          tpu.vector_store %arg13[%swap3A_1536, %swap3A_1537], %get3A_1514 {add = true, strides = array<i32>} : memref<256x128xf32, #tpu.memory_space<vmem>>, vector<16xf32>,
          %swap3A_1539 = arith.index_cast %squeeze3A_1507 : i32 to index
          %swap3A_1540 = arith.constant 16 : index
          %swap3A_1541 = tpu.vector_load %arg13[%swap3A_1539, %swap3A_1540] {strides = array<i32>} : memref<256x128xf32, #tpu.memory_space<vmem>>, vector<16xf32>,
          tpu.vector_store %arg13[%swap3A_1539, %swap3A_1540], %get3A_1517 {add = true, strides = array<i32>} : memref<256x128xf32, #tpu.memory_space<vmem>>, vector<16xf32>,
          %swap3A_1542 = arith.index_cast %squeeze3A_1507 : i32 to index
          %swap3A_1543 = arith.constant 32 : index
          %swap3A_1544 = tpu.vector_load %arg13[%swap3A_1542, %swap3A_1543] {strides = array<i32>} : memref<256x128xf32, #tpu.memory_space<vmem>>, vector<16xf32>,
          tpu.vector_store %arg13[%swap3A_1542, %swap3A_1543], %get3A_1520 {add = true, strides = array<i32>} : memref<256x128xf32, #tpu.memory_space<vmem>>, vector<16xf32>,
          %swap3A_1545 = arith.index_cast %squeeze3A_1507 : i32 to index
          %swap3A_1546 = arith.constant 48 : index
          %swap3A_1547 = tpu.vector_load %arg13[%swap3A_1545, %swap3A_1546] {strides = array<i32>} : memref<256x128xf32, #tpu.memory_space<vmem>>, vector<16xf32>,
          tpu.vector_store %arg13[%swap3A_1545, %swap3A_1546], %get3A_1523 {add = true, strides = array<i32>} : memref<256x128xf32, #tpu.memory_space<vmem>>, vector<16xf32>,
          %swap3A_1548 = arith.index_cast %squeeze3A_1507 : i32 to index
          %swap3A_1549 = arith.constant 64 : index
          %swap3A_1550 = tpu.vector_load %arg13[%swap3A_1548, %swap3A_1549] {strides = array<i32>} : memref<256x128xf32, #tpu.memory_space<vmem>>, vector<16xf32>,
          tpu.vector_store %arg13[%swap3A_1548, %swap3A_1549], %get3A_1526 {add = true, strides = array<i32>} : memref<256x128xf32, #tpu.memory_space<vmem>>, vector<16xf32>,
          %swap3A_1551 = arith.index_cast %squeeze3A_1507 : i32 to index
          %swap3A_1552 = arith.constant 80 : index
          %swap3A_1553 = tpu.vector_load %arg13[%swap3A_1551, %swap3A_1552] {strides = array<i32>} : memref<256x128xf32, #tpu.memory_space<vmem>>, vector<16xf32>,
          tpu.vector_store %arg13[%swap3A_1551, %swap3A_1552], %get3A_1529 {add = true, strides = array<i32>} : memref<256x128xf32, #tpu.memory_space<vmem>>, vector<16xf32>,
          %swap3A_1554 = arith.index_cast %squeeze3A_1507 : i32 to index
          %swap3A_1555 = arith.constant 96 : index
          %swap3A_1556 = tpu.vector_load %arg13[%swap3A_1554, %swap3A_1555] {strides = array<i32>} : memref<256x128xf32, #tpu.memory_space<vmem>>, vector<16xf32>,
          tpu.vector_store %arg13[%swap3A_1554, %swap3A_1555], %get3A_1532 {add = true, strides = array<i32>} : memref<256x128xf32, #tpu.memory_space<vmem>>, vector<16xf32>,
          %swap3A_1557 = arith.index_cast %squeeze3A_1507 : i32 to index
          %swap3A_1558 = arith.constant 112 : index
          %swap3A_1559 = tpu.vector_load %arg13[%swap3A_1557, %swap3A_1558] {strides = array<i32>} : memref<256x128xf32, #tpu.memory_space<vmem>>, vector<16xf32>,
          tpu.vector_store %arg13[%swap3A_1557, %swap3A_1558], %get3A_1535 {add = true, strides = array<i32>} : memref<256x128xf32, #tpu.memory_space<vmem>>, vector<16xf32>,
        }
      }
      %scan3A_681 = arith.constant 4 : i32
    }
    %scan3A_49 = arith.constant 2 : i32
    "tpu.region"() ({
      %run_scoped3A = tpu.sem_alloc : memref<!tpu.dma_semaphore, #tpu.memory_space<semaphore_mem>>
      %dma_start3A_644 = arith.constant 0 : i32
      %dma_start3A_645 = arith.constant 0 : i32
      %dma_start3A_646 = tpu.memref_slice %arg4[%add3A, %dma_start3A_644, %dma_start3A_645] : memref<32x256x128xf32, #tpu.memory_space<hbm>> -> memref<1x256x128xf32, #tpu.memory_space<hbm>>
      %dma_start3A_647 = tpu.memref_squeeze %dma_start3A_646 : memref<1x256x128xf32, #tpu.memory_space<hbm>> -> memref<256x128xf32, #tpu.memory_space<hbm>>
      %dma_start3A_648 = arith.constant 0 : i32
      %dma_start3A_649 = arith.constant 0 : i32
      %dma_start3A_650 = tpu.memref_slice %arg4[%add3A, %dma_start3A_648, %dma_start3A_649] : memref<32x256x128xf32, #tpu.memory_space<hbm>> -> memref<1x256x128xf32, #tpu.memory_space<hbm>>
      %dma_start3A_651 = tpu.memref_squeeze %dma_start3A_650 : memref<1x256x128xf32, #tpu.memory_space<hbm>> -> memref<256x128xf32, #tpu.memory_space<hbm>>
      tpu.enqueue_dma source(%arg13 : memref<256x128xf32, #tpu.memory_space<vmem>>) target(%dma_start3A_651 : memref<256x128xf32, #tpu.memory_space<hbm>>) target_semaphore(%run_scoped3A : memref<!tpu.dma_semaphore, #tpu.memory_space<semaphore_mem>>)
      %dma_wait3A = arith.constant 0 : i32
      %dma_wait3A_652 = arith.constant 0 : i32
      %dma_wait3A_653 = tpu.memref_slice %arg4[%add3A, %dma_wait3A, %dma_wait3A_652] : memref<32x256x128xf32, #tpu.memory_space<hbm>> -> memref<1x256x128xf32, #tpu.memory_space<hbm>>
      %dma_wait3A_654 = tpu.memref_squeeze %dma_wait3A_653 : memref<1x256x128xf32, #tpu.memory_space<hbm>> -> memref<256x128xf32, #tpu.memory_space<hbm>>
      %dma_wait3A_655 = arith.constant 0 : i32
      %dma_wait3A_656 = arith.constant 0 : i32
      %dma_wait3A_657 = tpu.memref_slice %arg4[%add3A, %dma_wait3A_655, %dma_wait3A_656] : memref<32x256x128xf32, #tpu.memory_space<hbm>> -> memref<1x256x128xf32, #tpu.memory_space<hbm>>
      %dma_wait3A_658 = tpu.memref_squeeze %dma_wait3A_657 : memref<1x256x128xf32, #tpu.memory_space<hbm>> -> memref<256x128xf32, #tpu.memory_space<hbm>>
      tpu.wait_dma2 semaphore(%run_scoped3A : memref<!tpu.dma_semaphore, #tpu.memory_space<semaphore_mem>>) src(%arg13 : memref<256x128xf32, #tpu.memory_space<vmem>>) dst(%dma_wait3A_658 : memref<256x128xf32, #tpu.memory_space<hbm>>)
      tpu.yield
    }) : () -> ()
    %mul3A_50 = arith.constant 512 : i32
    %mul3A_51 = arith.muli %add3A, %mul3A_50 : i32
    %broadcast_in_dim3A_52 = arith.constant -1 : i32
    %broadcast_in_dim3A_53 = vector.broadcast %broadcast_in_dim3A_52 : i32 to vector<16xi32>
    %swap3A = arith.constant 0 : index
    %swap3A_54 = tpu.vector_load %arg10[%swap3A] {strides = array<i32>} : memref<544xi32, #tpu.memory_space<vmem>>, vector<16xi32>,
    tpu.vector_store %arg10[%swap3A], %broadcast_in_dim3A_53 {strides = array<i32>} : memref<544xi32, #tpu.memory_space<vmem>>, vector<16xi32>,
    "tpu.region"() ({
      %run_scoped3A = tpu.sem_alloc : memref<!tpu.dma_semaphore, #tpu.memory_space<semaphore_mem>>
      %dma_start3A_644 = arith.constant 16 : i32
      %dma_start3A_645 = tpu.memref_slice %arg10[%dma_start3A_644] : memref<544xi32, #tpu.memory_space<vmem>> -> memref<512xi32, #tpu.memory_space<vmem>>
      %dma_start3A_646 = tpu.memref_slice %arg3[%mul3A_51] : memref<16384xi32, #tpu.memory_space<hbm>> -> memref<512xi32, #tpu.memory_space<hbm>>
      %dma_start3A_647 = arith.constant 16 : i32
      %dma_start3A_648 = tpu.memref_slice %arg10[%dma_start3A_647] : memref<544xi32, #tpu.memory_space<vmem>> -> memref<512xi32, #tpu.memory_space<vmem>>
      %dma_start3A_649 = tpu.memref_slice %arg3[%mul3A_51] : memref<16384xi32, #tpu.memory_space<hbm>> -> memref<512xi32, #tpu.memory_space<hbm>>
      tpu.enqueue_dma source(%dma_start3A_649 : memref<512xi32, #tpu.memory_space<hbm>>) target(%dma_start3A_648 : memref<512xi32, #tpu.memory_space<vmem>>) target_semaphore(%run_scoped3A : memref<!tpu.dma_semaphore, #tpu.memory_space<semaphore_mem>>)
      %dma_wait3A = arith.constant 16 : i32
      %dma_wait3A_650 = tpu.memref_slice %arg10[%dma_wait3A] : memref<544xi32, #tpu.memory_space<vmem>> -> memref<512xi32, #tpu.memory_space<vmem>>
      %dma_wait3A_651 = tpu.memref_slice %arg3[%mul3A_51] : memref<16384xi32, #tpu.memory_space<hbm>> -> memref<512xi32, #tpu.memory_space<hbm>>
      %dma_wait3A_652 = arith.constant 16 : i32
      %dma_wait3A_653 = tpu.memref_slice %arg10[%dma_wait3A_652] : memref<544xi32, #tpu.memory_space<vmem>> -> memref<512xi32, #tpu.memory_space<vmem>>
      %dma_wait3A_654 = tpu.memref_slice %arg3[%mul3A_51] : memref<16384xi32, #tpu.memory_space<hbm>> -> memref<512xi32, #tpu.memory_space<hbm>>
      tpu.wait_dma2 semaphore(%run_scoped3A : memref<!tpu.dma_semaphore, #tpu.memory_space<semaphore_mem>>) src(%dma_wait3A_654 : memref<512xi32, #tpu.memory_space<hbm>>) dst(%dma_wait3A_653 : memref<512xi32, #tpu.memory_space<vmem>>)
      tpu.yield
    }) : () -> ()
    %iota3A = tpu.iota {dimensions = array<i32: 0>} : vector<16xi32>
    %broadcast_in_dim3A_55 = arith.constant 2147483647 : i32
    %broadcast_in_dim3A_56 = vector.broadcast %broadcast_in_dim3A_55 : i32 to vector<16xi32>
    %broadcast_in_dim3A_57 = arith.constant -2147483648 : i32
    %broadcast_in_dim3A_58 = vector.broadcast %broadcast_in_dim3A_57 : i32 to vector<16xi32>
    %swap3A_59 = arith.constant 0 : index
    %swap3A_60 = tpu.vector_load %arg11[%swap3A_59] {strides = array<i32>} : memref<256xi32, #tpu.memory_space<vmem>>, vector<16xi32>,
    tpu.vector_store %arg11[%swap3A_59], %broadcast_in_dim3A_56 {strides = array<i32>} : memref<256xi32, #tpu.memory_space<vmem>>, vector<16xi32>,
    %swap3A_61 = arith.constant 0 : index
    %swap3A_62 = tpu.vector_load %arg12[%swap3A_61] {strides = array<i32>} : memref<256xi32, #tpu.memory_space<vmem>>, vector<16xi32>,
    tpu.vector_store %arg12[%swap3A_61], %broadcast_in_dim3A_58 {strides = array<i32>} : memref<256xi32, #tpu.memory_space<vmem>>, vector<16xi32>,
    %swap3A_63 = arith.constant 16 : index
    %swap3A_64 = tpu.vector_load %arg11[%swap3A_63] {strides = array<i32>} : memref<256xi32, #tpu.memory_space<vmem>>, vector<16xi32>,
    tpu.vector_store %arg11[%swap3A_63], %broadcast_in_dim3A_56 {strides = array<i32>} : memref<256xi32, #tpu.memory_space<vmem>>, vector<16xi32>,
    %swap3A_65 = arith.constant 16 : index
    %swap3A_66 = tpu.vector_load %arg12[%swap3A_65] {strides = array<i32>} : memref<256xi32, #tpu.memory_space<vmem>>, vector<16xi32>,
    tpu.vector_store %arg12[%swap3A_65], %broadcast_in_dim3A_58 {strides = array<i32>} : memref<256xi32, #tpu.memory_space<vmem>>, vector<16xi32>,
    %swap3A_67 = arith.constant 32 : index
    %swap3A_68 = tpu.vector_load %arg11[%swap3A_67] {strides = array<i32>} : memref<256xi32, #tpu.memory_space<vmem>>, vector<16xi32>,
    tpu.vector_store %arg11[%swap3A_67], %broadcast_in_dim3A_56 {strides = array<i32>} : memref<256xi32, #tpu.memory_space<vmem>>, vector<16xi32>,
    %swap3A_69 = arith.constant 32 : index
    %swap3A_70 = tpu.vector_load %arg12[%swap3A_69] {strides = array<i32>} : memref<256xi32, #tpu.memory_space<vmem>>, vector<16xi32>,
    tpu.vector_store %arg12[%swap3A_69], %broadcast_in_dim3A_58 {strides = array<i32>} : memref<256xi32, #tpu.memory_space<vmem>>, vector<16xi32>,
    %swap3A_71 = arith.constant 48 : index
    %swap3A_72 = tpu.vector_load %arg11[%swap3A_71] {strides = array<i32>} : memref<256xi32, #tpu.memory_space<vmem>>, vector<16xi32>,
    tpu.vector_store %arg11[%swap3A_71], %broadcast_in_dim3A_56 {strides = array<i32>} : memref<256xi32, #tpu.memory_space<vmem>>, vector<16xi32>,
    %swap3A_73 = arith.constant 48 : index
    %swap3A_74 = tpu.vector_load %arg12[%swap3A_73] {strides = array<i32>} : memref<256xi32, #tpu.memory_space<vmem>>, vector<16xi32>,
    tpu.vector_store %arg12[%swap3A_73], %broadcast_in_dim3A_58 {strides = array<i32>} : memref<256xi32, #tpu.memory_space<vmem>>, vector<16xi32>,
    %swap3A_75 = arith.constant 64 : index
    %swap3A_76 = tpu.vector_load %arg11[%swap3A_75] {strides = array<i32>} : memref<256xi32, #tpu.memory_space<vmem>>, vector<16xi32>,
    tpu.vector_store %arg11[%swap3A_75], %broadcast_in_dim3A_56 {strides = array<i32>} : memref<256xi32, #tpu.memory_space<vmem>>, vector<16xi32>,
    %swap3A_77 = arith.constant 64 : index
    %swap3A_78 = tpu.vector_load %arg12[%swap3A_77] {strides = array<i32>} : memref<256xi32, #tpu.memory_space<vmem>>, vector<16xi32>,
    tpu.vector_store %arg12[%swap3A_77], %broadcast_in_dim3A_58 {strides = array<i32>} : memref<256xi32, #tpu.memory_space<vmem>>, vector<16xi32>,
    %swap3A_79 = arith.constant 80 : index
    %swap3A_80 = tpu.vector_load %arg11[%swap3A_79] {strides = array<i32>} : memref<256xi32, #tpu.memory_space<vmem>>, vector<16xi32>,
    tpu.vector_store %arg11[%swap3A_79], %broadcast_in_dim3A_56 {strides = array<i32>} : memref<256xi32, #tpu.memory_space<vmem>>, vector<16xi32>,
    %swap3A_81 = arith.constant 80 : index
    %swap3A_82 = tpu.vector_load %arg12[%swap3A_81] {strides = array<i32>} : memref<256xi32, #tpu.memory_space<vmem>>, vector<16xi32>,
    tpu.vector_store %arg12[%swap3A_81], %broadcast_in_dim3A_58 {strides = array<i32>} : memref<256xi32, #tpu.memory_space<vmem>>, vector<16xi32>,
    %swap3A_83 = arith.constant 96 : index
    %swap3A_84 = tpu.vector_load %arg11[%swap3A_83] {strides = array<i32>} : memref<256xi32, #tpu.memory_space<vmem>>, vector<16xi32>,
    tpu.vector_store %arg11[%swap3A_83], %broadcast_in_dim3A_56 {strides = array<i32>} : memref<256xi32, #tpu.memory_space<vmem>>, vector<16xi32>,
    %swap3A_85 = arith.constant 96 : index
    %swap3A_86 = tpu.vector_load %arg12[%swap3A_85] {strides = array<i32>} : memref<256xi32, #tpu.memory_space<vmem>>, vector<16xi32>,
    tpu.vector_store %arg12[%swap3A_85], %broadcast_in_dim3A_58 {strides = array<i32>} : memref<256xi32, #tpu.memory_space<vmem>>, vector<16xi32>,
    %swap3A_87 = arith.constant 112 : index
    %swap3A_88 = tpu.vector_load %arg11[%swap3A_87] {strides = array<i32>} : memref<256xi32, #tpu.memory_space<vmem>>, vector<16xi32>,
    tpu.vector_store %arg11[%swap3A_87], %broadcast_in_dim3A_56 {strides = array<i32>} : memref<256xi32, #tpu.memory_space<vmem>>, vector<16xi32>,
    %swap3A_89 = arith.constant 112 : index
    %swap3A_90 = tpu.vector_load %arg12[%swap3A_89] {strides = array<i32>} : memref<256xi32, #tpu.memory_space<vmem>>, vector<16xi32>,
    tpu.vector_store %arg12[%swap3A_89], %broadcast_in_dim3A_58 {strides = array<i32>} : memref<256xi32, #tpu.memory_space<vmem>>, vector<16xi32>,
    %swap3A_91 = arith.constant 128 : index
    %swap3A_92 = tpu.vector_load %arg11[%swap3A_91] {strides = array<i32>} : memref<256xi32, #tpu.memory_space<vmem>>, vector<16xi32>,
    tpu.vector_store %arg11[%swap3A_91], %broadcast_in_dim3A_56 {strides = array<i32>} : memref<256xi32, #tpu.memory_space<vmem>>, vector<16xi32>,
    %swap3A_93 = arith.constant 128 : index
    %swap3A_94 = tpu.vector_load %arg12[%swap3A_93] {strides = array<i32>} : memref<256xi32, #tpu.memory_space<vmem>>, vector<16xi32>,
    tpu.vector_store %arg12[%swap3A_93], %broadcast_in_dim3A_58 {strides = array<i32>} : memref<256xi32, #tpu.memory_space<vmem>>, vector<16xi32>,
    %swap3A_95 = arith.constant 144 : index
    %swap3A_96 = tpu.vector_load %arg11[%swap3A_95] {strides = array<i32>} : memref<256xi32, #tpu.memory_space<vmem>>, vector<16xi32>,
    tpu.vector_store %arg11[%swap3A_95], %broadcast_in_dim3A_56 {strides = array<i32>} : memref<256xi32, #tpu.memory_space<vmem>>, vector<16xi32>,
    %swap3A_97 = arith.constant 144 : index
    %swap3A_98 = tpu.vector_load %arg12[%swap3A_97] {strides = array<i32>} : memref<256xi32, #tpu.memory_space<vmem>>, vector<16xi32>,
    tpu.vector_store %arg12[%swap3A_97], %broadcast_in_dim3A_58 {strides = array<i32>} : memref<256xi32, #tpu.memory_space<vmem>>, vector<16xi32>,
    %swap3A_99 = arith.constant 160 : index
    %swap3A_100 = tpu.vector_load %arg11[%swap3A_99] {strides = array<i32>} : memref<256xi32, #tpu.memory_space<vmem>>, vector<16xi32>,
    tpu.vector_store %arg11[%swap3A_99], %broadcast_in_dim3A_56 {strides = array<i32>} : memref<256xi32, #tpu.memory_space<vmem>>, vector<16xi32>,
    %swap3A_101 = arith.constant 160 : index
    %swap3A_102 = tpu.vector_load %arg12[%swap3A_101] {strides = array<i32>} : memref<256xi32, #tpu.memory_space<vmem>>, vector<16xi32>,
    tpu.vector_store %arg12[%swap3A_101], %broadcast_in_dim3A_58 {strides = array<i32>} : memref<256xi32, #tpu.memory_space<vmem>>, vector<16xi32>,
    %swap3A_103 = arith.constant 176 : index
    %swap3A_104 = tpu.vector_load %arg11[%swap3A_103] {strides = array<i32>} : memref<256xi32, #tpu.memory_space<vmem>>, vector<16xi32>,
    tpu.vector_store %arg11[%swap3A_103], %broadcast_in_dim3A_56 {strides = array<i32>} : memref<256xi32, #tpu.memory_space<vmem>>, vector<16xi32>,
    %swap3A_105 = arith.constant 176 : index
    %swap3A_106 = tpu.vector_load %arg12[%swap3A_105] {strides = array<i32>} : memref<256xi32, #tpu.memory_space<vmem>>, vector<16xi32>,
    tpu.vector_store %arg12[%swap3A_105], %broadcast_in_dim3A_58 {strides = array<i32>} : memref<256xi32, #tpu.memory_space<vmem>>, vector<16xi32>,
    %swap3A_107 = arith.constant 192 : index
    %swap3A_108 = tpu.vector_load %arg11[%swap3A_107] {strides = array<i32>} : memref<256xi32, #tpu.memory_space<vmem>>, vector<16xi32>,
    tpu.vector_store %arg11[%swap3A_107], %broadcast_in_dim3A_56 {strides = array<i32>} : memref<256xi32, #tpu.memory_space<vmem>>, vector<16xi32>,
    %swap3A_109 = arith.constant 192 : index
    %swap3A_110 = tpu.vector_load %arg12[%swap3A_109] {strides = array<i32>} : memref<256xi32, #tpu.memory_space<vmem>>, vector<16xi32>,
    tpu.vector_store %arg12[%swap3A_109], %broadcast_in_dim3A_58 {strides = array<i32>} : memref<256xi32, #tpu.memory_space<vmem>>, vector<16xi32>,
    %swap3A_111 = arith.constant 208 : index
    %swap3A_112 = tpu.vector_load %arg11[%swap3A_111] {strides = array<i32>} : memref<256xi32, #tpu.memory_space<vmem>>, vector<16xi32>,
    tpu.vector_store %arg11[%swap3A_111], %broadcast_in_dim3A_56 {strides = array<i32>} : memref<256xi32, #tpu.memory_space<vmem>>, vector<16xi32>,
    %swap3A_113 = arith.constant 208 : index
    %swap3A_114 = tpu.vector_load %arg12[%swap3A_113] {strides = array<i32>} : memref<256xi32, #tpu.memory_space<vmem>>, vector<16xi32>,
    tpu.vector_store %arg12[%swap3A_113], %broadcast_in_dim3A_58 {strides = array<i32>} : memref<256xi32, #tpu.memory_space<vmem>>, vector<16xi32>,
    %swap3A_115 = arith.constant 224 : index
    %swap3A_116 = tpu.vector_load %arg11[%swap3A_115] {strides = array<i32>} : memref<256xi32, #tpu.memory_space<vmem>>, vector<16xi32>,
    tpu.vector_store %arg11[%swap3A_115], %broadcast_in_dim3A_56 {strides = array<i32>} : memref<256xi32, #tpu.memory_space<vmem>>, vector<16xi32>,
    %swap3A_117 = arith.constant 224 : index
    %swap3A_118 = tpu.vector_load %arg12[%swap3A_117] {strides = array<i32>} : memref<256xi32, #tpu.memory_space<vmem>>, vector<16xi32>,
    tpu.vector_store %arg12[%swap3A_117], %broadcast_in_dim3A_58 {strides = array<i32>} : memref<256xi32, #tpu.memory_space<vmem>>, vector<16xi32>,
    %swap3A_119 = arith.constant 240 : index
    %swap3A_120 = tpu.vector_load %arg11[%swap3A_119] {strides = array<i32>} : memref<256xi32, #tpu.memory_space<vmem>>, vector<16xi32>,
    tpu.vector_store %arg11[%swap3A_119], %broadcast_in_dim3A_56 {strides = array<i32>} : memref<256xi32, #tpu.memory_space<vmem>>, vector<16xi32>,
    %swap3A_121 = arith.constant 240 : index
    %swap3A_122 = tpu.vector_load %arg12[%swap3A_121] {strides = array<i32>} : memref<256xi32, #tpu.memory_space<vmem>>, vector<16xi32>,
    tpu.vector_store %arg12[%swap3A_121], %broadcast_in_dim3A_58 {strides = array<i32>} : memref<256xi32, #tpu.memory_space<vmem>>, vector<16xi32>,
    %get3A = arith.constant 16 : index
    %get3A_123 = tpu.vector_load %arg10[%get3A] {strides = array<i32>} : memref<544xi32, #tpu.memory_space<vmem>>, vector<16xi32>,
    %get3A_124 = arith.constant 15 : index
    %get3A_125 = tpu.vector_load %arg10[%get3A_124] {strides = array<i32>} : memref<544xi32, #tpu.memory_space<vmem>>, vector<16xi32>,
    %ne3A_126 = arith.cmpi ne, %get3A_123, %get3A_125 : vector<16xi32>
    %add3A_127 = arith.constant 0 : i32
    %add3A_128 = arith.addi %mul3A_51, %add3A_127 : i32
    %add3A_129 = vector.broadcast %add3A_128 : i32 to vector<16xi32>
    %add3A_130 = arith.addi %iota3A, %add3A_129 : vector<16xi32>
    tpu.vector_store_idx %arg11[%get3A_123], %add3A_130 masked %ne3A_126 : memref<256xi32, #tpu.memory_space<vmem>>[vector<16xi32>], vector<16xi32>, vector<16xi1>
    %sub3A_131 = arith.constant 1 : i32
    %sub3A_132 = vector.broadcast %sub3A_131 : i32 to vector<16xi32>
    %sub3A_133 = arith.subi %add3A_130, %sub3A_132 : vector<16xi32>
    %ge3A = arith.constant 0 : i32
    %ge3A_134 = vector.broadcast %ge3A : i32 to vector<16xi32>
    %ge3A_135 = arith.cmpi sge, %get3A_125, %ge3A_134 : vector<16xi32>
    %and3A_136 = arith.andi %ne3A_126, %ge3A_135 : vector<16xi1>
    tpu.vector_store_idx %arg12[%get3A_125], %sub3A_133 masked %and3A_136 : memref<256xi32, #tpu.memory_space<vmem>>[vector<16xi32>], vector<16xi32>, vector<16xi1>
    %get3A_137 = arith.constant 32 : index
    %get3A_138 = tpu.vector_load %arg10[%get3A_137] {strides = array<i32>} : memref<544xi32, #tpu.memory_space<vmem>>, vector<16xi32>,
    %get3A_139 = arith.constant 31 : index
    %get3A_140 = tpu.vector_load %arg10[%get3A_139] {strides = array<i32>} : memref<544xi32, #tpu.memory_space<vmem>>, vector<16xi32>,
    %ne3A_141 = arith.cmpi ne, %get3A_138, %get3A_140 : vector<16xi32>
    %add3A_142 = arith.constant 16 : i32
    %add3A_143 = arith.addi %mul3A_51, %add3A_142 : i32
    %add3A_144 = vector.broadcast %add3A_143 : i32 to vector<16xi32>
    %add3A_145 = arith.addi %iota3A, %add3A_144 : vector<16xi32>
    tpu.vector_store_idx %arg11[%get3A_138], %add3A_145 masked %ne3A_141 : memref<256xi32, #tpu.memory_space<vmem>>[vector<16xi32>], vector<16xi32>, vector<16xi1>
    %sub3A_146 = arith.constant 1 : i32
    %sub3A_147 = vector.broadcast %sub3A_146 : i32 to vector<16xi32>
    %sub3A_148 = arith.subi %add3A_145, %sub3A_147 : vector<16xi32>
    %ge3A_149 = arith.constant 0 : i32
    %ge3A_150 = vector.broadcast %ge3A_149 : i32 to vector<16xi32>
    %ge3A_151 = arith.cmpi sge, %get3A_140, %ge3A_150 : vector<16xi32>
    %and3A_152 = arith.andi %ne3A_141, %ge3A_151 : vector<16xi1>
    tpu.vector_store_idx %arg12[%get3A_140], %sub3A_148 masked %and3A_152 : memref<256xi32, #tpu.memory_space<vmem>>[vector<16xi32>], vector<16xi32>, vector<16xi1>
    %get3A_153 = arith.constant 48 : index
    %get3A_154 = tpu.vector_load %arg10[%get3A_153] {strides = array<i32>} : memref<544xi32, #tpu.memory_space<vmem>>, vector<16xi32>,
    %get3A_155 = arith.constant 47 : index
    %get3A_156 = tpu.vector_load %arg10[%get3A_155] {strides = array<i32>} : memref<544xi32, #tpu.memory_space<vmem>>, vector<16xi32>,
    %ne3A_157 = arith.cmpi ne, %get3A_154, %get3A_156 : vector<16xi32>
    %add3A_158 = arith.constant 32 : i32
    %add3A_159 = arith.addi %mul3A_51, %add3A_158 : i32
    %add3A_160 = vector.broadcast %add3A_159 : i32 to vector<16xi32>
    %add3A_161 = arith.addi %iota3A, %add3A_160 : vector<16xi32>
    tpu.vector_store_idx %arg11[%get3A_154], %add3A_161 masked %ne3A_157 : memref<256xi32, #tpu.memory_space<vmem>>[vector<16xi32>], vector<16xi32>, vector<16xi1>
    %sub3A_162 = arith.constant 1 : i32
    %sub3A_163 = vector.broadcast %sub3A_162 : i32 to vector<16xi32>
    %sub3A_164 = arith.subi %add3A_161, %sub3A_163 : vector<16xi32>
    %ge3A_165 = arith.constant 0 : i32
    %ge3A_166 = vector.broadcast %ge3A_165 : i32 to vector<16xi32>
    %ge3A_167 = arith.cmpi sge, %get3A_156, %ge3A_166 : vector<16xi32>
    %and3A_168 = arith.andi %ne3A_157, %ge3A_167 : vector<16xi1>
    tpu.vector_store_idx %arg12[%get3A_156], %sub3A_164 masked %and3A_168 : memref<256xi32, #tpu.memory_space<vmem>>[vector<16xi32>], vector<16xi32>, vector<16xi1>
    %get3A_169 = arith.constant 64 : index
    %get3A_170 = tpu.vector_load %arg10[%get3A_169] {strides = array<i32>} : memref<544xi32, #tpu.memory_space<vmem>>, vector<16xi32>,
    %get3A_171 = arith.constant 63 : index
    %get3A_172 = tpu.vector_load %arg10[%get3A_171] {strides = array<i32>} : memref<544xi32, #tpu.memory_space<vmem>>, vector<16xi32>,
    %ne3A_173 = arith.cmpi ne, %get3A_170, %get3A_172 : vector<16xi32>
    %add3A_174 = arith.constant 48 : i32
    %add3A_175 = arith.addi %mul3A_51, %add3A_174 : i32
    %add3A_176 = vector.broadcast %add3A_175 : i32 to vector<16xi32>
    %add3A_177 = arith.addi %iota3A, %add3A_176 : vector<16xi32>
    tpu.vector_store_idx %arg11[%get3A_170], %add3A_177 masked %ne3A_173 : memref<256xi32, #tpu.memory_space<vmem>>[vector<16xi32>], vector<16xi32>, vector<16xi1>
    %sub3A_178 = arith.constant 1 : i32
    %sub3A_179 = vector.broadcast %sub3A_178 : i32 to vector<16xi32>
    %sub3A_180 = arith.subi %add3A_177, %sub3A_179 : vector<16xi32>
    %ge3A_181 = arith.constant 0 : i32
    %ge3A_182 = vector.broadcast %ge3A_181 : i32 to vector<16xi32>
    %ge3A_183 = arith.cmpi sge, %get3A_172, %ge3A_182 : vector<16xi32>
    %and3A_184 = arith.andi %ne3A_173, %ge3A_183 : vector<16xi1>
    tpu.vector_store_idx %arg12[%get3A_172], %sub3A_180 masked %and3A_184 : memref<256xi32, #tpu.memory_space<vmem>>[vector<16xi32>], vector<16xi32>, vector<16xi1>
    %get3A_185 = arith.constant 80 : index
    %get3A_186 = tpu.vector_load %arg10[%get3A_185] {strides = array<i32>} : memref<544xi32, #tpu.memory_space<vmem>>, vector<16xi32>,
    %get3A_187 = arith.constant 79 : index
    %get3A_188 = tpu.vector_load %arg10[%get3A_187] {strides = array<i32>} : memref<544xi32, #tpu.memory_space<vmem>>, vector<16xi32>,
    %ne3A_189 = arith.cmpi ne, %get3A_186, %get3A_188 : vector<16xi32>
    %add3A_190 = arith.constant 64 : i32
    %add3A_191 = arith.addi %mul3A_51, %add3A_190 : i32
    %add3A_192 = vector.broadcast %add3A_191 : i32 to vector<16xi32>
    %add3A_193 = arith.addi %iota3A, %add3A_192 : vector<16xi32>
    tpu.vector_store_idx %arg11[%get3A_186], %add3A_193 masked %ne3A_189 : memref<256xi32, #tpu.memory_space<vmem>>[vector<16xi32>], vector<16xi32>, vector<16xi1>
    %sub3A_194 = arith.constant 1 : i32
    %sub3A_195 = vector.broadcast %sub3A_194 : i32 to vector<16xi32>
    %sub3A_196 = arith.subi %add3A_193, %sub3A_195 : vector<16xi32>
    %ge3A_197 = arith.constant 0 : i32
    %ge3A_198 = vector.broadcast %ge3A_197 : i32 to vector<16xi32>
    %ge3A_199 = arith.cmpi sge, %get3A_188, %ge3A_198 : vector<16xi32>
    %and3A_200 = arith.andi %ne3A_189, %ge3A_199 : vector<16xi1>
    tpu.vector_store_idx %arg12[%get3A_188], %sub3A_196 masked %and3A_200 : memref<256xi32, #tpu.memory_space<vmem>>[vector<16xi32>], vector<16xi32>, vector<16xi1>
    %get3A_201 = arith.constant 96 : index
    %get3A_202 = tpu.vector_load %arg10[%get3A_201] {strides = array<i32>} : memref<544xi32, #tpu.memory_space<vmem>>, vector<16xi32>,
    %get3A_203 = arith.constant 95 : index
    %get3A_204 = tpu.vector_load %arg10[%get3A_203] {strides = array<i32>} : memref<544xi32, #tpu.memory_space<vmem>>, vector<16xi32>,
    %ne3A_205 = arith.cmpi ne, %get3A_202, %get3A_204 : vector<16xi32>
    %add3A_206 = arith.constant 80 : i32
    %add3A_207 = arith.addi %mul3A_51, %add3A_206 : i32
    %add3A_208 = vector.broadcast %add3A_207 : i32 to vector<16xi32>
    %add3A_209 = arith.addi %iota3A, %add3A_208 : vector<16xi32>
    tpu.vector_store_idx %arg11[%get3A_202], %add3A_209 masked %ne3A_205 : memref<256xi32, #tpu.memory_space<vmem>>[vector<16xi32>], vector<16xi32>, vector<16xi1>
    %sub3A_210 = arith.constant 1 : i32
    %sub3A_211 = vector.broadcast %sub3A_210 : i32 to vector<16xi32>
    %sub3A_212 = arith.subi %add3A_209, %sub3A_211 : vector<16xi32>
    %ge3A_213 = arith.constant 0 : i32
    %ge3A_214 = vector.broadcast %ge3A_213 : i32 to vector<16xi32>
    %ge3A_215 = arith.cmpi sge, %get3A_204, %ge3A_214 : vector<16xi32>
    %and3A_216 = arith.andi %ne3A_205, %ge3A_215 : vector<16xi1>
    tpu.vector_store_idx %arg12[%get3A_204], %sub3A_212 masked %and3A_216 : memref<256xi32, #tpu.memory_space<vmem>>[vector<16xi32>], vector<16xi32>, vector<16xi1>
    %get3A_217 = arith.constant 112 : index
    %get3A_218 = tpu.vector_load %arg10[%get3A_217] {strides = array<i32>} : memref<544xi32, #tpu.memory_space<vmem>>, vector<16xi32>,
    %get3A_219 = arith.constant 111 : index
    %get3A_220 = tpu.vector_load %arg10[%get3A_219] {strides = array<i32>} : memref<544xi32, #tpu.memory_space<vmem>>, vector<16xi32>,
    %ne3A_221 = arith.cmpi ne, %get3A_218, %get3A_220 : vector<16xi32>
    %add3A_222 = arith.constant 96 : i32
    %add3A_223 = arith.addi %mul3A_51, %add3A_222 : i32
    %add3A_224 = vector.broadcast %add3A_223 : i32 to vector<16xi32>
    %add3A_225 = arith.addi %iota3A, %add3A_224 : vector<16xi32>
    tpu.vector_store_idx %arg11[%get3A_218], %add3A_225 masked %ne3A_221 : memref<256xi32, #tpu.memory_space<vmem>>[vector<16xi32>], vector<16xi32>, vector<16xi1>
    %sub3A_226 = arith.constant 1 : i32
    %sub3A_227 = vector.broadcast %sub3A_226 : i32 to vector<16xi32>
    %sub3A_228 = arith.subi %add3A_225, %sub3A_227 : vector<16xi32>
    %ge3A_229 = arith.constant 0 : i32
    %ge3A_230 = vector.broadcast %ge3A_229 : i32 to vector<16xi32>
    %ge3A_231 = arith.cmpi sge, %get3A_220, %ge3A_230 : vector<16xi32>
    %and3A_232 = arith.andi %ne3A_221, %ge3A_231 : vector<16xi1>
    tpu.vector_store_idx %arg12[%get3A_220], %sub3A_228 masked %and3A_232 : memref<256xi32, #tpu.memory_space<vmem>>[vector<16xi32>], vector<16xi32>, vector<16xi1>
    %get3A_233 = arith.constant 128 : index
    %get3A_234 = tpu.vector_load %arg10[%get3A_233] {strides = array<i32>} : memref<544xi32, #tpu.memory_space<vmem>>, vector<16xi32>,
    %get3A_235 = arith.constant 127 : index
    %get3A_236 = tpu.vector_load %arg10[%get3A_235] {strides = array<i32>} : memref<544xi32, #tpu.memory_space<vmem>>, vector<16xi32>,
    %ne3A_237 = arith.cmpi ne, %get3A_234, %get3A_236 : vector<16xi32>
    %add3A_238 = arith.constant 112 : i32
    %add3A_239 = arith.addi %mul3A_51, %add3A_238 : i32
    %add3A_240 = vector.broadcast %add3A_239 : i32 to vector<16xi32>
    %add3A_241 = arith.addi %iota3A, %add3A_240 : vector<16xi32>
    tpu.vector_store_idx %arg11[%get3A_234], %add3A_241 masked %ne3A_237 : memref<256xi32, #tpu.memory_space<vmem>>[vector<16xi32>], vector<16xi32>, vector<16xi1>
    %sub3A_242 = arith.constant 1 : i32
    %sub3A_243 = vector.broadcast %sub3A_242 : i32 to vector<16xi32>
    %sub3A_244 = arith.subi %add3A_241, %sub3A_243 : vector<16xi32>
    %ge3A_245 = arith.constant 0 : i32
    %ge3A_246 = vector.broadcast %ge3A_245 : i32 to vector<16xi32>
    %ge3A_247 = arith.cmpi sge, %get3A_236, %ge3A_246 : vector<16xi32>
    %and3A_248 = arith.andi %ne3A_237, %ge3A_247 : vector<16xi1>
    tpu.vector_store_idx %arg12[%get3A_236], %sub3A_244 masked %and3A_248 : memref<256xi32, #tpu.memory_space<vmem>>[vector<16xi32>], vector<16xi32>, vector<16xi1>
    %get3A_249 = arith.constant 144 : index
    %get3A_250 = tpu.vector_load %arg10[%get3A_249] {strides = array<i32>} : memref<544xi32, #tpu.memory_space<vmem>>, vector<16xi32>,
    %get3A_251 = arith.constant 143 : index
    %get3A_252 = tpu.vector_load %arg10[%get3A_251] {strides = array<i32>} : memref<544xi32, #tpu.memory_space<vmem>>, vector<16xi32>,
    %ne3A_253 = arith.cmpi ne, %get3A_250, %get3A_252 : vector<16xi32>
    %add3A_254 = arith.constant 128 : i32
    %add3A_255 = arith.addi %mul3A_51, %add3A_254 : i32
    %add3A_256 = vector.broadcast %add3A_255 : i32 to vector<16xi32>
    %add3A_257 = arith.addi %iota3A, %add3A_256 : vector<16xi32>
    tpu.vector_store_idx %arg11[%get3A_250], %add3A_257 masked %ne3A_253 : memref<256xi32, #tpu.memory_space<vmem>>[vector<16xi32>], vector<16xi32>, vector<16xi1>
    %sub3A_258 = arith.constant 1 : i32
    %sub3A_259 = vector.broadcast %sub3A_258 : i32 to vector<16xi32>
    %sub3A_260 = arith.subi %add3A_257, %sub3A_259 : vector<16xi32>
    %ge3A_261 = arith.constant 0 : i32
    %ge3A_262 = vector.broadcast %ge3A_261 : i32 to vector<16xi32>
    %ge3A_263 = arith.cmpi sge, %get3A_252, %ge3A_262 : vector<16xi32>
    %and3A_264 = arith.andi %ne3A_253, %ge3A_263 : vector<16xi1>
    tpu.vector_store_idx %arg12[%get3A_252], %sub3A_260 masked %and3A_264 : memref<256xi32, #tpu.memory_space<vmem>>[vector<16xi32>], vector<16xi32>, vector<16xi1>
    %get3A_265 = arith.constant 160 : index
    %get3A_266 = tpu.vector_load %arg10[%get3A_265] {strides = array<i32>} : memref<544xi32, #tpu.memory_space<vmem>>, vector<16xi32>,
    %get3A_267 = arith.constant 159 : index
    %get3A_268 = tpu.vector_load %arg10[%get3A_267] {strides = array<i32>} : memref<544xi32, #tpu.memory_space<vmem>>, vector<16xi32>,
    %ne3A_269 = arith.cmpi ne, %get3A_266, %get3A_268 : vector<16xi32>
    %add3A_270 = arith.constant 144 : i32
    %add3A_271 = arith.addi %mul3A_51, %add3A_270 : i32
    %add3A_272 = vector.broadcast %add3A_271 : i32 to vector<16xi32>
    %add3A_273 = arith.addi %iota3A, %add3A_272 : vector<16xi32>
    tpu.vector_store_idx %arg11[%get3A_266], %add3A_273 masked %ne3A_269 : memref<256xi32, #tpu.memory_space<vmem>>[vector<16xi32>], vector<16xi32>, vector<16xi1>
    %sub3A_274 = arith.constant 1 : i32
    %sub3A_275 = vector.broadcast %sub3A_274 : i32 to vector<16xi32>
    %sub3A_276 = arith.subi %add3A_273, %sub3A_275 : vector<16xi32>
    %ge3A_277 = arith.constant 0 : i32
    %ge3A_278 = vector.broadcast %ge3A_277 : i32 to vector<16xi32>
    %ge3A_279 = arith.cmpi sge, %get3A_268, %ge3A_278 : vector<16xi32>
    %and3A_280 = arith.andi %ne3A_269, %ge3A_279 : vector<16xi1>
    tpu.vector_store_idx %arg12[%get3A_268], %sub3A_276 masked %and3A_280 : memref<256xi32, #tpu.memory_space<vmem>>[vector<16xi32>], vector<16xi32>, vector<16xi1>
    %get3A_281 = arith.constant 176 : index
    %get3A_282 = tpu.vector_load %arg10[%get3A_281] {strides = array<i32>} : memref<544xi32, #tpu.memory_space<vmem>>, vector<16xi32>,
    %get3A_283 = arith.constant 175 : index
    %get3A_284 = tpu.vector_load %arg10[%get3A_283] {strides = array<i32>} : memref<544xi32, #tpu.memory_space<vmem>>, vector<16xi32>,
    %ne3A_285 = arith.cmpi ne, %get3A_282, %get3A_284 : vector<16xi32>
    %add3A_286 = arith.constant 160 : i32
    %add3A_287 = arith.addi %mul3A_51, %add3A_286 : i32
    %add3A_288 = vector.broadcast %add3A_287 : i32 to vector<16xi32>
    %add3A_289 = arith.addi %iota3A, %add3A_288 : vector<16xi32>
    tpu.vector_store_idx %arg11[%get3A_282], %add3A_289 masked %ne3A_285 : memref<256xi32, #tpu.memory_space<vmem>>[vector<16xi32>], vector<16xi32>, vector<16xi1>
    %sub3A_290 = arith.constant 1 : i32
    %sub3A_291 = vector.broadcast %sub3A_290 : i32 to vector<16xi32>
    %sub3A_292 = arith.subi %add3A_289, %sub3A_291 : vector<16xi32>
    %ge3A_293 = arith.constant 0 : i32
    %ge3A_294 = vector.broadcast %ge3A_293 : i32 to vector<16xi32>
    %ge3A_295 = arith.cmpi sge, %get3A_284, %ge3A_294 : vector<16xi32>
    %and3A_296 = arith.andi %ne3A_285, %ge3A_295 : vector<16xi1>
    tpu.vector_store_idx %arg12[%get3A_284], %sub3A_292 masked %and3A_296 : memref<256xi32, #tpu.memory_space<vmem>>[vector<16xi32>], vector<16xi32>, vector<16xi1>
    %get3A_297 = arith.constant 192 : index
    %get3A_298 = tpu.vector_load %arg10[%get3A_297] {strides = array<i32>} : memref<544xi32, #tpu.memory_space<vmem>>, vector<16xi32>,
    %get3A_299 = arith.constant 191 : index
    %get3A_300 = tpu.vector_load %arg10[%get3A_299] {strides = array<i32>} : memref<544xi32, #tpu.memory_space<vmem>>, vector<16xi32>,
    %ne3A_301 = arith.cmpi ne, %get3A_298, %get3A_300 : vector<16xi32>
    %add3A_302 = arith.constant 176 : i32
    %add3A_303 = arith.addi %mul3A_51, %add3A_302 : i32
    %add3A_304 = vector.broadcast %add3A_303 : i32 to vector<16xi32>
    %add3A_305 = arith.addi %iota3A, %add3A_304 : vector<16xi32>
    tpu.vector_store_idx %arg11[%get3A_298], %add3A_305 masked %ne3A_301 : memref<256xi32, #tpu.memory_space<vmem>>[vector<16xi32>], vector<16xi32>, vector<16xi1>
    %sub3A_306 = arith.constant 1 : i32
    %sub3A_307 = vector.broadcast %sub3A_306 : i32 to vector<16xi32>
    %sub3A_308 = arith.subi %add3A_305, %sub3A_307 : vector<16xi32>
    %ge3A_309 = arith.constant 0 : i32
    %ge3A_310 = vector.broadcast %ge3A_309 : i32 to vector<16xi32>
    %ge3A_311 = arith.cmpi sge, %get3A_300, %ge3A_310 : vector<16xi32>
    %and3A_312 = arith.andi %ne3A_301, %ge3A_311 : vector<16xi1>
    tpu.vector_store_idx %arg12[%get3A_300], %sub3A_308 masked %and3A_312 : memref<256xi32, #tpu.memory_space<vmem>>[vector<16xi32>], vector<16xi32>, vector<16xi1>
    %get3A_313 = arith.constant 208 : index
    %get3A_314 = tpu.vector_load %arg10[%get3A_313] {strides = array<i32>} : memref<544xi32, #tpu.memory_space<vmem>>, vector<16xi32>,
    %get3A_315 = arith.constant 207 : index
    %get3A_316 = tpu.vector_load %arg10[%get3A_315] {strides = array<i32>} : memref<544xi32, #tpu.memory_space<vmem>>, vector<16xi32>,
    %ne3A_317 = arith.cmpi ne, %get3A_314, %get3A_316 : vector<16xi32>
    %add3A_318 = arith.constant 192 : i32
    %add3A_319 = arith.addi %mul3A_51, %add3A_318 : i32
    %add3A_320 = vector.broadcast %add3A_319 : i32 to vector<16xi32>
    %add3A_321 = arith.addi %iota3A, %add3A_320 : vector<16xi32>
    tpu.vector_store_idx %arg11[%get3A_314], %add3A_321 masked %ne3A_317 : memref<256xi32, #tpu.memory_space<vmem>>[vector<16xi32>], vector<16xi32>, vector<16xi1>
    %sub3A_322 = arith.constant 1 : i32
    %sub3A_323 = vector.broadcast %sub3A_322 : i32 to vector<16xi32>
    %sub3A_324 = arith.subi %add3A_321, %sub3A_323 : vector<16xi32>
    %ge3A_325 = arith.constant 0 : i32
    %ge3A_326 = vector.broadcast %ge3A_325 : i32 to vector<16xi32>
    %ge3A_327 = arith.cmpi sge, %get3A_316, %ge3A_326 : vector<16xi32>
    %and3A_328 = arith.andi %ne3A_317, %ge3A_327 : vector<16xi1>
    tpu.vector_store_idx %arg12[%get3A_316], %sub3A_324 masked %and3A_328 : memref<256xi32, #tpu.memory_space<vmem>>[vector<16xi32>], vector<16xi32>, vector<16xi1>
    %get3A_329 = arith.constant 224 : index
    %get3A_330 = tpu.vector_load %arg10[%get3A_329] {strides = array<i32>} : memref<544xi32, #tpu.memory_space<vmem>>, vector<16xi32>,
    %get3A_331 = arith.constant 223 : index
    %get3A_332 = tpu.vector_load %arg10[%get3A_331] {strides = array<i32>} : memref<544xi32, #tpu.memory_space<vmem>>, vector<16xi32>,
    %ne3A_333 = arith.cmpi ne, %get3A_330, %get3A_332 : vector<16xi32>
    %add3A_334 = arith.constant 208 : i32
    %add3A_335 = arith.addi %mul3A_51, %add3A_334 : i32
    %add3A_336 = vector.broadcast %add3A_335 : i32 to vector<16xi32>
    %add3A_337 = arith.addi %iota3A, %add3A_336 : vector<16xi32>
    tpu.vector_store_idx %arg11[%get3A_330], %add3A_337 masked %ne3A_333 : memref<256xi32, #tpu.memory_space<vmem>>[vector<16xi32>], vector<16xi32>, vector<16xi1>
    %sub3A_338 = arith.constant 1 : i32
    %sub3A_339 = vector.broadcast %sub3A_338 : i32 to vector<16xi32>
    %sub3A_340 = arith.subi %add3A_337, %sub3A_339 : vector<16xi32>
    %ge3A_341 = arith.constant 0 : i32
    %ge3A_342 = vector.broadcast %ge3A_341 : i32 to vector<16xi32>
    %ge3A_343 = arith.cmpi sge, %get3A_332, %ge3A_342 : vector<16xi32>
    %and3A_344 = arith.andi %ne3A_333, %ge3A_343 : vector<16xi1>
    tpu.vector_store_idx %arg12[%get3A_332], %sub3A_340 masked %and3A_344 : memref<256xi32, #tpu.memory_space<vmem>>[vector<16xi32>], vector<16xi32>, vector<16xi1>
    %get3A_345 = arith.constant 240 : index
    %get3A_346 = tpu.vector_load %arg10[%get3A_345] {strides = array<i32>} : memref<544xi32, #tpu.memory_space<vmem>>, vector<16xi32>,
    %get3A_347 = arith.constant 239 : index
    %get3A_348 = tpu.vector_load %arg10[%get3A_347] {strides = array<i32>} : memref<544xi32, #tpu.memory_space<vmem>>, vector<16xi32>,
    %ne3A_349 = arith.cmpi ne, %get3A_346, %get3A_348 : vector<16xi32>
    %add3A_350 = arith.constant 224 : i32
    %add3A_351 = arith.addi %mul3A_51, %add3A_350 : i32
    %add3A_352 = vector.broadcast %add3A_351 : i32 to vector<16xi32>
    %add3A_353 = arith.addi %iota3A, %add3A_352 : vector<16xi32>
    tpu.vector_store_idx %arg11[%get3A_346], %add3A_353 masked %ne3A_349 : memref<256xi32, #tpu.memory_space<vmem>>[vector<16xi32>], vector<16xi32>, vector<16xi1>
    %sub3A_354 = arith.constant 1 : i32
    %sub3A_355 = vector.broadcast %sub3A_354 : i32 to vector<16xi32>
    %sub3A_356 = arith.subi %add3A_353, %sub3A_355 : vector<16xi32>
    %ge3A_357 = arith.constant 0 : i32
    %ge3A_358 = vector.broadcast %ge3A_357 : i32 to vector<16xi32>
    %ge3A_359 = arith.cmpi sge, %get3A_348, %ge3A_358 : vector<16xi32>
    %and3A_360 = arith.andi %ne3A_349, %ge3A_359 : vector<16xi1>
    tpu.vector_store_idx %arg12[%get3A_348], %sub3A_356 masked %and3A_360 : memref<256xi32, #tpu.memory_space<vmem>>[vector<16xi32>], vector<16xi32>, vector<16xi1>
    %get3A_361 = arith.constant 256 : index
    %get3A_362 = tpu.vector_load %arg10[%get3A_361] {strides = array<i32>} : memref<544xi32, #tpu.memory_space<vmem>>, vector<16xi32>,
    %get3A_363 = arith.constant 255 : index
    %get3A_364 = tpu.vector_load %arg10[%get3A_363] {strides = array<i32>} : memref<544xi32, #tpu.memory_space<vmem>>, vector<16xi32>,
    %ne3A_365 = arith.cmpi ne, %get3A_362, %get3A_364 : vector<16xi32>
    %add3A_366 = arith.constant 240 : i32
    %add3A_367 = arith.addi %mul3A_51, %add3A_366 : i32
    %add3A_368 = vector.broadcast %add3A_367 : i32 to vector<16xi32>
    %add3A_369 = arith.addi %iota3A, %add3A_368 : vector<16xi32>
    tpu.vector_store_idx %arg11[%get3A_362], %add3A_369 masked %ne3A_365 : memref<256xi32, #tpu.memory_space<vmem>>[vector<16xi32>], vector<16xi32>, vector<16xi1>
    %sub3A_370 = arith.constant 1 : i32
    %sub3A_371 = vector.broadcast %sub3A_370 : i32 to vector<16xi32>
    %sub3A_372 = arith.subi %add3A_369, %sub3A_371 : vector<16xi32>
    %ge3A_373 = arith.constant 0 : i32
    %ge3A_374 = vector.broadcast %ge3A_373 : i32 to vector<16xi32>
    %ge3A_375 = arith.cmpi sge, %get3A_364, %ge3A_374 : vector<16xi32>
    %and3A_376 = arith.andi %ne3A_365, %ge3A_375 : vector<16xi1>
    tpu.vector_store_idx %arg12[%get3A_364], %sub3A_372 masked %and3A_376 : memref<256xi32, #tpu.memory_space<vmem>>[vector<16xi32>], vector<16xi32>, vector<16xi1>
    %get3A_377 = arith.constant 272 : index
    %get3A_378 = tpu.vector_load %arg10[%get3A_377] {strides = array<i32>} : memref<544xi32, #tpu.memory_space<vmem>>, vector<16xi32>,
    %get3A_379 = arith.constant 271 : index
    %get3A_380 = tpu.vector_load %arg10[%get3A_379] {strides = array<i32>} : memref<544xi32, #tpu.memory_space<vmem>>, vector<16xi32>,
    %ne3A_381 = arith.cmpi ne, %get3A_378, %get3A_380 : vector<16xi32>
    %add3A_382 = arith.constant 256 : i32
    %add3A_383 = arith.addi %mul3A_51, %add3A_382 : i32
    %add3A_384 = vector.broadcast %add3A_383 : i32 to vector<16xi32>
    %add3A_385 = arith.addi %iota3A, %add3A_384 : vector<16xi32>
    tpu.vector_store_idx %arg11[%get3A_378], %add3A_385 masked %ne3A_381 : memref<256xi32, #tpu.memory_space<vmem>>[vector<16xi32>], vector<16xi32>, vector<16xi1>
    %sub3A_386 = arith.constant 1 : i32
    %sub3A_387 = vector.broadcast %sub3A_386 : i32 to vector<16xi32>
    %sub3A_388 = arith.subi %add3A_385, %sub3A_387 : vector<16xi32>
    %ge3A_389 = arith.constant 0 : i32
    %ge3A_390 = vector.broadcast %ge3A_389 : i32 to vector<16xi32>
    %ge3A_391 = arith.cmpi sge, %get3A_380, %ge3A_390 : vector<16xi32>
    %and3A_392 = arith.andi %ne3A_381, %ge3A_391 : vector<16xi1>
    tpu.vector_store_idx %arg12[%get3A_380], %sub3A_388 masked %and3A_392 : memref<256xi32, #tpu.memory_space<vmem>>[vector<16xi32>], vector<16xi32>, vector<16xi1>
    %get3A_393 = arith.constant 288 : index
    %get3A_394 = tpu.vector_load %arg10[%get3A_393] {strides = array<i32>} : memref<544xi32, #tpu.memory_space<vmem>>, vector<16xi32>,
    %get3A_395 = arith.constant 287 : index
    %get3A_396 = tpu.vector_load %arg10[%get3A_395] {strides = array<i32>} : memref<544xi32, #tpu.memory_space<vmem>>, vector<16xi32>,
    %ne3A_397 = arith.cmpi ne, %get3A_394, %get3A_396 : vector<16xi32>
    %add3A_398 = arith.constant 272 : i32
    %add3A_399 = arith.addi %mul3A_51, %add3A_398 : i32
    %add3A_400 = vector.broadcast %add3A_399 : i32 to vector<16xi32>
    %add3A_401 = arith.addi %iota3A, %add3A_400 : vector<16xi32>
    tpu.vector_store_idx %arg11[%get3A_394], %add3A_401 masked %ne3A_397 : memref<256xi32, #tpu.memory_space<vmem>>[vector<16xi32>], vector<16xi32>, vector<16xi1>
    %sub3A_402 = arith.constant 1 : i32
    %sub3A_403 = vector.broadcast %sub3A_402 : i32 to vector<16xi32>
    %sub3A_404 = arith.subi %add3A_401, %sub3A_403 : vector<16xi32>
    %ge3A_405 = arith.constant 0 : i32
    %ge3A_406 = vector.broadcast %ge3A_405 : i32 to vector<16xi32>
    %ge3A_407 = arith.cmpi sge, %get3A_396, %ge3A_406 : vector<16xi32>
    %and3A_408 = arith.andi %ne3A_397, %ge3A_407 : vector<16xi1>
    tpu.vector_store_idx %arg12[%get3A_396], %sub3A_404 masked %and3A_408 : memref<256xi32, #tpu.memory_space<vmem>>[vector<16xi32>], vector<16xi32>, vector<16xi1>
    %get3A_409 = arith.constant 304 : index
    %get3A_410 = tpu.vector_load %arg10[%get3A_409] {strides = array<i32>} : memref<544xi32, #tpu.memory_space<vmem>>, vector<16xi32>,
    %get3A_411 = arith.constant 303 : index
    %get3A_412 = tpu.vector_load %arg10[%get3A_411] {strides = array<i32>} : memref<544xi32, #tpu.memory_space<vmem>>, vector<16xi32>,
    %ne3A_413 = arith.cmpi ne, %get3A_410, %get3A_412 : vector<16xi32>
    %add3A_414 = arith.constant 288 : i32
    %add3A_415 = arith.addi %mul3A_51, %add3A_414 : i32
    %add3A_416 = vector.broadcast %add3A_415 : i32 to vector<16xi32>
    %add3A_417 = arith.addi %iota3A, %add3A_416 : vector<16xi32>
    tpu.vector_store_idx %arg11[%get3A_410], %add3A_417 masked %ne3A_413 : memref<256xi32, #tpu.memory_space<vmem>>[vector<16xi32>], vector<16xi32>, vector<16xi1>
    %sub3A_418 = arith.constant 1 : i32
    %sub3A_419 = vector.broadcast %sub3A_418 : i32 to vector<16xi32>
    %sub3A_420 = arith.subi %add3A_417, %sub3A_419 : vector<16xi32>
    %ge3A_421 = arith.constant 0 : i32
    %ge3A_422 = vector.broadcast %ge3A_421 : i32 to vector<16xi32>
    %ge3A_423 = arith.cmpi sge, %get3A_412, %ge3A_422 : vector<16xi32>
    %and3A_424 = arith.andi %ne3A_413, %ge3A_423 : vector<16xi1>
    tpu.vector_store_idx %arg12[%get3A_412], %sub3A_420 masked %and3A_424 : memref<256xi32, #tpu.memory_space<vmem>>[vector<16xi32>], vector<16xi32>, vector<16xi1>
    %get3A_425 = arith.constant 320 : index
    %get3A_426 = tpu.vector_load %arg10[%get3A_425] {strides = array<i32>} : memref<544xi32, #tpu.memory_space<vmem>>, vector<16xi32>,
    %get3A_427 = arith.constant 319 : index
    %get3A_428 = tpu.vector_load %arg10[%get3A_427] {strides = array<i32>} : memref<544xi32, #tpu.memory_space<vmem>>, vector<16xi32>,
    %ne3A_429 = arith.cmpi ne, %get3A_426, %get3A_428 : vector<16xi32>
    %add3A_430 = arith.constant 304 : i32
    %add3A_431 = arith.addi %mul3A_51, %add3A_430 : i32
    %add3A_432 = vector.broadcast %add3A_431 : i32 to vector<16xi32>
    %add3A_433 = arith.addi %iota3A, %add3A_432 : vector<16xi32>
    tpu.vector_store_idx %arg11[%get3A_426], %add3A_433 masked %ne3A_429 : memref<256xi32, #tpu.memory_space<vmem>>[vector<16xi32>], vector<16xi32>, vector<16xi1>
    %sub3A_434 = arith.constant 1 : i32
    %sub3A_435 = vector.broadcast %sub3A_434 : i32 to vector<16xi32>
    %sub3A_436 = arith.subi %add3A_433, %sub3A_435 : vector<16xi32>
    %ge3A_437 = arith.constant 0 : i32
    %ge3A_438 = vector.broadcast %ge3A_437 : i32 to vector<16xi32>
    %ge3A_439 = arith.cmpi sge, %get3A_428, %ge3A_438 : vector<16xi32>
    %and3A_440 = arith.andi %ne3A_429, %ge3A_439 : vector<16xi1>
    tpu.vector_store_idx %arg12[%get3A_428], %sub3A_436 masked %and3A_440 : memref<256xi32, #tpu.memory_space<vmem>>[vector<16xi32>], vector<16xi32>, vector<16xi1>
    %get3A_441 = arith.constant 336 : index
    %get3A_442 = tpu.vector_load %arg10[%get3A_441] {strides = array<i32>} : memref<544xi32, #tpu.memory_space<vmem>>, vector<16xi32>,
    %get3A_443 = arith.constant 335 : index
    %get3A_444 = tpu.vector_load %arg10[%get3A_443] {strides = array<i32>} : memref<544xi32, #tpu.memory_space<vmem>>, vector<16xi32>,
    %ne3A_445 = arith.cmpi ne, %get3A_442, %get3A_444 : vector<16xi32>
    %add3A_446 = arith.constant 320 : i32
    %add3A_447 = arith.addi %mul3A_51, %add3A_446 : i32
    %add3A_448 = vector.broadcast %add3A_447 : i32 to vector<16xi32>
    %add3A_449 = arith.addi %iota3A, %add3A_448 : vector<16xi32>
    tpu.vector_store_idx %arg11[%get3A_442], %add3A_449 masked %ne3A_445 : memref<256xi32, #tpu.memory_space<vmem>>[vector<16xi32>], vector<16xi32>, vector<16xi1>
    %sub3A_450 = arith.constant 1 : i32
    %sub3A_451 = vector.broadcast %sub3A_450 : i32 to vector<16xi32>
    %sub3A_452 = arith.subi %add3A_449, %sub3A_451 : vector<16xi32>
    %ge3A_453 = arith.constant 0 : i32
    %ge3A_454 = vector.broadcast %ge3A_453 : i32 to vector<16xi32>
    %ge3A_455 = arith.cmpi sge, %get3A_444, %ge3A_454 : vector<16xi32>
    %and3A_456 = arith.andi %ne3A_445, %ge3A_455 : vector<16xi1>
    tpu.vector_store_idx %arg12[%get3A_444], %sub3A_452 masked %and3A_456 : memref<256xi32, #tpu.memory_space<vmem>>[vector<16xi32>], vector<16xi32>, vector<16xi1>
    %get3A_457 = arith.constant 352 : index
    %get3A_458 = tpu.vector_load %arg10[%get3A_457] {strides = array<i32>} : memref<544xi32, #tpu.memory_space<vmem>>, vector<16xi32>,
    %get3A_459 = arith.constant 351 : index
    %get3A_460 = tpu.vector_load %arg10[%get3A_459] {strides = array<i32>} : memref<544xi32, #tpu.memory_space<vmem>>, vector<16xi32>,
    %ne3A_461 = arith.cmpi ne, %get3A_458, %get3A_460 : vector<16xi32>
    %add3A_462 = arith.constant 336 : i32
    %add3A_463 = arith.addi %mul3A_51, %add3A_462 : i32
    %add3A_464 = vector.broadcast %add3A_463 : i32 to vector<16xi32>
    %add3A_465 = arith.addi %iota3A, %add3A_464 : vector<16xi32>
    tpu.vector_store_idx %arg11[%get3A_458], %add3A_465 masked %ne3A_461 : memref<256xi32, #tpu.memory_space<vmem>>[vector<16xi32>], vector<16xi32>, vector<16xi1>
    %sub3A_466 = arith.constant 1 : i32
    %sub3A_467 = vector.broadcast %sub3A_466 : i32 to vector<16xi32>
    %sub3A_468 = arith.subi %add3A_465, %sub3A_467 : vector<16xi32>
    %ge3A_469 = arith.constant 0 : i32
    %ge3A_470 = vector.broadcast %ge3A_469 : i32 to vector<16xi32>
    %ge3A_471 = arith.cmpi sge, %get3A_460, %ge3A_470 : vector<16xi32>
    %and3A_472 = arith.andi %ne3A_461, %ge3A_471 : vector<16xi1>
    tpu.vector_store_idx %arg12[%get3A_460], %sub3A_468 masked %and3A_472 : memref<256xi32, #tpu.memory_space<vmem>>[vector<16xi32>], vector<16xi32>, vector<16xi1>
    %get3A_473 = arith.constant 368 : index
    %get3A_474 = tpu.vector_load %arg10[%get3A_473] {strides = array<i32>} : memref<544xi32, #tpu.memory_space<vmem>>, vector<16xi32>,
    %get3A_475 = arith.constant 367 : index
    %get3A_476 = tpu.vector_load %arg10[%get3A_475] {strides = array<i32>} : memref<544xi32, #tpu.memory_space<vmem>>, vector<16xi32>,
    %ne3A_477 = arith.cmpi ne, %get3A_474, %get3A_476 : vector<16xi32>
    %add3A_478 = arith.constant 352 : i32
    %add3A_479 = arith.addi %mul3A_51, %add3A_478 : i32
    %add3A_480 = vector.broadcast %add3A_479 : i32 to vector<16xi32>
    %add3A_481 = arith.addi %iota3A, %add3A_480 : vector<16xi32>
    tpu.vector_store_idx %arg11[%get3A_474], %add3A_481 masked %ne3A_477 : memref<256xi32, #tpu.memory_space<vmem>>[vector<16xi32>], vector<16xi32>, vector<16xi1>
    %sub3A_482 = arith.constant 1 : i32
    %sub3A_483 = vector.broadcast %sub3A_482 : i32 to vector<16xi32>
    %sub3A_484 = arith.subi %add3A_481, %sub3A_483 : vector<16xi32>
    %ge3A_485 = arith.constant 0 : i32
    %ge3A_486 = vector.broadcast %ge3A_485 : i32 to vector<16xi32>
    %ge3A_487 = arith.cmpi sge, %get3A_476, %ge3A_486 : vector<16xi32>
    %and3A_488 = arith.andi %ne3A_477, %ge3A_487 : vector<16xi1>
    tpu.vector_store_idx %arg12[%get3A_476], %sub3A_484 masked %and3A_488 : memref<256xi32, #tpu.memory_space<vmem>>[vector<16xi32>], vector<16xi32>, vector<16xi1>
    %get3A_489 = arith.constant 384 : index
    %get3A_490 = tpu.vector_load %arg10[%get3A_489] {strides = array<i32>} : memref<544xi32, #tpu.memory_space<vmem>>, vector<16xi32>,
    %get3A_491 = arith.constant 383 : index
    %get3A_492 = tpu.vector_load %arg10[%get3A_491] {strides = array<i32>} : memref<544xi32, #tpu.memory_space<vmem>>, vector<16xi32>,
    %ne3A_493 = arith.cmpi ne, %get3A_490, %get3A_492 : vector<16xi32>
    %add3A_494 = arith.constant 368 : i32
    %add3A_495 = arith.addi %mul3A_51, %add3A_494 : i32
    %add3A_496 = vector.broadcast %add3A_495 : i32 to vector<16xi32>
    %add3A_497 = arith.addi %iota3A, %add3A_496 : vector<16xi32>
    tpu.vector_store_idx %arg11[%get3A_490], %add3A_497 masked %ne3A_493 : memref<256xi32, #tpu.memory_space<vmem>>[vector<16xi32>], vector<16xi32>, vector<16xi1>
    %sub3A_498 = arith.constant 1 : i32
    %sub3A_499 = vector.broadcast %sub3A_498 : i32 to vector<16xi32>
    %sub3A_500 = arith.subi %add3A_497, %sub3A_499 : vector<16xi32>
    %ge3A_501 = arith.constant 0 : i32
    %ge3A_502 = vector.broadcast %ge3A_501 : i32 to vector<16xi32>
    %ge3A_503 = arith.cmpi sge, %get3A_492, %ge3A_502 : vector<16xi32>
    %and3A_504 = arith.andi %ne3A_493, %ge3A_503 : vector<16xi1>
    tpu.vector_store_idx %arg12[%get3A_492], %sub3A_500 masked %and3A_504 : memref<256xi32, #tpu.memory_space<vmem>>[vector<16xi32>], vector<16xi32>, vector<16xi1>
    %get3A_505 = arith.constant 400 : index
    %get3A_506 = tpu.vector_load %arg10[%get3A_505] {strides = array<i32>} : memref<544xi32, #tpu.memory_space<vmem>>, vector<16xi32>,
    %get3A_507 = arith.constant 399 : index
    %get3A_508 = tpu.vector_load %arg10[%get3A_507] {strides = array<i32>} : memref<544xi32, #tpu.memory_space<vmem>>, vector<16xi32>,
    %ne3A_509 = arith.cmpi ne, %get3A_506, %get3A_508 : vector<16xi32>
    %add3A_510 = arith.constant 384 : i32
    %add3A_511 = arith.addi %mul3A_51, %add3A_510 : i32
    %add3A_512 = vector.broadcast %add3A_511 : i32 to vector<16xi32>
    %add3A_513 = arith.addi %iota3A, %add3A_512 : vector<16xi32>
    tpu.vector_store_idx %arg11[%get3A_506], %add3A_513 masked %ne3A_509 : memref<256xi32, #tpu.memory_space<vmem>>[vector<16xi32>], vector<16xi32>, vector<16xi1>
    %sub3A_514 = arith.constant 1 : i32
    %sub3A_515 = vector.broadcast %sub3A_514 : i32 to vector<16xi32>
    %sub3A_516 = arith.subi %add3A_513, %sub3A_515 : vector<16xi32>
    %ge3A_517 = arith.constant 0 : i32
    %ge3A_518 = vector.broadcast %ge3A_517 : i32 to vector<16xi32>
    %ge3A_519 = arith.cmpi sge, %get3A_508, %ge3A_518 : vector<16xi32>
    %and3A_520 = arith.andi %ne3A_509, %ge3A_519 : vector<16xi1>
    tpu.vector_store_idx %arg12[%get3A_508], %sub3A_516 masked %and3A_520 : memref<256xi32, #tpu.memory_space<vmem>>[vector<16xi32>], vector<16xi32>, vector<16xi1>
    %get3A_521 = arith.constant 416 : index
    %get3A_522 = tpu.vector_load %arg10[%get3A_521] {strides = array<i32>} : memref<544xi32, #tpu.memory_space<vmem>>, vector<16xi32>,
    %get3A_523 = arith.constant 415 : index
    %get3A_524 = tpu.vector_load %arg10[%get3A_523] {strides = array<i32>} : memref<544xi32, #tpu.memory_space<vmem>>, vector<16xi32>,
    %ne3A_525 = arith.cmpi ne, %get3A_522, %get3A_524 : vector<16xi32>
    %add3A_526 = arith.constant 400 : i32
    %add3A_527 = arith.addi %mul3A_51, %add3A_526 : i32
    %add3A_528 = vector.broadcast %add3A_527 : i32 to vector<16xi32>
    %add3A_529 = arith.addi %iota3A, %add3A_528 : vector<16xi32>
    tpu.vector_store_idx %arg11[%get3A_522], %add3A_529 masked %ne3A_525 : memref<256xi32, #tpu.memory_space<vmem>>[vector<16xi32>], vector<16xi32>, vector<16xi1>
    %sub3A_530 = arith.constant 1 : i32
    %sub3A_531 = vector.broadcast %sub3A_530 : i32 to vector<16xi32>
    %sub3A_532 = arith.subi %add3A_529, %sub3A_531 : vector<16xi32>
    %ge3A_533 = arith.constant 0 : i32
    %ge3A_534 = vector.broadcast %ge3A_533 : i32 to vector<16xi32>
    %ge3A_535 = arith.cmpi sge, %get3A_524, %ge3A_534 : vector<16xi32>
    %and3A_536 = arith.andi %ne3A_525, %ge3A_535 : vector<16xi1>
    tpu.vector_store_idx %arg12[%get3A_524], %sub3A_532 masked %and3A_536 : memref<256xi32, #tpu.memory_space<vmem>>[vector<16xi32>], vector<16xi32>, vector<16xi1>
    %get3A_537 = arith.constant 432 : index
    %get3A_538 = tpu.vector_load %arg10[%get3A_537] {strides = array<i32>} : memref<544xi32, #tpu.memory_space<vmem>>, vector<16xi32>,
    %get3A_539 = arith.constant 431 : index
    %get3A_540 = tpu.vector_load %arg10[%get3A_539] {strides = array<i32>} : memref<544xi32, #tpu.memory_space<vmem>>, vector<16xi32>,
    %ne3A_541 = arith.cmpi ne, %get3A_538, %get3A_540 : vector<16xi32>
    %add3A_542 = arith.constant 416 : i32
    %add3A_543 = arith.addi %mul3A_51, %add3A_542 : i32
    %add3A_544 = vector.broadcast %add3A_543 : i32 to vector<16xi32>
    %add3A_545 = arith.addi %iota3A, %add3A_544 : vector<16xi32>
    tpu.vector_store_idx %arg11[%get3A_538], %add3A_545 masked %ne3A_541 : memref<256xi32, #tpu.memory_space<vmem>>[vector<16xi32>], vector<16xi32>, vector<16xi1>
    %sub3A_546 = arith.constant 1 : i32
    %sub3A_547 = vector.broadcast %sub3A_546 : i32 to vector<16xi32>
    %sub3A_548 = arith.subi %add3A_545, %sub3A_547 : vector<16xi32>
    %ge3A_549 = arith.constant 0 : i32
    %ge3A_550 = vector.broadcast %ge3A_549 : i32 to vector<16xi32>
    %ge3A_551 = arith.cmpi sge, %get3A_540, %ge3A_550 : vector<16xi32>
    %and3A_552 = arith.andi %ne3A_541, %ge3A_551 : vector<16xi1>
    tpu.vector_store_idx %arg12[%get3A_540], %sub3A_548 masked %and3A_552 : memref<256xi32, #tpu.memory_space<vmem>>[vector<16xi32>], vector<16xi32>, vector<16xi1>
    %get3A_553 = arith.constant 448 : index
    %get3A_554 = tpu.vector_load %arg10[%get3A_553] {strides = array<i32>} : memref<544xi32, #tpu.memory_space<vmem>>, vector<16xi32>,
    %get3A_555 = arith.constant 447 : index
    %get3A_556 = tpu.vector_load %arg10[%get3A_555] {strides = array<i32>} : memref<544xi32, #tpu.memory_space<vmem>>, vector<16xi32>,
    %ne3A_557 = arith.cmpi ne, %get3A_554, %get3A_556 : vector<16xi32>
    %add3A_558 = arith.constant 432 : i32
    %add3A_559 = arith.addi %mul3A_51, %add3A_558 : i32
    %add3A_560 = vector.broadcast %add3A_559 : i32 to vector<16xi32>
    %add3A_561 = arith.addi %iota3A, %add3A_560 : vector<16xi32>
    tpu.vector_store_idx %arg11[%get3A_554], %add3A_561 masked %ne3A_557 : memref<256xi32, #tpu.memory_space<vmem>>[vector<16xi32>], vector<16xi32>, vector<16xi1>
    %sub3A_562 = arith.constant 1 : i32
    %sub3A_563 = vector.broadcast %sub3A_562 : i32 to vector<16xi32>
    %sub3A_564 = arith.subi %add3A_561, %sub3A_563 : vector<16xi32>
    %ge3A_565 = arith.constant 0 : i32
    %ge3A_566 = vector.broadcast %ge3A_565 : i32 to vector<16xi32>
    %ge3A_567 = arith.cmpi sge, %get3A_556, %ge3A_566 : vector<16xi32>
    %and3A_568 = arith.andi %ne3A_557, %ge3A_567 : vector<16xi1>
    tpu.vector_store_idx %arg12[%get3A_556], %sub3A_564 masked %and3A_568 : memref<256xi32, #tpu.memory_space<vmem>>[vector<16xi32>], vector<16xi32>, vector<16xi1>
    %get3A_569 = arith.constant 464 : index
    %get3A_570 = tpu.vector_load %arg10[%get3A_569] {strides = array<i32>} : memref<544xi32, #tpu.memory_space<vmem>>, vector<16xi32>,
    %get3A_571 = arith.constant 463 : index
    %get3A_572 = tpu.vector_load %arg10[%get3A_571] {strides = array<i32>} : memref<544xi32, #tpu.memory_space<vmem>>, vector<16xi32>,
    %ne3A_573 = arith.cmpi ne, %get3A_570, %get3A_572 : vector<16xi32>
    %add3A_574 = arith.constant 448 : i32
    %add3A_575 = arith.addi %mul3A_51, %add3A_574 : i32
    %add3A_576 = vector.broadcast %add3A_575 : i32 to vector<16xi32>
    %add3A_577 = arith.addi %iota3A, %add3A_576 : vector<16xi32>
    tpu.vector_store_idx %arg11[%get3A_570], %add3A_577 masked %ne3A_573 : memref<256xi32, #tpu.memory_space<vmem>>[vector<16xi32>], vector<16xi32>, vector<16xi1>
    %sub3A_578 = arith.constant 1 : i32
    %sub3A_579 = vector.broadcast %sub3A_578 : i32 to vector<16xi32>
    %sub3A_580 = arith.subi %add3A_577, %sub3A_579 : vector<16xi32>
    %ge3A_581 = arith.constant 0 : i32
    %ge3A_582 = vector.broadcast %ge3A_581 : i32 to vector<16xi32>
    %ge3A_583 = arith.cmpi sge, %get3A_572, %ge3A_582 : vector<16xi32>
    %and3A_584 = arith.andi %ne3A_573, %ge3A_583 : vector<16xi1>
    tpu.vector_store_idx %arg12[%get3A_572], %sub3A_580 masked %and3A_584 : memref<256xi32, #tpu.memory_space<vmem>>[vector<16xi32>], vector<16xi32>, vector<16xi1>
    %get3A_585 = arith.constant 480 : index
    %get3A_586 = tpu.vector_load %arg10[%get3A_585] {strides = array<i32>} : memref<544xi32, #tpu.memory_space<vmem>>, vector<16xi32>,
    %get3A_587 = arith.constant 479 : index
    %get3A_588 = tpu.vector_load %arg10[%get3A_587] {strides = array<i32>} : memref<544xi32, #tpu.memory_space<vmem>>, vector<16xi32>,
    %ne3A_589 = arith.cmpi ne, %get3A_586, %get3A_588 : vector<16xi32>
    %add3A_590 = arith.constant 464 : i32
    %add3A_591 = arith.addi %mul3A_51, %add3A_590 : i32
    %add3A_592 = vector.broadcast %add3A_591 : i32 to vector<16xi32>
    %add3A_593 = arith.addi %iota3A, %add3A_592 : vector<16xi32>
    tpu.vector_store_idx %arg11[%get3A_586], %add3A_593 masked %ne3A_589 : memref<256xi32, #tpu.memory_space<vmem>>[vector<16xi32>], vector<16xi32>, vector<16xi1>
    %sub3A_594 = arith.constant 1 : i32
    %sub3A_595 = vector.broadcast %sub3A_594 : i32 to vector<16xi32>
    %sub3A_596 = arith.subi %add3A_593, %sub3A_595 : vector<16xi32>
    %ge3A_597 = arith.constant 0 : i32
    %ge3A_598 = vector.broadcast %ge3A_597 : i32 to vector<16xi32>
    %ge3A_599 = arith.cmpi sge, %get3A_588, %ge3A_598 : vector<16xi32>
    %and3A_600 = arith.andi %ne3A_589, %ge3A_599 : vector<16xi1>
    tpu.vector_store_idx %arg12[%get3A_588], %sub3A_596 masked %and3A_600 : memref<256xi32, #tpu.memory_space<vmem>>[vector<16xi32>], vector<16xi32>, vector<16xi1>
    %get3A_601 = arith.constant 496 : index
    %get3A_602 = tpu.vector_load %arg10[%get3A_601] {strides = array<i32>} : memref<544xi32, #tpu.memory_space<vmem>>, vector<16xi32>,
    %get3A_603 = arith.constant 495 : index
    %get3A_604 = tpu.vector_load %arg10[%get3A_603] {strides = array<i32>} : memref<544xi32, #tpu.memory_space<vmem>>, vector<16xi32>,
    %ne3A_605 = arith.cmpi ne, %get3A_602, %get3A_604 : vector<16xi32>
    %add3A_606 = arith.constant 480 : i32
    %add3A_607 = arith.addi %mul3A_51, %add3A_606 : i32
    %add3A_608 = vector.broadcast %add3A_607 : i32 to vector<16xi32>
    %add3A_609 = arith.addi %iota3A, %add3A_608 : vector<16xi32>
    tpu.vector_store_idx %arg11[%get3A_602], %add3A_609 masked %ne3A_605 : memref<256xi32, #tpu.memory_space<vmem>>[vector<16xi32>], vector<16xi32>, vector<16xi1>
    %sub3A_610 = arith.constant 1 : i32
    %sub3A_611 = vector.broadcast %sub3A_610 : i32 to vector<16xi32>
    %sub3A_612 = arith.subi %add3A_609, %sub3A_611 : vector<16xi32>
    %ge3A_613 = arith.constant 0 : i32
    %ge3A_614 = vector.broadcast %ge3A_613 : i32 to vector<16xi32>
    %ge3A_615 = arith.cmpi sge, %get3A_604, %ge3A_614 : vector<16xi32>
    %and3A_616 = arith.andi %ne3A_605, %ge3A_615 : vector<16xi1>
    tpu.vector_store_idx %arg12[%get3A_604], %sub3A_612 masked %and3A_616 : memref<256xi32, #tpu.memory_space<vmem>>[vector<16xi32>], vector<16xi32>, vector<16xi1>
    %get3A_617 = arith.constant 512 : index
    %get3A_618 = tpu.vector_load %arg10[%get3A_617] {strides = array<i32>} : memref<544xi32, #tpu.memory_space<vmem>>, vector<16xi32>,
    %get3A_619 = arith.constant 511 : index
    %get3A_620 = tpu.vector_load %arg10[%get3A_619] {strides = array<i32>} : memref<544xi32, #tpu.memory_space<vmem>>, vector<16xi32>,
    %ne3A_621 = arith.cmpi ne, %get3A_618, %get3A_620 : vector<16xi32>
    %add3A_622 = arith.constant 496 : i32
    %add3A_623 = arith.addi %mul3A_51, %add3A_622 : i32
    %add3A_624 = vector.broadcast %add3A_623 : i32 to vector<16xi32>
    %add3A_625 = arith.addi %iota3A, %add3A_624 : vector<16xi32>
    tpu.vector_store_idx %arg11[%get3A_618], %add3A_625 masked %ne3A_621 : memref<256xi32, #tpu.memory_space<vmem>>[vector<16xi32>], vector<16xi32>, vector<16xi1>
    %sub3A_626 = arith.constant 1 : i32
    %sub3A_627 = vector.broadcast %sub3A_626 : i32 to vector<16xi32>
    %sub3A_628 = arith.subi %add3A_625, %sub3A_627 : vector<16xi32>
    %ge3A_629 = arith.constant 0 : i32
    %ge3A_630 = vector.broadcast %ge3A_629 : i32 to vector<16xi32>
    %ge3A_631 = arith.cmpi sge, %get3A_620, %ge3A_630 : vector<16xi32>
    %and3A_632 = arith.andi %ne3A_621, %ge3A_631 : vector<16xi1>
    tpu.vector_store_idx %arg12[%get3A_620], %sub3A_628 masked %and3A_632 : memref<256xi32, #tpu.memory_space<vmem>>[vector<16xi32>], vector<16xi32>, vector<16xi1>
    %get3A_633 = arith.constant 512 : index
    %get3A_634 = tpu.vector_load %arg10[%get3A_633] {strides = array<i32>} : memref<544xi32, #tpu.memory_space<vmem>>, vector<16xi32>,
    %add3A_635 = arith.constant 512 : i32
    %add3A_636 = arith.addi %mul3A_51, %add3A_635 : i32
    %sub3A_637 = arith.constant 16 : i32
    %sub3A_638 = arith.subi %add3A_636, %sub3A_637 : i32
    %add3A_639 = vector.broadcast %sub3A_638 : i32 to vector<16xi32>
    %add3A_640 = arith.addi %iota3A, %add3A_639 : vector<16xi32>
    %eq3A_641 = arith.constant 15 : i32
    %eq3A_642 = vector.broadcast %eq3A_641 : i32 to vector<16xi32>
    %eq3A_643 = arith.cmpi eq, %iota3A, %eq3A_642 : vector<16xi32>
    tpu.vector_store_idx %arg12[%get3A_634], %add3A_640 masked %eq3A_643 : memref<256xi32, #tpu.memory_space<vmem>>[vector<16xi32>], vector<16xi32>, vector<16xi1>
    "tpu.region"() ({
      %run_scoped3A = tpu.sem_alloc : memref<!tpu.dma_semaphore, #tpu.memory_space<semaphore_mem>>
      %dma_start3A_644 = arith.constant 0 : i32
      %dma_start3A_645 = tpu.memref_slice %arg5[%add3A, %dma_start3A_644] : memref<32x256xi32, #tpu.memory_space<hbm>> -> memref<1x256xi32, #tpu.memory_space<hbm>>
      %dma_start3A_646 = tpu.memref_squeeze %dma_start3A_645 : memref<1x256xi32, #tpu.memory_space<hbm>> -> memref<256xi32, #tpu.memory_space<hbm>>
      %dma_start3A_647 = arith.constant 0 : i32
      %dma_start3A_648 = tpu.memref_slice %arg5[%add3A, %dma_start3A_647] : memref<32x256xi32, #tpu.memory_space<hbm>> -> memref<1x256xi32, #tpu.memory_space<hbm>>
      %dma_start3A_649 = tpu.memref_squeeze %dma_start3A_648 : memref<1x256xi32, #tpu.memory_space<hbm>> -> memref<256xi32, #tpu.memory_space<hbm>>
      tpu.enqueue_dma source(%arg11 : memref<256xi32, #tpu.memory_space<vmem>>) target(%dma_start3A_649 : memref<256xi32, #tpu.memory_space<hbm>>) target_semaphore(%run_scoped3A : memref<!tpu.dma_semaphore, #tpu.memory_space<semaphore_mem>>)
      %dma_wait3A = arith.constant 0 : i32
      %dma_wait3A_650 = tpu.memref_slice %arg5[%add3A, %dma_wait3A] : memref<32x256xi32, #tpu.memory_space<hbm>> -> memref<1x256xi32, #tpu.memory_space<hbm>>
      %dma_wait3A_651 = tpu.memref_squeeze %dma_wait3A_650 : memref<1x256xi32, #tpu.memory_space<hbm>> -> memref<256xi32, #tpu.memory_space<hbm>>
      %dma_wait3A_652 = arith.constant 0 : i32
      %dma_wait3A_653 = tpu.memref_slice %arg5[%add3A, %dma_wait3A_652] : memref<32x256xi32, #tpu.memory_space<hbm>> -> memref<1x256xi32, #tpu.memory_space<hbm>>
      %dma_wait3A_654 = tpu.memref_squeeze %dma_wait3A_653 : memref<1x256xi32, #tpu.memory_space<hbm>> -> memref<256xi32, #tpu.memory_space<hbm>>
      tpu.wait_dma2 semaphore(%run_scoped3A : memref<!tpu.dma_semaphore, #tpu.memory_space<semaphore_mem>>) src(%arg11 : memref<256xi32, #tpu.memory_space<vmem>>) dst(%dma_wait3A_654 : memref<256xi32, #tpu.memory_space<hbm>>)
      tpu.yield
    }) : () -> ()
    "tpu.region"() ({
      %run_scoped3A = tpu.sem_alloc : memref<!tpu.dma_semaphore, #tpu.memory_space<semaphore_mem>>
      %dma_start3A_644 = arith.constant 0 : i32
      %dma_start3A_645 = tpu.memref_slice %arg6[%add3A, %dma_start3A_644] : memref<32x256xi32, #tpu.memory_space<hbm>> -> memref<1x256xi32, #tpu.memory_space<hbm>>
      %dma_start3A_646 = tpu.memref_squeeze %dma_start3A_645 : memref<1x256xi32, #tpu.memory_space<hbm>> -> memref<256xi32, #tpu.memory_space<hbm>>
      %dma_start3A_647 = arith.constant 0 : i32
      %dma_start3A_648 = tpu.memref_slice %arg6[%add3A, %dma_start3A_647] : memref<32x256xi32, #tpu.memory_space<hbm>> -> memref<1x256xi32, #tpu.memory_space<hbm>>
      %dma_start3A_649 = tpu.memref_squeeze %dma_start3A_648 : memref<1x256xi32, #tpu.memory_space<hbm>> -> memref<256xi32, #tpu.memory_space<hbm>>
      tpu.enqueue_dma source(%arg12 : memref<256xi32, #tpu.memory_space<vmem>>) target(%dma_start3A_649 : memref<256xi32, #tpu.memory_space<hbm>>) target_semaphore(%run_scoped3A : memref<!tpu.dma_semaphore, #tpu.memory_space<semaphore_mem>>)
      %dma_wait3A = arith.constant 0 : i32
      %dma_wait3A_650 = tpu.memref_slice %arg6[%add3A, %dma_wait3A] : memref<32x256xi32, #tpu.memory_space<hbm>> -> memref<1x256xi32, #tpu.memory_space<hbm>>
      %dma_wait3A_651 = tpu.memref_squeeze %dma_wait3A_650 : memref<1x256xi32, #tpu.memory_space<hbm>> -> memref<256xi32, #tpu.memory_space<hbm>>
      %dma_wait3A_652 = arith.constant 0 : i32
      %dma_wait3A_653 = tpu.memref_slice %arg6[%add3A, %dma_wait3A_652] : memref<32x256xi32, #tpu.memory_space<hbm>> -> memref<1x256xi32, #tpu.memory_space<hbm>>
      %dma_wait3A_654 = tpu.memref_squeeze %dma_wait3A_653 : memref<1x256xi32, #tpu.memory_space<hbm>> -> memref<256xi32, #tpu.memory_space<hbm>>
      tpu.wait_dma2 semaphore(%run_scoped3A : memref<!tpu.dma_semaphore, #tpu.memory_space<semaphore_mem>>) src(%arg12 : memref<256xi32, #tpu.memory_space<vmem>>) dst(%dma_wait3A_654 : memref<256xi32, #tpu.memory_space<hbm>>)
      tpu.yield
    }) : () -> ()
    return
  }
}

module attributes {stable_mosaic.version = 14 : i64} {
  func.func @_mm_body(%arg0: i32, %arg1: memref<1x2048xi32, #tpu.memory_space<vmem>>, %arg2: memref<2048x512xf32, #tpu.memory_space<vmem>>, %arg3: memref<256x512xf32, #tpu.memory_space<vmem>>) attributes {dimension_semantics = [#tpu.dimension_semantics<arbitrary>], iteration_bounds = array<i64: 7>, scalar_prefetch = 0 : i64, scratch_operands = 0 : i64, tpu.core_type = #tpu.core_type<tc>, window_params = [{transform_indices = @transform_0, window_bounds = array<i64: 1, 2048>}, {transform_indices = @transform_1, window_bounds = array<i64: 2048, 512>}, {pipeline_mode = #tpu.pipeline_mode<synchronous>, transform_indices = @transform_2, window_bounds = array<i64: 256, 512>}]} {
    %get3A = arith.constant 0 : index
    %get3A_0 = arith.constant 0 : index
    %get3A_1 = vector.load %arg1[%get3A, %get3A_0] : memref<1x2048xi32, #tpu.memory_space<vmem>>, vector<1x2048xi32>
    %get3A_2 = vector.shape_cast %get3A_1 : vector<1x2048xi32> to vector<2048xi32>
    %iota3A = tpu.iota {dimensions = array<i32: 0>} : vector<256x2048xi32>
    %broadcast_in_dim3A = vector.shape_cast %get3A_2 : vector<2048xi32> to vector<1x2048xi32>
    %eq3A = vector.broadcast %broadcast_in_dim3A : vector<1x2048xi32> to vector<256x2048xi32>
    %eq3A_3 = arith.cmpi eq, %iota3A, %eq3A : vector<256x2048xi32>
    %convert_element_type3A = arith.extui %eq3A_3 : vector<256x2048xi1> to vector<256x2048xi32>
    %convert_element_type3A_4 = arith.sitofp %convert_element_type3A : vector<256x2048xi32> to vector<256x2048xf32>
    %get3A_5 = arith.constant 0 : index
    %get3A_6 = arith.constant 0 : index
    %get3A_7 = vector.load %arg2[%get3A_5, %get3A_6] : memref<2048x512xf32, #tpu.memory_space<vmem>>, vector<2048x512xf32>
    %dot_general3A = arith.constant dense<0.000000e+00> : vector<256x512xf32>
    %dot_general3A_8 = tpu.matmul %convert_element_type3A_4, %get3A_7, %dot_general3A {dimension_numbers = #tpu.dot_dimension_numbers<[1], [0], [0], [1], [0, 0, 1, 1], [], []>, transpose_lhs_hint = false} : vector<256x2048xf32>, vector<2048x512xf32>, vector<256x512xf32> -> vector<256x512xf32>
    %eq3A_9 = arith.constant 0 : i32
    %eq3A_10 = arith.cmpi eq, %arg0, %eq3A_9 : i32
    %convert_element_type3A_11 = arith.extui %eq3A_10 : i1 to i32
    %cond3A = arith.constant 0 : i32
    %cond3A_12 = arith.cmpi ne, %convert_element_type3A_11, %cond3A : i32
    scf.if %cond3A_12 {
      %swap3A = arith.constant 0 : index
      %swap3A_17 = arith.constant 0 : index
      %swap3A_18 = vector.load %arg3[%swap3A, %swap3A_17] : memref<256x512xf32, #tpu.memory_space<vmem>>, vector<256x512xf32>
      tpu.vector_store %arg3[%swap3A, %swap3A_17], %dot_general3A_8 {strides = array<i32>} : memref<256x512xf32, #tpu.memory_space<vmem>>, vector<256x512xf32>,
    } else {
    }
    %gt3A = arith.constant 0 : i32
    %gt3A_13 = arith.cmpi sgt, %arg0, %gt3A : i32
    %convert_element_type3A_14 = arith.extui %gt3A_13 : i1 to i32
    %cond3A_15 = arith.constant 0 : i32
    %cond3A_16 = arith.cmpi ne, %convert_element_type3A_14, %cond3A_15 : i32
    scf.if %cond3A_16 {
      %get3A_17 = arith.constant 0 : index
      %get3A_18 = arith.constant 0 : index
      %get3A_19 = vector.load %arg3[%get3A_17, %get3A_18] : memref<256x512xf32, #tpu.memory_space<vmem>>, vector<256x512xf32>
      %add3A = arith.addf %get3A_19, %dot_general3A_8 : vector<256x512xf32>
      %swap3A = arith.constant 0 : index
      %swap3A_20 = arith.constant 0 : index
      %swap3A_21 = vector.load %arg3[%swap3A, %swap3A_20] : memref<256x512xf32, #tpu.memory_space<vmem>>, vector<256x512xf32>
      tpu.vector_store %arg3[%swap3A, %swap3A_20], %add3A {strides = array<i32>} : memref<256x512xf32, #tpu.memory_space<vmem>>, vector<256x512xf32>,
    } else {
    }
    return
  }
  func.func @transform_0(%arg0: i32) -> (i32, i32) {
    %add3A = arith.constant 1 : i32
    %add3A_0 = arith.addi %add3A, %arg0 : i32
    %c0_i32 = arith.constant 0 : i32
    %c0_i32_1 = arith.constant 0 : i32
    return %c0_i32, %add3A_0 : i32, i32
  }
  func.func @transform_1(%arg0: i32) -> (i32, i32) {
    %add3A = arith.constant 1 : i32
    %add3A_0 = arith.addi %add3A, %arg0 : i32
    %c0_i32 = arith.constant 0 : i32
    %c0_i32_1 = arith.constant 0 : i32
    return %add3A_0, %c0_i32 : i32, i32
  }
  func.func @transform_2(%arg0: i32) -> (i32, i32) {
    %c0_i32 = arith.constant 0 : i32
    %c0_i32_0 = arith.constant 0 : i32
    %c0_i32_1 = arith.constant 0 : i32
    return %c0_i32, %c0_i32_0 : i32, i32
  }
}

module attributes {stable_mosaic.version = 14 : i64} {
  func.func @_tc_body(%arg0: memref<32x256x128xf32, #tpu.memory_space<vmem>>, %arg1: memref<256x512xf32, #tpu.memory_space<vmem>>, %arg2: memref<32x256xi32, #tpu.memory_space<vmem>>, %arg3: memref<32x256xi32, #tpu.memory_space<vmem>>, %arg4: memref<64x512xf32, #tpu.memory_space<vmem>>, %arg5: memref<64x256xf32, #tpu.memory_space<vmem>>, %arg6: memref<256x2xf32, #tpu.memory_space<vmem>>) attributes {dimension_semantics = [], scalar_prefetch = 0 : i64, scratch_operands = 0 : i64, tpu.core_type = #tpu.core_type<tc>} {
    %get3A = arith.constant 0 : index
    %get3A_0 = arith.constant 0 : index
    %get3A_1 = arith.constant 0 : index
    %get3A_2 = vector.load %arg0[%get3A, %get3A_0, %get3A_1] : memref<32x256x128xf32, #tpu.memory_space<vmem>>, vector<1x256x128xf32>
    %get3A_3 = vector.shape_cast %get3A_2 : vector<1x256x128xf32> to vector<256x128xf32>
    %get3A_4 = arith.constant 1 : index
    %get3A_5 = arith.constant 0 : index
    %get3A_6 = arith.constant 0 : index
    %get3A_7 = vector.load %arg0[%get3A_4, %get3A_5, %get3A_6] : memref<32x256x128xf32, #tpu.memory_space<vmem>>, vector<1x256x128xf32>
    %get3A_8 = vector.shape_cast %get3A_7 : vector<1x256x128xf32> to vector<256x128xf32>
    %get3A_9 = arith.constant 2 : index
    %get3A_10 = arith.constant 0 : index
    %get3A_11 = arith.constant 0 : index
    %get3A_12 = vector.load %arg0[%get3A_9, %get3A_10, %get3A_11] : memref<32x256x128xf32, #tpu.memory_space<vmem>>, vector<1x256x128xf32>
    %get3A_13 = vector.shape_cast %get3A_12 : vector<1x256x128xf32> to vector<256x128xf32>
    %get3A_14 = arith.constant 3 : index
    %get3A_15 = arith.constant 0 : index
    %get3A_16 = arith.constant 0 : index
    %get3A_17 = vector.load %arg0[%get3A_14, %get3A_15, %get3A_16] : memref<32x256x128xf32, #tpu.memory_space<vmem>>, vector<1x256x128xf32>
    %get3A_18 = vector.shape_cast %get3A_17 : vector<1x256x128xf32> to vector<256x128xf32>
    %get3A_19 = arith.constant 4 : index
    %get3A_20 = arith.constant 0 : index
    %get3A_21 = arith.constant 0 : index
    %get3A_22 = vector.load %arg0[%get3A_19, %get3A_20, %get3A_21] : memref<32x256x128xf32, #tpu.memory_space<vmem>>, vector<1x256x128xf32>
    %get3A_23 = vector.shape_cast %get3A_22 : vector<1x256x128xf32> to vector<256x128xf32>
    %add3A = arith.addf %get3A_3, %get3A_23 : vector<256x128xf32>
    %get3A_24 = arith.constant 5 : index
    %get3A_25 = arith.constant 0 : index
    %get3A_26 = arith.constant 0 : index
    %get3A_27 = vector.load %arg0[%get3A_24, %get3A_25, %get3A_26] : memref<32x256x128xf32, #tpu.memory_space<vmem>>, vector<1x256x128xf32>
    %get3A_28 = vector.shape_cast %get3A_27 : vector<1x256x128xf32> to vector<256x128xf32>
    %add3A_29 = arith.addf %get3A_8, %get3A_28 : vector<256x128xf32>
    %get3A_30 = arith.constant 6 : index
    %get3A_31 = arith.constant 0 : index
    %get3A_32 = arith.constant 0 : index
    %get3A_33 = vector.load %arg0[%get3A_30, %get3A_31, %get3A_32] : memref<32x256x128xf32, #tpu.memory_space<vmem>>, vector<1x256x128xf32>
    %get3A_34 = vector.shape_cast %get3A_33 : vector<1x256x128xf32> to vector<256x128xf32>
    %add3A_35 = arith.addf %get3A_13, %get3A_34 : vector<256x128xf32>
    %get3A_36 = arith.constant 7 : index
    %get3A_37 = arith.constant 0 : index
    %get3A_38 = arith.constant 0 : index
    %get3A_39 = vector.load %arg0[%get3A_36, %get3A_37, %get3A_38] : memref<32x256x128xf32, #tpu.memory_space<vmem>>, vector<1x256x128xf32>
    %get3A_40 = vector.shape_cast %get3A_39 : vector<1x256x128xf32> to vector<256x128xf32>
    %add3A_41 = arith.addf %get3A_18, %get3A_40 : vector<256x128xf32>
    %get3A_42 = arith.constant 8 : index
    %get3A_43 = arith.constant 0 : index
    %get3A_44 = arith.constant 0 : index
    %get3A_45 = vector.load %arg0[%get3A_42, %get3A_43, %get3A_44] : memref<32x256x128xf32, #tpu.memory_space<vmem>>, vector<1x256x128xf32>
    %get3A_46 = vector.shape_cast %get3A_45 : vector<1x256x128xf32> to vector<256x128xf32>
    %add3A_47 = arith.addf %add3A, %get3A_46 : vector<256x128xf32>
    %get3A_48 = arith.constant 9 : index
    %get3A_49 = arith.constant 0 : index
    %get3A_50 = arith.constant 0 : index
    %get3A_51 = vector.load %arg0[%get3A_48, %get3A_49, %get3A_50] : memref<32x256x128xf32, #tpu.memory_space<vmem>>, vector<1x256x128xf32>
    %get3A_52 = vector.shape_cast %get3A_51 : vector<1x256x128xf32> to vector<256x128xf32>
    %add3A_53 = arith.addf %add3A_29, %get3A_52 : vector<256x128xf32>
    %get3A_54 = arith.constant 10 : index
    %get3A_55 = arith.constant 0 : index
    %get3A_56 = arith.constant 0 : index
    %get3A_57 = vector.load %arg0[%get3A_54, %get3A_55, %get3A_56] : memref<32x256x128xf32, #tpu.memory_space<vmem>>, vector<1x256x128xf32>
    %get3A_58 = vector.shape_cast %get3A_57 : vector<1x256x128xf32> to vector<256x128xf32>
    %add3A_59 = arith.addf %add3A_35, %get3A_58 : vector<256x128xf32>
    %get3A_60 = arith.constant 11 : index
    %get3A_61 = arith.constant 0 : index
    %get3A_62 = arith.constant 0 : index
    %get3A_63 = vector.load %arg0[%get3A_60, %get3A_61, %get3A_62] : memref<32x256x128xf32, #tpu.memory_space<vmem>>, vector<1x256x128xf32>
    %get3A_64 = vector.shape_cast %get3A_63 : vector<1x256x128xf32> to vector<256x128xf32>
    %add3A_65 = arith.addf %add3A_41, %get3A_64 : vector<256x128xf32>
    %get3A_66 = arith.constant 12 : index
    %get3A_67 = arith.constant 0 : index
    %get3A_68 = arith.constant 0 : index
    %get3A_69 = vector.load %arg0[%get3A_66, %get3A_67, %get3A_68] : memref<32x256x128xf32, #tpu.memory_space<vmem>>, vector<1x256x128xf32>
    %get3A_70 = vector.shape_cast %get3A_69 : vector<1x256x128xf32> to vector<256x128xf32>
    %add3A_71 = arith.addf %add3A_47, %get3A_70 : vector<256x128xf32>
    %get3A_72 = arith.constant 13 : index
    %get3A_73 = arith.constant 0 : index
    %get3A_74 = arith.constant 0 : index
    %get3A_75 = vector.load %arg0[%get3A_72, %get3A_73, %get3A_74] : memref<32x256x128xf32, #tpu.memory_space<vmem>>, vector<1x256x128xf32>
    %get3A_76 = vector.shape_cast %get3A_75 : vector<1x256x128xf32> to vector<256x128xf32>
    %add3A_77 = arith.addf %add3A_53, %get3A_76 : vector<256x128xf32>
    %get3A_78 = arith.constant 14 : index
    %get3A_79 = arith.constant 0 : index
    %get3A_80 = arith.constant 0 : index
    %get3A_81 = vector.load %arg0[%get3A_78, %get3A_79, %get3A_80] : memref<32x256x128xf32, #tpu.memory_space<vmem>>, vector<1x256x128xf32>
    %get3A_82 = vector.shape_cast %get3A_81 : vector<1x256x128xf32> to vector<256x128xf32>
    %add3A_83 = arith.addf %add3A_59, %get3A_82 : vector<256x128xf32>
    %get3A_84 = arith.constant 15 : index
    %get3A_85 = arith.constant 0 : index
    %get3A_86 = arith.constant 0 : index
    %get3A_87 = vector.load %arg0[%get3A_84, %get3A_85, %get3A_86] : memref<32x256x128xf32, #tpu.memory_space<vmem>>, vector<1x256x128xf32>
    %get3A_88 = vector.shape_cast %get3A_87 : vector<1x256x128xf32> to vector<256x128xf32>
    %add3A_89 = arith.addf %add3A_65, %get3A_88 : vector<256x128xf32>
    %get3A_90 = arith.constant 16 : index
    %get3A_91 = arith.constant 0 : index
    %get3A_92 = arith.constant 0 : index
    %get3A_93 = vector.load %arg0[%get3A_90, %get3A_91, %get3A_92] : memref<32x256x128xf32, #tpu.memory_space<vmem>>, vector<1x256x128xf32>
    %get3A_94 = vector.shape_cast %get3A_93 : vector<1x256x128xf32> to vector<256x128xf32>
    %add3A_95 = arith.addf %add3A_71, %get3A_94 : vector<256x128xf32>
    %get3A_96 = arith.constant 17 : index
    %get3A_97 = arith.constant 0 : index
    %get3A_98 = arith.constant 0 : index
    %get3A_99 = vector.load %arg0[%get3A_96, %get3A_97, %get3A_98] : memref<32x256x128xf32, #tpu.memory_space<vmem>>, vector<1x256x128xf32>
    %get3A_100 = vector.shape_cast %get3A_99 : vector<1x256x128xf32> to vector<256x128xf32>
    %add3A_101 = arith.addf %add3A_77, %get3A_100 : vector<256x128xf32>
    %get3A_102 = arith.constant 18 : index
    %get3A_103 = arith.constant 0 : index
    %get3A_104 = arith.constant 0 : index
    %get3A_105 = vector.load %arg0[%get3A_102, %get3A_103, %get3A_104] : memref<32x256x128xf32, #tpu.memory_space<vmem>>, vector<1x256x128xf32>
    %get3A_106 = vector.shape_cast %get3A_105 : vector<1x256x128xf32> to vector<256x128xf32>
    %add3A_107 = arith.addf %add3A_83, %get3A_106 : vector<256x128xf32>
    %get3A_108 = arith.constant 19 : index
    %get3A_109 = arith.constant 0 : index
    %get3A_110 = arith.constant 0 : index
    %get3A_111 = vector.load %arg0[%get3A_108, %get3A_109, %get3A_110] : memref<32x256x128xf32, #tpu.memory_space<vmem>>, vector<1x256x128xf32>
    %get3A_112 = vector.shape_cast %get3A_111 : vector<1x256x128xf32> to vector<256x128xf32>
    %add3A_113 = arith.addf %add3A_89, %get3A_112 : vector<256x128xf32>
    %get3A_114 = arith.constant 20 : index
    %get3A_115 = arith.constant 0 : index
    %get3A_116 = arith.constant 0 : index
    %get3A_117 = vector.load %arg0[%get3A_114, %get3A_115, %get3A_116] : memref<32x256x128xf32, #tpu.memory_space<vmem>>, vector<1x256x128xf32>
    %get3A_118 = vector.shape_cast %get3A_117 : vector<1x256x128xf32> to vector<256x128xf32>
    %add3A_119 = arith.addf %add3A_95, %get3A_118 : vector<256x128xf32>
    %get3A_120 = arith.constant 21 : index
    %get3A_121 = arith.constant 0 : index
    %get3A_122 = arith.constant 0 : index
    %get3A_123 = vector.load %arg0[%get3A_120, %get3A_121, %get3A_122] : memref<32x256x128xf32, #tpu.memory_space<vmem>>, vector<1x256x128xf32>
    %get3A_124 = vector.shape_cast %get3A_123 : vector<1x256x128xf32> to vector<256x128xf32>
    %add3A_125 = arith.addf %add3A_101, %get3A_124 : vector<256x128xf32>
    %get3A_126 = arith.constant 22 : index
    %get3A_127 = arith.constant 0 : index
    %get3A_128 = arith.constant 0 : index
    %get3A_129 = vector.load %arg0[%get3A_126, %get3A_127, %get3A_128] : memref<32x256x128xf32, #tpu.memory_space<vmem>>, vector<1x256x128xf32>
    %get3A_130 = vector.shape_cast %get3A_129 : vector<1x256x128xf32> to vector<256x128xf32>
    %add3A_131 = arith.addf %add3A_107, %get3A_130 : vector<256x128xf32>
    %get3A_132 = arith.constant 23 : index
    %get3A_133 = arith.constant 0 : index
    %get3A_134 = arith.constant 0 : index
    %get3A_135 = vector.load %arg0[%get3A_132, %get3A_133, %get3A_134] : memref<32x256x128xf32, #tpu.memory_space<vmem>>, vector<1x256x128xf32>
    %get3A_136 = vector.shape_cast %get3A_135 : vector<1x256x128xf32> to vector<256x128xf32>
    %add3A_137 = arith.addf %add3A_113, %get3A_136 : vector<256x128xf32>
    %get3A_138 = arith.constant 24 : index
    %get3A_139 = arith.constant 0 : index
    %get3A_140 = arith.constant 0 : index
    %get3A_141 = vector.load %arg0[%get3A_138, %get3A_139, %get3A_140] : memref<32x256x128xf32, #tpu.memory_space<vmem>>, vector<1x256x128xf32>
    %get3A_142 = vector.shape_cast %get3A_141 : vector<1x256x128xf32> to vector<256x128xf32>
    %add3A_143 = arith.addf %add3A_119, %get3A_142 : vector<256x128xf32>
    %get3A_144 = arith.constant 25 : index
    %get3A_145 = arith.constant 0 : index
    %get3A_146 = arith.constant 0 : index
    %get3A_147 = vector.load %arg0[%get3A_144, %get3A_145, %get3A_146] : memref<32x256x128xf32, #tpu.memory_space<vmem>>, vector<1x256x128xf32>
    %get3A_148 = vector.shape_cast %get3A_147 : vector<1x256x128xf32> to vector<256x128xf32>
    %add3A_149 = arith.addf %add3A_125, %get3A_148 : vector<256x128xf32>
    %get3A_150 = arith.constant 26 : index
    %get3A_151 = arith.constant 0 : index
    %get3A_152 = arith.constant 0 : index
    %get3A_153 = vector.load %arg0[%get3A_150, %get3A_151, %get3A_152] : memref<32x256x128xf32, #tpu.memory_space<vmem>>, vector<1x256x128xf32>
    %get3A_154 = vector.shape_cast %get3A_153 : vector<1x256x128xf32> to vector<256x128xf32>
    %add3A_155 = arith.addf %add3A_131, %get3A_154 : vector<256x128xf32>
    %get3A_156 = arith.constant 27 : index
    %get3A_157 = arith.constant 0 : index
    %get3A_158 = arith.constant 0 : index
    %get3A_159 = vector.load %arg0[%get3A_156, %get3A_157, %get3A_158] : memref<32x256x128xf32, #tpu.memory_space<vmem>>, vector<1x256x128xf32>
    %get3A_160 = vector.shape_cast %get3A_159 : vector<1x256x128xf32> to vector<256x128xf32>
    %add3A_161 = arith.addf %add3A_137, %get3A_160 : vector<256x128xf32>
    %get3A_162 = arith.constant 28 : index
    %get3A_163 = arith.constant 0 : index
    %get3A_164 = arith.constant 0 : index
    %get3A_165 = vector.load %arg0[%get3A_162, %get3A_163, %get3A_164] : memref<32x256x128xf32, #tpu.memory_space<vmem>>, vector<1x256x128xf32>
    %get3A_166 = vector.shape_cast %get3A_165 : vector<1x256x128xf32> to vector<256x128xf32>
    %add3A_167 = arith.addf %add3A_143, %get3A_166 : vector<256x128xf32>
    %get3A_168 = arith.constant 29 : index
    %get3A_169 = arith.constant 0 : index
    %get3A_170 = arith.constant 0 : index
    %get3A_171 = vector.load %arg0[%get3A_168, %get3A_169, %get3A_170] : memref<32x256x128xf32, #tpu.memory_space<vmem>>, vector<1x256x128xf32>
    %get3A_172 = vector.shape_cast %get3A_171 : vector<1x256x128xf32> to vector<256x128xf32>
    %add3A_173 = arith.addf %add3A_149, %get3A_172 : vector<256x128xf32>
    %get3A_174 = arith.constant 30 : index
    %get3A_175 = arith.constant 0 : index
    %get3A_176 = arith.constant 0 : index
    %get3A_177 = vector.load %arg0[%get3A_174, %get3A_175, %get3A_176] : memref<32x256x128xf32, #tpu.memory_space<vmem>>, vector<1x256x128xf32>
    %get3A_178 = vector.shape_cast %get3A_177 : vector<1x256x128xf32> to vector<256x128xf32>
    %add3A_179 = arith.addf %add3A_155, %get3A_178 : vector<256x128xf32>
    %get3A_180 = arith.constant 31 : index
    %get3A_181 = arith.constant 0 : index
    %get3A_182 = arith.constant 0 : index
    %get3A_183 = vector.load %arg0[%get3A_180, %get3A_181, %get3A_182] : memref<32x256x128xf32, #tpu.memory_space<vmem>>, vector<1x256x128xf32>
    %get3A_184 = vector.shape_cast %get3A_183 : vector<1x256x128xf32> to vector<256x128xf32>
    %add3A_185 = arith.addf %add3A_161, %get3A_184 : vector<256x128xf32>
    %concatenate3A = tpu.concatenate %add3A_167, %add3A_173, %add3A_179, %add3A_185 in 1 : vector<256x128xf32>, vector<256x128xf32>, vector<256x128xf32>, vector<256x128xf32> -> vector<256x512xf32>
    %get3A_186 = arith.constant 0 : index
    %get3A_187 = arith.constant 0 : index
    %get3A_188 = vector.load %arg1[%get3A_186, %get3A_187] : memref<256x512xf32, #tpu.memory_space<vmem>>, vector<256x512xf32>
    %add3A_189 = arith.addf %concatenate3A, %get3A_188 : vector<256x512xf32>
    %mul3A = arith.mulf %add3A_189, %add3A_189 : vector<256x512xf32>
    %reduce_sum3A = arith.constant dense<0.000000e+00> : vector<256xf32>
    %reduce_sum3A_190 = vector.multi_reduction <add>, %mul3A, %reduce_sum3A [1] : vector<256x512xf32> to vector<256xf32>
    %broadcast_in_dim3A = vector.shape_cast %reduce_sum3A_190 : vector<256xf32> to vector<256x1xf32>
    %sqrt3A = math.sqrt %broadcast_in_dim3A : vector<256x1xf32>
    %max3A = arith.constant 9.99999996E-13 : f32
    %max3A_191 = vector.broadcast %max3A : f32 to vector<256x1xf32>
    %max3A_192 = arith.maximumf %sqrt3A, %max3A_191 : vector<256x1xf32>
    %div3A = arith.constant 1.000000e+00 : f32
    %div3A_193 = vector.broadcast %div3A : f32 to vector<256x1xf32>
    %div3A_194 = arith.divf %div3A_193, %max3A_192 : vector<256x1xf32>
    %mul3A_195 = vector.broadcast %div3A_194 : vector<256x1xf32> to vector<256x512xf32>
    %mul3A_196 = arith.mulf %add3A_189, %mul3A_195 : vector<256x512xf32>
    %get3A_197 = arith.constant 0 : index
    %get3A_198 = arith.constant 0 : index
    %get3A_199 = vector.load %arg4[%get3A_197, %get3A_198] : memref<64x512xf32, #tpu.memory_space<vmem>>, vector<64x512xf32>
    %mul3A_200 = arith.mulf %get3A_199, %get3A_199 : vector<64x512xf32>
    %reduce_sum3A_201 = arith.constant dense<0.000000e+00> : vector<64xf32>
    %reduce_sum3A_202 = vector.multi_reduction <add>, %mul3A_200, %reduce_sum3A_201 [1] : vector<64x512xf32> to vector<64xf32>
    %broadcast_in_dim3A_203 = vector.shape_cast %reduce_sum3A_202 : vector<64xf32> to vector<64x1xf32>
    %sqrt3A_204 = math.sqrt %broadcast_in_dim3A_203 : vector<64x1xf32>
    %max3A_205 = arith.constant 9.99999996E-13 : f32
    %max3A_206 = vector.broadcast %max3A_205 : f32 to vector<64x1xf32>
    %max3A_207 = arith.maximumf %sqrt3A_204, %max3A_206 : vector<64x1xf32>
    %div3A_208 = arith.constant 1.000000e+00 : f32
    %div3A_209 = vector.broadcast %div3A_208 : f32 to vector<64x1xf32>
    %div3A_210 = arith.divf %div3A_209, %max3A_207 : vector<64x1xf32>
    %mul3A_211 = vector.broadcast %div3A_210 : vector<64x1xf32> to vector<64x512xf32>
    %mul3A_212 = arith.mulf %get3A_199, %mul3A_211 : vector<64x512xf32>
    %dot_general3A = arith.constant dense<0.000000e+00> : vector<64x256xf32>
    %dot_general3A_213 = tpu.matmul %mul3A_212, %mul3A_196, %dot_general3A {dimension_numbers = #tpu.dot_dimension_numbers<[1], [1], [0], [0], [0, 0, 1, 0], [], []>, transpose_lhs_hint = false} : vector<64x512xf32>, vector<256x512xf32>, vector<64x256xf32> -> vector<64x256xf32>
    %swap3A = arith.constant 0 : index
    %swap3A_214 = arith.constant 0 : index
    %swap3A_215 = vector.load %arg5[%swap3A, %swap3A_214] : memref<64x256xf32, #tpu.memory_space<vmem>>, vector<64x256xf32>
    tpu.vector_store %arg5[%swap3A, %swap3A_214], %dot_general3A_213 {strides = array<i32>} : memref<64x256xf32, #tpu.memory_space<vmem>>, vector<64x256xf32>,
    %get3A_216 = arith.constant 0 : index
    %get3A_217 = arith.constant 0 : index
    %get3A_218 = vector.load %arg2[%get3A_216, %get3A_217] : memref<32x256xi32, #tpu.memory_space<vmem>>, vector<32x256xi32>
    %reduce_min3A = arith.constant dense<2147483647> : vector<256xi32>
    %reduce_min3A_219 = vector.multi_reduction <minsi>, %get3A_218, %reduce_min3A [0] : vector<32x256xi32> to vector<256xi32>
    %broadcast_in_dim3A_220 = vector.shape_cast %reduce_min3A_219 : vector<256xi32> to vector<1x256xi32>
    %convert_element_type3A = arith.sitofp %broadcast_in_dim3A_220 : vector<1x256xi32> to vector<1x256xf32>
    %get3A_221 = arith.constant 0 : index
    %get3A_222 = arith.constant 0 : index
    %get3A_223 = vector.load %arg3[%get3A_221, %get3A_222] : memref<32x256xi32, #tpu.memory_space<vmem>>, vector<32x256xi32>
    %reduce_max3A = arith.constant dense<-2147483648> : vector<256xi32>
    %reduce_max3A_224 = vector.multi_reduction <maxsi>, %get3A_223, %reduce_max3A [0] : vector<32x256xi32> to vector<256xi32>
    %broadcast_in_dim3A_225 = vector.shape_cast %reduce_max3A_224 : vector<256xi32> to vector<1x256xi32>
    %convert_element_type3A_226 = arith.sitofp %broadcast_in_dim3A_225 : vector<1x256xi32> to vector<1x256xf32>
    %concatenate3A_227 = tpu.concatenate %convert_element_type3A, %convert_element_type3A_226 in 0 : vector<1x256xf32>, vector<1x256xf32> -> vector<2x256xf32>
    %transpose3A = tpu.transpose %concatenate3A_227, [1, 0] : vector<2x256xf32> -> vector<256x2xf32>
    %div3A_228 = arith.constant 5.000000e+00 : f32
    %div3A_229 = vector.broadcast %div3A_228 : f32 to vector<256x2xf32>
    %div3A_230 = arith.divf %transpose3A, %div3A_229 : vector<256x2xf32>
    %swap3A_231 = arith.constant 0 : index
    %swap3A_232 = arith.constant 0 : index
    %swap3A_233 = vector.load %arg6[%swap3A_231, %swap3A_232] : memref<256x2xf32, #tpu.memory_space<vmem>>, vector<256x2xf32>
    tpu.vector_store %arg6[%swap3A_231, %swap3A_232], %div3A_230 {strides = array<i32>} : memref<256x2xf32, #tpu.memory_space<vmem>>, vector<256x2xf32>,
    return
  }
}

</mosaic_0001>

<sc_bundles>
// kernel: kernel.5.cloned.1.call-start
scs
__scs_entry_jumppad:
0x0: {  	(pc) =	sbr.rel $0x88, $3  }
0x1: {  	(tag) =	ssettag $0x0;
	lr =	simm.s32 $0x1  }
0x2: {  	[smem:$0x3F9E] =	sst lr;
	_ =	strace $0xD0000000  }
0x3: {  	_ = 	snop  }
0x4: {  	_ = 	snop  }
0x5: {  	_ = 	snop  }
0x6: {  	_ = 	snop  }
0x7: {  	_ = 	snop  }
__scs_overlays_trampoline_lowered:
0x8: {  	[smem:$0x3FAD] =	sst s0  }
0x9: {  	[smem:$0x3FAE] =	sst s1  }
0xa: {  	[smem:$0x3FAF] =	sst s2  }
0xb: {  	[smem:$0x3FB0] =	sst s3  }
0xc: {  	[smem:$0x3FB1] =	sst s4  }
0xd: {  	[smem:$0x3FB2] =	sst s5  }
0xe: {  	[smem:$0x3FB3] =	sst s6  }
0xf: {  	[smem:$0x3FB4] =	sst s7  }
0x10: {  	[smem:$0x3FB5] =	sst s8  }
0x11: {  	[smem:$0x3FB6] =	sst s9;
	s0 =	simm.s32 @!p0 $0x0  }
0x12: {  	s1 =	sld [smem:$0x3F9C];
	s0 =	simm.s32 @p0 $0x1  }
0x13: {  	[smem:$0x3FB7] =	sst s0;
	s0 =	simm.s32 @!p1 $0x0  }
0x14: {  	s2 =	sld [smem:$0x3F9B];
	s0 =	simm.s32 @p1 $0x1  }
0x15: {  	[smem:$0x3FB8] =	sst s0;
	s0 =	simm.s32 @!p2 $0x0  }
0x16: {  	s3 =	sld [smem:$0x3FDB];
	s0 =	simm.s32 @p2 $0x1  }
0x17: {  	s4 =	simm.s32 $0x1BF5;
	[smem:$0x3FBA] =	sst s0  }
0x18: {  	s0 =	sld [smem:$0x3F9D];
	_ =	swait.ge [sflag:s4], $0x0  }
0x19: {  	s7 =	sld [smem:$0x3F9E]  }
0x1a: {  	s8 =	sadd.s32 $0xFFFFE003, lr  }
0x1b: {  	s9 =	sadd.s32 $0xFFFFFEF7, lr;
	s5 =	simm.s32 $0xFFFFFFFF;
	p2 =	slt.u32 s8, $0xFFFFF086  }
0x1c: {  	p1 =	slt.u32 s9, $0xF7A;
	s5 =	simm.s32 @!p2 $0x0  }
0x1d: {  	s5 =	simm.s32 @p1 $0x1;
	p0 =	seq.s32 s7, s2  }
0x1e: {  	s7 =	smul.u32 @!p0 $0xF7A, s2;
	p2 =	seq.s32 @!p0 s5, $0x0  }
0x1f: {  	s9 =	smul.u32 $0xF7A, s1;
	s8 =	simm.s32 @!p0 $0x1BF5;
	p2 =	por !p2, p0  }
0x20: {  	[sflag:s8] =	ssyncset.s32 @!p0 $0xFFFFF086;
	s6 =	sadd.s32 @!p0 s3, s7;
	s7 =	simm.s32 @!p0 $0x108  }
0x21: {  	s3 =	sadd.s32 s3, s9;
	s6 =	sadd.s32 @!p0 $0x88, s6;
	s7 =	simm.s32 @p2 $0x1082  }
0x22: {  	[simem:s7], [sflag:s8] =	dma.local @!p0 [hbm:s6], $0xF7A  }
0x23: {  	s9 =	sor.u32 $0xD0000000, s2;
	s6 =	simm.s32 $0x108;
	_ =	swait.ge @!p0 [sflag:s8], $0x0  }
0x24: {  	s3 =	sadd.s32 $0x88, s3;
	s6 =	simm.s32 @!p1 $0x1082;
	[sflag:s4] =	ssyncset.s32 $0xFFFFF086  }
0x25: {  	[simem:s6], [sflag:s4] =	dma.local [hbm:s3], $0xF7A  }
0x26: {  	[smem:$0x3F9E] =	sst s1;
	(tag) =	ssettag s2;
	_ =	strace s9  }
0x27: {  	s1 =	sld [smem:$0x3FAE]  }
0x28: {  	s2 =	sld [smem:$0x3FAF]  }
0x29: {  	s4 =	sld [smem:$0x3FB1]  }
0x2a: {  	p0 =	seq.s32 s5, $0x0;
	s5 =	sld [smem:$0x3FB2]  }
0x2b: {  	s6 =	sld [smem:$0x3FB3]  }
0x2c: {  	s7 =	sld [smem:$0x3FB4]  }
0x2d: {  	s3 =	simm.s32 $0x108;
	s8 =	sld [smem:$0x3FB5]  }
0x2e: {  	s3 =	simm.s32 @!p0 $0x1082;
	s9 =	sld [smem:$0x3FB6]  }
0x2f: {  	lr =	sadd.s32 s0, s3;
	s0 =	sld [smem:$0x3FAD]  }
0x30: {  	s3 =	sld [smem:$0x3FB0]  }
0x31: {  	[smem:$0x3FB9] =	sst s10  }
0x32: {  	s10 =	sld [smem:$0x3FB7];
	_ =	sdelay $0x3  }
0x33: {  	p0 =	seq.s32 s10, $0x1;
	s10 =	sld [smem:$0x3FB9];
	_ =	sdelay $0x3  }
0x34: {  	[smem:$0x3FB9] =	sst s10  }
0x35: {  	s10 =	sld [smem:$0x3FB8];
	_ =	sdelay $0x3  }
0x36: {  	p1 =	seq.s32 s10, $0x1;
	s10 =	sld [smem:$0x3FB9];
	_ =	sdelay $0x3  }
0x37: {  	[smem:$0x3FB9] =	sst s10  }
0x38: {  	s10 =	sld [smem:$0x3FBA]  }
0x39: {  	_ = 	snop;
	(pc) =	sbr.ind lr, $3  }
0x3a: {  	_ = 	snop  }
0x3b: {  	_ = 	snop  }
0x3c: {  	p2 =	seq.s32 s10, $0x1;
	s10 =	sld [smem:$0x3FB9]  }
0x3d: {  	_ =	shalt  }
0x3e: {  	_ =	shalt  }
0x3f: {  	_ =	shalt  }
0x40: {  	_ =	shalt  }
0x41: {  	_ =	shalt  }
0x42: {  	_ =	shalt  }
0x43: {  	_ =	shalt  }
0x44: {  	_ =	shalt  }
0x45: {  	_ =	shalt  }
0x46: {  	_ =	shalt  }
0x47: {  	_ =	shalt  }
0x48: {  	_ =	shalt  }
0x49: {  	_ =	shalt  }
0x4a: {  	_ =	shalt  }
0x4b: {  	_ =	shalt  }
0x4c: {  	_ =	shalt  }
0x4d: {  	_ =	shalt  }
0x4e: {  	_ =	shalt  }
0x4f: {  	_ =	shalt  }
0x50: {  	_ =	shalt  }
0x51: {  	_ =	shalt  }
0x52: {  	_ =	shalt  }
0x53: {  	_ =	shalt  }
0x54: {  	_ =	shalt  }
0x55: {  	_ =	shalt  }
0x56: {  	_ =	shalt  }
0x57: {  	_ =	shalt  }
0x58: {  	_ =	shalt  }
0x59: {  	_ =	shalt  }
0x5a: {  	_ =	shalt  }
0x5b: {  	_ =	shalt  }
0x5c: {  	_ =	shalt  }
0x5d: {  	_ =	shalt  }
0x5e: {  	_ =	shalt  }
0x5f: {  	_ =	shalt  }
0x60: {  	_ =	shalt  }
0x61: {  	_ =	shalt  }
0x62: {  	_ =	shalt  }
0x63: {  	_ =	shalt  }
0x64: {  	_ =	shalt  }
0x65: {  	_ =	shalt  }
0x66: {  	_ =	shalt  }
0x67: {  	_ =	shalt  }
0x68: {  	_ =	shalt  }
0x69: {  	_ =	shalt  }
0x6a: {  	_ =	shalt  }
0x6b: {  	_ =	shalt  }
0x6c: {  	_ =	shalt  }
0x6d: {  	_ =	shalt  }
0x6e: {  	_ =	shalt  }
0x6f: {  	_ =	shalt  }
0x70: {  	_ =	shalt  }
0x71: {  	_ =	shalt  }
0x72: {  	_ =	shalt  }
0x73: {  	_ =	shalt  }
0x74: {  	_ =	shalt  }
0x75: {  	_ =	shalt  }
0x76: {  	_ =	shalt  }
0x77: {  	_ =	shalt  }
0x78: {  	_ =	shalt  }
0x79: {  	_ =	shalt  }
0x7a: {  	_ =	shalt  }
0x7b: {  	_ =	shalt  }
0x7c: {  	_ =	shalt  }
0x7d: {  	_ =	shalt  }
0x7e: {  	_ =	shalt  }
0x7f: {  	_ =	shalt  }
0x80: {  	_ =	shalt  }
0x81: {  	_ =	shalt  }
0x82: {  	_ =	shalt  }
0x83: {  	_ =	shalt  }
0x84: {  	_ =	shalt  }
0x85: {  	_ =	shalt  }
0x86: {  	_ =	shalt  }
0x87: {  	_ =	shalt  }
.Lfunc_end0:
.L_simem_size_0:
called_computation_lowered:
.L_overlay_start_0:
0x88: {  	s2 =	sld [smem:$0x3FD9]  }
0x89: {  	s3 =	sld [smem:$0x3FFE];
	_ =	sdelay $0x1  }
0x8a: {  	s1 =	srdreg.scid  }
0x8b: {  	s0 =	sand.u32 $0x1, s1  }
0x8c: {  	s14 =	sshll.u32 s0, $0xA;
	s2 =	sadd.s32 s3, s2  }
0x8d: {  	s2 =	sadd.s32 s2, s14  }
0x8e: {  	[smem:$0x3FC5] =	sst s2  }
0x8f: {  	_ = 	snop  }
0x90: {  	s2 =	sld [smem:$0x3FD0];
	_ =	sdelay $0x1  }
0x91: {  	s15 =	sld [smem:$0x3FC8]  }
0x92: {  	s5 =	simm.s32 $0xA;
	s6 =	simm.s32 $0x10;
	s4 =	sld [smem:$0x3FC7]  }
0x93: {  	[smem:s6], [sflag:s5] =	dma.local [hbm:s2], $0x1  }
0x94: {  	_ =	swait.eq [sflag:s5], $0x1  }
0x95: {  	[sflag:s5] =	ssyncset.done $0x0  }
0x96: {  	[sflag:s5] =	ssyncadd.s32 $0xFFFFFFFF  }
0x97: {  	s16 =	sld [smem:$0x10];
	(tm) =	ssettm $0x1  }
0x98: {  	s17 =	sld [smem:$0x3FFB];
	_ =	sdelay $0x3  }
0x99: {  	_ =	strace s17  }
0x9a: {  	s5 =	sld [smem:$0x3FFC];
	_ =	sdelay $0x3  }
0x9b: {  	_ =	strace s5  }
0x9c: {  	s5 =	sld [smem:$0x3FFD];
	_ =	sdelay $0x3  }
0x9d: {  	_ =	strace s5  }
0x9e: {  	_ =	strace $0x8FFFFFFF  }
0x9f: {  	s18 =	sld [smem:$0x3FDB];
	_ =	sdelay $0x1  }
0xa0: {  	s19 =	simm.s32 $_scs_section_size  }
0xa1: {  	s7 =	simm.s32 $_size__tile_overlayer_lowered;
	s8 =	simm.s32 $_tile_overlayer_lowered  }
0xa2: {  	s22 =	simm.s32 $0x1BFF;
	s21 =	sshll.u32 s8, $0x1;
	s5 =	sadd.s32 s19, s18  }
0xa3: {  	s9 =	simm.s32 $0x0;
	s20 =	sshll.u32 s7, $0x1;
	s7 =	sadd.s32 s21, s5  }
0xa4: {  	[timem:s9], [sflag:s22] =	dma.local [hbm:s7], s20  }
0xa5: {  	_ =	swait.ge [sflag:s22], s20  }
0xa6: {  	s6 =	ssub.s32 $0x0, s20;
	[sflag:s22] =	ssyncset.done $0x0  }
0xa7: {  	[sflag:s22] =	ssyncadd.s32 s6;
	_ =	sdelay $0x1  }
0xa8: {  	s23 =	simm.s32 $0x1B8B  }
0xa9: {  	_ =	swait.ge [sflag:s23], $0x1  }
0xaa: {  	[sflag:s23] =	ssyncset.done $0x0  }
0xab: {  	s25 =	simm.s32 $0x1B8E;
	s24 =	sld [smem:$0x3FFE];
	[sflag:s23] =	ssyncadd.s32 $0xFFFFFFFF  }
0xac: {  	s26 =	simm.s32 $execute0_lowered;
	[smem:$0x3FD2] =	sst s25  }
0xad: {  	s7 =	sshll.u32 s26, $0x1;
	_ =	strace $0x80000046;
	[dreg:$0x1] =	wrdreg $0xFFFFFFFF  }
0xae: {  	s28 =	simm.s32 $_size_execute0_lowered;
	s5 =	sadd.s32 s5, s7;
	[dreg:$0x0] =	wrdreg $0x0  }
0xaf: {  	s7 =	sshll.u32 s28, $0x1;
	[dreg:$0x2] =	wrdreg s5  }
0xb0: {  	[dreg:$0x3] =	wrdreg s7  }
0xb1: {  	[dreg:$0x4] =	wrdreg $0xC0  }
0xb2: {  	_ =	task [dreg:s9], $0x5FFFF  }
0xb3: {  	[dreg:$0x1] =	wrdreg $0xFFFFFFFF  }
0xb4: {  	[dreg:$0x0] =	wrdreg $0x60  }
0xb5: {  	[dreg:$0x2] =	wrdreg s15  }
0xb6: {  	[dreg:$0x3] =	wrdreg s4  }
0xb7: {  	[dreg:$0x4] =	wrdreg s24  }
0xb8: {  	[dreg:$0x5] =	wrdreg s16  }
0xb9: {  	[dreg:$0x6] =	wrdreg $0x9  }
0xba: {  	_ =	task.clear_ibuf [dreg:s9], $0x7FFFF;
	_ =	strace $0x90000046  }
0xbb: {  	s29 =	simm.s32 $0x9;
	_ =	strace $0x80000048  }
0xbc: {  	_ =	swait.ge [sflag:s29], $0x1  }
0xbd: {  	[sflag:s29] =	ssyncadd.s32 $0xFFFFFFFF  }
0xbe: {  	_ =	strace $0x90000048  }
0xbf: {  	_ =	sfence  }
0xc0: {  	s30 =	sld [smem:$0x0];
	_ =	sdelay $0x2  }
0xc1: {  	s31 =	sshll.u32 s1, $0xD;
	s1 =	sshrl.u32 s1, $0x2  }
0xc2: {  	s3 =	sand.u32 $0x4000, s31;
	s1 =	sadd.s32 s1, s30  }
0xc3: {  	s0 =	sor.u32 s3, s0;
	s1 =	sshll.u32 s1, $0x11  }
0xc4: {  	s0 =	sor.u32 s1, s0  }
0xc5: {  	s0 =	sadd.s32 $0x8F2B, s0  }
0xc6: {  	[sflag:s0] =	ssyncadd.remote.s32 $0x1  }
0xc7: {  	_ =	sfence.sel $0xFFFF  }
0xc8: {  	[dreg:$0x0] =	wrdreg $0xFFFFFFFF;
	(pc) =	sbr.abs _section_cstart, $3  }
0xc9: {  	[dreg:$0x1] =	wrdreg $0xFFFFFFFF  }
0xca: {  	_ =	task.clear_ibuf [dreg:s9], $0x2FFFF;
	_ =	strace $0x9FFFFFFF  }
0xcb: {  	(tm) =	ssettm $0x7FFFFFFF  }
tec
execute0_lowered:
.L_overlay_start_1:
0x0: {  	(tag) =	ssettag $0x1  }
0x1: {  	s2 =	srdreg.scid;
	s13 =	stileid.u32  }
0x2: {  	s1 =	rddreg [dreg:$0x0];
	s5 =	sand.u32 $0x1, s2;
	s17 =	sshll.u32 s13, $0x1  }
0x3: {  	s10 =	rddreg [dreg:$0x1];
	s9 =	sor.u32 s5, s17  }
0x4: {  	s4 =	rddreg [dreg:$0x2];
	s3 =	simm.s32 $0x0;
	v0 =	vlaneseq.u32;
	s2 =	sshll.u32 s9, $0x9  }
0x5: {  	[smem:$0x7FF] =	sst s3;
	v1 =	vadd.s32 $0xFFFFFFFF, v0;
	v2 =	vor.u32 s2, v0  }
0x6: {  	s0 =	rddreg [dreg:$0x3];
	_ =	strace $0x80000047;
	s8 =	sor.u32 $0x10, s2;
	[tilespmem:$0x1FE90] =	vst v2;
	v2 =	vadd.s32 s2, v1  }
0x7: {  	s7 =	sshll.u32 s13, $0x6;
	[tilespmem:$0x1FEA0] =	vst v2;
	v2 =	vor.u32 s8, v0  }
0x8: {  	s25 =	sshrl.u32 s13, $0x1;
	s7 =	sand.u32 $0x300, s7;
	s12 =	sor.u32 $0x20, s2;
	[tilespmem:$0x1FEB0] =	vst v2;
	v2 =	vadd.s32 s8, v1  }
0x9: {  	s5 =	ssub.s32 $0x2, s5;
	s16 =	sshll.u32 s25, $0x5;
	s29 =	sor.u32 $0xB0, s2;
	[tilespmem:$0x1FEC0] =	vst v2;
	v2 =	vor.u32 s12, v0  }
0xa: {  	vm0 =	vcmask $0x3F3C;
	s6 =	sshll.u32 s9, $0xC;
	s18 =	sor.u32 $0x30, s2;
	s31 =	sor.u32 $0xC0, s2;
	v23 =	vadd.s32 s29, v1;
	[tilespmem:$0x1FED0] =	vst v2;
	v2 =	vadd.s32 s12, v1  }
0xb: {  	s11 =	sshll.u32 s9, $0x4;
	s23 =	sshrl.u32 s5, $0x1;
	s15 =	sor.u32 $0xD0, s2;
	v24 =	vor.u32 s31, v0;
	v25 =	vadd.s32 s31, v1;
	[tilespmem:$0x1FEE0] =	vst v2;
	v2 =	vor.u32 s18, v0  }
0xc: {  	s30 =	sshll.u32 s9, $0xA;
	s19 =	sor.u32 $0x40, s2;
	s17 =	sor.u32 $0xF0, s2;
	v26 =	vor.u32 s15, v0;
	v27 =	vadd.s32 s15, v1;
	[tilespmem:$0x1FEF0] =	vst v2;
	v2 =	vadd.s32 s18, v1  }
0xd: {  	s11 =	sand.u32 $0x70, s11;
	s13 =	ssub.s32 s5, s23;
	s23 =	sor.u32 $0x150, s2;
	v30 =	vor.u32 s17, v0;
	v31 =	vadd.s32 s17, v1;
	[tilespmem:$0x1FF00] =	vst v2;
	v2 =	vor.u32 s19, v0  }
0xe: {  	s20 =	sor.u32 $0x50, s2;
	s5 =	sand.u32 $0xC00, s30;
	s30 =	sor.u32 $0x1B0, s2;
	v42 =	vor.u32 s23, v0;
	v43 =	vadd.s32 s23, v1;
	[tilespmem:$0x1FF10] =	vst v2;
	v2 =	vadd.s32 s19, v1  }
0xf: {  	s14 =	sadd.s32 s6, s4;
	s11 =	sor.u32 s7, s11;
	s7 =	sor.u32 $0xE0, s2;
	v54 =	vor.u32 s30, v0;
	v55 =	vadd.s32 s30, v1;
	[tilespmem:$0x1FF20] =	vst v2;
	v2 =	vor.u32 s20, v0  }
0x10: {  	s21 =	sor.u32 $0x60, s2;
	s31 =	sor.u32 $0x1C0, s2;
	v28 =	vor.u32 s7, v0;
	v29 =	vadd.s32 s7, v1;
	s8 =	sshll.u32 s25, $0x11;
	[tilespmem:$0x1FF30] =	vst v2;
	v2 =	vadd.s32 s20, v1  }
0x11: {  	v56 =	vor.u32 s31, v0;
	v57 =	vadd.s32 s31, v1;
	s12 =	sadd.s32 s11, s4;
	s4 =	sshll.u32 s25, $0x8;
	s25 =	sor.u32 $0x170, s2;
	[tilespmem:$0x1FF40] =	vst v2;
	v2 =	vor.u32 s21, v0  }
0x12: {  	s22 =	sor.u32 $0x70, s2;
	s24 =	sor.u32 $0x80, s2;
	v46 =	vor.u32 s25, v0;
	v47 =	vadd.s32 s25, v1;
	s18 =	sor.u32 $0x100, s2;
	[tilespmem:$0x1FF50] =	vst v2;
	v2 =	vadd.s32 s21, v1  }
0x13: {  	s26 =	sor.u32 $0x90, s2;
	s28 =	sor.u32 $0xA0, s2;
	v32 =	vor.u32 s18, v0;
	v33 =	vadd.s32 s18, v1;
	s18 =	sor.u32 $0x1D0, s2;
	[tilespmem:$0x1FF60] =	vst v2;
	v2 =	vor.u32 s22, v0  }
0x14: {  	s6 =	sadd.s32 s10, s16;
	s16 =	simm.s32 $0x400;
	s19 =	sor.u32 $0x110, s2;
	v58 =	vor.u32 s18, v0;
	v59 =	vadd.s32 s18, v1;
	[tilespmem:$0x1FF70] =	vst v2;
	v2 =	vadd.s32 s22, v1  }
0x15: {  	s17 =	sshll.u32 s9, $0x6;
	s9 =	sadd.s32 $0x1400, s14;
	v34 =	vor.u32 s19, v0;
	v35 =	vadd.s32 s19, v1;
	s19 =	sor.u32 $0x1E0, s2;
	[tilespmem:$0x1FF80] =	vst v2;
	v2 =	vor.u32 s24, v0  }
0x16: {  	s13 =	smax.u32 s13, $0x1;
	s15 =	simm.s32 $0x3;
	s20 =	sor.u32 $0x120, s2;
	v60 =	vor.u32 s19, v0;
	v61 =	vadd.s32 s19, v1;
	[tilespmem:$0x1FF90] =	vst v2;
	v2 =	vadd.s32 s24, v1  }
0x17: {  	s23 =	simm.s32 $0x4380;
	s10 =	sadd.s32 s10, s17;
	v36 =	vor.u32 s20, v0;
	v37 =	vadd.s32 s20, v1;
	s21 =	sor.u32 $0x130, s2;
	[tilespmem:$0x1FFA0] =	vst v2;
	v2 =	vor.u32 s26, v0  }
0x18: {  	s17 =	simm.s32 $0x1000;
	s7 =	sor.u32 s8, s5;
	v38 =	vor.u32 s21, v0;
	v39 =	vadd.s32 s21, v1;
	s22 =	sor.u32 $0x140, s2;
	[tilespmem:$0x1FFB0] =	vst v2;
	v2 =	vadd.s32 s26, v1  }
0x19: {  	s7 =	sshrl.u32 s7, $0x3;
	s11 =	sadd.s32 s0, s11;
	v40 =	vor.u32 s22, v0;
	v41 =	vadd.s32 s22, v1;
	s24 =	sor.u32 $0x160, s2;
	[tilespmem:$0x1FFC0] =	vst v2;
	v2 =	vor.u32 s28, v0  }
.Ltmp0:
0x1a: {  	s7 =	sadd.s32 s1, s7;
	v44 =	vor.u32 s24, v0;
	v45 =	vadd.s32 s24, v1;
	s26 =	sor.u32 $0x180, s2;
	[tilespmem:$0x1FFD0] =	vst v2;
	v2 =	vadd.s32 s28, v1;
	(pc) =	sbr.rel .LBB2_1-.Ltmp0, $4  }
0x1b: {  	s8 =	sor.u32 $0x80, s4;
	v48 =	vor.u32 s26, v0;
	v49 =	vadd.s32 s26, v1;
	s28 =	sor.u32 $0x190, s2;
	[tilespmem:$0x1FFE0] =	vst v2;
	v2 =	vor.u32 s29, v0;
	s29 =	sor.u32 $0x1A0, s2  }
0x1c: {  	s12 =	sadd.s32 $0x21400, s12;
	s25 =	simm.s32 $0x80;
	v50 =	vor.u32 s28, v0;
	v51 =	vadd.s32 s28, v1;
	s2 =	sor.u32 $0x1F0, s2;
	v52 =	vor.u32 s29, v0  }
0x1d: {  	s18 =	simm.s32 $0x2000;
	s19 =	simm.s32 $0x1;
	s20 =	simm.s32 $0x2;
	v53 =	vadd.s32 s29, v1;
	v62 =	vor.u32 s2, v0;
	v63 =	vadd.s32 s2, v1  }
0x1e: {  	s22 =	simm.s32 $0x4110;
	s24 =	simm.s32 $0x4480;
	s26 =	simm.s32 $0x0;
	[tilespmem:$0x1FFF0] =	vst v2;
	v0 =	vimm.f32 $0.0e+00;
	v1 =	vimm.s32 $0x7FFFFFFF;
	v2 =	vimm.s32 $0x80000000  }
.LBB2_19:
0x1f: {  	s0 =	simm.s32 $0x4580  }
0x20: {  	[hbm4b:s9+s3] =	stream.linear.scatter [tilespmem:s0], [sflag:$0x3], $0x8000, $0x38;
	[tilespmem:$0xC580] =	vst v63  }
0x21: {  	_ =	swait.ge [sflag:s15], $0x8000  }
0x22: {  	[sflag:s15] =	ssyncset.done $0x0  }
0x23: {  	v3 =	vimm.s32 $0xFFFFFFFF;
	[sflag:s15] =	ssyncadd.s32 $0xFFFF8000  }
0x24: {  	[tilespmem:$0x4100] =	vst v3  }
0x25: {  	[tilespmem:s22], [sflag:$0x3] =	stream.linear.gather [hbm4b:s10+s3], $0x200, $0x38;
	[tilespmem:$0xC580] =	vst v63  }
0x26: {  	_ =	swait.ge [sflag:s15], $0x200  }
0x27: {  	[sflag:s15] =	ssyncset.done $0x0  }
0x28: {  	[sflag:s15] =	ssyncadd.s32 $0xFFFFFE00  }
0x29: {  	[tilespmem:$0x4380] =	vst v1  }
0x2a: {  	[tilespmem:$0x4480] =	vst v2  }
0x2b: {  	[tilespmem:$0x4390] =	vst v1  }
0x2c: {  	[tilespmem:$0x4490] =	vst v2  }
0x2d: {  	[tilespmem:$0x43A0] =	vst v1  }
0x2e: {  	[tilespmem:$0x44A0] =	vst v2  }
0x2f: {  	[tilespmem:$0x43B0] =	vst v1  }
0x30: {  	[tilespmem:$0x44B0] =	vst v2  }
0x31: {  	[tilespmem:$0x43C0] =	vst v1  }
0x32: {  	[tilespmem:$0x44C0] =	vst v2  }
0x33: {  	[tilespmem:$0x43D0] =	vst v1  }
0x34: {  	[tilespmem:$0x44D0] =	vst v2  }
0x35: {  	[tilespmem:$0x43E0] =	vst v1  }
0x36: {  	[tilespmem:$0x44E0] =	vst v2  }
0x37: {  	[tilespmem:$0x43F0] =	vst v1  }
0x38: {  	[tilespmem:$0x44F0] =	vst v2  }
0x39: {  	[tilespmem:$0x4400] =	vst v1  }
0x3a: {  	[tilespmem:$0x4500] =	vst v2  }
0x3b: {  	[tilespmem:$0x4410] =	vst v1  }
0x3c: {  	[tilespmem:$0x4510] =	vst v2  }
0x3d: {  	[tilespmem:$0x4420] =	vst v1;
	v3 =	vld [tilespmem:$0x4110]  }
0x3e: {  	[tilespmem:$0x4520] =	vst v2;
	v4 =	vld [tilespmem:$0x410F]  }
0x3f: {  	[tilespmem:$0x4430] =	vst v1  }
0x40: {  	[tilespmem:$0x4530] =	vst v2  }
0x41: {  	[tilespmem:$0x4440] =	vst v1  }
0x42: {  	[tilespmem:$0x4540] =	vst v2  }
0x43: {  	[tilespmem:$0x4450] =	vst v1;
	vm1 =	vne.s32 v3, v4  }
0x44: {  	v5 =	vld [tilespmem:$0x1FE90];
	[tilespmem:$0x4550] =	vst v2  }
0x45: {  	[tilespmem:$0x4460] =	vst v1  }
0x46: {  	[tilespmem:$0x4560] =	vst v2  }
0x47: {  	[tilespmem:$0x4470] =	vst v1;
	vm2 =	vgt.s32 v4, $0xFFFFFFFF  }
0x48: {  	[tilespmem:$0x4570] =	vst v2;
	vm2 =	vmand vm1, vm2  }
0x49: {  	[tilespmem:v3+s23+$0x0] =	vst.idx.msk vm1, v5;
	v3 =	vld [tilespmem:$0x1FEA0];
	_ =	sdelay $0x4  }
0x4a: {  	[tilespmem:v4+s24+$0x0] =	vst.idx.msk vm2, v3  }
0x4b: {  	v3 =	vld [tilespmem:$0x4120]  }
0x4c: {  	v4 =	vld [tilespmem:$0x411F];
	_ =	sdelay $0x4  }
0x4d: {  	vm1 =	vne.s32 v3, v4  }
0x4e: {  	v9 =	vld [tilespmem:$0x1FEB0];
	_ =	sdelay $0x2  }
0x4f: {  	vm2 =	vgt.s32 v4, $0xFFFFFFFF  }
0x50: {  	vm2 =	vmand vm1, vm2  }
0x51: {  	[tilespmem:v3+s23+$0x0] =	vst.idx.msk vm1, v9;
	v3 =	vld [tilespmem:$0x1FEC0];
	_ =	sdelay $0x4  }
0x52: {  	[tilespmem:v4+s24+$0x0] =	vst.idx.msk vm2, v3  }
0x53: {  	v3 =	vld [tilespmem:$0x4130]  }
0x54: {  	v4 =	vld [tilespmem:$0x412F];
	_ =	sdelay $0x4  }
0x55: {  	vm1 =	vne.s32 v3, v4  }
0x56: {  	v10 =	vld [tilespmem:$0x1FED0];
	_ =	sdelay $0x2  }
0x57: {  	vm2 =	vgt.s32 v4, $0xFFFFFFFF  }
0x58: {  	vm2 =	vmand vm1, vm2  }
0x59: {  	[tilespmem:v3+s23+$0x0] =	vst.idx.msk vm1, v10;
	v3 =	vld [tilespmem:$0x1FEE0];
	_ =	sdelay $0x4  }
0x5a: {  	[tilespmem:v4+s24+$0x0] =	vst.idx.msk vm2, v3  }
0x5b: {  	v3 =	vld [tilespmem:$0x4140]  }
0x5c: {  	v4 =	vld [tilespmem:$0x413F];
	_ =	sdelay $0x4  }
0x5d: {  	vm1 =	vne.s32 v3, v4  }
0x5e: {  	v11 =	vld [tilespmem:$0x1FEF0];
	_ =	sdelay $0x2  }
0x5f: {  	vm2 =	vgt.s32 v4, $0xFFFFFFFF  }
0x60: {  	vm2 =	vmand vm1, vm2  }
0x61: {  	[tilespmem:v3+s23+$0x0] =	vst.idx.msk vm1, v11;
	v3 =	vld [tilespmem:$0x1FF00];
	_ =	sdelay $0x4  }
0x62: {  	[tilespmem:v4+s24+$0x0] =	vst.idx.msk vm2, v3  }
0x63: {  	v3 =	vld [tilespmem:$0x4150]  }
0x64: {  	v4 =	vld [tilespmem:$0x414F];
	_ =	sdelay $0x4  }
0x65: {  	vm1 =	vne.s32 v3, v4  }
0x66: {  	v12 =	vld [tilespmem:$0x1FF10];
	_ =	sdelay $0x2  }
0x67: {  	vm2 =	vgt.s32 v4, $0xFFFFFFFF  }
0x68: {  	vm2 =	vmand vm1, vm2  }
0x69: {  	[tilespmem:v3+s23+$0x0] =	vst.idx.msk vm1, v12;
	v3 =	vld [tilespmem:$0x1FF20];
	_ =	sdelay $0x4  }
0x6a: {  	[tilespmem:v4+s24+$0x0] =	vst.idx.msk vm2, v3  }
0x6b: {  	v3 =	vld [tilespmem:$0x4160]  }
0x6c: {  	v4 =	vld [tilespmem:$0x415F];
	_ =	sdelay $0x4  }
0x6d: {  	vm1 =	vne.s32 v3, v4  }
0x6e: {  	v13 =	vld [tilespmem:$0x1FF30];
	_ =	sdelay $0x2  }
0x6f: {  	vm2 =	vgt.s32 v4, $0xFFFFFFFF  }
0x70: {  	vm2 =	vmand vm1, vm2  }
0x71: {  	[tilespmem:v3+s23+$0x0] =	vst.idx.msk vm1, v13;
	v3 =	vld [tilespmem:$0x1FF40];
	_ =	sdelay $0x4  }
0x72: {  	[tilespmem:v4+s24+$0x0] =	vst.idx.msk vm2, v3  }
0x73: {  	v3 =	vld [tilespmem:$0x4170]  }
0x74: {  	v4 =	vld [tilespmem:$0x416F];
	_ =	sdelay $0x4  }
0x75: {  	vm1 =	vne.s32 v3, v4  }
0x76: {  	v14 =	vld [tilespmem:$0x1FF50];
	_ =	sdelay $0x2  }
0x77: {  	vm2 =	vgt.s32 v4, $0xFFFFFFFF  }
0x78: {  	vm2 =	vmand vm1, vm2  }
0x79: {  	[tilespmem:v3+s23+$0x0] =	vst.idx.msk vm1, v14;
	v3 =	vld [tilespmem:$0x1FF60];
	_ =	sdelay $0x4  }
0x7a: {  	[tilespmem:v4+s24+$0x0] =	vst.idx.msk vm2, v3  }
0x7b: {  	v3 =	vld [tilespmem:$0x4180]  }
0x7c: {  	v4 =	vld [tilespmem:$0x417F];
	_ =	sdelay $0x4  }
0x7d: {  	vm1 =	vne.s32 v3, v4  }
0x7e: {  	v15 =	vld [tilespmem:$0x1FF70];
	_ =	sdelay $0x2  }
0x7f: {  	vm2 =	vgt.s32 v4, $0xFFFFFFFF  }
0x80: {  	vm2 =	vmand vm1, vm2  }
0x81: {  	[tilespmem:v3+s23+$0x0] =	vst.idx.msk vm1, v15;
	v3 =	vld [tilespmem:$0x1FF80];
	_ =	sdelay $0x4  }
0x82: {  	[tilespmem:v4+s24+$0x0] =	vst.idx.msk vm2, v3  }
0x83: {  	v3 =	vld [tilespmem:$0x4190]  }
0x84: {  	v4 =	vld [tilespmem:$0x418F];
	_ =	sdelay $0x4  }
0x85: {  	vm1 =	vne.s32 v3, v4  }
0x86: {  	v16 =	vld [tilespmem:$0x1FF90];
	_ =	sdelay $0x2  }
0x87: {  	vm2 =	vgt.s32 v4, $0xFFFFFFFF  }
0x88: {  	vm2 =	vmand vm1, vm2  }
0x89: {  	[tilespmem:v3+s23+$0x0] =	vst.idx.msk vm1, v16;
	v3 =	vld [tilespmem:$0x1FFA0];
	_ =	sdelay $0x4  }
0x8a: {  	[tilespmem:v4+s24+$0x0] =	vst.idx.msk vm2, v3  }
0x8b: {  	v3 =	vld [tilespmem:$0x41A0]  }
0x8c: {  	v4 =	vld [tilespmem:$0x419F];
	_ =	sdelay $0x4  }
0x8d: {  	vm1 =	vne.s32 v3, v4  }
0x8e: {  	v17 =	vld [tilespmem:$0x1FFB0];
	_ =	sdelay $0x2  }
0x8f: {  	vm2 =	vgt.s32 v4, $0xFFFFFFFF  }
0x90: {  	vm2 =	vmand vm1, vm2  }
0x91: {  	[tilespmem:v3+s23+$0x0] =	vst.idx.msk vm1, v17;
	v3 =	vld [tilespmem:$0x1FFC0];
	_ =	sdelay $0x4  }
0x92: {  	[tilespmem:v4+s24+$0x0] =	vst.idx.msk vm2, v3  }
0x93: {  	v3 =	vld [tilespmem:$0x41B0]  }
0x94: {  	v4 =	vld [tilespmem:$0x41AF];
	_ =	sdelay $0x4  }
0x95: {  	vm1 =	vne.s32 v3, v4  }
0x96: {  	v18 =	vld [tilespmem:$0x1FFD0];
	_ =	sdelay $0x2  }
0x97: {  	vm2 =	vgt.s32 v4, $0xFFFFFFFF  }
0x98: {  	vm2 =	vmand vm1, vm2  }
0x99: {  	[tilespmem:v3+s23+$0x0] =	vst.idx.msk vm1, v18;
	v3 =	vld [tilespmem:$0x1FFE0];
	_ =	sdelay $0x4  }
0x9a: {  	[tilespmem:v4+s24+$0x0] =	vst.idx.msk vm2, v3  }
0x9b: {  	v3 =	vld [tilespmem:$0x41C0]  }
0x9c: {  	v4 =	vld [tilespmem:$0x41BF];
	_ =	sdelay $0x4  }
0x9d: {  	vm1 =	vne.s32 v3, v4;
	vm2 =	vgt.s32 v4, $0xFFFFFFFF  }
0x9e: {  	v19 =	vld [tilespmem:$0x1FFF0];
	vm2 =	vmand vm1, vm2;
	_ =	sdelay $0x4  }
0x9f: {  	[tilespmem:v3+s23+$0x0] =	vst.idx.msk vm1, v19  }
0xa0: {  	[tilespmem:v4+s24+$0x0] =	vst.idx.msk vm2, v23  }
0xa1: {  	v3 =	vld [tilespmem:$0x41D0]  }
0xa2: {  	v4 =	vld [tilespmem:$0x41CF];
	_ =	sdelay $0x4  }
0xa3: {  	vm1 =	vne.s32 v3, v4;
	vm2 =	vgt.s32 v4, $0xFFFFFFFF  }
0xa4: {  	vm2 =	vmand vm1, vm2;
	_ =	sdelay $0x4  }
0xa5: {  	[tilespmem:v3+s23+$0x0] =	vst.idx.msk vm1, v24  }
0xa6: {  	[tilespmem:v4+s24+$0x0] =	vst.idx.msk vm2, v25  }
0xa7: {  	v3 =	vld [tilespmem:$0x41E0]  }
0xa8: {  	v4 =	vld [tilespmem:$0x41DF];
	_ =	sdelay $0x4  }
0xa9: {  	vm1 =	vne.s32 v3, v4;
	vm2 =	vgt.s32 v4, $0xFFFFFFFF  }
0xaa: {  	vm2 =	vmand vm1, vm2;
	_ =	sdelay $0x4  }
0xab: {  	[tilespmem:v3+s23+$0x0] =	vst.idx.msk vm1, v26  }
0xac: {  	[tilespmem:v4+s24+$0x0] =	vst.idx.msk vm2, v27  }
0xad: {  	v3 =	vld [tilespmem:$0x41F0]  }
0xae: {  	v4 =	vld [tilespmem:$0x41EF];
	_ =	sdelay $0x4  }
0xaf: {  	vm1 =	vne.s32 v3, v4;
	vm2 =	vgt.s32 v4, $0xFFFFFFFF  }
0xb0: {  	vm2 =	vmand vm1, vm2;
	_ =	sdelay $0x4  }
0xb1: {  	[tilespmem:v3+s23+$0x0] =	vst.idx.msk vm1, v28  }
0xb2: {  	[tilespmem:v4+s24+$0x0] =	vst.idx.msk vm2, v29  }
0xb3: {  	v3 =	vld [tilespmem:$0x4200]  }
0xb4: {  	v4 =	vld [tilespmem:$0x41FF];
	_ =	sdelay $0x4  }
0xb5: {  	vm1 =	vne.s32 v3, v4;
	vm2 =	vgt.s32 v4, $0xFFFFFFFF  }
0xb6: {  	vm2 =	vmand vm1, vm2;
	_ =	sdelay $0x4  }
0xb7: {  	[tilespmem:v3+s23+$0x0] =	vst.idx.msk vm1, v30  }
0xb8: {  	[tilespmem:v4+s24+$0x0] =	vst.idx.msk vm2, v31  }
0xb9: {  	v3 =	vld [tilespmem:$0x4210]  }
0xba: {  	v4 =	vld [tilespmem:$0x420F];
	_ =	sdelay $0x4  }
0xbb: {  	vm1 =	vne.s32 v3, v4;
	vm2 =	vgt.s32 v4, $0xFFFFFFFF  }
0xbc: {  	vm2 =	vmand vm1, vm2;
	_ =	sdelay $0x4  }
0xbd: {  	[tilespmem:v3+s23+$0x0] =	vst.idx.msk vm1, v32  }
0xbe: {  	[tilespmem:v4+s24+$0x0] =	vst.idx.msk vm2, v33  }
0xbf: {  	v3 =	vld [tilespmem:$0x4220]  }
0xc0: {  	v4 =	vld [tilespmem:$0x421F];
	_ =	sdelay $0x4  }
0xc1: {  	vm1 =	vne.s32 v3, v4;
	vm2 =	vgt.s32 v4, $0xFFFFFFFF  }
0xc2: {  	vm2 =	vmand vm1, vm2;
	_ =	sdelay $0x4  }
0xc3: {  	[tilespmem:v3+s23+$0x0] =	vst.idx.msk vm1, v34  }
0xc4: {  	[tilespmem:v4+s24+$0x0] =	vst.idx.msk vm2, v35  }
0xc5: {  	v3 =	vld [tilespmem:$0x4230]  }
0xc6: {  	v4 =	vld [tilespmem:$0x422F];
	_ =	sdelay $0x4  }
0xc7: {  	vm1 =	vne.s32 v3, v4;
	vm2 =	vgt.s32 v4, $0xFFFFFFFF  }
0xc8: {  	vm2 =	vmand vm1, vm2;
	_ =	sdelay $0x4  }
0xc9: {  	[tilespmem:v3+s23+$0x0] =	vst.idx.msk vm1, v36  }
0xca: {  	[tilespmem:v4+s24+$0x0] =	vst.idx.msk vm2, v37  }
0xcb: {  	v3 =	vld [tilespmem:$0x4240]  }
0xcc: {  	v4 =	vld [tilespmem:$0x423F];
	_ =	sdelay $0x4  }
0xcd: {  	vm1 =	vne.s32 v3, v4;
	vm2 =	vgt.s32 v4, $0xFFFFFFFF  }
0xce: {  	vm2 =	vmand vm1, vm2;
	_ =	sdelay $0x4  }
0xcf: {  	[tilespmem:v3+s23+$0x0] =	vst.idx.msk vm1, v38  }
0xd0: {  	[tilespmem:v4+s24+$0x0] =	vst.idx.msk vm2, v39  }
0xd1: {  	v3 =	vld [tilespmem:$0x4250]  }
0xd2: {  	v4 =	vld [tilespmem:$0x424F];
	_ =	sdelay $0x4  }
0xd3: {  	vm1 =	vne.s32 v3, v4;
	vm2 =	vgt.s32 v4, $0xFFFFFFFF  }
0xd4: {  	vm2 =	vmand vm1, vm2;
	_ =	sdelay $0x4  }
0xd5: {  	[tilespmem:v3+s23+$0x0] =	vst.idx.msk vm1, v40  }
0xd6: {  	[tilespmem:v4+s24+$0x0] =	vst.idx.msk vm2, v41  }
0xd7: {  	v3 =	vld [tilespmem:$0x4260]  }
0xd8: {  	v4 =	vld [tilespmem:$0x425F];
	_ =	sdelay $0x4  }
0xd9: {  	vm1 =	vne.s32 v3, v4;
	vm2 =	vgt.s32 v4, $0xFFFFFFFF  }
0xda: {  	vm2 =	vmand vm1, vm2;
	_ =	sdelay $0x4  }
0xdb: {  	[tilespmem:v3+s23+$0x0] =	vst.idx.msk vm1, v42  }
0xdc: {  	[tilespmem:v4+s24+$0x0] =	vst.idx.msk vm2, v43  }
0xdd: {  	v3 =	vld [tilespmem:$0x4270]  }
0xde: {  	v4 =	vld [tilespmem:$0x426F];
	_ =	sdelay $0x4  }
0xdf: {  	vm1 =	vne.s32 v3, v4;
	vm2 =	vgt.s32 v4, $0xFFFFFFFF  }
0xe0: {  	vm2 =	vmand vm1, vm2;
	_ =	sdelay $0x4  }
0xe1: {  	[tilespmem:v3+s23+$0x0] =	vst.idx.msk vm1, v44  }
0xe2: {  	[tilespmem:v4+s24+$0x0] =	vst.idx.msk vm2, v45  }
0xe3: {  	v3 =	vld [tilespmem:$0x4280]  }
0xe4: {  	v4 =	vld [tilespmem:$0x427F];
	_ =	sdelay $0x4  }
0xe5: {  	vm1 =	vne.s32 v3, v4;
	vm2 =	vgt.s32 v4, $0xFFFFFFFF  }
0xe6: {  	vm2 =	vmand vm1, vm2;
	_ =	sdelay $0x4  }
0xe7: {  	[tilespmem:v3+s23+$0x0] =	vst.idx.msk vm1, v46  }
0xe8: {  	[tilespmem:v4+s24+$0x0] =	vst.idx.msk vm2, v47  }
0xe9: {  	v3 =	vld [tilespmem:$0x4290]  }
0xea: {  	v4 =	vld [tilespmem:$0x428F];
	_ =	sdelay $0x4  }
0xeb: {  	vm1 =	vne.s32 v3, v4;
	vm2 =	vgt.s32 v4, $0xFFFFFFFF  }
0xec: {  	vm2 =	vmand vm1, vm2;
	_ =	sdelay $0x4  }
0xed: {  	[tilespmem:v3+s23+$0x0] =	vst.idx.msk vm1, v48  }
0xee: {  	[tilespmem:v4+s24+$0x0] =	vst.idx.msk vm2, v49  }
0xef: {  	v3 =	vld [tilespmem:$0x42A0]  }
0xf0: {  	v4 =	vld [tilespmem:$0x429F];
	_ =	sdelay $0x4  }
0xf1: {  	vm1 =	vne.s32 v3, v4;
	vm2 =	vgt.s32 v4, $0xFFFFFFFF  }
0xf2: {  	vm2 =	vmand vm1, vm2;
	_ =	sdelay $0x4  }
0xf3: {  	[tilespmem:v3+s23+$0x0] =	vst.idx.msk vm1, v50  }
0xf4: {  	[tilespmem:v4+s24+$0x0] =	vst.idx.msk vm2, v51  }
0xf5: {  	v3 =	vld [tilespmem:$0x42B0]  }
0xf6: {  	v4 =	vld [tilespmem:$0x42AF];
	_ =	sdelay $0x4  }
0xf7: {  	vm1 =	vne.s32 v3, v4;
	vm2 =	vgt.s32 v4, $0xFFFFFFFF  }
0xf8: {  	vm2 =	vmand vm1, vm2;
	_ =	sdelay $0x4  }
0xf9: {  	[tilespmem:v3+s23+$0x0] =	vst.idx.msk vm1, v52  }
0xfa: {  	[tilespmem:v4+s24+$0x0] =	vst.idx.msk vm2, v53  }
0xfb: {  	v3 =	vld [tilespmem:$0x42C0]  }
0xfc: {  	v4 =	vld [tilespmem:$0x42BF];
	_ =	sdelay $0x4  }
0xfd: {  	vm1 =	vne.s32 v3, v4;
	vm2 =	vgt.s32 v4, $0xFFFFFFFF  }
0xfe: {  	vm2 =	vmand vm1, vm2;
	_ =	sdelay $0x4  }
0xff: {  	[tilespmem:v3+s23+$0x0] =	vst.idx.msk vm1, v54  }
0x100: {  	[tilespmem:v4+s24+$0x0] =	vst.idx.msk vm2, v55  }
0x101: {  	v3 =	vld [tilespmem:$0x42D0]  }
0x102: {  	v4 =	vld [tilespmem:$0x42CF];
	_ =	sdelay $0x4  }
0x103: {  	vm1 =	vne.s32 v3, v4;
	vm2 =	vgt.s32 v4, $0xFFFFFFFF  }
0x104: {  	vm2 =	vmand vm1, vm2;
	_ =	sdelay $0x4  }
0x105: {  	[tilespmem:v3+s23+$0x0] =	vst.idx.msk vm1, v56  }
0x106: {  	[tilespmem:v4+s24+$0x0] =	vst.idx.msk vm2, v57  }
0x107: {  	v3 =	vld [tilespmem:$0x42E0]  }
0x108: {  	v4 =	vld [tilespmem:$0x42DF];
	_ =	sdelay $0x4  }
0x109: {  	vm1 =	vne.s32 v3, v4;
	vm2 =	vgt.s32 v4, $0xFFFFFFFF  }
0x10a: {  	vm2 =	vmand vm1, vm2;
	_ =	sdelay $0x4  }
0x10b: {  	[tilespmem:v3+s23+$0x0] =	vst.idx.msk vm1, v58  }
0x10c: {  	[tilespmem:v4+s24+$0x0] =	vst.idx.msk vm2, v59  }
0x10d: {  	v3 =	vld [tilespmem:$0x42F0]  }
0x10e: {  	v4 =	vld [tilespmem:$0x42EF];
	_ =	sdelay $0x4  }
0x10f: {  	vm1 =	vne.s32 v3, v4;
	vm2 =	vgt.s32 v4, $0xFFFFFFFF  }
0x110: {  	vm2 =	vmand vm1, vm2;
	_ =	sdelay $0x4  }
0x111: {  	[tilespmem:v3+s23+$0x0] =	vst.idx.msk vm1, v60  }
0x112: {  	[tilespmem:v4+s24+$0x0] =	vst.idx.msk vm2, v61  }
0x113: {  	v3 =	vld [tilespmem:$0x4300]  }
0x114: {  	v4 =	vld [tilespmem:$0x42FF];
	_ =	sdelay $0x4  }
0x115: {  	vm1 =	vne.s32 v3, v4;
	vm2 =	vgt.s32 v4, $0xFFFFFFFF  }
0x116: {  	vm2 =	vmand vm1, vm2;
	_ =	sdelay $0x4  }
0x117: {  	[tilespmem:v3+s23+$0x0] =	vst.idx.msk vm1, v62  }
0x118: {  	[tilespmem:v4+s24+$0x0] =	vst.idx.msk vm2, v63  }
0x119: {  	v3 =	vld [tilespmem:$0x4300];
	_ =	sdelay $0x7  }
0x11a: {  	[tilespmem:v3+s24+$0x0] =	vst.idx.msk vm0, v62  }
0x11b: {  	[hbm4b:s11+s25] =	stream.strided.scatter [tilespmem:s23], [sflag:$0x3], $0x100, s16, s25, $0x38;
	[tilespmem:$0xC580] =	vst v63  }
0x11c: {  	s26 =	sadd.s32 $0x1, s26;
	_ =	swait.ge [sflag:s15], $0x100  }
0x11d: {  	p0 =	sne.s32 s26, s13;
	[sflag:s15] =	ssyncset.done $0x0  }
.Ltmp1:
0x11e: {  	[sflag:s15] =	ssyncadd.s32 $0xFFFFFF00;
	(pc) =	sbr.rel @!p0 .LBB2_20-.Ltmp1, $4  }
0x11f: {  	[hbm4b:s12+s25] =	stream.strided.scatter [tilespmem:s24], [sflag:$0x3], $0x100, s16, s25, $0x38;
	[tilespmem:$0xC580] =	vst v63  }
0x120: {  	_ =	swait.ge [sflag:s15], $0x100  }
0x121: {  	[sflag:s15] =	ssyncset.done $0x0  }
0x122: {  	[sflag:s15] =	ssyncadd.s32 $0xFFFFFF00  }
.LBB2_1:
0x123: {  	s0 =	simm.s32 $0x0;
	s2 =	simm.s32 $0x200  }
.LBB2_2:
0x124: {  	p0 =	sne.s32 s2, $0x1FE00;
	[tilespmem:s0+$0x45F0] =	vst v0  }
0x125: {  	[tilespmem:s0+$0x4580] =	vst v0  }
0x126: {  	[tilespmem:s0+$0x4590] =	vst v0  }
.Ltmp2:
0x127: {  	[tilespmem:s0+$0x45A0] =	vst v0;
	(pc) =	sbr.rel @p0 .LBB2_2-.Ltmp2, $4  }
0x128: {  	[tilespmem:s0+$0x45B0] =	vst v0  }
0x129: {  	[tilespmem:s0+$0x45C0] =	vst v0  }
0x12a: {  	[tilespmem:s0+$0x45D0] =	vst v0  }
0x12b: {  	[tilespmem:s0+$0x45E0] =	vst v0;
	s0 =	sshra.s32 s2, $0x2;
	s2 =	sadd.s32 $0x200, s2  }
0x12c: {  	[tilespmem:s0+$0x45F0] =	vst v0  }
0x12d: {  	[tilespmem:s0+$0x4580] =	vst v0  }
0x12e: {  	[tilespmem:s0+$0x4590] =	vst v0  }
0x12f: {  	[tilespmem:s0+$0x45A0] =	vst v0  }
0x130: {  	[tilespmem:s0+$0x45B0] =	vst v0  }
0x131: {  	[tilespmem:s0+$0x45C0] =	vst v0  }
0x132: {  	[tilespmem:s0+$0x45D0] =	vst v0  }
0x133: {  	[tilespmem:s0+$0x45E0] =	vst v0;
	s0 =	simm.s32 $0x0;
	s2 =	simm.s32 $0x4000  }
0x134: {  	[tilespmem:s2], [sflag:$0x3] =	stream.linear.gather [hbm4b:s6+s0], $0x100, $0x38;
	[tilespmem:$0xC580] =	vst v63  }
.Ltmp3:
0x135: {  	_ = 	snop;
	(pc) =	sbr.rel .LBB2_4-.Ltmp3, $4  }
0x136: {  	_ =	swait.ge [sflag:s15], $0x100  }
0x137: {  	[sflag:s15] =	ssyncset.done $0x0  }
0x138: {  	p2 =	por $0x1, $0x1;
	p1 =	por $0x0, $0x0;
	[sflag:s15] =	ssyncadd.s32 $0xFFFFFF00  }
0x139: {  	[tilespmem:s0], [sflag:$0x1] =	stream.strided.gather [hbm4b:s7+s16], $0x2000, s17, s16, $0x38;
	[tilespmem:$0xC580] =	vst v63  }
.LBB2_18:
.Ltmp4:
0x13a: {  	(pc) =	sbr.rel @!p0 .LBB2_19-.Ltmp4, $2  }
0x13b: {  	_ =	sdelay $0x2  }
0x13c: {  	s0 =	simm.s32 $0x1;
	p2 =	por $0x0, $0x0;
	p1 =	por $0x1, $0x1  }
.LBB2_4:
0x13d: {  	s29 =	sshll.u32 s0, $0x7  }
0x13e: {  	s28 =	sor.u32 $0x40, s29  }
0x13f: {  	s14 =	sor.u32 s4, s28  }
0x140: {  	s0 =	sshll.u32 s14, $0x9  }
0x141: {  	s0 =	sor.u32 s5, s0  }
0x142: {  	s0 =	sshrl.u32 s0, $0x3  }
.Ltmp5:
0x143: {  	s30 =	simm.s32 $0x400;
	s0 =	sadd.s32 s1, s0;
	(pc) =	sbr.rel .LBB2_5-.Ltmp5, $4  }
0x144: {  	[tilespmem:s18], [sflag:$0x2] =	stream.strided.gather [hbm4b:s0+s30], $0x2000, s17, s30, $0x38;
	[tilespmem:$0xC580] =	vst v63  }
0x145: {  	s21 =	sand.u32 $0x3FFFFF80, s29;
	_ =	swait.ge [sflag:s19], $0x2000  }
0x146: {  	s0 =	sadd.s32 $0x4000, s21;
	[sflag:s19] =	ssyncset.done $0x0  }
0x147: {  	p0 =	por p2, p2;
	s31 =	simm.s32 $0x0;
	v3 =	vmov s0;
	[sflag:s19] =	ssyncadd.s32 $0xFFFFE000  }
.LBB2_9:
0x148: {  	s2 =	sshll.u32 s31, $0xD  }
0x149: {  	s2 =	sshra.s32 s2, $0x2  }
0x14a: {  	v5 =	vld [tilespmem:s2+$0x0]  }
0x14b: {  	v6 =	vld [tilespmem:s2+$0x10]  }
0x14c: {  	v7 =	vld [tilespmem:s2+$0x20]  }
0x14d: {  	v8 =	vld [tilespmem:s2+$0x30]  }
0x14e: {  	v9 =	vld [tilespmem:s2+$0x40]  }
0x14f: {  	v10 =	vld [tilespmem:s2+$0x50]  }
0x150: {  	v4 =	vshll.u32 v4, $0x9;
	v11 =	vld [tilespmem:s2+$0x60]  }
0x151: {  	v4 =	vshra.s32 v4, $0x2;
	v12 =	vld [tilespmem:s2+$0x70]  }
0x152: {  	(v2sf) =	vpush v4, $0x1;
	[tilespmem:s14+$0x4580] =	vst.add.f32.msk $0xffff, v5  }
0x153: {  	[tilespmem:s14+$0x4590] =	vst.add.f32.msk $0xffff, v6  }
0x154: {  	[tilespmem:s14+$0x45A0] =	vst.add.f32.msk $0xffff, v7  }
0x155: {  	[tilespmem:s14+$0x45B0] =	vst.add.f32.msk $0xffff, v8  }
0x156: {  	[tilespmem:s14+$0x45C0] =	vst.add.f32.msk $0xffff, v9  }
0x157: {  	[tilespmem:s14+$0x45D0] =	vst.add.f32.msk $0xffff, v10  }
0x158: {  	[tilespmem:s14+$0x45E0] =	vst.add.f32.msk $0xffff, v11  }
0x159: {  	[tilespmem:s14+$0x45F0] =	vst.add.f32.msk $0xffff, v12  }
0x15a: {  	v5 =	vld [tilespmem:s2+$0x80]  }
0x15b: {  	v6 =	vld [tilespmem:s2+$0x90]  }
0x15c: {  	v7 =	vld [tilespmem:s2+$0xA0]  }
0x15d: {  	v8 =	vld [tilespmem:s2+$0xB0]  }
0x15e: {  	v9 =	vld [tilespmem:s2+$0xC0]  }
0x15f: {  	v10 =	vld [tilespmem:s2+$0xD0]  }
0x160: {  	v11 =	vld [tilespmem:s2+$0xE0]  }
0x161: {  	v12 =	vld [tilespmem:s2+$0xF0];
	s21 =	spop (v2sf)  }
0x162: {  	(v2sf) =	vpush v4, $0x2;
	[tilespmem:s21+$0x4580] =	vst.add.f32.msk $0xffff, v5  }
0x163: {  	[tilespmem:s21+$0x4590] =	vst.add.f32.msk $0xffff, v6  }
0x164: {  	[tilespmem:s21+$0x45A0] =	vst.add.f32.msk $0xffff, v7  }
0x165: {  	[tilespmem:s21+$0x45B0] =	vst.add.f32.msk $0xffff, v8  }
0x166: {  	[tilespmem:s21+$0x45C0] =	vst.add.f32.msk $0xffff, v9  }
0x167: {  	[tilespmem:s21+$0x45D0] =	vst.add.f32.msk $0xffff, v10  }
0x168: {  	[tilespmem:s21+$0x45E0] =	vst.add.f32.msk $0xffff, v11  }
0x169: {  	[tilespmem:s21+$0x45F0] =	vst.add.f32.msk $0xffff, v12  }
0x16a: {  	v5 =	vld [tilespmem:s2+$0x100]  }
0x16b: {  	v6 =	vld [tilespmem:s2+$0x110]  }
0x16c: {  	v7 =	vld [tilespmem:s2+$0x120]  }
0x16d: {  	v8 =	vld [tilespmem:s2+$0x130]  }
0x16e: {  	v9 =	vld [tilespmem:s2+$0x140]  }
0x16f: {  	v10 =	vld [tilespmem:s2+$0x150]  }
0x170: {  	v11 =	vld [tilespmem:s2+$0x160]  }
0x171: {  	v12 =	vld [tilespmem:s2+$0x170];
	s21 =	spop (v2sf)  }
0x172: {  	(v2sf) =	vpush v4, $0x3;
	[tilespmem:s21+$0x4580] =	vst.add.f32.msk $0xffff, v5  }
0x173: {  	[tilespmem:s21+$0x4590] =	vst.add.f32.msk $0xffff, v6  }
0x174: {  	[tilespmem:s21+$0x45A0] =	vst.add.f32.msk $0xffff, v7  }
0x175: {  	[tilespmem:s21+$0x45B0] =	vst.add.f32.msk $0xffff, v8  }
0x176: {  	[tilespmem:s21+$0x45C0] =	vst.add.f32.msk $0xffff, v9  }
0x177: {  	[tilespmem:s21+$0x45D0] =	vst.add.f32.msk $0xffff, v10  }
0x178: {  	[tilespmem:s21+$0x45E0] =	vst.add.f32.msk $0xffff, v11  }
0x179: {  	[tilespmem:s21+$0x45F0] =	vst.add.f32.msk $0xffff, v12  }
0x17a: {  	v5 =	vld [tilespmem:s2+$0x180]  }
0x17b: {  	v6 =	vld [tilespmem:s2+$0x190]  }
0x17c: {  	v7 =	vld [tilespmem:s2+$0x1A0]  }
0x17d: {  	v8 =	vld [tilespmem:s2+$0x1B0]  }
0x17e: {  	v9 =	vld [tilespmem:s2+$0x1C0]  }
0x17f: {  	v10 =	vld [tilespmem:s2+$0x1D0]  }
0x180: {  	v11 =	vld [tilespmem:s2+$0x1E0]  }
0x181: {  	v12 =	vld [tilespmem:s2+$0x1F0];
	s21 =	spop (v2sf)  }
0x182: {  	(v2sf) =	vpush v4, $0x4;
	[tilespmem:s21+$0x4580] =	vst.add.f32.msk $0xffff, v5  }
0x183: {  	[tilespmem:s21+$0x4590] =	vst.add.f32.msk $0xffff, v6  }
0x184: {  	[tilespmem:s21+$0x45A0] =	vst.add.f32.msk $0xffff, v7  }
0x185: {  	[tilespmem:s21+$0x45B0] =	vst.add.f32.msk $0xffff, v8  }
0x186: {  	[tilespmem:s21+$0x45C0] =	vst.add.f32.msk $0xffff, v9  }
0x187: {  	[tilespmem:s21+$0x45D0] =	vst.add.f32.msk $0xffff, v10  }
0x188: {  	[tilespmem:s21+$0x45E0] =	vst.add.f32.msk $0xffff, v11  }
0x189: {  	[tilespmem:s21+$0x45F0] =	vst.add.f32.msk $0xffff, v12  }
0x18a: {  	v5 =	vld [tilespmem:s2+$0x200]  }
0x18b: {  	v6 =	vld [tilespmem:s2+$0x210]  }
0x18c: {  	v7 =	vld [tilespmem:s2+$0x220]  }
0x18d: {  	v8 =	vld [tilespmem:s2+$0x230]  }
0x18e: {  	v9 =	vld [tilespmem:s2+$0x240]  }
0x18f: {  	v10 =	vld [tilespmem:s2+$0x250]  }
0x190: {  	v11 =	vld [tilespmem:s2+$0x260]  }
0x191: {  	v12 =	vld [tilespmem:s2+$0x270];
	s21 =	spop (v2sf)  }
0x192: {  	(v2sf) =	vpush v4, $0x5;
	[tilespmem:s21+$0x4580] =	vst.add.f32.msk $0xffff, v5  }
0x193: {  	[tilespmem:s21+$0x4590] =	vst.add.f32.msk $0xffff, v6  }
0x194: {  	[tilespmem:s21+$0x45A0] =	vst.add.f32.msk $0xffff, v7  }
0x195: {  	[tilespmem:s21+$0x45B0] =	vst.add.f32.msk $0xffff, v8  }
0x196: {  	[tilespmem:s21+$0x45C0] =	vst.add.f32.msk $0xffff, v9  }
0x197: {  	[tilespmem:s21+$0x45D0] =	vst.add.f32.msk $0xffff, v10  }
0x198: {  	[tilespmem:s21+$0x45E0] =	vst.add.f32.msk $0xffff, v11  }
0x199: {  	[tilespmem:s21+$0x45F0] =	vst.add.f32.msk $0xffff, v12  }
0x19a: {  	v5 =	vld [tilespmem:s2+$0x280]  }
0x19b: {  	v6 =	vld [tilespmem:s2+$0x290]  }
0x19c: {  	v7 =	vld [tilespmem:s2+$0x2A0]  }
0x19d: {  	v8 =	vld [tilespmem:s2+$0x2B0]  }
0x19e: {  	v9 =	vld [tilespmem:s2+$0x2C0]  }
0x19f: {  	v10 =	vld [tilespmem:s2+$0x2D0]  }
0x1a0: {  	v11 =	vld [tilespmem:s2+$0x2E0]  }
0x1a1: {  	v12 =	vld [tilespmem:s2+$0x2F0];
	s21 =	spop (v2sf)  }
0x1a2: {  	(v2sf) =	vpush v4, $0x6;
	[tilespmem:s21+$0x4580] =	vst.add.f32.msk $0xffff, v5  }
0x1a3: {  	[tilespmem:s21+$0x4590] =	vst.add.f32.msk $0xffff, v6  }
0x1a4: {  	[tilespmem:s21+$0x45A0] =	vst.add.f32.msk $0xffff, v7  }
0x1a5: {  	[tilespmem:s21+$0x45B0] =	vst.add.f32.msk $0xffff, v8  }
0x1a6: {  	[tilespmem:s21+$0x45C0] =	vst.add.f32.msk $0xffff, v9  }
0x1a7: {  	[tilespmem:s21+$0x45D0] =	vst.add.f32.msk $0xffff, v10  }
0x1a8: {  	[tilespmem:s21+$0x45E0] =	vst.add.f32.msk $0xffff, v11  }
0x1a9: {  	[tilespmem:s21+$0x45F0] =	vst.add.f32.msk $0xffff, v12  }
0x1aa: {  	v5 =	vld [tilespmem:s2+$0x300]  }
0x1ab: {  	v6 =	vld [tilespmem:s2+$0x310]  }
0x1ac: {  	v7 =	vld [tilespmem:s2+$0x320]  }
0x1ad: {  	v8 =	vld [tilespmem:s2+$0x330]  }
0x1ae: {  	v9 =	vld [tilespmem:s2+$0x340]  }
0x1af: {  	v10 =	vld [tilespmem:s2+$0x350]  }
0x1b0: {  	v11 =	vld [tilespmem:s2+$0x360]  }
0x1b1: {  	v12 =	vld [tilespmem:s2+$0x370];
	s21 =	spop (v2sf)  }
0x1b2: {  	(v2sf) =	vpush v4, $0x7;
	[tilespmem:s21+$0x4580] =	vst.add.f32.msk $0xffff, v5  }
0x1b3: {  	[tilespmem:s21+$0x4590] =	vst.add.f32.msk $0xffff, v6  }
0x1b4: {  	[tilespmem:s21+$0x45A0] =	vst.add.f32.msk $0xffff, v7  }
0x1b5: {  	[tilespmem:s21+$0x45B0] =	vst.add.f32.msk $0xffff, v8  }
0x1b6: {  	[tilespmem:s21+$0x45C0] =	vst.add.f32.msk $0xffff, v9  }
0x1b7: {  	[tilespmem:s21+$0x45D0] =	vst.add.f32.msk $0xffff, v10  }
0x1b8: {  	[tilespmem:s21+$0x45E0] =	vst.add.f32.msk $0xffff, v11  }
0x1b9: {  	[tilespmem:s21+$0x45F0] =	vst.add.f32.msk $0xffff, v12  }
0x1ba: {  	v5 =	vld [tilespmem:s2+$0x380]  }
0x1bb: {  	v6 =	vld [tilespmem:s2+$0x390]  }
0x1bc: {  	v7 =	vld [tilespmem:s2+$0x3A0]  }
0x1bd: {  	v8 =	vld [tilespmem:s2+$0x3B0]  }
0x1be: {  	v9 =	vld [tilespmem:s2+$0x3C0]  }
0x1bf: {  	v10 =	vld [tilespmem:s2+$0x3D0]  }
0x1c0: {  	v11 =	vld [tilespmem:s2+$0x3E0]  }
0x1c1: {  	v12 =	vld [tilespmem:s2+$0x3F0];
	s21 =	spop (v2sf)  }
0x1c2: {  	(v2sf) =	vpush v4, $0x8;
	[tilespmem:s21+$0x4580] =	vst.add.f32.msk $0xffff, v5  }
0x1c3: {  	[tilespmem:s21+$0x4590] =	vst.add.f32.msk $0xffff, v6  }
0x1c4: {  	[tilespmem:s21+$0x45A0] =	vst.add.f32.msk $0xffff, v7  }
0x1c5: {  	[tilespmem:s21+$0x45B0] =	vst.add.f32.msk $0xffff, v8  }
0x1c6: {  	[tilespmem:s21+$0x45C0] =	vst.add.f32.msk $0xffff, v9  }
0x1c7: {  	[tilespmem:s21+$0x45D0] =	vst.add.f32.msk $0xffff, v10  }
0x1c8: {  	[tilespmem:s21+$0x45E0] =	vst.add.f32.msk $0xffff, v11  }
0x1c9: {  	[tilespmem:s21+$0x45F0] =	vst.add.f32.msk $0xffff, v12  }
0x1ca: {  	v5 =	vld [tilespmem:s2+$0x400]  }
0x1cb: {  	v6 =	vld [tilespmem:s2+$0x410]  }
0x1cc: {  	v7 =	vld [tilespmem:s2+$0x420]  }
0x1cd: {  	v8 =	vld [tilespmem:s2+$0x430]  }
0x1ce: {  	v9 =	vld [tilespmem:s2+$0x440]  }
0x1cf: {  	v10 =	vld [tilespmem:s2+$0x450]  }
0x1d0: {  	v11 =	vld [tilespmem:s2+$0x460]  }
0x1d1: {  	v12 =	vld [tilespmem:s2+$0x470];
	s21 =	spop (v2sf)  }
0x1d2: {  	(v2sf) =	vpush v4, $0x9;
	[tilespmem:s21+$0x4580] =	vst.add.f32.msk $0xffff, v5  }
0x1d3: {  	[tilespmem:s21+$0x4590] =	vst.add.f32.msk $0xffff, v6  }
0x1d4: {  	[tilespmem:s21+$0x45A0] =	vst.add.f32.msk $0xffff, v7  }
0x1d5: {  	[tilespmem:s21+$0x45B0] =	vst.add.f32.msk $0xffff, v8  }
0x1d6: {  	[tilespmem:s21+$0x45C0] =	vst.add.f32.msk $0xffff, v9  }
0x1d7: {  	[tilespmem:s21+$0x45D0] =	vst.add.f32.msk $0xffff, v10  }
0x1d8: {  	[tilespmem:s21+$0x45E0] =	vst.add.f32.msk $0xffff, v11  }
0x1d9: {  	[tilespmem:s21+$0x45F0] =	vst.add.f32.msk $0xffff, v12  }
0x1da: {  	v5 =	vld [tilespmem:s2+$0x480]  }
0x1db: {  	v6 =	vld [tilespmem:s2+$0x490]  }
0x1dc: {  	v7 =	vld [tilespmem:s2+$0x4A0]  }
0x1dd: {  	v8 =	vld [tilespmem:s2+$0x4B0]  }
0x1de: {  	v9 =	vld [tilespmem:s2+$0x4C0]  }
0x1df: {  	v10 =	vld [tilespmem:s2+$0x4D0]  }
0x1e0: {  	v11 =	vld [tilespmem:s2+$0x4E0]  }
0x1e1: {  	v12 =	vld [tilespmem:s2+$0x4F0];
	s21 =	spop (v2sf)  }
0x1e2: {  	(v2sf) =	vpush v4, $0xA;
	[tilespmem:s21+$0x4580] =	vst.add.f32.msk $0xffff, v5  }
0x1e3: {  	[tilespmem:s21+$0x4590] =	vst.add.f32.msk $0xffff, v6  }
0x1e4: {  	[tilespmem:s21+$0x45A0] =	vst.add.f32.msk $0xffff, v7  }
0x1e5: {  	[tilespmem:s21+$0x45B0] =	vst.add.f32.msk $0xffff, v8  }
0x1e6: {  	[tilespmem:s21+$0x45C0] =	vst.add.f32.msk $0xffff, v9  }
0x1e7: {  	[tilespmem:s21+$0x45D0] =	vst.add.f32.msk $0xffff, v10  }
0x1e8: {  	[tilespmem:s21+$0x45E0] =	vst.add.f32.msk $0xffff, v11  }
0x1e9: {  	[tilespmem:s21+$0x45F0] =	vst.add.f32.msk $0xffff, v12  }
0x1ea: {  	v5 =	vld [tilespmem:s2+$0x500]  }
0x1eb: {  	v6 =	vld [tilespmem:s2+$0x510]  }
0x1ec: {  	v7 =	vld [tilespmem:s2+$0x520]  }
0x1ed: {  	v8 =	vld [tilespmem:s2+$0x530]  }
0x1ee: {  	v9 =	vld [tilespmem:s2+$0x540]  }
0x1ef: {  	v10 =	vld [tilespmem:s2+$0x550]  }
0x1f0: {  	v11 =	vld [tilespmem:s2+$0x560]  }
0x1f1: {  	v12 =	vld [tilespmem:s2+$0x570];
	s21 =	spop (v2sf)  }
0x1f2: {  	(v2sf) =	vpush v4, $0xB;
	[tilespmem:s21+$0x4580] =	vst.add.f32.msk $0xffff, v5  }
0x1f3: {  	[tilespmem:s21+$0x4590] =	vst.add.f32.msk $0xffff, v6  }
0x1f4: {  	[tilespmem:s21+$0x45A0] =	vst.add.f32.msk $0xffff, v7  }
0x1f5: {  	[tilespmem:s21+$0x45B0] =	vst.add.f32.msk $0xffff, v8  }
0x1f6: {  	[tilespmem:s21+$0x45C0] =	vst.add.f32.msk $0xffff, v9  }
0x1f7: {  	[tilespmem:s21+$0x45D0] =	vst.add.f32.msk $0xffff, v10  }
0x1f8: {  	[tilespmem:s21+$0x45E0] =	vst.add.f32.msk $0xffff, v11  }
0x1f9: {  	[tilespmem:s21+$0x45F0] =	vst.add.f32.msk $0xffff, v12  }
0x1fa: {  	v5 =	vld [tilespmem:s2+$0x580]  }
0x1fb: {  	v6 =	vld [tilespmem:s2+$0x590]  }
0x1fc: {  	v7 =	vld [tilespmem:s2+$0x5A0]  }
0x1fd: {  	v8 =	vld [tilespmem:s2+$0x5B0]  }
0x1fe: {  	v9 =	vld [tilespmem:s2+$0x5C0]  }
0x1ff: {  	v10 =	vld [tilespmem:s2+$0x5D0]  }
0x200: {  	v11 =	vld [tilespmem:s2+$0x5E0]  }
0x201: {  	v12 =	vld [tilespmem:s2+$0x5F0];
	s21 =	spop (v2sf)  }
0x202: {  	(v2sf) =	vpush v4, $0xC;
	[tilespmem:s21+$0x4580] =	vst.add.f32.msk $0xffff, v5  }
0x203: {  	[tilespmem:s21+$0x4590] =	vst.add.f32.msk $0xffff, v6  }
0x204: {  	[tilespmem:s21+$0x45A0] =	vst.add.f32.msk $0xffff, v7  }
0x205: {  	[tilespmem:s21+$0x45B0] =	vst.add.f32.msk $0xffff, v8  }
0x206: {  	[tilespmem:s21+$0x45C0] =	vst.add.f32.msk $0xffff, v9  }
0x207: {  	[tilespmem:s21+$0x45D0] =	vst.add.f32.msk $0xffff, v10  }
0x208: {  	[tilespmem:s21+$0x45E0] =	vst.add.f32.msk $0xffff, v11  }
0x209: {  	[tilespmem:s21+$0x45F0] =	vst.add.f32.msk $0xffff, v12  }
0x20a: {  	v5 =	vld [tilespmem:s2+$0x600]  }
0x20b: {  	v6 =	vld [tilespmem:s2+$0x610]  }
0x20c: {  	v7 =	vld [tilespmem:s2+$0x620]  }
0x20d: {  	v8 =	vld [tilespmem:s2+$0x630]  }
0x20e: {  	v9 =	vld [tilespmem:s2+$0x640]  }
0x20f: {  	v10 =	vld [tilespmem:s2+$0x650]  }
0x210: {  	v11 =	vld [tilespmem:s2+$0x660]  }
0x211: {  	v12 =	vld [tilespmem:s2+$0x670];
	s21 =	spop (v2sf)  }
0x212: {  	(v2sf) =	vpush v4, $0xD;
	[tilespmem:s21+$0x4580] =	vst.add.f32.msk $0xffff, v5  }
0x213: {  	[tilespmem:s21+$0x4590] =	vst.add.f32.msk $0xffff, v6  }
0x214: {  	[tilespmem:s21+$0x45A0] =	vst.add.f32.msk $0xffff, v7  }
0x215: {  	[tilespmem:s21+$0x45B0] =	vst.add.f32.msk $0xffff, v8  }
0x216: {  	[tilespmem:s21+$0x45C0] =	vst.add.f32.msk $0xffff, v9  }
0x217: {  	[tilespmem:s21+$0x45D0] =	vst.add.f32.msk $0xffff, v10  }
0x218: {  	[tilespmem:s21+$0x45E0] =	vst.add.f32.msk $0xffff, v11  }
0x219: {  	[tilespmem:s21+$0x45F0] =	vst.add.f32.msk $0xffff, v12  }
0x21a: {  	v5 =	vld [tilespmem:s2+$0x680]  }
0x21b: {  	v6 =	vld [tilespmem:s2+$0x690]  }
0x21c: {  	v7 =	vld [tilespmem:s2+$0x6A0]  }
0x21d: {  	v8 =	vld [tilespmem:s2+$0x6B0]  }
0x21e: {  	v9 =	vld [tilespmem:s2+$0x6C0]  }
0x21f: {  	v10 =	vld [tilespmem:s2+$0x6D0]  }
0x220: {  	v11 =	vld [tilespmem:s2+$0x6E0]  }
0x221: {  	v12 =	vld [tilespmem:s2+$0x6F0];
	s21 =	spop (v2sf)  }
0x222: {  	(v2sf) =	vpush v4, $0xE;
	[tilespmem:s21+$0x4580] =	vst.add.f32.msk $0xffff, v5  }
0x223: {  	[tilespmem:s21+$0x4590] =	vst.add.f32.msk $0xffff, v6  }
0x224: {  	[tilespmem:s21+$0x45A0] =	vst.add.f32.msk $0xffff, v7  }
0x225: {  	[tilespmem:s21+$0x45B0] =	vst.add.f32.msk $0xffff, v8  }
0x226: {  	[tilespmem:s21+$0x45C0] =	vst.add.f32.msk $0xffff, v9  }
0x227: {  	[tilespmem:s21+$0x45D0] =	vst.add.f32.msk $0xffff, v10  }
0x228: {  	[tilespmem:s21+$0x45E0] =	vst.add.f32.msk $0xffff, v11  }
0x229: {  	[tilespmem:s21+$0x45F0] =	vst.add.f32.msk $0xffff, v12  }
0x22a: {  	v4 =	vld [tilespmem:s2+$0x700]  }
0x22b: {  	v5 =	vld [tilespmem:s2+$0x710]  }
0x22c: {  	v6 =	vld [tilespmem:s2+$0x720]  }
0x22d: {  	v7 =	vld [tilespmem:s2+$0x730]  }
0x22e: {  	v8 =	vld [tilespmem:s2+$0x740]  }
0x22f: {  	v9 =	vld [tilespmem:s2+$0x750]  }
0x230: {  	v10 =	vld [tilespmem:s2+$0x760]  }
0x231: {  	v11 =	vld [tilespmem:s2+$0x770];
	s21 =	spop (v2sf)  }
0x232: {  	[tilespmem:s21+$0x4580] =	vst.add.f32.msk $0xffff, v4  }
0x233: {  	[tilespmem:s21+$0x4590] =	vst.add.f32.msk $0xffff, v5  }
0x234: {  	[tilespmem:s21+$0x45A0] =	vst.add.f32.msk $0xffff, v6  }
0x235: {  	[tilespmem:s21+$0x45B0] =	vst.add.f32.msk $0xffff, v7  }
0x236: {  	[tilespmem:s21+$0x45C0] =	vst.add.f32.msk $0xffff, v8  }
0x237: {  	[tilespmem:s21+$0x45D0] =	vst.add.f32.msk $0xffff, v9  }
0x238: {  	[tilespmem:s21+$0x45E0] =	vst.add.f32.msk $0xffff, v10  }
0x239: {  	[tilespmem:s21+$0x45F0] =	vst.add.f32.msk $0xffff, v11  }
0x23a: {  	v4 =	vld [tilespmem:s2+$0x780]  }
0x23b: {  	v5 =	vld [tilespmem:s2+$0x790]  }
0x23c: {  	v6 =	vld [tilespmem:s2+$0x7A0]  }
0x23d: {  	v7 =	vld [tilespmem:s2+$0x7B0]  }
0x23e: {  	v8 =	vld [tilespmem:s2+$0x7C0]  }
0x23f: {  	v9 =	vld [tilespmem:s2+$0x7D0]  }
0x240: {  	s0 =	sshll.u32 s0, $0x9;
	v10 =	vld [tilespmem:s2+$0x7E0]  }
0x241: {  	s0 =	sshra.s32 s0, $0x2;
	v11 =	vld [tilespmem:s2+$0x7F0]  }
0x242: {  	[tilespmem:s0+$0x4580] =	vst.add.f32.msk $0xffff, v4  }
0x243: {  	[tilespmem:s0+$0x4590] =	vst.add.f32.msk $0xffff, v5  }
0x244: {  	[tilespmem:s0+$0x45A0] =	vst.add.f32.msk $0xffff, v6  }
0x245: {  	[tilespmem:s0+$0x45B0] =	vst.add.f32.msk $0xffff, v7  }
0x246: {  	[tilespmem:s0+$0x45C0] =	vst.add.f32.msk $0xffff, v8  }
0x247: {  	[tilespmem:s0+$0x45D0] =	vst.add.f32.msk $0xffff, v9  }
0x248: {  	[tilespmem:s0+$0x45E0] =	vst.add.f32.msk $0xffff, v10  }
0x249: {  	[tilespmem:s0+$0x45F0] =	vst.add.f32.msk $0xffff, v11  }
.LBB2_10:
0x24a: {  	s31 =	sadd.s32 $0x1, s31  }
0x24b: {  	p2 =	sne.s32 s31, $0x4  }
.Ltmp6:
0x24c: {  	_ = 	snop;
	(pc) =	sbr.rel @!p2 .LBB2_11-.Ltmp6, $2  }
0x24d: {  	_ =	sdelay $0x2  }
0x24e: {  	s30 =	sadd.s32 $0x800, s30  }
.LBB2_5:
0x24f: {  	_ =	sdelay $0x1  }
0x250: {  	s0 =	sshll.u32 s31, $0x4  }
0x251: {  	s0 =	sand.u32 $0x3FFFFFF0, s0  }
0x252: {  	v4 =	vld.idx.msk [tilespmem:v3+s0+$0x0 ss:$0x1], $0xffff;
	_ =	sdelay $0x4  }
0x253: {  	(v2sf) =	vpush v4, $0x0  }
0x254: {  	(v2sf) =	vpush v4, $0xF;
	_ =	sdelay $0xd  }
0x255: {  	s2 =	spop (v2sf)  }
0x256: {  	s0 =	spop (v2sf)  }
0x257: {  	p2 =	sne.s32 s2, s0  }
.Ltmp7:
0x258: {  	_ = 	snop;
	(pc) =	sbr.rel @p2 .LBB2_9-.Ltmp7, $3  }
0x259: {  	_ =	sdelay $0x1  }
0x25a: {  	s2 =	sshll.u32 s2, $0x9  }
0x25b: {  	s14 =	sshra.s32 s2, $0x2  }
0x25c: {  	v5 =	vld [tilespmem:s30+$0xFFFFFC10]  }
0x25d: {  	v6 =	vld [tilespmem:s30+$0xFFFFFC90]  }
0x25e: {  	v7 =	vld [tilespmem:s30+$0xFFFFFD10]  }
0x25f: {  	v8 =	vld [tilespmem:s30+$0xFFFFFD90]  }
0x260: {  	v9 =	vld [tilespmem:s30+$0xFFFFFE10]  }
0x261: {  	v10 =	vld [tilespmem:s30+$0xFFFFFE90]  }
0x262: {  	v11 =	vld [tilespmem:s30+$0xFFFFFF10]  }
0x263: {  	v12 =	vld [tilespmem:s30+$0xFFFFFF90]  }
0x264: {  	v13 =	vld [tilespmem:s30+$0x10]  }
0x265: {  	v14 =	vld [tilespmem:s30+$0x90]  }
0x266: {  	v15 =	vld [tilespmem:s30+$0x110]  }
0x267: {  	v16 =	vld [tilespmem:s30+$0x190]  }
0x268: {  	v17 =	vld [tilespmem:s30+$0x210]  }
0x269: {  	v18 =	vld [tilespmem:s30+$0x290]  }
0x26a: {  	v19 =	vld [tilespmem:s30+$0x310]  }
0x26b: {  	v20 =	vld [tilespmem:s30+$0x390]  }
0x26c: {  	v4 =	vld [tilespmem:s30+$0xFFFFFC80]  }
0x26d: {  	v21 =	vld [tilespmem:s30+$0xFFFFFD00];
	v5 =	vadd.f32 v6, v5  }
0x26e: {  	v6 =	vadd.f32 v8, v7;
	v7 =	vadd.f32 v10, v9;
	v9 =	vld [tilespmem:s30+$0xFFFFFE00]  }
0x26f: {  	v8 =	vadd.f32 v12, v11;
	v12 =	vld [tilespmem:s30+$0xFFFFFE80]  }
0x270: {  	v11 =	vadd.f32 v16, v15;
	v15 =	vld [tilespmem:s30+$0xFFFFFF00]  }
0x271: {  	v10 =	vadd.f32 v14, v13;
	v16 =	vld [tilespmem:s30+$0x180]  }
0x272: {  	v13 =	vadd.f32 v18, v17;
	v14 =	vadd.f32 v20, v19;
	v17 =	vld [tilespmem:s30+$0xFFFFFD80]  }
0x273: {  	v5 =	vadd.f32 v6, v5;
	v6 =	vadd.f32 v8, v7;
	v8 =	vld [tilespmem:s30+$0xFFFFFF80]  }
0x274: {  	v7 =	vadd.f32 v11, v10;
	v11 =	vld [tilespmem:s30+$0x0]  }
0x275: {  	v10 =	vadd.f32 v14, v13;
	v13 =	vld [tilespmem:s30+$0x80]  }
0x276: {  	v14 =	vld [tilespmem:s30+$0x100]  }
0x277: {  	v5 =	vadd.f32 v6, v5;
	v6 =	vadd.f32 v10, v7;
	v7 =	vld [tilespmem:s30+$0x200]  }
0x278: {  	v10 =	vld [tilespmem:s30+$0x300]  }
0x279: {  	v5 =	vadd.f32 v6, v5;
	v6 =	vadd.f32 v12, v9;
	v9 =	vld [tilespmem:s30+$0x280]  }
0x27a: {  	v12 =	vld [tilespmem:s30+$0xFFFFFC00];
	v8 =	vadd.f32 v8, v15  }
0x27b: {  	s0 =	sadd.s32 $0x4590, s14;
	v13 =	vadd.f32 v13, v11;
	v14 =	vadd.f32 v16, v14;
	v11 =	vld [tilespmem:s30+$0x380]  }
0x27c: {  	[tilespmem:s0+$0x0] =	vst.add.f32.msk $0xffff, v5;
	v5 =	vadd.f32 v17, v21  }
0x27d: {  	s14 =	simm.s32 $0x0;
	s21 =	sadd.s32 $0x20, s30;
	s2 =	smov.u32 s0;
	v6 =	vadd.f32 v8, v6;
	v8 =	vadd.f32 v14, v13  }
.LBB2_7:
0x27e: {  	v13 =	vld [tilespmem:s21+$0xFFFFFC10];
	v7 =	vadd.f32 v9, v7  }
0x27f: {  	v9 =	vld [tilespmem:s21+$0xFFFFFC90]  }
0x280: {  	v14 =	vld [tilespmem:s21+$0xFFFFFD10];
	v10 =	vadd.f32 v11, v10  }
0x281: {  	v11 =	vld [tilespmem:s21+$0xFFFFFD90];
	v4 =	vadd.f32 v4, v12  }
0x282: {  	v12 =	vld [tilespmem:s21+$0xFFFFFE10];
	v7 =	vadd.f32 v10, v7  }
0x283: {  	v10 =	vld [tilespmem:s21+$0xFFFFFE90];
	v4 =	vadd.f32 v5, v4  }
0x284: {  	v5 =	vld [tilespmem:s21+$0xFFFFFF10];
	v7 =	vadd.f32 v7, v8  }
0x285: {  	v8 =	vld [tilespmem:s21+$0xFFFFFF90];
	v4 =	vadd.f32 v6, v4  }
0x286: {  	v6 =	vld [tilespmem:s21+$0x10]  }
0x287: {  	v15 =	vld [tilespmem:s21+$0x90];
	v16 =	vadd.f32 v7, v4  }
0x288: {  	v7 =	vld [tilespmem:s21+$0x110]  }
0x289: {  	v17 =	vld [tilespmem:s21+$0x190]  }
0x28a: {  	v18 =	vld [tilespmem:s21+$0x210]  }
0x28b: {  	v19 =	vld [tilespmem:s21+$0x290]  }
0x28c: {  	v20 =	vld [tilespmem:s21+$0x310]  }
0x28d: {  	s14 =	sadd.s32 $0x2, s14;
	v21 =	vld [tilespmem:s21+$0x390]  }
0x28e: {  	p2 =	slt.u32 s14, $0x6;
	v4 =	vld [tilespmem:s21+$0xFFFFFC80]  }
0x28f: {  	v9 =	vadd.f32 v9, v13;
	v11 =	vadd.f32 v11, v14;
	v22 =	vld [tilespmem:s21+$0xFFFFFD00]  }
0x290: {  	v10 =	vadd.f32 v10, v12;
	v5 =	vadd.f32 v8, v5;
	v13 =	vld [tilespmem:s21+$0xFFFFFD80]  }
0x291: {  	v6 =	vadd.f32 v15, v6;
	v7 =	vadd.f32 v17, v7;
	v8 =	vld [tilespmem:s21+$0xFFFFFE00]  }
0x292: {  	v14 =	vadd.f32 v19, v18;
	v12 =	vld [tilespmem:s21+$0xFFFFFE80];
	v15 =	vadd.f32 v21, v20  }
0x293: {  	v9 =	vadd.f32 v11, v9;
	v10 =	vadd.f32 v5, v10;
	v17 =	vld [tilespmem:s21+$0xFFFFFF00]  }
0x294: {  	v6 =	vadd.f32 v7, v6;
	v11 =	vld [tilespmem:s21+$0xFFFFFF80];
	v7 =	vadd.f32 v15, v14  }
0x295: {  	v14 =	vld [tilespmem:s21+$0x0];
	v5 =	vadd.f32 v13, v22  }
0x296: {  	v9 =	vadd.f32 v10, v9;
	v13 =	vld [tilespmem:s21+$0x80];
	v6 =	vadd.f32 v7, v6  }
0x297: {  	v15 =	vld [tilespmem:s21+$0x100];
	v8 =	vadd.f32 v12, v8  }
0x298: {  	v12 =	vld [tilespmem:s21+$0x180];
	v6 =	vadd.f32 v6, v9  }
0x299: {  	s0 =	sadd.s32 $0x20, s0;
	v7 =	vld [tilespmem:s21+$0x200];
	v10 =	vadd.f32 v11, v17  }
0x29a: {  	[tilespmem:s0+$0x0] =	vst.add.f32.msk $0xffff, v6  }
.Ltmp8:
0x29b: {  	v9 =	vld [tilespmem:s21+$0x280];
	v13 =	vadd.f32 v13, v14;
	v6 =	vadd.f32 v10, v8;
	(pc) =	sbr.rel @p2 .LBB2_7-.Ltmp8, $4  }
0x29c: {  	v10 =	vld [tilespmem:s21+$0x300]  }
0x29d: {  	v11 =	vld [tilespmem:s21+$0x380];
	v8 =	vadd.f32 v12, v15  }
0x29e: {  	v12 =	vld [tilespmem:s21+$0xFFFFFC00]  }
0x29f: {  	s21 =	sadd.s32 $0x20, s21;
	v8 =	vadd.f32 v8, v13;
	[tilespmem:s2+$0xFFFFFFF0] =	vst.add.f32.msk $0xffff, v16;
	s2 =	smov.u32 s0  }
0x2a0: {  	_ =	sdelay $0x1  }
0x2a1: {  	v7 =	vadd.f32 v9, v7  }
0x2a2: {  	v19 =	vadd.f32 v11, v10;
	v4 =	vadd.f32 v4, v12;
	_ =	sdelay $0x1  }
0x2a3: {  	v7 =	vadd.f32 v19, v7;
	v4 =	vadd.f32 v5, v4;
	_ =	sdelay $0x1  }
.Ltmp9:
0x2a4: {  	v5 =	vadd.f32 v7, v8;
	v4 =	vadd.f32 v6, v4;
	(pc) =	sbr.rel .LBB2_10-.Ltmp9, $3  }
0x2a5: {  	_ = 	snop  }
0x2a6: {  	v4 =	vadd.f32 v5, v4;
	_ =	sdelay $0x1  }
0x2a7: {  	[tilespmem:s2+$0xFFFFFFF0] =	vst.add.f32.msk $0xffff, v4  }
.LBB2_11:
0x2a8: {  	s0 =	sadd.s32 @!p1 s29, s8  }
0x2a9: {  	s0 =	sshll.u32 @!p1 s0, $0x9  }
0x2aa: {  	s0 =	sor.u32 @!p1 s5, s0  }
0x2ab: {  	s2 =	simm.s32 @!p1 $0x400;
	s14 =	simm.s32 @!p1 $0x1000;
	s0 =	sshrl.u32 @!p1 s0, $0x3  }
.Ltmp10:
0x2ac: {  	s21 =	simm.s32 @!p1 $0x0;
	s0 =	sadd.s32 @!p1 s1, s0;
	(pc) =	sbr.rel .LBB2_12-.Ltmp10, $4  }
0x2ad: {  	[tilespmem:s21], [sflag:$0x1] =	stream.strided.gather @!p1 [hbm4b:s0+s2], $0x2000, s14, s2, $0x38;
	[tilespmem:$0xC580] =	vst v63  }
0x2ae: {  	_ =	swait.ge [sflag:s20], $0x2000  }
0x2af: {  	s31 =	sadd.s32 $0x4000, s28;
	[sflag:s20] =	ssyncset.done $0x0  }
0x2b0: {  	s28 =	simm.s32 $0x0;
	s29 =	simm.s32 $0x2400;
	v3 =	vmov s31;
	[sflag:s20] =	ssyncadd.s32 $0xFFFFE000  }
.LBB2_16:
0x2b1: {  	s2 =	sshll.u32 s28, $0xD  }
0x2b2: {  	s2 =	sshra.s32 s2, $0x2  }
0x2b3: {  	v5 =	vld [tilespmem:s2+$0x2000]  }
0x2b4: {  	v6 =	vld [tilespmem:s2+$0x2010]  }
0x2b5: {  	v7 =	vld [tilespmem:s2+$0x2020]  }
0x2b6: {  	v8 =	vld [tilespmem:s2+$0x2030]  }
0x2b7: {  	v9 =	vld [tilespmem:s2+$0x2040]  }
0x2b8: {  	v10 =	vld [tilespmem:s2+$0x2050]  }
0x2b9: {  	v4 =	vshll.u32 v4, $0x9;
	v11 =	vld [tilespmem:s2+$0x2060]  }
0x2ba: {  	v4 =	vshra.s32 v4, $0x2;
	v12 =	vld [tilespmem:s2+$0x2070]  }
0x2bb: {  	(v2sf) =	vpush v4, $0x1;
	[tilespmem:s14+$0x4580] =	vst.add.f32.msk $0xffff, v5  }
0x2bc: {  	[tilespmem:s14+$0x4590] =	vst.add.f32.msk $0xffff, v6  }
0x2bd: {  	[tilespmem:s14+$0x45A0] =	vst.add.f32.msk $0xffff, v7  }
0x2be: {  	[tilespmem:s14+$0x45B0] =	vst.add.f32.msk $0xffff, v8  }
0x2bf: {  	[tilespmem:s14+$0x45C0] =	vst.add.f32.msk $0xffff, v9  }
0x2c0: {  	[tilespmem:s14+$0x45D0] =	vst.add.f32.msk $0xffff, v10  }
0x2c1: {  	[tilespmem:s14+$0x45E0] =	vst.add.f32.msk $0xffff, v11  }
0x2c2: {  	[tilespmem:s14+$0x45F0] =	vst.add.f32.msk $0xffff, v12  }
0x2c3: {  	v5 =	vld [tilespmem:s2+$0x2080]  }
0x2c4: {  	v6 =	vld [tilespmem:s2+$0x2090]  }
0x2c5: {  	v7 =	vld [tilespmem:s2+$0x20A0]  }
0x2c6: {  	v8 =	vld [tilespmem:s2+$0x20B0]  }
0x2c7: {  	v9 =	vld [tilespmem:s2+$0x20C0]  }
0x2c8: {  	v10 =	vld [tilespmem:s2+$0x20D0]  }
0x2c9: {  	v11 =	vld [tilespmem:s2+$0x20E0]  }
0x2ca: {  	v12 =	vld [tilespmem:s2+$0x20F0];
	s30 =	spop (v2sf)  }
0x2cb: {  	(v2sf) =	vpush v4, $0x2;
	[tilespmem:s30+$0x4580] =	vst.add.f32.msk $0xffff, v5  }
0x2cc: {  	[tilespmem:s30+$0x4590] =	vst.add.f32.msk $0xffff, v6  }
0x2cd: {  	[tilespmem:s30+$0x45A0] =	vst.add.f32.msk $0xffff, v7  }
0x2ce: {  	[tilespmem:s30+$0x45B0] =	vst.add.f32.msk $0xffff, v8  }
0x2cf: {  	[tilespmem:s30+$0x45C0] =	vst.add.f32.msk $0xffff, v9  }
0x2d0: {  	[tilespmem:s30+$0x45D0] =	vst.add.f32.msk $0xffff, v10  }
0x2d1: {  	[tilespmem:s30+$0x45E0] =	vst.add.f32.msk $0xffff, v11  }
0x2d2: {  	[tilespmem:s30+$0x45F0] =	vst.add.f32.msk $0xffff, v12  }
0x2d3: {  	v5 =	vld [tilespmem:s2+$0x2100]  }
0x2d4: {  	v6 =	vld [tilespmem:s2+$0x2110]  }
0x2d5: {  	v7 =	vld [tilespmem:s2+$0x2120]  }
0x2d6: {  	v8 =	vld [tilespmem:s2+$0x2130]  }
0x2d7: {  	v9 =	vld [tilespmem:s2+$0x2140]  }
0x2d8: {  	v10 =	vld [tilespmem:s2+$0x2150]  }
0x2d9: {  	v11 =	vld [tilespmem:s2+$0x2160]  }
0x2da: {  	v12 =	vld [tilespmem:s2+$0x2170];
	s31 =	spop (v2sf)  }
0x2db: {  	(v2sf) =	vpush v4, $0x3;
	[tilespmem:s31+$0x4580] =	vst.add.f32.msk $0xffff, v5  }
0x2dc: {  	[tilespmem:s31+$0x4590] =	vst.add.f32.msk $0xffff, v6  }
0x2dd: {  	[tilespmem:s31+$0x45A0] =	vst.add.f32.msk $0xffff, v7  }
0x2de: {  	[tilespmem:s31+$0x45B0] =	vst.add.f32.msk $0xffff, v8  }
0x2df: {  	[tilespmem:s31+$0x45C0] =	vst.add.f32.msk $0xffff, v9  }
0x2e0: {  	[tilespmem:s31+$0x45D0] =	vst.add.f32.msk $0xffff, v10  }
0x2e1: {  	[tilespmem:s31+$0x45E0] =	vst.add.f32.msk $0xffff, v11  }
0x2e2: {  	[tilespmem:s31+$0x45F0] =	vst.add.f32.msk $0xffff, v12  }
0x2e3: {  	v5 =	vld [tilespmem:s2+$0x2180]  }
0x2e4: {  	v6 =	vld [tilespmem:s2+$0x2190]  }
0x2e5: {  	v7 =	vld [tilespmem:s2+$0x21A0]  }
0x2e6: {  	v8 =	vld [tilespmem:s2+$0x21B0]  }
0x2e7: {  	v9 =	vld [tilespmem:s2+$0x21C0]  }
0x2e8: {  	v10 =	vld [tilespmem:s2+$0x21D0]  }
0x2e9: {  	v11 =	vld [tilespmem:s2+$0x21E0]  }
0x2ea: {  	v12 =	vld [tilespmem:s2+$0x21F0];
	s21 =	spop (v2sf)  }
0x2eb: {  	(v2sf) =	vpush v4, $0x4;
	[tilespmem:s21+$0x4580] =	vst.add.f32.msk $0xffff, v5  }
0x2ec: {  	[tilespmem:s21+$0x4590] =	vst.add.f32.msk $0xffff, v6  }
0x2ed: {  	[tilespmem:s21+$0x45A0] =	vst.add.f32.msk $0xffff, v7  }
0x2ee: {  	[tilespmem:s21+$0x45B0] =	vst.add.f32.msk $0xffff, v8  }
0x2ef: {  	[tilespmem:s21+$0x45C0] =	vst.add.f32.msk $0xffff, v9  }
0x2f0: {  	[tilespmem:s21+$0x45D0] =	vst.add.f32.msk $0xffff, v10  }
0x2f1: {  	[tilespmem:s21+$0x45E0] =	vst.add.f32.msk $0xffff, v11  }
0x2f2: {  	[tilespmem:s21+$0x45F0] =	vst.add.f32.msk $0xffff, v12  }
0x2f3: {  	v5 =	vld [tilespmem:s2+$0x2200]  }
0x2f4: {  	v6 =	vld [tilespmem:s2+$0x2210]  }
0x2f5: {  	v7 =	vld [tilespmem:s2+$0x2220]  }
0x2f6: {  	v8 =	vld [tilespmem:s2+$0x2230]  }
0x2f7: {  	v9 =	vld [tilespmem:s2+$0x2240]  }
0x2f8: {  	v10 =	vld [tilespmem:s2+$0x2250]  }
0x2f9: {  	v11 =	vld [tilespmem:s2+$0x2260]  }
0x2fa: {  	v12 =	vld [tilespmem:s2+$0x2270];
	s30 =	spop (v2sf)  }
0x2fb: {  	(v2sf) =	vpush v4, $0x5;
	[tilespmem:s30+$0x4580] =	vst.add.f32.msk $0xffff, v5  }
0x2fc: {  	[tilespmem:s30+$0x4590] =	vst.add.f32.msk $0xffff, v6  }
0x2fd: {  	[tilespmem:s30+$0x45A0] =	vst.add.f32.msk $0xffff, v7  }
0x2fe: {  	[tilespmem:s30+$0x45B0] =	vst.add.f32.msk $0xffff, v8  }
0x2ff: {  	[tilespmem:s30+$0x45C0] =	vst.add.f32.msk $0xffff, v9  }
0x300: {  	[tilespmem:s30+$0x45D0] =	vst.add.f32.msk $0xffff, v10  }
0x301: {  	[tilespmem:s30+$0x45E0] =	vst.add.f32.msk $0xffff, v11  }
0x302: {  	[tilespmem:s30+$0x45F0] =	vst.add.f32.msk $0xffff, v12  }
0x303: {  	v5 =	vld [tilespmem:s2+$0x2280]  }
0x304: {  	v6 =	vld [tilespmem:s2+$0x2290]  }
0x305: {  	v7 =	vld [tilespmem:s2+$0x22A0]  }
0x306: {  	v8 =	vld [tilespmem:s2+$0x22B0]  }
0x307: {  	v9 =	vld [tilespmem:s2+$0x22C0]  }
0x308: {  	v10 =	vld [tilespmem:s2+$0x22D0]  }
0x309: {  	v11 =	vld [tilespmem:s2+$0x22E0]  }
0x30a: {  	v12 =	vld [tilespmem:s2+$0x22F0];
	s31 =	spop (v2sf)  }
0x30b: {  	(v2sf) =	vpush v4, $0x6;
	[tilespmem:s31+$0x4580] =	vst.add.f32.msk $0xffff, v5  }
0x30c: {  	[tilespmem:s31+$0x4590] =	vst.add.f32.msk $0xffff, v6  }
0x30d: {  	[tilespmem:s31+$0x45A0] =	vst.add.f32.msk $0xffff, v7  }
0x30e: {  	[tilespmem:s31+$0x45B0] =	vst.add.f32.msk $0xffff, v8  }
0x30f: {  	[tilespmem:s31+$0x45C0] =	vst.add.f32.msk $0xffff, v9  }
0x310: {  	[tilespmem:s31+$0x45D0] =	vst.add.f32.msk $0xffff, v10  }
0x311: {  	[tilespmem:s31+$0x45E0] =	vst.add.f32.msk $0xffff, v11  }
0x312: {  	[tilespmem:s31+$0x45F0] =	vst.add.f32.msk $0xffff, v12  }
0x313: {  	v5 =	vld [tilespmem:s2+$0x2300]  }
0x314: {  	v6 =	vld [tilespmem:s2+$0x2310]  }
0x315: {  	v7 =	vld [tilespmem:s2+$0x2320]  }
0x316: {  	v8 =	vld [tilespmem:s2+$0x2330]  }
0x317: {  	v9 =	vld [tilespmem:s2+$0x2340]  }
0x318: {  	v10 =	vld [tilespmem:s2+$0x2350]  }
0x319: {  	v11 =	vld [tilespmem:s2+$0x2360]  }
0x31a: {  	v12 =	vld [tilespmem:s2+$0x2370];
	s21 =	spop (v2sf)  }
0x31b: {  	(v2sf) =	vpush v4, $0x7;
	[tilespmem:s21+$0x4580] =	vst.add.f32.msk $0xffff, v5  }
0x31c: {  	[tilespmem:s21+$0x4590] =	vst.add.f32.msk $0xffff, v6  }
0x31d: {  	[tilespmem:s21+$0x45A0] =	vst.add.f32.msk $0xffff, v7  }
0x31e: {  	[tilespmem:s21+$0x45B0] =	vst.add.f32.msk $0xffff, v8  }
0x31f: {  	[tilespmem:s21+$0x45C0] =	vst.add.f32.msk $0xffff, v9  }
0x320: {  	[tilespmem:s21+$0x45D0] =	vst.add.f32.msk $0xffff, v10  }
0x321: {  	[tilespmem:s21+$0x45E0] =	vst.add.f32.msk $0xffff, v11  }
0x322: {  	[tilespmem:s21+$0x45F0] =	vst.add.f32.msk $0xffff, v12  }
0x323: {  	v5 =	vld [tilespmem:s2+$0x2380]  }
0x324: {  	v6 =	vld [tilespmem:s2+$0x2390]  }
0x325: {  	v7 =	vld [tilespmem:s2+$0x23A0]  }
0x326: {  	v8 =	vld [tilespmem:s2+$0x23B0]  }
0x327: {  	v9 =	vld [tilespmem:s2+$0x23C0]  }
0x328: {  	v10 =	vld [tilespmem:s2+$0x23D0]  }
0x329: {  	v11 =	vld [tilespmem:s2+$0x23E0]  }
0x32a: {  	v12 =	vld [tilespmem:s2+$0x23F0];
	s30 =	spop (v2sf)  }
0x32b: {  	(v2sf) =	vpush v4, $0x8;
	[tilespmem:s30+$0x4580] =	vst.add.f32.msk $0xffff, v5  }
0x32c: {  	[tilespmem:s30+$0x4590] =	vst.add.f32.msk $0xffff, v6  }
0x32d: {  	[tilespmem:s30+$0x45A0] =	vst.add.f32.msk $0xffff, v7  }
0x32e: {  	[tilespmem:s30+$0x45B0] =	vst.add.f32.msk $0xffff, v8  }
0x32f: {  	[tilespmem:s30+$0x45C0] =	vst.add.f32.msk $0xffff, v9  }
0x330: {  	[tilespmem:s30+$0x45D0] =	vst.add.f32.msk $0xffff, v10  }
0x331: {  	[tilespmem:s30+$0x45E0] =	vst.add.f32.msk $0xffff, v11  }
0x332: {  	[tilespmem:s30+$0x45F0] =	vst.add.f32.msk $0xffff, v12  }
0x333: {  	v5 =	vld [tilespmem:s2+$0x2400]  }
0x334: {  	v6 =	vld [tilespmem:s2+$0x2410]  }
0x335: {  	v7 =	vld [tilespmem:s2+$0x2420]  }
0x336: {  	v8 =	vld [tilespmem:s2+$0x2430]  }
0x337: {  	v9 =	vld [tilespmem:s2+$0x2440]  }
0x338: {  	v10 =	vld [tilespmem:s2+$0x2450]  }
0x339: {  	v11 =	vld [tilespmem:s2+$0x2460]  }
0x33a: {  	v12 =	vld [tilespmem:s2+$0x2470];
	s31 =	spop (v2sf)  }
0x33b: {  	(v2sf) =	vpush v4, $0x9;
	[tilespmem:s31+$0x4580] =	vst.add.f32.msk $0xffff, v5  }
0x33c: {  	[tilespmem:s31+$0x4590] =	vst.add.f32.msk $0xffff, v6  }
0x33d: {  	[tilespmem:s31+$0x45A0] =	vst.add.f32.msk $0xffff, v7  }
0x33e: {  	[tilespmem:s31+$0x45B0] =	vst.add.f32.msk $0xffff, v8  }
0x33f: {  	[tilespmem:s31+$0x45C0] =	vst.add.f32.msk $0xffff, v9  }
0x340: {  	[tilespmem:s31+$0x45D0] =	vst.add.f32.msk $0xffff, v10  }
0x341: {  	[tilespmem:s31+$0x45E0] =	vst.add.f32.msk $0xffff, v11  }
0x342: {  	[tilespmem:s31+$0x45F0] =	vst.add.f32.msk $0xffff, v12  }
0x343: {  	v5 =	vld [tilespmem:s2+$0x2480]  }
0x344: {  	v6 =	vld [tilespmem:s2+$0x2490]  }
0x345: {  	v7 =	vld [tilespmem:s2+$0x24A0]  }
0x346: {  	v8 =	vld [tilespmem:s2+$0x24B0]  }
0x347: {  	v9 =	vld [tilespmem:s2+$0x24C0]  }
0x348: {  	v10 =	vld [tilespmem:s2+$0x24D0]  }
0x349: {  	v11 =	vld [tilespmem:s2+$0x24E0]  }
0x34a: {  	v12 =	vld [tilespmem:s2+$0x24F0];
	s21 =	spop (v2sf)  }
0x34b: {  	(v2sf) =	vpush v4, $0xA;
	[tilespmem:s21+$0x4580] =	vst.add.f32.msk $0xffff, v5  }
0x34c: {  	[tilespmem:s21+$0x4590] =	vst.add.f32.msk $0xffff, v6  }
0x34d: {  	[tilespmem:s21+$0x45A0] =	vst.add.f32.msk $0xffff, v7  }
0x34e: {  	[tilespmem:s21+$0x45B0] =	vst.add.f32.msk $0xffff, v8  }
0x34f: {  	[tilespmem:s21+$0x45C0] =	vst.add.f32.msk $0xffff, v9  }
0x350: {  	[tilespmem:s21+$0x45D0] =	vst.add.f32.msk $0xffff, v10  }
0x351: {  	[tilespmem:s21+$0x45E0] =	vst.add.f32.msk $0xffff, v11  }
0x352: {  	[tilespmem:s21+$0x45F0] =	vst.add.f32.msk $0xffff, v12  }
0x353: {  	v5 =	vld [tilespmem:s2+$0x2500]  }
0x354: {  	v6 =	vld [tilespmem:s2+$0x2510]  }
0x355: {  	v7 =	vld [tilespmem:s2+$0x2520]  }
0x356: {  	v8 =	vld [tilespmem:s2+$0x2530]  }
0x357: {  	v9 =	vld [tilespmem:s2+$0x2540]  }
0x358: {  	v10 =	vld [tilespmem:s2+$0x2550]  }
0x359: {  	v11 =	vld [tilespmem:s2+$0x2560]  }
0x35a: {  	v12 =	vld [tilespmem:s2+$0x2570];
	s30 =	spop (v2sf)  }
0x35b: {  	(v2sf) =	vpush v4, $0xB;
	[tilespmem:s30+$0x4580] =	vst.add.f32.msk $0xffff, v5  }
0x35c: {  	[tilespmem:s30+$0x4590] =	vst.add.f32.msk $0xffff, v6  }
0x35d: {  	[tilespmem:s30+$0x45A0] =	vst.add.f32.msk $0xffff, v7  }
0x35e: {  	[tilespmem:s30+$0x45B0] =	vst.add.f32.msk $0xffff, v8  }
0x35f: {  	[tilespmem:s30+$0x45C0] =	vst.add.f32.msk $0xffff, v9  }
0x360: {  	[tilespmem:s30+$0x45D0] =	vst.add.f32.msk $0xffff, v10  }
0x361: {  	[tilespmem:s30+$0x45E0] =	vst.add.f32.msk $0xffff, v11  }
0x362: {  	[tilespmem:s30+$0x45F0] =	vst.add.f32.msk $0xffff, v12  }
0x363: {  	v5 =	vld [tilespmem:s2+$0x2580]  }
0x364: {  	v6 =	vld [tilespmem:s2+$0x2590]  }
0x365: {  	v7 =	vld [tilespmem:s2+$0x25A0]  }
0x366: {  	v8 =	vld [tilespmem:s2+$0x25B0]  }
0x367: {  	v9 =	vld [tilespmem:s2+$0x25C0]  }
0x368: {  	v10 =	vld [tilespmem:s2+$0x25D0]  }
0x369: {  	v11 =	vld [tilespmem:s2+$0x25E0]  }
0x36a: {  	v12 =	vld [tilespmem:s2+$0x25F0];
	s31 =	spop (v2sf)  }
0x36b: {  	(v2sf) =	vpush v4, $0xC;
	[tilespmem:s31+$0x4580] =	vst.add.f32.msk $0xffff, v5  }
0x36c: {  	[tilespmem:s31+$0x4590] =	vst.add.f32.msk $0xffff, v6  }
0x36d: {  	[tilespmem:s31+$0x45A0] =	vst.add.f32.msk $0xffff, v7  }
0x36e: {  	[tilespmem:s31+$0x45B0] =	vst.add.f32.msk $0xffff, v8  }
0x36f: {  	[tilespmem:s31+$0x45C0] =	vst.add.f32.msk $0xffff, v9  }
0x370: {  	[tilespmem:s31+$0x45D0] =	vst.add.f32.msk $0xffff, v10  }
0x371: {  	[tilespmem:s31+$0x45E0] =	vst.add.f32.msk $0xffff, v11  }
0x372: {  	[tilespmem:s31+$0x45F0] =	vst.add.f32.msk $0xffff, v12  }
0x373: {  	v5 =	vld [tilespmem:s2+$0x2600]  }
0x374: {  	v6 =	vld [tilespmem:s2+$0x2610]  }
0x375: {  	v7 =	vld [tilespmem:s2+$0x2620]  }
0x376: {  	v8 =	vld [tilespmem:s2+$0x2630]  }
0x377: {  	v9 =	vld [tilespmem:s2+$0x2640]  }
0x378: {  	v10 =	vld [tilespmem:s2+$0x2650]  }
0x379: {  	v11 =	vld [tilespmem:s2+$0x2660]  }
0x37a: {  	v12 =	vld [tilespmem:s2+$0x2670];
	s21 =	spop (v2sf)  }
0x37b: {  	(v2sf) =	vpush v4, $0xD;
	[tilespmem:s21+$0x4580] =	vst.add.f32.msk $0xffff, v5  }
0x37c: {  	[tilespmem:s21+$0x4590] =	vst.add.f32.msk $0xffff, v6  }
0x37d: {  	[tilespmem:s21+$0x45A0] =	vst.add.f32.msk $0xffff, v7  }
0x37e: {  	[tilespmem:s21+$0x45B0] =	vst.add.f32.msk $0xffff, v8  }
0x37f: {  	[tilespmem:s21+$0x45C0] =	vst.add.f32.msk $0xffff, v9  }
0x380: {  	[tilespmem:s21+$0x45D0] =	vst.add.f32.msk $0xffff, v10  }
0x381: {  	[tilespmem:s21+$0x45E0] =	vst.add.f32.msk $0xffff, v11  }
0x382: {  	[tilespmem:s21+$0x45F0] =	vst.add.f32.msk $0xffff, v12  }
0x383: {  	v5 =	vld [tilespmem:s2+$0x2680]  }
0x384: {  	v6 =	vld [tilespmem:s2+$0x2690]  }
0x385: {  	v7 =	vld [tilespmem:s2+$0x26A0]  }
0x386: {  	v8 =	vld [tilespmem:s2+$0x26B0]  }
0x387: {  	v9 =	vld [tilespmem:s2+$0x26C0]  }
0x388: {  	v10 =	vld [tilespmem:s2+$0x26D0]  }
0x389: {  	v11 =	vld [tilespmem:s2+$0x26E0]  }
0x38a: {  	v12 =	vld [tilespmem:s2+$0x26F0];
	s30 =	spop (v2sf)  }
0x38b: {  	(v2sf) =	vpush v4, $0xE;
	[tilespmem:s30+$0x4580] =	vst.add.f32.msk $0xffff, v5  }
0x38c: {  	[tilespmem:s30+$0x4590] =	vst.add.f32.msk $0xffff, v6  }
0x38d: {  	[tilespmem:s30+$0x45A0] =	vst.add.f32.msk $0xffff, v7  }
0x38e: {  	[tilespmem:s30+$0x45B0] =	vst.add.f32.msk $0xffff, v8  }
0x38f: {  	[tilespmem:s30+$0x45C0] =	vst.add.f32.msk $0xffff, v9  }
0x390: {  	[tilespmem:s30+$0x45D0] =	vst.add.f32.msk $0xffff, v10  }
0x391: {  	[tilespmem:s30+$0x45E0] =	vst.add.f32.msk $0xffff, v11  }
0x392: {  	[tilespmem:s30+$0x45F0] =	vst.add.f32.msk $0xffff, v12  }
0x393: {  	v4 =	vld [tilespmem:s2+$0x2700]  }
0x394: {  	v5 =	vld [tilespmem:s2+$0x2710]  }
0x395: {  	v6 =	vld [tilespmem:s2+$0x2720]  }
0x396: {  	v7 =	vld [tilespmem:s2+$0x2730]  }
0x397: {  	v8 =	vld [tilespmem:s2+$0x2740]  }
0x398: {  	v9 =	vld [tilespmem:s2+$0x2750]  }
0x399: {  	v10 =	vld [tilespmem:s2+$0x2760]  }
0x39a: {  	v11 =	vld [tilespmem:s2+$0x2770];
	s31 =	spop (v2sf)  }
0x39b: {  	[tilespmem:s31+$0x4580] =	vst.add.f32.msk $0xffff, v4  }
0x39c: {  	[tilespmem:s31+$0x4590] =	vst.add.f32.msk $0xffff, v5  }
0x39d: {  	[tilespmem:s31+$0x45A0] =	vst.add.f32.msk $0xffff, v6  }
0x39e: {  	[tilespmem:s31+$0x45B0] =	vst.add.f32.msk $0xffff, v7  }
0x39f: {  	[tilespmem:s31+$0x45C0] =	vst.add.f32.msk $0xffff, v8  }
0x3a0: {  	[tilespmem:s31+$0x45D0] =	vst.add.f32.msk $0xffff, v9  }
0x3a1: {  	[tilespmem:s31+$0x45E0] =	vst.add.f32.msk $0xffff, v10  }
0x3a2: {  	[tilespmem:s31+$0x45F0] =	vst.add.f32.msk $0xffff, v11  }
0x3a3: {  	v4 =	vld [tilespmem:s2+$0x2780]  }
0x3a4: {  	v5 =	vld [tilespmem:s2+$0x2790]  }
0x3a5: {  	v6 =	vld [tilespmem:s2+$0x27A0]  }
0x3a6: {  	v7 =	vld [tilespmem:s2+$0x27B0]  }
0x3a7: {  	v8 =	vld [tilespmem:s2+$0x27C0]  }
0x3a8: {  	v9 =	vld [tilespmem:s2+$0x27D0]  }
0x3a9: {  	s0 =	sshll.u32 s0, $0x9;
	v10 =	vld [tilespmem:s2+$0x27E0]  }
0x3aa: {  	s0 =	sshra.s32 s0, $0x2;
	v11 =	vld [tilespmem:s2+$0x27F0]  }
0x3ab: {  	[tilespmem:s0+$0x4580] =	vst.add.f32.msk $0xffff, v4  }
0x3ac: {  	[tilespmem:s0+$0x4590] =	vst.add.f32.msk $0xffff, v5  }
0x3ad: {  	[tilespmem:s0+$0x45A0] =	vst.add.f32.msk $0xffff, v6  }
0x3ae: {  	[tilespmem:s0+$0x45B0] =	vst.add.f32.msk $0xffff, v7  }
0x3af: {  	[tilespmem:s0+$0x45C0] =	vst.add.f32.msk $0xffff, v8  }
0x3b0: {  	[tilespmem:s0+$0x45D0] =	vst.add.f32.msk $0xffff, v9  }
0x3b1: {  	[tilespmem:s0+$0x45E0] =	vst.add.f32.msk $0xffff, v10  }
0x3b2: {  	[tilespmem:s0+$0x45F0] =	vst.add.f32.msk $0xffff, v11  }
.LBB2_17:
0x3b3: {  	s28 =	sadd.s32 $0x1, s28  }
0x3b4: {  	p1 =	sne.s32 s28, $0x4  }
.Ltmp11:
0x3b5: {  	_ = 	snop;
	(pc) =	sbr.rel @!p1 .LBB2_18-.Ltmp11, $2  }
0x3b6: {  	_ =	sdelay $0x2  }
0x3b7: {  	s29 =	sadd.s32 $0x800, s29  }
.LBB2_12:
0x3b8: {  	_ =	sdelay $0x1  }
0x3b9: {  	s0 =	sshll.u32 s28, $0x4  }
0x3ba: {  	s0 =	sand.u32 $0x3FFFFFF0, s0  }
0x3bb: {  	v4 =	vld.idx.msk [tilespmem:v3+s0+$0x0 ss:$0x1], $0xffff;
	_ =	sdelay $0x4  }
0x3bc: {  	(v2sf) =	vpush v4, $0x0  }
0x3bd: {  	(v2sf) =	vpush v4, $0xF;
	_ =	sdelay $0xd  }
0x3be: {  	s2 =	spop (v2sf)  }
0x3bf: {  	s0 =	spop (v2sf)  }
0x3c0: {  	p1 =	sne.s32 s2, s0  }
.Ltmp12:
0x3c1: {  	_ = 	snop;
	(pc) =	sbr.rel @p1 .LBB2_16-.Ltmp12, $3  }
0x3c2: {  	_ =	sdelay $0x1  }
0x3c3: {  	s2 =	sshll.u32 s2, $0x9  }
0x3c4: {  	s14 =	sshra.s32 s2, $0x2  }
0x3c5: {  	v5 =	vld [tilespmem:s29+$0xFFFFFC10]  }
0x3c6: {  	v6 =	vld [tilespmem:s29+$0xFFFFFC90]  }
0x3c7: {  	v7 =	vld [tilespmem:s29+$0xFFFFFD10]  }
0x3c8: {  	v8 =	vld [tilespmem:s29+$0xFFFFFD90]  }
0x3c9: {  	v9 =	vld [tilespmem:s29+$0xFFFFFE10]  }
0x3ca: {  	v10 =	vld [tilespmem:s29+$0xFFFFFE90]  }
0x3cb: {  	v11 =	vld [tilespmem:s29+$0xFFFFFF10]  }
0x3cc: {  	v12 =	vld [tilespmem:s29+$0xFFFFFF90]  }
0x3cd: {  	v13 =	vld [tilespmem:s29+$0x10]  }
0x3ce: {  	v14 =	vld [tilespmem:s29+$0x90]  }
0x3cf: {  	v15 =	vld [tilespmem:s29+$0x110]  }
0x3d0: {  	v16 =	vld [tilespmem:s29+$0x190]  }
0x3d1: {  	v17 =	vld [tilespmem:s29+$0x210]  }
0x3d2: {  	v18 =	vld [tilespmem:s29+$0x290]  }
0x3d3: {  	v19 =	vld [tilespmem:s29+$0x310]  }
0x3d4: {  	v20 =	vld [tilespmem:s29+$0x390]  }
0x3d5: {  	v4 =	vld [tilespmem:s29+$0xFFFFFC80]  }
0x3d6: {  	v21 =	vld [tilespmem:s29+$0xFFFFFD00];
	v5 =	vadd.f32 v6, v5  }
0x3d7: {  	v6 =	vadd.f32 v8, v7;
	v7 =	vadd.f32 v10, v9;
	v9 =	vld [tilespmem:s29+$0xFFFFFE00]  }
0x3d8: {  	v8 =	vadd.f32 v12, v11;
	v12 =	vld [tilespmem:s29+$0xFFFFFE80]  }
0x3d9: {  	v11 =	vadd.f32 v16, v15;
	v15 =	vld [tilespmem:s29+$0xFFFFFF00]  }
0x3da: {  	v10 =	vadd.f32 v14, v13;
	v16 =	vld [tilespmem:s29+$0x180]  }
0x3db: {  	v13 =	vadd.f32 v18, v17;
	v14 =	vadd.f32 v20, v19;
	v17 =	vld [tilespmem:s29+$0xFFFFFD80]  }
0x3dc: {  	v5 =	vadd.f32 v6, v5;
	v6 =	vadd.f32 v8, v7;
	v8 =	vld [tilespmem:s29+$0xFFFFFF80]  }
0x3dd: {  	v7 =	vadd.f32 v11, v10;
	v11 =	vld [tilespmem:s29+$0x0]  }
0x3de: {  	v10 =	vadd.f32 v14, v13;
	v13 =	vld [tilespmem:s29+$0x80]  }
0x3df: {  	v14 =	vld [tilespmem:s29+$0x100]  }
0x3e0: {  	v5 =	vadd.f32 v6, v5;
	v6 =	vadd.f32 v10, v7;
	v7 =	vld [tilespmem:s29+$0x200]  }
0x3e1: {  	v10 =	vld [tilespmem:s29+$0x300]  }
0x3e2: {  	v5 =	vadd.f32 v6, v5;
	v6 =	vadd.f32 v12, v9;
	v9 =	vld [tilespmem:s29+$0x280]  }
0x3e3: {  	v12 =	vld [tilespmem:s29+$0xFFFFFC00];
	v8 =	vadd.f32 v8, v15  }
0x3e4: {  	s0 =	sadd.s32 $0x4590, s14;
	v13 =	vadd.f32 v13, v11;
	v14 =	vadd.f32 v16, v14;
	v11 =	vld [tilespmem:s29+$0x380]  }
0x3e5: {  	[tilespmem:s0+$0x0] =	vst.add.f32.msk $0xffff, v5;
	v5 =	vadd.f32 v17, v21  }
0x3e6: {  	s14 =	simm.s32 $0x0;
	s21 =	sadd.s32 $0x20, s29;
	s2 =	smov.u32 s0;
	v6 =	vadd.f32 v8, v6;
	v8 =	vadd.f32 v14, v13  }
.LBB2_14:
0x3e7: {  	v13 =	vld [tilespmem:s21+$0xFFFFFC10];
	v7 =	vadd.f32 v9, v7  }
0x3e8: {  	v9 =	vld [tilespmem:s21+$0xFFFFFC90]  }
0x3e9: {  	v14 =	vld [tilespmem:s21+$0xFFFFFD10];
	v10 =	vadd.f32 v11, v10  }
0x3ea: {  	v11 =	vld [tilespmem:s21+$0xFFFFFD90];
	v4 =	vadd.f32 v4, v12  }
0x3eb: {  	v12 =	vld [tilespmem:s21+$0xFFFFFE10];
	v7 =	vadd.f32 v10, v7  }
0x3ec: {  	v10 =	vld [tilespmem:s21+$0xFFFFFE90];
	v4 =	vadd.f32 v5, v4  }
0x3ed: {  	v5 =	vld [tilespmem:s21+$0xFFFFFF10];
	v7 =	vadd.f32 v7, v8  }
0x3ee: {  	v8 =	vld [tilespmem:s21+$0xFFFFFF90];
	v4 =	vadd.f32 v6, v4  }
0x3ef: {  	v6 =	vld [tilespmem:s21+$0x10]  }
0x3f0: {  	v15 =	vld [tilespmem:s21+$0x90];
	v16 =	vadd.f32 v7, v4  }
0x3f1: {  	v7 =	vld [tilespmem:s21+$0x110]  }
0x3f2: {  	v17 =	vld [tilespmem:s21+$0x190]  }
0x3f3: {  	v18 =	vld [tilespmem:s21+$0x210]  }
0x3f4: {  	v19 =	vld [tilespmem:s21+$0x290]  }
0x3f5: {  	v20 =	vld [tilespmem:s21+$0x310]  }
0x3f6: {  	s14 =	sadd.s32 $0x2, s14;
	v21 =	vld [tilespmem:s21+$0x390]  }
0x3f7: {  	p1 =	slt.u32 s14, $0x6;
	v4 =	vld [tilespmem:s21+$0xFFFFFC80]  }
0x3f8: {  	v9 =	vadd.f32 v9, v13;
	v11 =	vadd.f32 v11, v14;
	v22 =	vld [tilespmem:s21+$0xFFFFFD00]  }
0x3f9: {  	v10 =	vadd.f32 v10, v12;
	v5 =	vadd.f32 v8, v5;
	v13 =	vld [tilespmem:s21+$0xFFFFFD80]  }
0x3fa: {  	v6 =	vadd.f32 v15, v6;
	v7 =	vadd.f32 v17, v7;
	v8 =	vld [tilespmem:s21+$0xFFFFFE00]  }
0x3fb: {  	v14 =	vadd.f32 v19, v18;
	v12 =	vld [tilespmem:s21+$0xFFFFFE80];
	v15 =	vadd.f32 v21, v20  }
0x3fc: {  	v9 =	vadd.f32 v11, v9;
	v10 =	vadd.f32 v5, v10;
	v17 =	vld [tilespmem:s21+$0xFFFFFF00]  }
0x3fd: {  	v6 =	vadd.f32 v7, v6;
	v11 =	vld [tilespmem:s21+$0xFFFFFF80];
	v7 =	vadd.f32 v15, v14  }
0x3fe: {  	v14 =	vld [tilespmem:s21+$0x0];
	v5 =	vadd.f32 v13, v22  }
0x3ff: {  	v9 =	vadd.f32 v10, v9;
	v13 =	vld [tilespmem:s21+$0x80];
	v6 =	vadd.f32 v7, v6  }
0x400: {  	v15 =	vld [tilespmem:s21+$0x100];
	v8 =	vadd.f32 v12, v8  }
0x401: {  	v12 =	vld [tilespmem:s21+$0x180];
	v6 =	vadd.f32 v6, v9  }
0x402: {  	s0 =	sadd.s32 $0x20, s0;
	v7 =	vld [tilespmem:s21+$0x200];
	v10 =	vadd.f32 v11, v17  }
0x403: {  	[tilespmem:s0+$0x0] =	vst.add.f32.msk $0xffff, v6  }
.Ltmp13:
0x404: {  	v9 =	vld [tilespmem:s21+$0x280];
	v13 =	vadd.f32 v13, v14;
	v6 =	vadd.f32 v10, v8;
	(pc) =	sbr.rel @p1 .LBB2_14-.Ltmp13, $4  }
0x405: {  	v10 =	vld [tilespmem:s21+$0x300]  }
0x406: {  	v11 =	vld [tilespmem:s21+$0x380];
	v8 =	vadd.f32 v12, v15  }
0x407: {  	v12 =	vld [tilespmem:s21+$0xFFFFFC00]  }
0x408: {  	s21 =	sadd.s32 $0x20, s21;
	v8 =	vadd.f32 v8, v13;
	[tilespmem:s2+$0xFFFFFFF0] =	vst.add.f32.msk $0xffff, v16;
	s2 =	smov.u32 s0  }
0x409: {  	_ =	sdelay $0x1  }
0x40a: {  	v7 =	vadd.f32 v9, v7  }
0x40b: {  	v19 =	vadd.f32 v11, v10;
	v4 =	vadd.f32 v4, v12;
	_ =	sdelay $0x1  }
0x40c: {  	v7 =	vadd.f32 v19, v7;
	v4 =	vadd.f32 v5, v4;
	_ =	sdelay $0x1  }
.Ltmp14:
0x40d: {  	v5 =	vadd.f32 v7, v8;
	v4 =	vadd.f32 v6, v4;
	(pc) =	sbr.rel .LBB2_17-.Ltmp14, $3  }
0x40e: {  	_ = 	snop  }
0x40f: {  	v4 =	vadd.f32 v5, v4;
	_ =	sdelay $0x1  }
0x410: {  	[tilespmem:s2+$0xFFFFFFF0] =	vst.add.f32.msk $0xffff, v4  }
.LBB2_20:
0x411: {  	_ =	sfence.sel $0x180000  }
0x412: {  	[bflag:$0x0] =	sbarrier.arrive $0xFFFF  }
0x413: {  	_ =	strace $0x90000047  }
0x414: {  	s0 =	stileid.u32;
	[bflag:$0x2] =	sbarrier.arrive $0xFFFF  }
0x415: {  	p0 =	sne.s32 s0, $0x0;
	s0 =	rddreg [dreg:$0x4]  }
0x416: {  	s0 =	sadd.s32 @!p0 $0x100000, s0  }
0x417: {  	[sflag:s0] =	ssyncadd.tile.s32 @!p0 $0x1;
	_ =	shalt  }
.Lfunc_end2:
_tile_overlayer_lowered:
.L_overlay_start_2:
0x418: {  	(tag) =	ssettag $0x2  }
0x419: {  	s0 =	rddreg [dreg:$0x0];
	s2 =	stileid.u32  }
0x41a: {  	s1 =	rddreg [dreg:$0x1];
	p0 =	sne.s32 s2, $0x0  }
0x41b: {  	s3 =	rddreg [dreg:$0x2];
	[bflag:$0x3] =	sbarrier.arrive $0xFFFF;
	s2 =	simm.s32 @!p0 $0x1C03  }
0x41c: {  	[timem:s3], [sflag:s2] =	dma.local @!p0 [hbm:s0], s1  }
0x41d: {  	s0 =	simm.s32 @!p0 $0x3  }
0x41e: {  	_ =	swait.ge @!p0 [sflag:s0], s1  }
0x41f: {  	s1 =	ssub.s32 @!p0 $0x0, s1;
	[sflag:s0] =	ssyncset.done @!p0 $0x0  }
0x420: {  	[sflag:s0] =	ssyncadd.s32 @!p0 s1  }
0x421: {  	[bflag:$0x3] =	sbarrier.arrive $0xFFFF  }
0x422: {  	_ =	shalt  }

</sc_bundles>
